<compile_context>
chip_gen: v7x
topology: tpu7x:2x2x1
jax: 0.10.2.dev20260603
libtpu: 0.0.44.dev20260713+nightly
codegen_flags: <defaults>
</compile_context>

<pallas_src>
import functools

import jax
import jax.numpy as jnp
from jax import lax
from jax.experimental import pallas as pl
from jax.experimental.pallas import tpu as pltpu
from jax.experimental.pallas import tpu_sc as plsc

N = 10000
E = 320000
D = 128
DH = 64
NP = 10240
NS = 16
CH = 128
EPT = 160
E_PAD = NS * EPT * CH
ROWS_PER_TILE = NP // NS
NBLK = ROWS_PER_TILE // CH


def _spmm_body(h0, h1, srcb, dstb, zblk, out0, out1, src_v, dst_v, rows, acc, sem):
    c = lax.axis_index("c")
    s = lax.axis_index("s")
    rbase = s * ROWS_PER_TILE
    for k in range(NBLK):
        pltpu.sync_copy(zblk, acc.at[pl.ds(rbase + k * CH, CH)])
    pltpu.sync_copy(srcb.at[pl.ds(s * EPT, EPT)], src_v)
    pltpu.sync_copy(dstb.at[pl.ds(s * EPT, EPT)], dst_v)
    plsc.subcore_barrier()

    def run(h):
        def step(j, carry):
            pltpu.async_copy(h.at[src_v.at[j]], rows, sem).wait()
            pltpu.sync_copy(rows, acc.at[dst_v.at[j]], add=True)
            return carry
        lax.fori_loop(0, EPT, step, 0)

    @pl.when(c == 0)
    def _():
        run(h0)

    @pl.when(c == 1)
    def _():
        run(h1)

    plsc.subcore_barrier()

    @pl.when(c == 0)
    def _():
        pltpu.sync_copy(acc.at[pl.ds(rbase, ROWS_PER_TILE)],
                        out0.at[pl.ds(rbase, ROWS_PER_TILE)])

    @pl.when(c == 1)
    def _():
        pltpu.sync_copy(acc.at[pl.ds(rbase, ROWS_PER_TILE)],
                        out1.at[pl.ds(rbase, ROWS_PER_TILE)])


_spmm = pl.kernel(
    _spmm_body,
    out_type=(
        jax.ShapeDtypeStruct((NP, DH), jnp.float32),
        jax.ShapeDtypeStruct((NP, DH), jnp.float32),
    ),
    mesh=plsc.VectorSubcoreMesh(core_axis_name="c", subcore_axis_name="s"),
    scratch_types=[
        pltpu.VMEM((EPT, CH), jnp.int32),
        pltpu.VMEM((EPT, CH), jnp.int32),
        pltpu.VMEM((CH, DH), jnp.float32),
        pltpu.VMEM_SHARED((NP, DH), jnp.float32),
        pltpu.SemaphoreType.DMA,
    ],
    compiler_params=pltpu.CompilerParams(use_tc_tiling_on_sc=False),
)


_RB = 1024


def _center_body(x_ref, o0_ref, o1_ref):
    x = x_ref[...]
    y = x - jnp.mean(x, axis=1, keepdims=True)
    o0_ref[...] = y[:, :DH]
    o1_ref[...] = y[:, DH:]


_center = pl.pallas_call(
    _center_body,
    grid=(NP // _RB,),
    in_specs=[pl.BlockSpec((_RB, D), lambda i: (i, 0))],
    out_specs=[pl.BlockSpec((_RB, DH), lambda i: (i, 0))] * 2,
    out_shape=(jax.ShapeDtypeStruct((NP, DH), jnp.float32),) * 2,
)


def _final_body(a_ref, b_ref, out_ref, lsm_ref):
    y = jnp.concatenate([a_ref[...], b_ref[...]], axis=1)
    out_ref[...] = y
    m = jnp.max(y, axis=1, keepdims=True)
    ex = jnp.exp(y - m)
    lsm_ref[...] = (y - m) - jnp.log(jnp.sum(ex, axis=1, keepdims=True))


_final = pl.pallas_call(
    _final_body,
    grid=(NP // _RB,),
    in_specs=[pl.BlockSpec((_RB, DH), lambda i: (i, 0))] * 2,
    out_specs=[pl.BlockSpec((_RB, D), lambda i: (i, 0))] * 2,
    out_shape=(jax.ShapeDtypeStruct((NP, D), jnp.float32),) * 2,
)


@jax.jit
def _run(x, edge_index):
    src = edge_index[0]
    dst = edge_index[1]
    pad = E_PAD - E
    srcp = jnp.concatenate([src, jnp.zeros((pad,), jnp.int32)])
    srcp = srcp.reshape(E_PAD // CH, CH)
    dstp = jnp.concatenate([dst, jnp.full((pad,), N, jnp.int32)])
    dstp = dstp.reshape(E_PAD // CH, CH)
    xp = jnp.pad(x, ((0, NP - N), (0, 0)))
    zblk = jnp.zeros((CH, DH), jnp.float32)
    h0, h1 = _center(xp)
    for _ in range(8):
        h0, h1 = _spmm(h0, h1, srcp, dstp, zblk)
    out, lsm = _final(h0, h1)
    return out[:N], lsm[:N]


def kernel(x, edge_index, edge_attr, batch):
    del edge_attr, batch
    return _run(x, edge_index)

# --- scband reference (transcript-rebuilt; emitter-appended) ---
"""Pipeline reference for scband-gnnstack-2602750182101 (READ-ONLY COPY).

The authoritative reference and input builder live on the scoring server;
editing this copy changes nothing except your own understanding.
"""

import jax, jax.numpy as jnp
import numpy as np

NUM_LAYERS = 8
N = 10000
E = 320000
D = 128
DE = 16


def setup_inputs(seed: int = 0) -> dict:
    key = jax.random.key(seed)
    k1, k2, k3 = jax.random.split(key, 3)
    x = jax.random.normal(k1, (N, D), dtype=jnp.float32)
    edge_index = jax.random.randint(k2, (2, E), 0, N, dtype=jnp.int32)
    edge_attr = jax.random.normal(k3, (E, DE), dtype=jnp.float32)
    batch = jnp.zeros((N,), dtype=jnp.int32)
    return {"x": x, "edge_index": edge_index, "edge_attr": edge_attr, "batch": batch}


def reference(x, edge_index, edge_attr, batch):
    # GNNStack.forward with task='node':
    #   (num_layers-1) MaxSumGNN layers, then one MaxSumGNNFinal layer,
    #   return (x, log_softmax(x, dim=1)).
    src = edge_index[0]  # x_j: source node of each edge
    dst = edge_index[1]  # aggregation target node (PyG default flow source_to_target)
    # MaxSumGNN: edge_attr_val = max(edge_attr, dim=-1)
    eav = jnp.max(edge_attr, axis=-1)  # [E]
    h = x
    for _ in range(NUM_LAYERS - 1):
        # message: x_j + edge_attr_val (broadcast over feature dim)
        msg = jnp.take(h, src, axis=0) + eav[:, None]  # [E, D]
        # aggr='add': scatter-add into dst nodes
        out = jax.ops.segment_sum(msg, dst, num_segments=h.shape[0])  # [N, D]
        # out = out - out.mean(dim=-1, keepdim=True)
        h = out - jnp.mean(out, axis=-1, keepdims=True)
    # MaxSumGNNFinal: default message = x_j, aggr='add'
    msg = jnp.take(h, src, axis=0)
    out = jax.ops.segment_sum(msg, dst, num_segments=h.shape[0])
    return (out, jax.nn.log_softmax(out, axis=1))

if __name__ == "__main__":
    import jax
    _d = setup_inputs()
    print(jax.jit(kernel)(*tuple(_d.values())))

</pallas_src>

<mosaic_0001>
#map = affine_map<(d0, d1) -> (0, 0)>
module attributes {stable_mosaic.version = 14 : i64} {
  func.func @_spmm_body(%arg0: i32, %arg1: i32, %arg2: memref<10240x64xf32, #tpu.memory_space<hbm>>, %arg3: memref<10240x64xf32, #tpu.memory_space<hbm>>, %arg4: memref<2560x128xi32, #tpu.memory_space<hbm>>, %arg5: memref<2560x128xi32, #tpu.memory_space<hbm>>, %arg6: memref<128x64xf32, #tpu.memory_space<hbm>>, %arg7: memref<10240x64xf32, #tpu.memory_space<hbm>>, %arg8: memref<10240x64xf32, #tpu.memory_space<hbm>>, %arg9: memref<160x128xi32, #tpu.memory_space<vmem>>, %arg10: memref<160x128xi32, #tpu.memory_space<vmem>>, %arg11: memref<128x64xf32, #tpu.memory_space<vmem>>, %arg12: memref<10240x64xf32, #tpu.memory_space<vmem_shared>>, %arg13: memref<!tpu.dma_semaphore, #tpu.memory_space<semaphore_mem>>) attributes {dimension_semantics = [#tpu.dimension_semantics<core_parallel>, #tpu.dimension_semantics<subcore_parallel>], iteration_bounds = array<i64: 2, 16>, scalar_prefetch = 0 : i64, scratch_operands = 5 : i64, tpu.core_type = #tpu.core_type<sc_vector_subcore>, window_params = [{transform_indices = #map}, {transform_indices = #map}, {transform_indices = #map}, {transform_indices = #map}, {transform_indices = #map}, {transform_indices = #map}, {transform_indices = #map}]} {
    %mul3A = arith.constant 640 : i32
    %mul3A_0 = arith.muli %arg1, %mul3A : i32
    %add3A = arith.constant 0 : i32
    %add3A_1 = arith.addi %mul3A_0, %add3A : i32
    "tpu.region"() ({
      %run_scoped3A = tpu.sem_alloc : memref<!tpu.dma_semaphore, #tpu.memory_space<semaphore_mem>>
      %dma_start3A = arith.constant 0 : i32
      %dma_start3A_32 = tpu.memref_slice %arg12[%add3A_1, %dma_start3A] : memref<10240x64xf32, #tpu.memory_space<vmem_shared>> -> memref<128x64xf32, #tpu.memory_space<vmem_shared>>
      tpu.enqueue_dma source(%arg6 : memref<128x64xf32, #tpu.memory_space<hbm>>) target(%dma_start3A_32 : memref<128x64xf32, #tpu.memory_space<vmem_shared>>) target_semaphore(%run_scoped3A : memref<!tpu.dma_semaphore, #tpu.memory_space<semaphore_mem>>)
      %dma_wait3A = arith.constant 0 : i32
      %dma_wait3A_33 = tpu.memref_slice %arg12[%add3A_1, %dma_wait3A] : memref<10240x64xf32, #tpu.memory_space<vmem_shared>> -> memref<128x64xf32, #tpu.memory_space<vmem_shared>>
      tpu.wait_dma2 semaphore(%run_scoped3A : memref<!tpu.dma_semaphore, #tpu.memory_space<semaphore_mem>>) src(%arg6 : memref<128x64xf32, #tpu.memory_space<hbm>>) dst(%dma_wait3A_33 : memref<128x64xf32, #tpu.memory_space<vmem_shared>>)
      tpu.yield
    }) : () -> ()
    %add3A_2 = arith.constant 128 : i32
    %add3A_3 = arith.addi %mul3A_0, %add3A_2 : i32
    "tpu.region"() ({
      %run_scoped3A = tpu.sem_alloc : memref<!tpu.dma_semaphore, #tpu.memory_space<semaphore_mem>>
      %dma_start3A = arith.constant 0 : i32
      %dma_start3A_32 = tpu.memref_slice %arg12[%add3A_3, %dma_start3A] : memref<10240x64xf32, #tpu.memory_space<vmem_shared>> -> memref<128x64xf32, #tpu.memory_space<vmem_shared>>
      tpu.enqueue_dma source(%arg6 : memref<128x64xf32, #tpu.memory_space<hbm>>) target(%dma_start3A_32 : memref<128x64xf32, #tpu.memory_space<vmem_shared>>) target_semaphore(%run_scoped3A : memref<!tpu.dma_semaphore, #tpu.memory_space<semaphore_mem>>)
      %dma_wait3A = arith.constant 0 : i32
      %dma_wait3A_33 = tpu.memref_slice %arg12[%add3A_3, %dma_wait3A] : memref<10240x64xf32, #tpu.memory_space<vmem_shared>> -> memref<128x64xf32, #tpu.memory_space<vmem_shared>>
      tpu.wait_dma2 semaphore(%run_scoped3A : memref<!tpu.dma_semaphore, #tpu.memory_space<semaphore_mem>>) src(%arg6 : memref<128x64xf32, #tpu.memory_space<hbm>>) dst(%dma_wait3A_33 : memref<128x64xf32, #tpu.memory_space<vmem_shared>>)
      tpu.yield
    }) : () -> ()
    %add3A_4 = arith.constant 256 : i32
    %add3A_5 = arith.addi %mul3A_0, %add3A_4 : i32
    "tpu.region"() ({
      %run_scoped3A = tpu.sem_alloc : memref<!tpu.dma_semaphore, #tpu.memory_space<semaphore_mem>>
      %dma_start3A = arith.constant 0 : i32
      %dma_start3A_32 = tpu.memref_slice %arg12[%add3A_5, %dma_start3A] : memref<10240x64xf32, #tpu.memory_space<vmem_shared>> -> memref<128x64xf32, #tpu.memory_space<vmem_shared>>
      tpu.enqueue_dma source(%arg6 : memref<128x64xf32, #tpu.memory_space<hbm>>) target(%dma_start3A_32 : memref<128x64xf32, #tpu.memory_space<vmem_shared>>) target_semaphore(%run_scoped3A : memref<!tpu.dma_semaphore, #tpu.memory_space<semaphore_mem>>)
      %dma_wait3A = arith.constant 0 : i32
      %dma_wait3A_33 = tpu.memref_slice %arg12[%add3A_5, %dma_wait3A] : memref<10240x64xf32, #tpu.memory_space<vmem_shared>> -> memref<128x64xf32, #tpu.memory_space<vmem_shared>>
      tpu.wait_dma2 semaphore(%run_scoped3A : memref<!tpu.dma_semaphore, #tpu.memory_space<semaphore_mem>>) src(%arg6 : memref<128x64xf32, #tpu.memory_space<hbm>>) dst(%dma_wait3A_33 : memref<128x64xf32, #tpu.memory_space<vmem_shared>>)
      tpu.yield
    }) : () -> ()
    %add3A_6 = arith.constant 384 : i32
    %add3A_7 = arith.addi %mul3A_0, %add3A_6 : i32
    "tpu.region"() ({
      %run_scoped3A = tpu.sem_alloc : memref<!tpu.dma_semaphore, #tpu.memory_space<semaphore_mem>>
      %dma_start3A = arith.constant 0 : i32
      %dma_start3A_32 = tpu.memref_slice %arg12[%add3A_7, %dma_start3A] : memref<10240x64xf32, #tpu.memory_space<vmem_shared>> -> memref<128x64xf32, #tpu.memory_space<vmem_shared>>
      tpu.enqueue_dma source(%arg6 : memref<128x64xf32, #tpu.memory_space<hbm>>) target(%dma_start3A_32 : memref<128x64xf32, #tpu.memory_space<vmem_shared>>) target_semaphore(%run_scoped3A : memref<!tpu.dma_semaphore, #tpu.memory_space<semaphore_mem>>)
      %dma_wait3A = arith.constant 0 : i32
      %dma_wait3A_33 = tpu.memref_slice %arg12[%add3A_7, %dma_wait3A] : memref<10240x64xf32, #tpu.memory_space<vmem_shared>> -> memref<128x64xf32, #tpu.memory_space<vmem_shared>>
      tpu.wait_dma2 semaphore(%run_scoped3A : memref<!tpu.dma_semaphore, #tpu.memory_space<semaphore_mem>>) src(%arg6 : memref<128x64xf32, #tpu.memory_space<hbm>>) dst(%dma_wait3A_33 : memref<128x64xf32, #tpu.memory_space<vmem_shared>>)
      tpu.yield
    }) : () -> ()
    %add3A_8 = arith.constant 512 : i32
    %add3A_9 = arith.addi %mul3A_0, %add3A_8 : i32
    "tpu.region"() ({
      %run_scoped3A = tpu.sem_alloc : memref<!tpu.dma_semaphore, #tpu.memory_space<semaphore_mem>>
      %dma_start3A = arith.constant 0 : i32
      %dma_start3A_32 = tpu.memref_slice %arg12[%add3A_9, %dma_start3A] : memref<10240x64xf32, #tpu.memory_space<vmem_shared>> -> memref<128x64xf32, #tpu.memory_space<vmem_shared>>
      tpu.enqueue_dma source(%arg6 : memref<128x64xf32, #tpu.memory_space<hbm>>) target(%dma_start3A_32 : memref<128x64xf32, #tpu.memory_space<vmem_shared>>) target_semaphore(%run_scoped3A : memref<!tpu.dma_semaphore, #tpu.memory_space<semaphore_mem>>)
      %dma_wait3A = arith.constant 0 : i32
      %dma_wait3A_33 = tpu.memref_slice %arg12[%add3A_9, %dma_wait3A] : memref<10240x64xf32, #tpu.memory_space<vmem_shared>> -> memref<128x64xf32, #tpu.memory_space<vmem_shared>>
      tpu.wait_dma2 semaphore(%run_scoped3A : memref<!tpu.dma_semaphore, #tpu.memory_space<semaphore_mem>>) src(%arg6 : memref<128x64xf32, #tpu.memory_space<hbm>>) dst(%dma_wait3A_33 : memref<128x64xf32, #tpu.memory_space<vmem_shared>>)
      tpu.yield
    }) : () -> ()
    %mul3A_10 = arith.constant 160 : i32
    %mul3A_11 = arith.muli %arg1, %mul3A_10 : i32
    "tpu.region"() ({
      %run_scoped3A = tpu.sem_alloc : memref<!tpu.dma_semaphore, #tpu.memory_space<semaphore_mem>>
      %dma_start3A = arith.constant 0 : i32
      %dma_start3A_32 = tpu.memref_slice %arg4[%mul3A_11, %dma_start3A] : memref<2560x128xi32, #tpu.memory_space<hbm>> -> memref<160x128xi32, #tpu.memory_space<hbm>>
      %dma_start3A_33 = arith.constant 0 : i32
      %dma_start3A_34 = tpu.memref_slice %arg4[%mul3A_11, %dma_start3A_33] : memref<2560x128xi32, #tpu.memory_space<hbm>> -> memref<160x128xi32, #tpu.memory_space<hbm>>
      tpu.enqueue_dma source(%dma_start3A_34 : memref<160x128xi32, #tpu.memory_space<hbm>>) target(%arg9 : memref<160x128xi32, #tpu.memory_space<vmem>>) target_semaphore(%run_scoped3A : memref<!tpu.dma_semaphore, #tpu.memory_space<semaphore_mem>>)
      %dma_wait3A = arith.constant 0 : i32
      %dma_wait3A_35 = tpu.memref_slice %arg4[%mul3A_11, %dma_wait3A] : memref<2560x128xi32, #tpu.memory_space<hbm>> -> memref<160x128xi32, #tpu.memory_space<hbm>>
      %dma_wait3A_36 = arith.constant 0 : i32
      %dma_wait3A_37 = tpu.memref_slice %arg4[%mul3A_11, %dma_wait3A_36] : memref<2560x128xi32, #tpu.memory_space<hbm>> -> memref<160x128xi32, #tpu.memory_space<hbm>>
      tpu.wait_dma2 semaphore(%run_scoped3A : memref<!tpu.dma_semaphore, #tpu.memory_space<semaphore_mem>>) src(%dma_wait3A_37 : memref<160x128xi32, #tpu.memory_space<hbm>>) dst(%arg9 : memref<160x128xi32, #tpu.memory_space<vmem>>)
      tpu.yield
    }) : () -> ()
    %mul3A_12 = arith.constant 160 : i32
    %mul3A_13 = arith.muli %arg1, %mul3A_12 : i32
    "tpu.region"() ({
      %run_scoped3A = tpu.sem_alloc : memref<!tpu.dma_semaphore, #tpu.memory_space<semaphore_mem>>
      %dma_start3A = arith.constant 0 : i32
      %dma_start3A_32 = tpu.memref_slice %arg5[%mul3A_13, %dma_start3A] : memref<2560x128xi32, #tpu.memory_space<hbm>> -> memref<160x128xi32, #tpu.memory_space<hbm>>
      %dma_start3A_33 = arith.constant 0 : i32
      %dma_start3A_34 = tpu.memref_slice %arg5[%mul3A_13, %dma_start3A_33] : memref<2560x128xi32, #tpu.memory_space<hbm>> -> memref<160x128xi32, #tpu.memory_space<hbm>>
      tpu.enqueue_dma source(%dma_start3A_34 : memref<160x128xi32, #tpu.memory_space<hbm>>) target(%arg10 : memref<160x128xi32, #tpu.memory_space<vmem>>) target_semaphore(%run_scoped3A : memref<!tpu.dma_semaphore, #tpu.memory_space<semaphore_mem>>)
      %dma_wait3A = arith.constant 0 : i32
      %dma_wait3A_35 = tpu.memref_slice %arg5[%mul3A_13, %dma_wait3A] : memref<2560x128xi32, #tpu.memory_space<hbm>> -> memref<160x128xi32, #tpu.memory_space<hbm>>
      %dma_wait3A_36 = arith.constant 0 : i32
      %dma_wait3A_37 = tpu.memref_slice %arg5[%mul3A_13, %dma_wait3A_36] : memref<2560x128xi32, #tpu.memory_space<hbm>> -> memref<160x128xi32, #tpu.memory_space<hbm>>
      tpu.wait_dma2 semaphore(%run_scoped3A : memref<!tpu.dma_semaphore, #tpu.memory_space<semaphore_mem>>) src(%dma_wait3A_37 : memref<160x128xi32, #tpu.memory_space<hbm>>) dst(%arg10 : memref<160x128xi32, #tpu.memory_space<vmem>>)
      tpu.yield
    }) : () -> ()
    %barrier3A = arith.constant 0 : index
    tpu.barrier barrier_id(%barrier3A)
    %eq3A = arith.constant 0 : i32
    %eq3A_14 = arith.cmpi eq, %arg0, %eq3A : i32
    %convert_element_type3A = arith.extui %eq3A_14 : i1 to i32
    %cond3A = arith.constant 0 : i32
    %cond3A_15 = arith.cmpi ne, %convert_element_type3A, %cond3A : i32
    scf.if %cond3A_15 {
      %scan3A = arith.constant 0 : i32
      %scan3A_32 = arith.constant 0 : i32
      %scan3A_33 = arith.constant 160 : i32
      %scan3A_34 = arith.addi %scan3A_32, %scan3A_33 : i32
      %scan3A_35 = arith.constant 1 : i32
      scf.for %scan3A_37 = %scan3A_32 to %scan3A_34 step %scan3A_35  : i32 {
        %dma_start3A = arith.constant 0 : i32
        %dma_start3A_38 = tpu.memref_slice %arg9[%scan3A_37, %dma_start3A] : memref<160x128xi32, #tpu.memory_space<vmem>> -> memref<1x128xi32, #tpu.memory_space<vmem>>
        %dma_start3A_39 = tpu.memref_squeeze %dma_start3A_38 : memref<1x128xi32, #tpu.memory_space<vmem>> -> memref<128xi32, #tpu.memory_space<vmem>>
        %dma_start3A_40 = arith.constant 0 : i32
        %dma_start3A_41 = arith.constant 0 : i32
        %dma_start3A_42 = tpu.memref_slice %arg2[%dma_start3A_40, %dma_start3A_41] : memref<10240x64xf32, #tpu.memory_space<hbm>> -> memref<10240x64xf32, #tpu.memory_space<hbm>>
        tpu.enqueue_indirect_dma source(%dma_start3A_42 : memref<10240x64xf32, #tpu.memory_space<hbm>>) target(%arg11 : memref<128x64xf32, #tpu.memory_space<vmem>>) offsets(%dma_start3A_39 : memref<128xi32, #tpu.memory_space<vmem>>) semaphore(%arg13 : memref<!tpu.dma_semaphore, #tpu.memory_space<semaphore_mem>>)
        %dma_wait3A = arith.constant 0 : i32
        %dma_wait3A_43 = tpu.memref_slice %arg9[%scan3A_37, %dma_wait3A] : memref<160x128xi32, #tpu.memory_space<vmem>> -> memref<1x128xi32, #tpu.memory_space<vmem>>
        %dma_wait3A_44 = tpu.memref_squeeze %dma_wait3A_43 : memref<1x128xi32, #tpu.memory_space<vmem>> -> memref<128xi32, #tpu.memory_space<vmem>>
        %dma_wait3A_45 = arith.constant 0 : i32
        %dma_wait3A_46 = arith.constant 0 : i32
        %dma_wait3A_47 = tpu.memref_slice %arg2[%dma_wait3A_45, %dma_wait3A_46] : memref<10240x64xf32, #tpu.memory_space<hbm>> -> memref<10240x64xf32, #tpu.memory_space<hbm>>
        tpu.wait_indirect_dma semaphore(%arg13 : memref<!tpu.dma_semaphore, #tpu.memory_space<semaphore_mem>>) src(%dma_wait3A_47 : memref<10240x64xf32, #tpu.memory_space<hbm>>) dst(%arg11 : memref<128x64xf32, #tpu.memory_space<vmem>>)
        "tpu.region"() ({
          %run_scoped3A = tpu.sem_alloc : memref<!tpu.dma_semaphore, #tpu.memory_space<semaphore_mem>>
          %dma_start3A_48 = arith.constant 0 : i32
          %dma_start3A_49 = tpu.memref_slice %arg10[%scan3A_37, %dma_start3A_48] : memref<160x128xi32, #tpu.memory_space<vmem>> -> memref<1x128xi32, #tpu.memory_space<vmem>>
          %dma_start3A_50 = tpu.memref_squeeze %dma_start3A_49 : memref<1x128xi32, #tpu.memory_space<vmem>> -> memref<128xi32, #tpu.memory_space<vmem>>
          %dma_start3A_51 = arith.constant 0 : i32
          %dma_start3A_52 = arith.constant 0 : i32
          %dma_start3A_53 = tpu.memref_slice %arg12[%dma_start3A_51, %dma_start3A_52] : memref<10240x64xf32, #tpu.memory_space<vmem_shared>> -> memref<10240x64xf32, #tpu.memory_space<vmem_shared>>
          tpu.enqueue_indirect_dma source(%arg11 : memref<128x64xf32, #tpu.memory_space<vmem>>) target(%dma_start3A_53 : memref<10240x64xf32, #tpu.memory_space<vmem_shared>>) offsets(%dma_start3A_50 : memref<128xi32, #tpu.memory_space<vmem>>) semaphore(%run_scoped3A : memref<!tpu.dma_semaphore, #tpu.memory_space<semaphore_mem>>) {add = true}
          %dma_wait3A_54 = arith.constant 0 : i32
          %dma_wait3A_55 = tpu.memref_slice %arg10[%scan3A_37, %dma_wait3A_54] : memref<160x128xi32, #tpu.memory_space<vmem>> -> memref<1x128xi32, #tpu.memory_space<vmem>>
          %dma_wait3A_56 = tpu.memref_squeeze %dma_wait3A_55 : memref<1x128xi32, #tpu.memory_space<vmem>> -> memref<128xi32, #tpu.memory_space<vmem>>
          %dma_wait3A_57 = arith.constant 0 : i32
          %dma_wait3A_58 = arith.constant 0 : i32
          %dma_wait3A_59 = tpu.memref_slice %arg12[%dma_wait3A_57, %dma_wait3A_58] : memref<10240x64xf32, #tpu.memory_space<vmem_shared>> -> memref<10240x64xf32, #tpu.memory_space<vmem_shared>>
          tpu.wait_indirect_dma semaphore(%run_scoped3A : memref<!tpu.dma_semaphore, #tpu.memory_space<semaphore_mem>>) src(%arg11 : memref<128x64xf32, #tpu.memory_space<vmem>>) dst(%dma_wait3A_59 : memref<10240x64xf32, #tpu.memory_space<vmem_shared>>)
          tpu.yield
        }) : () -> ()
      }
      %scan3A_36 = arith.constant 160 : i32
    } else {
    }
    %eq3A_16 = arith.constant 1 : i32
    %eq3A_17 = arith.cmpi eq, %arg0, %eq3A_16 : i32
    %convert_element_type3A_18 = arith.extui %eq3A_17 : i1 to i32
    %cond3A_19 = arith.constant 0 : i32
    %cond3A_20 = arith.cmpi ne, %convert_element_type3A_18, %cond3A_19 : i32
    scf.if %cond3A_20 {
      %scan3A = arith.constant 0 : i32
      %scan3A_32 = arith.constant 0 : i32
      %scan3A_33 = arith.constant 160 : i32
      %scan3A_34 = arith.addi %scan3A_32, %scan3A_33 : i32
      %scan3A_35 = arith.constant 1 : i32
      scf.for %scan3A_37 = %scan3A_32 to %scan3A_34 step %scan3A_35  : i32 {
        %dma_start3A = arith.constant 0 : i32
        %dma_start3A_38 = tpu.memref_slice %arg9[%scan3A_37, %dma_start3A] : memref<160x128xi32, #tpu.memory_space<vmem>> -> memref<1x128xi32, #tpu.memory_space<vmem>>
        %dma_start3A_39 = tpu.memref_squeeze %dma_start3A_38 : memref<1x128xi32, #tpu.memory_space<vmem>> -> memref<128xi32, #tpu.memory_space<vmem>>
        %dma_start3A_40 = arith.constant 0 : i32
        %dma_start3A_41 = arith.constant 0 : i32
        %dma_start3A_42 = tpu.memref_slice %arg3[%dma_start3A_40, %dma_start3A_41] : memref<10240x64xf32, #tpu.memory_space<hbm>> -> memref<10240x64xf32, #tpu.memory_space<hbm>>
        tpu.enqueue_indirect_dma source(%dma_start3A_42 : memref<10240x64xf32, #tpu.memory_space<hbm>>) target(%arg11 : memref<128x64xf32, #tpu.memory_space<vmem>>) offsets(%dma_start3A_39 : memref<128xi32, #tpu.memory_space<vmem>>) semaphore(%arg13 : memref<!tpu.dma_semaphore, #tpu.memory_space<semaphore_mem>>)
        %dma_wait3A = arith.constant 0 : i32
        %dma_wait3A_43 = tpu.memref_slice %arg9[%scan3A_37, %dma_wait3A] : memref<160x128xi32, #tpu.memory_space<vmem>> -> memref<1x128xi32, #tpu.memory_space<vmem>>
        %dma_wait3A_44 = tpu.memref_squeeze %dma_wait3A_43 : memref<1x128xi32, #tpu.memory_space<vmem>> -> memref<128xi32, #tpu.memory_space<vmem>>
        %dma_wait3A_45 = arith.constant 0 : i32
        %dma_wait3A_46 = arith.constant 0 : i32
        %dma_wait3A_47 = tpu.memref_slice %arg3[%dma_wait3A_45, %dma_wait3A_46] : memref<10240x64xf32, #tpu.memory_space<hbm>> -> memref<10240x64xf32, #tpu.memory_space<hbm>>
        tpu.wait_indirect_dma semaphore(%arg13 : memref<!tpu.dma_semaphore, #tpu.memory_space<semaphore_mem>>) src(%dma_wait3A_47 : memref<10240x64xf32, #tpu.memory_space<hbm>>) dst(%arg11 : memref<128x64xf32, #tpu.memory_space<vmem>>)
        "tpu.region"() ({
          %run_scoped3A = tpu.sem_alloc : memref<!tpu.dma_semaphore, #tpu.memory_space<semaphore_mem>>
          %dma_start3A_48 = arith.constant 0 : i32
          %dma_start3A_49 = tpu.memref_slice %arg10[%scan3A_37, %dma_start3A_48] : memref<160x128xi32, #tpu.memory_space<vmem>> -> memref<1x128xi32, #tpu.memory_space<vmem>>
          %dma_start3A_50 = tpu.memref_squeeze %dma_start3A_49 : memref<1x128xi32, #tpu.memory_space<vmem>> -> memref<128xi32, #tpu.memory_space<vmem>>
          %dma_start3A_51 = arith.constant 0 : i32
          %dma_start3A_52 = arith.constant 0 : i32
          %dma_start3A_53 = tpu.memref_slice %arg12[%dma_start3A_51, %dma_start3A_52] : memref<10240x64xf32, #tpu.memory_space<vmem_shared>> -> memref<10240x64xf32, #tpu.memory_space<vmem_shared>>
          tpu.enqueue_indirect_dma source(%arg11 : memref<128x64xf32, #tpu.memory_space<vmem>>) target(%dma_start3A_53 : memref<10240x64xf32, #tpu.memory_space<vmem_shared>>) offsets(%dma_start3A_50 : memref<128xi32, #tpu.memory_space<vmem>>) semaphore(%run_scoped3A : memref<!tpu.dma_semaphore, #tpu.memory_space<semaphore_mem>>) {add = true}
          %dma_wait3A_54 = arith.constant 0 : i32
          %dma_wait3A_55 = tpu.memref_slice %arg10[%scan3A_37, %dma_wait3A_54] : memref<160x128xi32, #tpu.memory_space<vmem>> -> memref<1x128xi32, #tpu.memory_space<vmem>>
          %dma_wait3A_56 = tpu.memref_squeeze %dma_wait3A_55 : memref<1x128xi32, #tpu.memory_space<vmem>> -> memref<128xi32, #tpu.memory_space<vmem>>
          %dma_wait3A_57 = arith.constant 0 : i32
          %dma_wait3A_58 = arith.constant 0 : i32
          %dma_wait3A_59 = tpu.memref_slice %arg12[%dma_wait3A_57, %dma_wait3A_58] : memref<10240x64xf32, #tpu.memory_space<vmem_shared>> -> memref<10240x64xf32, #tpu.memory_space<vmem_shared>>
          tpu.wait_indirect_dma semaphore(%run_scoped3A : memref<!tpu.dma_semaphore, #tpu.memory_space<semaphore_mem>>) src(%arg11 : memref<128x64xf32, #tpu.memory_space<vmem>>) dst(%dma_wait3A_59 : memref<10240x64xf32, #tpu.memory_space<vmem_shared>>)
          tpu.yield
        }) : () -> ()
      }
      %scan3A_36 = arith.constant 160 : i32
    } else {
    }
    %barrier3A_21 = arith.constant 0 : index
    tpu.barrier barrier_id(%barrier3A_21)
    %eq3A_22 = arith.constant 0 : i32
    %eq3A_23 = arith.cmpi eq, %arg0, %eq3A_22 : i32
    %convert_element_type3A_24 = arith.extui %eq3A_23 : i1 to i32
    %cond3A_25 = arith.constant 0 : i32
    %cond3A_26 = arith.cmpi ne, %convert_element_type3A_24, %cond3A_25 : i32
    scf.if %cond3A_26 {
      "tpu.region"() ({
        %run_scoped3A = tpu.sem_alloc : memref<!tpu.dma_semaphore, #tpu.memory_space<semaphore_mem>>
        %dma_start3A = arith.constant 0 : i32
        %dma_start3A_32 = tpu.memref_slice %arg7[%mul3A_0, %dma_start3A] : memref<10240x64xf32, #tpu.memory_space<hbm>> -> memref<640x64xf32, #tpu.memory_space<hbm>>
        %dma_start3A_33 = arith.constant 0 : i32
        %dma_start3A_34 = tpu.memref_slice %arg12[%mul3A_0, %dma_start3A_33] : memref<10240x64xf32, #tpu.memory_space<vmem_shared>> -> memref<640x64xf32, #tpu.memory_space<vmem_shared>>
        tpu.enqueue_dma source(%dma_start3A_34 : memref<640x64xf32, #tpu.memory_space<vmem_shared>>) target(%dma_start3A_32 : memref<640x64xf32, #tpu.memory_space<hbm>>) target_semaphore(%run_scoped3A : memref<!tpu.dma_semaphore, #tpu.memory_space<semaphore_mem>>)
        %dma_wait3A = arith.constant 0 : i32
        %dma_wait3A_35 = tpu.memref_slice %arg7[%mul3A_0, %dma_wait3A] : memref<10240x64xf32, #tpu.memory_space<hbm>> -> memref<640x64xf32, #tpu.memory_space<hbm>>
        %dma_wait3A_36 = arith.constant 0 : i32
        %dma_wait3A_37 = tpu.memref_slice %arg12[%mul3A_0, %dma_wait3A_36] : memref<10240x64xf32, #tpu.memory_space<vmem_shared>> -> memref<640x64xf32, #tpu.memory_space<vmem_shared>>
        tpu.wait_dma2 semaphore(%run_scoped3A : memref<!tpu.dma_semaphore, #tpu.memory_space<semaphore_mem>>) src(%dma_wait3A_37 : memref<640x64xf32, #tpu.memory_space<vmem_shared>>) dst(%dma_wait3A_35 : memref<640x64xf32, #tpu.memory_space<hbm>>)
        tpu.yield
      }) : () -> ()
    } else {
    }
    %eq3A_27 = arith.constant 1 : i32
    %eq3A_28 = arith.cmpi eq, %arg0, %eq3A_27 : i32
    %convert_element_type3A_29 = arith.extui %eq3A_28 : i1 to i32
    %cond3A_30 = arith.constant 0 : i32
    %cond3A_31 = arith.cmpi ne, %convert_element_type3A_29, %cond3A_30 : i32
    scf.if %cond3A_31 {
      "tpu.region"() ({
        %run_scoped3A = tpu.sem_alloc : memref<!tpu.dma_semaphore, #tpu.memory_space<semaphore_mem>>
        %dma_start3A = arith.constant 0 : i32
        %dma_start3A_32 = tpu.memref_slice %arg8[%mul3A_0, %dma_start3A] : memref<10240x64xf32, #tpu.memory_space<hbm>> -> memref<640x64xf32, #tpu.memory_space<hbm>>
        %dma_start3A_33 = arith.constant 0 : i32
        %dma_start3A_34 = tpu.memref_slice %arg12[%mul3A_0, %dma_start3A_33] : memref<10240x64xf32, #tpu.memory_space<vmem_shared>> -> memref<640x64xf32, #tpu.memory_space<vmem_shared>>
        tpu.enqueue_dma source(%dma_start3A_34 : memref<640x64xf32, #tpu.memory_space<vmem_shared>>) target(%dma_start3A_32 : memref<640x64xf32, #tpu.memory_space<hbm>>) target_semaphore(%run_scoped3A : memref<!tpu.dma_semaphore, #tpu.memory_space<semaphore_mem>>)
        %dma_wait3A = arith.constant 0 : i32
        %dma_wait3A_35 = tpu.memref_slice %arg8[%mul3A_0, %dma_wait3A] : memref<10240x64xf32, #tpu.memory_space<hbm>> -> memref<640x64xf32, #tpu.memory_space<hbm>>
        %dma_wait3A_36 = arith.constant 0 : i32
        %dma_wait3A_37 = tpu.memref_slice %arg12[%mul3A_0, %dma_wait3A_36] : memref<10240x64xf32, #tpu.memory_space<vmem_shared>> -> memref<640x64xf32, #tpu.memory_space<vmem_shared>>
        tpu.wait_dma2 semaphore(%run_scoped3A : memref<!tpu.dma_semaphore, #tpu.memory_space<semaphore_mem>>) src(%dma_wait3A_37 : memref<640x64xf32, #tpu.memory_space<vmem_shared>>) dst(%dma_wait3A_35 : memref<640x64xf32, #tpu.memory_space<hbm>>)
        tpu.yield
      }) : () -> ()
    } else {
    }
    return
  }
}

#map = affine_map<(d0, d1) -> (0, 0)>
module attributes {stable_mosaic.version = 14 : i64} {
  func.func @_spmm_body(%arg0: i32, %arg1: i32, %arg2: memref<10240x64xf32, #tpu.memory_space<hbm>>, %arg3: memref<10240x64xf32, #tpu.memory_space<hbm>>, %arg4: memref<2560x128xi32, #tpu.memory_space<hbm>>, %arg5: memref<2560x128xi32, #tpu.memory_space<hbm>>, %arg6: memref<128x64xf32, #tpu.memory_space<hbm>>, %arg7: memref<10240x64xf32, #tpu.memory_space<hbm>>, %arg8: memref<10240x64xf32, #tpu.memory_space<hbm>>, %arg9: memref<160x128xi32, #tpu.memory_space<vmem>>, %arg10: memref<160x128xi32, #tpu.memory_space<vmem>>, %arg11: memref<128x64xf32, #tpu.memory_space<vmem>>, %arg12: memref<10240x64xf32, #tpu.memory_space<vmem_shared>>, %arg13: memref<!tpu.dma_semaphore, #tpu.memory_space<semaphore_mem>>) attributes {dimension_semantics = [#tpu.dimension_semantics<core_parallel>, #tpu.dimension_semantics<subcore_parallel>], iteration_bounds = array<i64: 2, 16>, scalar_prefetch = 0 : i64, scratch_operands = 5 : i64, tpu.core_type = #tpu.core_type<sc_vector_subcore>, window_params = [{transform_indices = #map}, {transform_indices = #map}, {transform_indices = #map}, {transform_indices = #map}, {transform_indices = #map}, {transform_indices = #map}, {transform_indices = #map}]} {
    %mul3A = arith.constant 640 : i32
    %mul3A_0 = arith.muli %arg1, %mul3A : i32
    %add3A = arith.constant 0 : i32
    %add3A_1 = arith.addi %mul3A_0, %add3A : i32
    "tpu.region"() ({
      %run_scoped3A = tpu.sem_alloc : memref<!tpu.dma_semaphore, #tpu.memory_space<semaphore_mem>>
      %dma_start3A = arith.constant 0 : i32
      %dma_start3A_32 = tpu.memref_slice %arg12[%add3A_1, %dma_start3A] : memref<10240x64xf32, #tpu.memory_space<vmem_shared>> -> memref<128x64xf32, #tpu.memory_space<vmem_shared>>
      tpu.enqueue_dma source(%arg6 : memref<128x64xf32, #tpu.memory_space<hbm>>) target(%dma_start3A_32 : memref<128x64xf32, #tpu.memory_space<vmem_shared>>) target_semaphore(%run_scoped3A : memref<!tpu.dma_semaphore, #tpu.memory_space<semaphore_mem>>)
      %dma_wait3A = arith.constant 0 : i32
      %dma_wait3A_33 = tpu.memref_slice %arg12[%add3A_1, %dma_wait3A] : memref<10240x64xf32, #tpu.memory_space<vmem_shared>> -> memref<128x64xf32, #tpu.memory_space<vmem_shared>>
      tpu.wait_dma2 semaphore(%run_scoped3A : memref<!tpu.dma_semaphore, #tpu.memory_space<semaphore_mem>>) src(%arg6 : memref<128x64xf32, #tpu.memory_space<hbm>>) dst(%dma_wait3A_33 : memref<128x64xf32, #tpu.memory_space<vmem_shared>>)
      tpu.yield
    }) : () -> ()
    %add3A_2 = arith.constant 128 : i32
    %add3A_3 = arith.addi %mul3A_0, %add3A_2 : i32
    "tpu.region"() ({
      %run_scoped3A = tpu.sem_alloc : memref<!tpu.dma_semaphore, #tpu.memory_space<semaphore_mem>>
      %dma_start3A = arith.constant 0 : i32
      %dma_start3A_32 = tpu.memref_slice %arg12[%add3A_3, %dma_start3A] : memref<10240x64xf32, #tpu.memory_space<vmem_shared>> -> memref<128x64xf32, #tpu.memory_space<vmem_shared>>
      tpu.enqueue_dma source(%arg6 : memref<128x64xf32, #tpu.memory_space<hbm>>) target(%dma_start3A_32 : memref<128x64xf32, #tpu.memory_space<vmem_shared>>) target_semaphore(%run_scoped3A : memref<!tpu.dma_semaphore, #tpu.memory_space<semaphore_mem>>)
      %dma_wait3A = arith.constant 0 : i32
      %dma_wait3A_33 = tpu.memref_slice %arg12[%add3A_3, %dma_wait3A] : memref<10240x64xf32, #tpu.memory_space<vmem_shared>> -> memref<128x64xf32, #tpu.memory_space<vmem_shared>>
      tpu.wait_dma2 semaphore(%run_scoped3A : memref<!tpu.dma_semaphore, #tpu.memory_space<semaphore_mem>>) src(%arg6 : memref<128x64xf32, #tpu.memory_space<hbm>>) dst(%dma_wait3A_33 : memref<128x64xf32, #tpu.memory_space<vmem_shared>>)
      tpu.yield
    }) : () -> ()
    %add3A_4 = arith.constant 256 : i32
    %add3A_5 = arith.addi %mul3A_0, %add3A_4 : i32
    "tpu.region"() ({
      %run_scoped3A = tpu.sem_alloc : memref<!tpu.dma_semaphore, #tpu.memory_space<semaphore_mem>>
      %dma_start3A = arith.constant 0 : i32
      %dma_start3A_32 = tpu.memref_slice %arg12[%add3A_5, %dma_start3A] : memref<10240x64xf32, #tpu.memory_space<vmem_shared>> -> memref<128x64xf32, #tpu.memory_space<vmem_shared>>
      tpu.enqueue_dma source(%arg6 : memref<128x64xf32, #tpu.memory_space<hbm>>) target(%dma_start3A_32 : memref<128x64xf32, #tpu.memory_space<vmem_shared>>) target_semaphore(%run_scoped3A : memref<!tpu.dma_semaphore, #tpu.memory_space<semaphore_mem>>)
      %dma_wait3A = arith.constant 0 : i32
      %dma_wait3A_33 = tpu.memref_slice %arg12[%add3A_5, %dma_wait3A] : memref<10240x64xf32, #tpu.memory_space<vmem_shared>> -> memref<128x64xf32, #tpu.memory_space<vmem_shared>>
      tpu.wait_dma2 semaphore(%run_scoped3A : memref<!tpu.dma_semaphore, #tpu.memory_space<semaphore_mem>>) src(%arg6 : memref<128x64xf32, #tpu.memory_space<hbm>>) dst(%dma_wait3A_33 : memref<128x64xf32, #tpu.memory_space<vmem_shared>>)
      tpu.yield
    }) : () -> ()
    %add3A_6 = arith.constant 384 : i32
    %add3A_7 = arith.addi %mul3A_0, %add3A_6 : i32
    "tpu.region"() ({
      %run_scoped3A = tpu.sem_alloc : memref<!tpu.dma_semaphore, #tpu.memory_space<semaphore_mem>>
      %dma_start3A = arith.constant 0 : i32
      %dma_start3A_32 = tpu.memref_slice %arg12[%add3A_7, %dma_start3A] : memref<10240x64xf32, #tpu.memory_space<vmem_shared>> -> memref<128x64xf32, #tpu.memory_space<vmem_shared>>
      tpu.enqueue_dma source(%arg6 : memref<128x64xf32, #tpu.memory_space<hbm>>) target(%dma_start3A_32 : memref<128x64xf32, #tpu.memory_space<vmem_shared>>) target_semaphore(%run_scoped3A : memref<!tpu.dma_semaphore, #tpu.memory_space<semaphore_mem>>)
      %dma_wait3A = arith.constant 0 : i32
      %dma_wait3A_33 = tpu.memref_slice %arg12[%add3A_7, %dma_wait3A] : memref<10240x64xf32, #tpu.memory_space<vmem_shared>> -> memref<128x64xf32, #tpu.memory_space<vmem_shared>>
      tpu.wait_dma2 semaphore(%run_scoped3A : memref<!tpu.dma_semaphore, #tpu.memory_space<semaphore_mem>>) src(%arg6 : memref<128x64xf32, #tpu.memory_space<hbm>>) dst(%dma_wait3A_33 : memref<128x64xf32, #tpu.memory_space<vmem_shared>>)
      tpu.yield
    }) : () -> ()
    %add3A_8 = arith.constant 512 : i32
    %add3A_9 = arith.addi %mul3A_0, %add3A_8 : i32
    "tpu.region"() ({
      %run_scoped3A = tpu.sem_alloc : memref<!tpu.dma_semaphore, #tpu.memory_space<semaphore_mem>>
      %dma_start3A = arith.constant 0 : i32
      %dma_start3A_32 = tpu.memref_slice %arg12[%add3A_9, %dma_start3A] : memref<10240x64xf32, #tpu.memory_space<vmem_shared>> -> memref<128x64xf32, #tpu.memory_space<vmem_shared>>
      tpu.enqueue_dma source(%arg6 : memref<128x64xf32, #tpu.memory_space<hbm>>) target(%dma_start3A_32 : memref<128x64xf32, #tpu.memory_space<vmem_shared>>) target_semaphore(%run_scoped3A : memref<!tpu.dma_semaphore, #tpu.memory_space<semaphore_mem>>)
      %dma_wait3A = arith.constant 0 : i32
      %dma_wait3A_33 = tpu.memref_slice %arg12[%add3A_9, %dma_wait3A] : memref<10240x64xf32, #tpu.memory_space<vmem_shared>> -> memref<128x64xf32, #tpu.memory_space<vmem_shared>>
      tpu.wait_dma2 semaphore(%run_scoped3A : memref<!tpu.dma_semaphore, #tpu.memory_space<semaphore_mem>>) src(%arg6 : memref<128x64xf32, #tpu.memory_space<hbm>>) dst(%dma_wait3A_33 : memref<128x64xf32, #tpu.memory_space<vmem_shared>>)
      tpu.yield
    }) : () -> ()
    %mul3A_10 = arith.constant 160 : i32
    %mul3A_11 = arith.muli %arg1, %mul3A_10 : i32
    "tpu.region"() ({
      %run_scoped3A = tpu.sem_alloc : memref<!tpu.dma_semaphore, #tpu.memory_space<semaphore_mem>>
      %dma_start3A = arith.constant 0 : i32
      %dma_start3A_32 = tpu.memref_slice %arg4[%mul3A_11, %dma_start3A] : memref<2560x128xi32, #tpu.memory_space<hbm>> -> memref<160x128xi32, #tpu.memory_space<hbm>>
      %dma_start3A_33 = arith.constant 0 : i32
      %dma_start3A_34 = tpu.memref_slice %arg4[%mul3A_11, %dma_start3A_33] : memref<2560x128xi32, #tpu.memory_space<hbm>> -> memref<160x128xi32, #tpu.memory_space<hbm>>
      tpu.enqueue_dma source(%dma_start3A_34 : memref<160x128xi32, #tpu.memory_space<hbm>>) target(%arg9 : memref<160x128xi32, #tpu.memory_space<vmem>>) target_semaphore(%run_scoped3A : memref<!tpu.dma_semaphore, #tpu.memory_space<semaphore_mem>>)
      %dma_wait3A = arith.constant 0 : i32
      %dma_wait3A_35 = tpu.memref_slice %arg4[%mul3A_11, %dma_wait3A] : memref<2560x128xi32, #tpu.memory_space<hbm>> -> memref<160x128xi32, #tpu.memory_space<hbm>>
      %dma_wait3A_36 = arith.constant 0 : i32
      %dma_wait3A_37 = tpu.memref_slice %arg4[%mul3A_11, %dma_wait3A_36] : memref<2560x128xi32, #tpu.memory_space<hbm>> -> memref<160x128xi32, #tpu.memory_space<hbm>>
      tpu.wait_dma2 semaphore(%run_scoped3A : memref<!tpu.dma_semaphore, #tpu.memory_space<semaphore_mem>>) src(%dma_wait3A_37 : memref<160x128xi32, #tpu.memory_space<hbm>>) dst(%arg9 : memref<160x128xi32, #tpu.memory_space<vmem>>)
      tpu.yield
    }) : () -> ()
    %mul3A_12 = arith.constant 160 : i32
    %mul3A_13 = arith.muli %arg1, %mul3A_12 : i32
    "tpu.region"() ({
      %run_scoped3A = tpu.sem_alloc : memref<!tpu.dma_semaphore, #tpu.memory_space<semaphore_mem>>
      %dma_start3A = arith.constant 0 : i32
      %dma_start3A_32 = tpu.memref_slice %arg5[%mul3A_13, %dma_start3A] : memref<2560x128xi32, #tpu.memory_space<hbm>> -> memref<160x128xi32, #tpu.memory_space<hbm>>
      %dma_start3A_33 = arith.constant 0 : i32
      %dma_start3A_34 = tpu.memref_slice %arg5[%mul3A_13, %dma_start3A_33] : memref<2560x128xi32, #tpu.memory_space<hbm>> -> memref<160x128xi32, #tpu.memory_space<hbm>>
      tpu.enqueue_dma source(%dma_start3A_34 : memref<160x128xi32, #tpu.memory_space<hbm>>) target(%arg10 : memref<160x128xi32, #tpu.memory_space<vmem>>) target_semaphore(%run_scoped3A : memref<!tpu.dma_semaphore, #tpu.memory_space<semaphore_mem>>)
      %dma_wait3A = arith.constant 0 : i32
      %dma_wait3A_35 = tpu.memref_slice %arg5[%mul3A_13, %dma_wait3A] : memref<2560x128xi32, #tpu.memory_space<hbm>> -> memref<160x128xi32, #tpu.memory_space<hbm>>
      %dma_wait3A_36 = arith.constant 0 : i32
      %dma_wait3A_37 = tpu.memref_slice %arg5[%mul3A_13, %dma_wait3A_36] : memref<2560x128xi32, #tpu.memory_space<hbm>> -> memref<160x128xi32, #tpu.memory_space<hbm>>
      tpu.wait_dma2 semaphore(%run_scoped3A : memref<!tpu.dma_semaphore, #tpu.memory_space<semaphore_mem>>) src(%dma_wait3A_37 : memref<160x128xi32, #tpu.memory_space<hbm>>) dst(%arg10 : memref<160x128xi32, #tpu.memory_space<vmem>>)
      tpu.yield
    }) : () -> ()
    %barrier3A = arith.constant 0 : index
    tpu.barrier barrier_id(%barrier3A)
    %eq3A = arith.constant 0 : i32
    %eq3A_14 = arith.cmpi eq, %arg0, %eq3A : i32
    %convert_element_type3A = arith.extui %eq3A_14 : i1 to i32
    %cond3A = arith.constant 0 : i32
    %cond3A_15 = arith.cmpi ne, %convert_element_type3A, %cond3A : i32
    scf.if %cond3A_15 {
      %scan3A = arith.constant 0 : i32
      %scan3A_32 = arith.constant 0 : i32
      %scan3A_33 = arith.constant 160 : i32
      %scan3A_34 = arith.addi %scan3A_32, %scan3A_33 : i32
      %scan3A_35 = arith.constant 1 : i32
      scf.for %scan3A_37 = %scan3A_32 to %scan3A_34 step %scan3A_35  : i32 {
        %dma_start3A = arith.constant 0 : i32
        %dma_start3A_38 = tpu.memref_slice %arg9[%scan3A_37, %dma_start3A] : memref<160x128xi32, #tpu.memory_space<vmem>> -> memref<1x128xi32, #tpu.memory_space<vmem>>
        %dma_start3A_39 = tpu.memref_squeeze %dma_start3A_38 : memref<1x128xi32, #tpu.memory_space<vmem>> -> memref<128xi32, #tpu.memory_space<vmem>>
        %dma_start3A_40 = arith.constant 0 : i32
        %dma_start3A_41 = arith.constant 0 : i32
        %dma_start3A_42 = tpu.memref_slice %arg2[%dma_start3A_40, %dma_start3A_41] : memref<10240x64xf32, #tpu.memory_space<hbm>> -> memref<10240x64xf32, #tpu.memory_space<hbm>>
        tpu.enqueue_indirect_dma source(%dma_start3A_42 : memref<10240x64xf32, #tpu.memory_space<hbm>>) target(%arg11 : memref<128x64xf32, #tpu.memory_space<vmem>>) offsets(%dma_start3A_39 : memref<128xi32, #tpu.memory_space<vmem>>) semaphore(%arg13 : memref<!tpu.dma_semaphore, #tpu.memory_space<semaphore_mem>>)
        %dma_wait3A = arith.constant 0 : i32
        %dma_wait3A_43 = tpu.memref_slice %arg9[%scan3A_37, %dma_wait3A] : memref<160x128xi32, #tpu.memory_space<vmem>> -> memref<1x128xi32, #tpu.memory_space<vmem>>
        %dma_wait3A_44 = tpu.memref_squeeze %dma_wait3A_43 : memref<1x128xi32, #tpu.memory_space<vmem>> -> memref<128xi32, #tpu.memory_space<vmem>>
        %dma_wait3A_45 = arith.constant 0 : i32
        %dma_wait3A_46 = arith.constant 0 : i32
        %dma_wait3A_47 = tpu.memref_slice %arg2[%dma_wait3A_45, %dma_wait3A_46] : memref<10240x64xf32, #tpu.memory_space<hbm>> -> memref<10240x64xf32, #tpu.memory_space<hbm>>
        tpu.wait_indirect_dma semaphore(%arg13 : memref<!tpu.dma_semaphore, #tpu.memory_space<semaphore_mem>>) src(%dma_wait3A_47 : memref<10240x64xf32, #tpu.memory_space<hbm>>) dst(%arg11 : memref<128x64xf32, #tpu.memory_space<vmem>>)
        "tpu.region"() ({
          %run_scoped3A = tpu.sem_alloc : memref<!tpu.dma_semaphore, #tpu.memory_space<semaphore_mem>>
          %dma_start3A_48 = arith.constant 0 : i32
          %dma_start3A_49 = tpu.memref_slice %arg10[%scan3A_37, %dma_start3A_48] : memref<160x128xi32, #tpu.memory_space<vmem>> -> memref<1x128xi32, #tpu.memory_space<vmem>>
          %dma_start3A_50 = tpu.memref_squeeze %dma_start3A_49 : memref<1x128xi32, #tpu.memory_space<vmem>> -> memref<128xi32, #tpu.memory_space<vmem>>
          %dma_start3A_51 = arith.constant 0 : i32
          %dma_start3A_52 = arith.constant 0 : i32
          %dma_start3A_53 = tpu.memref_slice %arg12[%dma_start3A_51, %dma_start3A_52] : memref<10240x64xf32, #tpu.memory_space<vmem_shared>> -> memref<10240x64xf32, #tpu.memory_space<vmem_shared>>
          tpu.enqueue_indirect_dma source(%arg11 : memref<128x64xf32, #tpu.memory_space<vmem>>) target(%dma_start3A_53 : memref<10240x64xf32, #tpu.memory_space<vmem_shared>>) offsets(%dma_start3A_50 : memref<128xi32, #tpu.memory_space<vmem>>) semaphore(%run_scoped3A : memref<!tpu.dma_semaphore, #tpu.memory_space<semaphore_mem>>) {add = true}
          %dma_wait3A_54 = arith.constant 0 : i32
          %dma_wait3A_55 = tpu.memref_slice %arg10[%scan3A_37, %dma_wait3A_54] : memref<160x128xi32, #tpu.memory_space<vmem>> -> memref<1x128xi32, #tpu.memory_space<vmem>>
          %dma_wait3A_56 = tpu.memref_squeeze %dma_wait3A_55 : memref<1x128xi32, #tpu.memory_space<vmem>> -> memref<128xi32, #tpu.memory_space<vmem>>
          %dma_wait3A_57 = arith.constant 0 : i32
          %dma_wait3A_58 = arith.constant 0 : i32
          %dma_wait3A_59 = tpu.memref_slice %arg12[%dma_wait3A_57, %dma_wait3A_58] : memref<10240x64xf32, #tpu.memory_space<vmem_shared>> -> memref<10240x64xf32, #tpu.memory_space<vmem_shared>>
          tpu.wait_indirect_dma semaphore(%run_scoped3A : memref<!tpu.dma_semaphore, #tpu.memory_space<semaphore_mem>>) src(%arg11 : memref<128x64xf32, #tpu.memory_space<vmem>>) dst(%dma_wait3A_59 : memref<10240x64xf32, #tpu.memory_space<vmem_shared>>)
          tpu.yield
        }) : () -> ()
      }
      %scan3A_36 = arith.constant 160 : i32
    } else {
    }
    %eq3A_16 = arith.constant 1 : i32
    %eq3A_17 = arith.cmpi eq, %arg0, %eq3A_16 : i32
    %convert_element_type3A_18 = arith.extui %eq3A_17 : i1 to i32
    %cond3A_19 = arith.constant 0 : i32
    %cond3A_20 = arith.cmpi ne, %convert_element_type3A_18, %cond3A_19 : i32
    scf.if %cond3A_20 {
      %scan3A = arith.constant 0 : i32
      %scan3A_32 = arith.constant 0 : i32
      %scan3A_33 = arith.constant 160 : i32
      %scan3A_34 = arith.addi %scan3A_32, %scan3A_33 : i32
      %scan3A_35 = arith.constant 1 : i32
      scf.for %scan3A_37 = %scan3A_32 to %scan3A_34 step %scan3A_35  : i32 {
        %dma_start3A = arith.constant 0 : i32
        %dma_start3A_38 = tpu.memref_slice %arg9[%scan3A_37, %dma_start3A] : memref<160x128xi32, #tpu.memory_space<vmem>> -> memref<1x128xi32, #tpu.memory_space<vmem>>
        %dma_start3A_39 = tpu.memref_squeeze %dma_start3A_38 : memref<1x128xi32, #tpu.memory_space<vmem>> -> memref<128xi32, #tpu.memory_space<vmem>>
        %dma_start3A_40 = arith.constant 0 : i32
        %dma_start3A_41 = arith.constant 0 : i32
        %dma_start3A_42 = tpu.memref_slice %arg3[%dma_start3A_40, %dma_start3A_41] : memref<10240x64xf32, #tpu.memory_space<hbm>> -> memref<10240x64xf32, #tpu.memory_space<hbm>>
        tpu.enqueue_indirect_dma source(%dma_start3A_42 : memref<10240x64xf32, #tpu.memory_space<hbm>>) target(%arg11 : memref<128x64xf32, #tpu.memory_space<vmem>>) offsets(%dma_start3A_39 : memref<128xi32, #tpu.memory_space<vmem>>) semaphore(%arg13 : memref<!tpu.dma_semaphore, #tpu.memory_space<semaphore_mem>>)
        %dma_wait3A = arith.constant 0 : i32
        %dma_wait3A_43 = tpu.memref_slice %arg9[%scan3A_37, %dma_wait3A] : memref<160x128xi32, #tpu.memory_space<vmem>> -> memref<1x128xi32, #tpu.memory_space<vmem>>
        %dma_wait3A_44 = tpu.memref_squeeze %dma_wait3A_43 : memref<1x128xi32, #tpu.memory_space<vmem>> -> memref<128xi32, #tpu.memory_space<vmem>>
        %dma_wait3A_45 = arith.constant 0 : i32
        %dma_wait3A_46 = arith.constant 0 : i32
        %dma_wait3A_47 = tpu.memref_slice %arg3[%dma_wait3A_45, %dma_wait3A_46] : memref<10240x64xf32, #tpu.memory_space<hbm>> -> memref<10240x64xf32, #tpu.memory_space<hbm>>
        tpu.wait_indirect_dma semaphore(%arg13 : memref<!tpu.dma_semaphore, #tpu.memory_space<semaphore_mem>>) src(%dma_wait3A_47 : memref<10240x64xf32, #tpu.memory_space<hbm>>) dst(%arg11 : memref<128x64xf32, #tpu.memory_space<vmem>>)
        "tpu.region"() ({
          %run_scoped3A = tpu.sem_alloc : memref<!tpu.dma_semaphore, #tpu.memory_space<semaphore_mem>>
          %dma_start3A_48 = arith.constant 0 : i32
          %dma_start3A_49 = tpu.memref_slice %arg10[%scan3A_37, %dma_start3A_48] : memref<160x128xi32, #tpu.memory_space<vmem>> -> memref<1x128xi32, #tpu.memory_space<vmem>>
          %dma_start3A_50 = tpu.memref_squeeze %dma_start3A_49 : memref<1x128xi32, #tpu.memory_space<vmem>> -> memref<128xi32, #tpu.memory_space<vmem>>
          %dma_start3A_51 = arith.constant 0 : i32
          %dma_start3A_52 = arith.constant 0 : i32
          %dma_start3A_53 = tpu.memref_slice %arg12[%dma_start3A_51, %dma_start3A_52] : memref<10240x64xf32, #tpu.memory_space<vmem_shared>> -> memref<10240x64xf32, #tpu.memory_space<vmem_shared>>
          tpu.enqueue_indirect_dma source(%arg11 : memref<128x64xf32, #tpu.memory_space<vmem>>) target(%dma_start3A_53 : memref<10240x64xf32, #tpu.memory_space<vmem_shared>>) offsets(%dma_start3A_50 : memref<128xi32, #tpu.memory_space<vmem>>) semaphore(%run_scoped3A : memref<!tpu.dma_semaphore, #tpu.memory_space<semaphore_mem>>) {add = true}
          %dma_wait3A_54 = arith.constant 0 : i32
          %dma_wait3A_55 = tpu.memref_slice %arg10[%scan3A_37, %dma_wait3A_54] : memref<160x128xi32, #tpu.memory_space<vmem>> -> memref<1x128xi32, #tpu.memory_space<vmem>>
          %dma_wait3A_56 = tpu.memref_squeeze %dma_wait3A_55 : memref<1x128xi32, #tpu.memory_space<vmem>> -> memref<128xi32, #tpu.memory_space<vmem>>
          %dma_wait3A_57 = arith.constant 0 : i32
          %dma_wait3A_58 = arith.constant 0 : i32
          %dma_wait3A_59 = tpu.memref_slice %arg12[%dma_wait3A_57, %dma_wait3A_58] : memref<10240x64xf32, #tpu.memory_space<vmem_shared>> -> memref<10240x64xf32, #tpu.memory_space<vmem_shared>>
          tpu.wait_indirect_dma semaphore(%run_scoped3A : memref<!tpu.dma_semaphore, #tpu.memory_space<semaphore_mem>>) src(%arg11 : memref<128x64xf32, #tpu.memory_space<vmem>>) dst(%dma_wait3A_59 : memref<10240x64xf32, #tpu.memory_space<vmem_shared>>)
          tpu.yield
        }) : () -> ()
      }
      %scan3A_36 = arith.constant 160 : i32
    } else {
    }
    %barrier3A_21 = arith.constant 0 : index
    tpu.barrier barrier_id(%barrier3A_21)
    %eq3A_22 = arith.constant 0 : i32
    %eq3A_23 = arith.cmpi eq, %arg0, %eq3A_22 : i32
    %convert_element_type3A_24 = arith.extui %eq3A_23 : i1 to i32
    %cond3A_25 = arith.constant 0 : i32
    %cond3A_26 = arith.cmpi ne, %convert_element_type3A_24, %cond3A_25 : i32
    scf.if %cond3A_26 {
      "tpu.region"() ({
        %run_scoped3A = tpu.sem_alloc : memref<!tpu.dma_semaphore, #tpu.memory_space<semaphore_mem>>
        %dma_start3A = arith.constant 0 : i32
        %dma_start3A_32 = tpu.memref_slice %arg7[%mul3A_0, %dma_start3A] : memref<10240x64xf32, #tpu.memory_space<hbm>> -> memref<640x64xf32, #tpu.memory_space<hbm>>
        %dma_start3A_33 = arith.constant 0 : i32
        %dma_start3A_34 = tpu.memref_slice %arg12[%mul3A_0, %dma_start3A_33] : memref<10240x64xf32, #tpu.memory_space<vmem_shared>> -> memref<640x64xf32, #tpu.memory_space<vmem_shared>>
        tpu.enqueue_dma source(%dma_start3A_34 : memref<640x64xf32, #tpu.memory_space<vmem_shared>>) target(%dma_start3A_32 : memref<640x64xf32, #tpu.memory_space<hbm>>) target_semaphore(%run_scoped3A : memref<!tpu.dma_semaphore, #tpu.memory_space<semaphore_mem>>)
        %dma_wait3A = arith.constant 0 : i32
        %dma_wait3A_35 = tpu.memref_slice %arg7[%mul3A_0, %dma_wait3A] : memref<10240x64xf32, #tpu.memory_space<hbm>> -> memref<640x64xf32, #tpu.memory_space<hbm>>
        %dma_wait3A_36 = arith.constant 0 : i32
        %dma_wait3A_37 = tpu.memref_slice %arg12[%mul3A_0, %dma_wait3A_36] : memref<10240x64xf32, #tpu.memory_space<vmem_shared>> -> memref<640x64xf32, #tpu.memory_space<vmem_shared>>
        tpu.wait_dma2 semaphore(%run_scoped3A : memref<!tpu.dma_semaphore, #tpu.memory_space<semaphore_mem>>) src(%dma_wait3A_37 : memref<640x64xf32, #tpu.memory_space<vmem_shared>>) dst(%dma_wait3A_35 : memref<640x64xf32, #tpu.memory_space<hbm>>)
        tpu.yield
      }) : () -> ()
    } else {
    }
    %eq3A_27 = arith.constant 1 : i32
    %eq3A_28 = arith.cmpi eq, %arg0, %eq3A_27 : i32
    %convert_element_type3A_29 = arith.extui %eq3A_28 : i1 to i32
    %cond3A_30 = arith.constant 0 : i32
    %cond3A_31 = arith.cmpi ne, %convert_element_type3A_29, %cond3A_30 : i32
    scf.if %cond3A_31 {
      "tpu.region"() ({
        %run_scoped3A = tpu.sem_alloc : memref<!tpu.dma_semaphore, #tpu.memory_space<semaphore_mem>>
        %dma_start3A = arith.constant 0 : i32
        %dma_start3A_32 = tpu.memref_slice %arg8[%mul3A_0, %dma_start3A] : memref<10240x64xf32, #tpu.memory_space<hbm>> -> memref<640x64xf32, #tpu.memory_space<hbm>>
        %dma_start3A_33 = arith.constant 0 : i32
        %dma_start3A_34 = tpu.memref_slice %arg12[%mul3A_0, %dma_start3A_33] : memref<10240x64xf32, #tpu.memory_space<vmem_shared>> -> memref<640x64xf32, #tpu.memory_space<vmem_shared>>
        tpu.enqueue_dma source(%dma_start3A_34 : memref<640x64xf32, #tpu.memory_space<vmem_shared>>) target(%dma_start3A_32 : memref<640x64xf32, #tpu.memory_space<hbm>>) target_semaphore(%run_scoped3A : memref<!tpu.dma_semaphore, #tpu.memory_space<semaphore_mem>>)
        %dma_wait3A = arith.constant 0 : i32
        %dma_wait3A_35 = tpu.memref_slice %arg8[%mul3A_0, %dma_wait3A] : memref<10240x64xf32, #tpu.memory_space<hbm>> -> memref<640x64xf32, #tpu.memory_space<hbm>>
        %dma_wait3A_36 = arith.constant 0 : i32
        %dma_wait3A_37 = tpu.memref_slice %arg12[%mul3A_0, %dma_wait3A_36] : memref<10240x64xf32, #tpu.memory_space<vmem_shared>> -> memref<640x64xf32, #tpu.memory_space<vmem_shared>>
        tpu.wait_dma2 semaphore(%run_scoped3A : memref<!tpu.dma_semaphore, #tpu.memory_space<semaphore_mem>>) src(%dma_wait3A_37 : memref<640x64xf32, #tpu.memory_space<vmem_shared>>) dst(%dma_wait3A_35 : memref<640x64xf32, #tpu.memory_space<hbm>>)
        tpu.yield
      }) : () -> ()
    } else {
    }
    return
  }
}

#map = affine_map<(d0, d1) -> (0, 0)>
module attributes {stable_mosaic.version = 14 : i64} {
  func.func @_spmm_body(%arg0: i32, %arg1: i32, %arg2: memref<10240x64xf32, #tpu.memory_space<hbm>>, %arg3: memref<10240x64xf32, #tpu.memory_space<hbm>>, %arg4: memref<2560x128xi32, #tpu.memory_space<hbm>>, %arg5: memref<2560x128xi32, #tpu.memory_space<hbm>>, %arg6: memref<128x64xf32, #tpu.memory_space<hbm>>, %arg7: memref<10240x64xf32, #tpu.memory_space<hbm>>, %arg8: memref<10240x64xf32, #tpu.memory_space<hbm>>, %arg9: memref<160x128xi32, #tpu.memory_space<vmem>>, %arg10: memref<160x128xi32, #tpu.memory_space<vmem>>, %arg11: memref<128x64xf32, #tpu.memory_space<vmem>>, %arg12: memref<10240x64xf32, #tpu.memory_space<vmem_shared>>, %arg13: memref<!tpu.dma_semaphore, #tpu.memory_space<semaphore_mem>>) attributes {dimension_semantics = [#tpu.dimension_semantics<core_parallel>, #tpu.dimension_semantics<subcore_parallel>], iteration_bounds = array<i64: 2, 16>, scalar_prefetch = 0 : i64, scratch_operands = 5 : i64, tpu.core_type = #tpu.core_type<sc_vector_subcore>, window_params = [{transform_indices = #map}, {transform_indices = #map}, {transform_indices = #map}, {transform_indices = #map}, {transform_indices = #map}, {transform_indices = #map}, {transform_indices = #map}]} {
    %mul3A = arith.constant 640 : i32
    %mul3A_0 = arith.muli %arg1, %mul3A : i32
    %add3A = arith.constant 0 : i32
    %add3A_1 = arith.addi %mul3A_0, %add3A : i32
    "tpu.region"() ({
      %run_scoped3A = tpu.sem_alloc : memref<!tpu.dma_semaphore, #tpu.memory_space<semaphore_mem>>
      %dma_start3A = arith.constant 0 : i32
      %dma_start3A_32 = tpu.memref_slice %arg12[%add3A_1, %dma_start3A] : memref<10240x64xf32, #tpu.memory_space<vmem_shared>> -> memref<128x64xf32, #tpu.memory_space<vmem_shared>>
      tpu.enqueue_dma source(%arg6 : memref<128x64xf32, #tpu.memory_space<hbm>>) target(%dma_start3A_32 : memref<128x64xf32, #tpu.memory_space<vmem_shared>>) target_semaphore(%run_scoped3A : memref<!tpu.dma_semaphore, #tpu.memory_space<semaphore_mem>>)
      %dma_wait3A = arith.constant 0 : i32
      %dma_wait3A_33 = tpu.memref_slice %arg12[%add3A_1, %dma_wait3A] : memref<10240x64xf32, #tpu.memory_space<vmem_shared>> -> memref<128x64xf32, #tpu.memory_space<vmem_shared>>
      tpu.wait_dma2 semaphore(%run_scoped3A : memref<!tpu.dma_semaphore, #tpu.memory_space<semaphore_mem>>) src(%arg6 : memref<128x64xf32, #tpu.memory_space<hbm>>) dst(%dma_wait3A_33 : memref<128x64xf32, #tpu.memory_space<vmem_shared>>)
      tpu.yield
    }) : () -> ()
    %add3A_2 = arith.constant 128 : i32
    %add3A_3 = arith.addi %mul3A_0, %add3A_2 : i32
    "tpu.region"() ({
      %run_scoped3A = tpu.sem_alloc : memref<!tpu.dma_semaphore, #tpu.memory_space<semaphore_mem>>
      %dma_start3A = arith.constant 0 : i32
      %dma_start3A_32 = tpu.memref_slice %arg12[%add3A_3, %dma_start3A] : memref<10240x64xf32, #tpu.memory_space<vmem_shared>> -> memref<128x64xf32, #tpu.memory_space<vmem_shared>>
      tpu.enqueue_dma source(%arg6 : memref<128x64xf32, #tpu.memory_space<hbm>>) target(%dma_start3A_32 : memref<128x64xf32, #tpu.memory_space<vmem_shared>>) target_semaphore(%run_scoped3A : memref<!tpu.dma_semaphore, #tpu.memory_space<semaphore_mem>>)
      %dma_wait3A = arith.constant 0 : i32
      %dma_wait3A_33 = tpu.memref_slice %arg12[%add3A_3, %dma_wait3A] : memref<10240x64xf32, #tpu.memory_space<vmem_shared>> -> memref<128x64xf32, #tpu.memory_space<vmem_shared>>
      tpu.wait_dma2 semaphore(%run_scoped3A : memref<!tpu.dma_semaphore, #tpu.memory_space<semaphore_mem>>) src(%arg6 : memref<128x64xf32, #tpu.memory_space<hbm>>) dst(%dma_wait3A_33 : memref<128x64xf32, #tpu.memory_space<vmem_shared>>)
      tpu.yield
    }) : () -> ()
    %add3A_4 = arith.constant 256 : i32
    %add3A_5 = arith.addi %mul3A_0, %add3A_4 : i32
    "tpu.region"() ({
      %run_scoped3A = tpu.sem_alloc : memref<!tpu.dma_semaphore, #tpu.memory_space<semaphore_mem>>
      %dma_start3A = arith.constant 0 : i32
      %dma_start3A_32 = tpu.memref_slice %arg12[%add3A_5, %dma_start3A] : memref<10240x64xf32, #tpu.memory_space<vmem_shared>> -> memref<128x64xf32, #tpu.memory_space<vmem_shared>>
      tpu.enqueue_dma source(%arg6 : memref<128x64xf32, #tpu.memory_space<hbm>>) target(%dma_start3A_32 : memref<128x64xf32, #tpu.memory_space<vmem_shared>>) target_semaphore(%run_scoped3A : memref<!tpu.dma_semaphore, #tpu.memory_space<semaphore_mem>>)
      %dma_wait3A = arith.constant 0 : i32
      %dma_wait3A_33 = tpu.memref_slice %arg12[%add3A_5, %dma_wait3A] : memref<10240x64xf32, #tpu.memory_space<vmem_shared>> -> memref<128x64xf32, #tpu.memory_space<vmem_shared>>
      tpu.wait_dma2 semaphore(%run_scoped3A : memref<!tpu.dma_semaphore, #tpu.memory_space<semaphore_mem>>) src(%arg6 : memref<128x64xf32, #tpu.memory_space<hbm>>) dst(%dma_wait3A_33 : memref<128x64xf32, #tpu.memory_space<vmem_shared>>)
      tpu.yield
    }) : () -> ()
    %add3A_6 = arith.constant 384 : i32
    %add3A_7 = arith.addi %mul3A_0, %add3A_6 : i32
    "tpu.region"() ({
      %run_scoped3A = tpu.sem_alloc : memref<!tpu.dma_semaphore, #tpu.memory_space<semaphore_mem>>
      %dma_start3A = arith.constant 0 : i32
      %dma_start3A_32 = tpu.memref_slice %arg12[%add3A_7, %dma_start3A] : memref<10240x64xf32, #tpu.memory_space<vmem_shared>> -> memref<128x64xf32, #tpu.memory_space<vmem_shared>>
      tpu.enqueue_dma source(%arg6 : memref<128x64xf32, #tpu.memory_space<hbm>>) target(%dma_start3A_32 : memref<128x64xf32, #tpu.memory_space<vmem_shared>>) target_semaphore(%run_scoped3A : memref<!tpu.dma_semaphore, #tpu.memory_space<semaphore_mem>>)
      %dma_wait3A = arith.constant 0 : i32
      %dma_wait3A_33 = tpu.memref_slice %arg12[%add3A_7, %dma_wait3A] : memref<10240x64xf32, #tpu.memory_space<vmem_shared>> -> memref<128x64xf32, #tpu.memory_space<vmem_shared>>
      tpu.wait_dma2 semaphore(%run_scoped3A : memref<!tpu.dma_semaphore, #tpu.memory_space<semaphore_mem>>) src(%arg6 : memref<128x64xf32, #tpu.memory_space<hbm>>) dst(%dma_wait3A_33 : memref<128x64xf32, #tpu.memory_space<vmem_shared>>)
      tpu.yield
    }) : () -> ()
    %add3A_8 = arith.constant 512 : i32
    %add3A_9 = arith.addi %mul3A_0, %add3A_8 : i32
    "tpu.region"() ({
      %run_scoped3A = tpu.sem_alloc : memref<!tpu.dma_semaphore, #tpu.memory_space<semaphore_mem>>
      %dma_start3A = arith.constant 0 : i32
      %dma_start3A_32 = tpu.memref_slice %arg12[%add3A_9, %dma_start3A] : memref<10240x64xf32, #tpu.memory_space<vmem_shared>> -> memref<128x64xf32, #tpu.memory_space<vmem_shared>>
      tpu.enqueue_dma source(%arg6 : memref<128x64xf32, #tpu.memory_space<hbm>>) target(%dma_start3A_32 : memref<128x64xf32, #tpu.memory_space<vmem_shared>>) target_semaphore(%run_scoped3A : memref<!tpu.dma_semaphore, #tpu.memory_space<semaphore_mem>>)
      %dma_wait3A = arith.constant 0 : i32
      %dma_wait3A_33 = tpu.memref_slice %arg12[%add3A_9, %dma_wait3A] : memref<10240x64xf32, #tpu.memory_space<vmem_shared>> -> memref<128x64xf32, #tpu.memory_space<vmem_shared>>
      tpu.wait_dma2 semaphore(%run_scoped3A : memref<!tpu.dma_semaphore, #tpu.memory_space<semaphore_mem>>) src(%arg6 : memref<128x64xf32, #tpu.memory_space<hbm>>) dst(%dma_wait3A_33 : memref<128x64xf32, #tpu.memory_space<vmem_shared>>)
      tpu.yield
    }) : () -> ()
    %mul3A_10 = arith.constant 160 : i32
    %mul3A_11 = arith.muli %arg1, %mul3A_10 : i32
    "tpu.region"() ({
      %run_scoped3A = tpu.sem_alloc : memref<!tpu.dma_semaphore, #tpu.memory_space<semaphore_mem>>
      %dma_start3A = arith.constant 0 : i32
      %dma_start3A_32 = tpu.memref_slice %arg4[%mul3A_11, %dma_start3A] : memref<2560x128xi32, #tpu.memory_space<hbm>> -> memref<160x128xi32, #tpu.memory_space<hbm>>
      %dma_start3A_33 = arith.constant 0 : i32
      %dma_start3A_34 = tpu.memref_slice %arg4[%mul3A_11, %dma_start3A_33] : memref<2560x128xi32, #tpu.memory_space<hbm>> -> memref<160x128xi32, #tpu.memory_space<hbm>>
      tpu.enqueue_dma source(%dma_start3A_34 : memref<160x128xi32, #tpu.memory_space<hbm>>) target(%arg9 : memref<160x128xi32, #tpu.memory_space<vmem>>) target_semaphore(%run_scoped3A : memref<!tpu.dma_semaphore, #tpu.memory_space<semaphore_mem>>)
      %dma_wait3A = arith.constant 0 : i32
      %dma_wait3A_35 = tpu.memref_slice %arg4[%mul3A_11, %dma_wait3A] : memref<2560x128xi32, #tpu.memory_space<hbm>> -> memref<160x128xi32, #tpu.memory_space<hbm>>
      %dma_wait3A_36 = arith.constant 0 : i32
      %dma_wait3A_37 = tpu.memref_slice %arg4[%mul3A_11, %dma_wait3A_36] : memref<2560x128xi32, #tpu.memory_space<hbm>> -> memref<160x128xi32, #tpu.memory_space<hbm>>
      tpu.wait_dma2 semaphore(%run_scoped3A : memref<!tpu.dma_semaphore, #tpu.memory_space<semaphore_mem>>) src(%dma_wait3A_37 : memref<160x128xi32, #tpu.memory_space<hbm>>) dst(%arg9 : memref<160x128xi32, #tpu.memory_space<vmem>>)
      tpu.yield
    }) : () -> ()
    %mul3A_12 = arith.constant 160 : i32
    %mul3A_13 = arith.muli %arg1, %mul3A_12 : i32
    "tpu.region"() ({
      %run_scoped3A = tpu.sem_alloc : memref<!tpu.dma_semaphore, #tpu.memory_space<semaphore_mem>>
      %dma_start3A = arith.constant 0 : i32
      %dma_start3A_32 = tpu.memref_slice %arg5[%mul3A_13, %dma_start3A] : memref<2560x128xi32, #tpu.memory_space<hbm>> -> memref<160x128xi32, #tpu.memory_space<hbm>>
      %dma_start3A_33 = arith.constant 0 : i32
      %dma_start3A_34 = tpu.memref_slice %arg5[%mul3A_13, %dma_start3A_33] : memref<2560x128xi32, #tpu.memory_space<hbm>> -> memref<160x128xi32, #tpu.memory_space<hbm>>
      tpu.enqueue_dma source(%dma_start3A_34 : memref<160x128xi32, #tpu.memory_space<hbm>>) target(%arg10 : memref<160x128xi32, #tpu.memory_space<vmem>>) target_semaphore(%run_scoped3A : memref<!tpu.dma_semaphore, #tpu.memory_space<semaphore_mem>>)
      %dma_wait3A = arith.constant 0 : i32
      %dma_wait3A_35 = tpu.memref_slice %arg5[%mul3A_13, %dma_wait3A] : memref<2560x128xi32, #tpu.memory_space<hbm>> -> memref<160x128xi32, #tpu.memory_space<hbm>>
      %dma_wait3A_36 = arith.constant 0 : i32
      %dma_wait3A_37 = tpu.memref_slice %arg5[%mul3A_13, %dma_wait3A_36] : memref<2560x128xi32, #tpu.memory_space<hbm>> -> memref<160x128xi32, #tpu.memory_space<hbm>>
      tpu.wait_dma2 semaphore(%run_scoped3A : memref<!tpu.dma_semaphore, #tpu.memory_space<semaphore_mem>>) src(%dma_wait3A_37 : memref<160x128xi32, #tpu.memory_space<hbm>>) dst(%arg10 : memref<160x128xi32, #tpu.memory_space<vmem>>)
      tpu.yield
    }) : () -> ()
    %barrier3A = arith.constant 0 : index
    tpu.barrier barrier_id(%barrier3A)
    %eq3A = arith.constant 0 : i32
    %eq3A_14 = arith.cmpi eq, %arg0, %eq3A : i32
    %convert_element_type3A = arith.extui %eq3A_14 : i1 to i32
    %cond3A = arith.constant 0 : i32
    %cond3A_15 = arith.cmpi ne, %convert_element_type3A, %cond3A : i32
    scf.if %cond3A_15 {
      %scan3A = arith.constant 0 : i32
      %scan3A_32 = arith.constant 0 : i32
      %scan3A_33 = arith.constant 160 : i32
      %scan3A_34 = arith.addi %scan3A_32, %scan3A_33 : i32
      %scan3A_35 = arith.constant 1 : i32
      scf.for %scan3A_37 = %scan3A_32 to %scan3A_34 step %scan3A_35  : i32 {
        %dma_start3A = arith.constant 0 : i32
        %dma_start3A_38 = tpu.memref_slice %arg9[%scan3A_37, %dma_start3A] : memref<160x128xi32, #tpu.memory_space<vmem>> -> memref<1x128xi32, #tpu.memory_space<vmem>>
        %dma_start3A_39 = tpu.memref_squeeze %dma_start3A_38 : memref<1x128xi32, #tpu.memory_space<vmem>> -> memref<128xi32, #tpu.memory_space<vmem>>
        %dma_start3A_40 = arith.constant 0 : i32
        %dma_start3A_41 = arith.constant 0 : i32
        %dma_start3A_42 = tpu.memref_slice %arg2[%dma_start3A_40, %dma_start3A_41] : memref<10240x64xf32, #tpu.memory_space<hbm>> -> memref<10240x64xf32, #tpu.memory_space<hbm>>
        tpu.enqueue_indirect_dma source(%dma_start3A_42 : memref<10240x64xf32, #tpu.memory_space<hbm>>) target(%arg11 : memref<128x64xf32, #tpu.memory_space<vmem>>) offsets(%dma_start3A_39 : memref<128xi32, #tpu.memory_space<vmem>>) semaphore(%arg13 : memref<!tpu.dma_semaphore, #tpu.memory_space<semaphore_mem>>)
        %dma_wait3A = arith.constant 0 : i32
        %dma_wait3A_43 = tpu.memref_slice %arg9[%scan3A_37, %dma_wait3A] : memref<160x128xi32, #tpu.memory_space<vmem>> -> memref<1x128xi32, #tpu.memory_space<vmem>>
        %dma_wait3A_44 = tpu.memref_squeeze %dma_wait3A_43 : memref<1x128xi32, #tpu.memory_space<vmem>> -> memref<128xi32, #tpu.memory_space<vmem>>
        %dma_wait3A_45 = arith.constant 0 : i32
        %dma_wait3A_46 = arith.constant 0 : i32
        %dma_wait3A_47 = tpu.memref_slice %arg2[%dma_wait3A_45, %dma_wait3A_46] : memref<10240x64xf32, #tpu.memory_space<hbm>> -> memref<10240x64xf32, #tpu.memory_space<hbm>>
        tpu.wait_indirect_dma semaphore(%arg13 : memref<!tpu.dma_semaphore, #tpu.memory_space<semaphore_mem>>) src(%dma_wait3A_47 : memref<10240x64xf32, #tpu.memory_space<hbm>>) dst(%arg11 : memref<128x64xf32, #tpu.memory_space<vmem>>)
        "tpu.region"() ({
          %run_scoped3A = tpu.sem_alloc : memref<!tpu.dma_semaphore, #tpu.memory_space<semaphore_mem>>
          %dma_start3A_48 = arith.constant 0 : i32
          %dma_start3A_49 = tpu.memref_slice %arg10[%scan3A_37, %dma_start3A_48] : memref<160x128xi32, #tpu.memory_space<vmem>> -> memref<1x128xi32, #tpu.memory_space<vmem>>
          %dma_start3A_50 = tpu.memref_squeeze %dma_start3A_49 : memref<1x128xi32, #tpu.memory_space<vmem>> -> memref<128xi32, #tpu.memory_space<vmem>>
          %dma_start3A_51 = arith.constant 0 : i32
          %dma_start3A_52 = arith.constant 0 : i32
          %dma_start3A_53 = tpu.memref_slice %arg12[%dma_start3A_51, %dma_start3A_52] : memref<10240x64xf32, #tpu.memory_space<vmem_shared>> -> memref<10240x64xf32, #tpu.memory_space<vmem_shared>>
          tpu.enqueue_indirect_dma source(%arg11 : memref<128x64xf32, #tpu.memory_space<vmem>>) target(%dma_start3A_53 : memref<10240x64xf32, #tpu.memory_space<vmem_shared>>) offsets(%dma_start3A_50 : memref<128xi32, #tpu.memory_space<vmem>>) semaphore(%run_scoped3A : memref<!tpu.dma_semaphore, #tpu.memory_space<semaphore_mem>>) {add = true}
          %dma_wait3A_54 = arith.constant 0 : i32
          %dma_wait3A_55 = tpu.memref_slice %arg10[%scan3A_37, %dma_wait3A_54] : memref<160x128xi32, #tpu.memory_space<vmem>> -> memref<1x128xi32, #tpu.memory_space<vmem>>
          %dma_wait3A_56 = tpu.memref_squeeze %dma_wait3A_55 : memref<1x128xi32, #tpu.memory_space<vmem>> -> memref<128xi32, #tpu.memory_space<vmem>>
          %dma_wait3A_57 = arith.constant 0 : i32
          %dma_wait3A_58 = arith.constant 0 : i32
          %dma_wait3A_59 = tpu.memref_slice %arg12[%dma_wait3A_57, %dma_wait3A_58] : memref<10240x64xf32, #tpu.memory_space<vmem_shared>> -> memref<10240x64xf32, #tpu.memory_space<vmem_shared>>
          tpu.wait_indirect_dma semaphore(%run_scoped3A : memref<!tpu.dma_semaphore, #tpu.memory_space<semaphore_mem>>) src(%arg11 : memref<128x64xf32, #tpu.memory_space<vmem>>) dst(%dma_wait3A_59 : memref<10240x64xf32, #tpu.memory_space<vmem_shared>>)
          tpu.yield
        }) : () -> ()
      }
      %scan3A_36 = arith.constant 160 : i32
    } else {
    }
    %eq3A_16 = arith.constant 1 : i32
    %eq3A_17 = arith.cmpi eq, %arg0, %eq3A_16 : i32
    %convert_element_type3A_18 = arith.extui %eq3A_17 : i1 to i32
    %cond3A_19 = arith.constant 0 : i32
    %cond3A_20 = arith.cmpi ne, %convert_element_type3A_18, %cond3A_19 : i32
    scf.if %cond3A_20 {
      %scan3A = arith.constant 0 : i32
      %scan3A_32 = arith.constant 0 : i32
      %scan3A_33 = arith.constant 160 : i32
      %scan3A_34 = arith.addi %scan3A_32, %scan3A_33 : i32
      %scan3A_35 = arith.constant 1 : i32
      scf.for %scan3A_37 = %scan3A_32 to %scan3A_34 step %scan3A_35  : i32 {
        %dma_start3A = arith.constant 0 : i32
        %dma_start3A_38 = tpu.memref_slice %arg9[%scan3A_37, %dma_start3A] : memref<160x128xi32, #tpu.memory_space<vmem>> -> memref<1x128xi32, #tpu.memory_space<vmem>>
        %dma_start3A_39 = tpu.memref_squeeze %dma_start3A_38 : memref<1x128xi32, #tpu.memory_space<vmem>> -> memref<128xi32, #tpu.memory_space<vmem>>
        %dma_start3A_40 = arith.constant 0 : i32
        %dma_start3A_41 = arith.constant 0 : i32
        %dma_start3A_42 = tpu.memref_slice %arg3[%dma_start3A_40, %dma_start3A_41] : memref<10240x64xf32, #tpu.memory_space<hbm>> -> memref<10240x64xf32, #tpu.memory_space<hbm>>
        tpu.enqueue_indirect_dma source(%dma_start3A_42 : memref<10240x64xf32, #tpu.memory_space<hbm>>) target(%arg11 : memref<128x64xf32, #tpu.memory_space<vmem>>) offsets(%dma_start3A_39 : memref<128xi32, #tpu.memory_space<vmem>>) semaphore(%arg13 : memref<!tpu.dma_semaphore, #tpu.memory_space<semaphore_mem>>)
        %dma_wait3A = arith.constant 0 : i32
        %dma_wait3A_43 = tpu.memref_slice %arg9[%scan3A_37, %dma_wait3A] : memref<160x128xi32, #tpu.memory_space<vmem>> -> memref<1x128xi32, #tpu.memory_space<vmem>>
        %dma_wait3A_44 = tpu.memref_squeeze %dma_wait3A_43 : memref<1x128xi32, #tpu.memory_space<vmem>> -> memref<128xi32, #tpu.memory_space<vmem>>
        %dma_wait3A_45 = arith.constant 0 : i32
        %dma_wait3A_46 = arith.constant 0 : i32
        %dma_wait3A_47 = tpu.memref_slice %arg3[%dma_wait3A_45, %dma_wait3A_46] : memref<10240x64xf32, #tpu.memory_space<hbm>> -> memref<10240x64xf32, #tpu.memory_space<hbm>>
        tpu.wait_indirect_dma semaphore(%arg13 : memref<!tpu.dma_semaphore, #tpu.memory_space<semaphore_mem>>) src(%dma_wait3A_47 : memref<10240x64xf32, #tpu.memory_space<hbm>>) dst(%arg11 : memref<128x64xf32, #tpu.memory_space<vmem>>)
        "tpu.region"() ({
          %run_scoped3A = tpu.sem_alloc : memref<!tpu.dma_semaphore, #tpu.memory_space<semaphore_mem>>
          %dma_start3A_48 = arith.constant 0 : i32
          %dma_start3A_49 = tpu.memref_slice %arg10[%scan3A_37, %dma_start3A_48] : memref<160x128xi32, #tpu.memory_space<vmem>> -> memref<1x128xi32, #tpu.memory_space<vmem>>
          %dma_start3A_50 = tpu.memref_squeeze %dma_start3A_49 : memref<1x128xi32, #tpu.memory_space<vmem>> -> memref<128xi32, #tpu.memory_space<vmem>>
          %dma_start3A_51 = arith.constant 0 : i32
          %dma_start3A_52 = arith.constant 0 : i32
          %dma_start3A_53 = tpu.memref_slice %arg12[%dma_start3A_51, %dma_start3A_52] : memref<10240x64xf32, #tpu.memory_space<vmem_shared>> -> memref<10240x64xf32, #tpu.memory_space<vmem_shared>>
          tpu.enqueue_indirect_dma source(%arg11 : memref<128x64xf32, #tpu.memory_space<vmem>>) target(%dma_start3A_53 : memref<10240x64xf32, #tpu.memory_space<vmem_shared>>) offsets(%dma_start3A_50 : memref<128xi32, #tpu.memory_space<vmem>>) semaphore(%run_scoped3A : memref<!tpu.dma_semaphore, #tpu.memory_space<semaphore_mem>>) {add = true}
          %dma_wait3A_54 = arith.constant 0 : i32
          %dma_wait3A_55 = tpu.memref_slice %arg10[%scan3A_37, %dma_wait3A_54] : memref<160x128xi32, #tpu.memory_space<vmem>> -> memref<1x128xi32, #tpu.memory_space<vmem>>
          %dma_wait3A_56 = tpu.memref_squeeze %dma_wait3A_55 : memref<1x128xi32, #tpu.memory_space<vmem>> -> memref<128xi32, #tpu.memory_space<vmem>>
          %dma_wait3A_57 = arith.constant 0 : i32
          %dma_wait3A_58 = arith.constant 0 : i32
          %dma_wait3A_59 = tpu.memref_slice %arg12[%dma_wait3A_57, %dma_wait3A_58] : memref<10240x64xf32, #tpu.memory_space<vmem_shared>> -> memref<10240x64xf32, #tpu.memory_space<vmem_shared>>
          tpu.wait_indirect_dma semaphore(%run_scoped3A : memref<!tpu.dma_semaphore, #tpu.memory_space<semaphore_mem>>) src(%arg11 : memref<128x64xf32, #tpu.memory_space<vmem>>) dst(%dma_wait3A_59 : memref<10240x64xf32, #tpu.memory_space<vmem_shared>>)
          tpu.yield
        }) : () -> ()
      }
      %scan3A_36 = arith.constant 160 : i32
    } else {
    }
    %barrier3A_21 = arith.constant 0 : index
    tpu.barrier barrier_id(%barrier3A_21)
    %eq3A_22 = arith.constant 0 : i32
    %eq3A_23 = arith.cmpi eq, %arg0, %eq3A_22 : i32
    %convert_element_type3A_24 = arith.extui %eq3A_23 : i1 to i32
    %cond3A_25 = arith.constant 0 : i32
    %cond3A_26 = arith.cmpi ne, %convert_element_type3A_24, %cond3A_25 : i32
    scf.if %cond3A_26 {
      "tpu.region"() ({
        %run_scoped3A = tpu.sem_alloc : memref<!tpu.dma_semaphore, #tpu.memory_space<semaphore_mem>>
        %dma_start3A = arith.constant 0 : i32
        %dma_start3A_32 = tpu.memref_slice %arg7[%mul3A_0, %dma_start3A] : memref<10240x64xf32, #tpu.memory_space<hbm>> -> memref<640x64xf32, #tpu.memory_space<hbm>>
        %dma_start3A_33 = arith.constant 0 : i32
        %dma_start3A_34 = tpu.memref_slice %arg12[%mul3A_0, %dma_start3A_33] : memref<10240x64xf32, #tpu.memory_space<vmem_shared>> -> memref<640x64xf32, #tpu.memory_space<vmem_shared>>
        tpu.enqueue_dma source(%dma_start3A_34 : memref<640x64xf32, #tpu.memory_space<vmem_shared>>) target(%dma_start3A_32 : memref<640x64xf32, #tpu.memory_space<hbm>>) target_semaphore(%run_scoped3A : memref<!tpu.dma_semaphore, #tpu.memory_space<semaphore_mem>>)
        %dma_wait3A = arith.constant 0 : i32
        %dma_wait3A_35 = tpu.memref_slice %arg7[%mul3A_0, %dma_wait3A] : memref<10240x64xf32, #tpu.memory_space<hbm>> -> memref<640x64xf32, #tpu.memory_space<hbm>>
        %dma_wait3A_36 = arith.constant 0 : i32
        %dma_wait3A_37 = tpu.memref_slice %arg12[%mul3A_0, %dma_wait3A_36] : memref<10240x64xf32, #tpu.memory_space<vmem_shared>> -> memref<640x64xf32, #tpu.memory_space<vmem_shared>>
        tpu.wait_dma2 semaphore(%run_scoped3A : memref<!tpu.dma_semaphore, #tpu.memory_space<semaphore_mem>>) src(%dma_wait3A_37 : memref<640x64xf32, #tpu.memory_space<vmem_shared>>) dst(%dma_wait3A_35 : memref<640x64xf32, #tpu.memory_space<hbm>>)
        tpu.yield
      }) : () -> ()
    } else {
    }
    %eq3A_27 = arith.constant 1 : i32
    %eq3A_28 = arith.cmpi eq, %arg0, %eq3A_27 : i32
    %convert_element_type3A_29 = arith.extui %eq3A_28 : i1 to i32
    %cond3A_30 = arith.constant 0 : i32
    %cond3A_31 = arith.cmpi ne, %convert_element_type3A_29, %cond3A_30 : i32
    scf.if %cond3A_31 {
      "tpu.region"() ({
        %run_scoped3A = tpu.sem_alloc : memref<!tpu.dma_semaphore, #tpu.memory_space<semaphore_mem>>
        %dma_start3A = arith.constant 0 : i32
        %dma_start3A_32 = tpu.memref_slice %arg8[%mul3A_0, %dma_start3A] : memref<10240x64xf32, #tpu.memory_space<hbm>> -> memref<640x64xf32, #tpu.memory_space<hbm>>
        %dma_start3A_33 = arith.constant 0 : i32
        %dma_start3A_34 = tpu.memref_slice %arg12[%mul3A_0, %dma_start3A_33] : memref<10240x64xf32, #tpu.memory_space<vmem_shared>> -> memref<640x64xf32, #tpu.memory_space<vmem_shared>>
        tpu.enqueue_dma source(%dma_start3A_34 : memref<640x64xf32, #tpu.memory_space<vmem_shared>>) target(%dma_start3A_32 : memref<640x64xf32, #tpu.memory_space<hbm>>) target_semaphore(%run_scoped3A : memref<!tpu.dma_semaphore, #tpu.memory_space<semaphore_mem>>)
        %dma_wait3A = arith.constant 0 : i32
        %dma_wait3A_35 = tpu.memref_slice %arg8[%mul3A_0, %dma_wait3A] : memref<10240x64xf32, #tpu.memory_space<hbm>> -> memref<640x64xf32, #tpu.memory_space<hbm>>
        %dma_wait3A_36 = arith.constant 0 : i32
        %dma_wait3A_37 = tpu.memref_slice %arg12[%mul3A_0, %dma_wait3A_36] : memref<10240x64xf32, #tpu.memory_space<vmem_shared>> -> memref<640x64xf32, #tpu.memory_space<vmem_shared>>
        tpu.wait_dma2 semaphore(%run_scoped3A : memref<!tpu.dma_semaphore, #tpu.memory_space<semaphore_mem>>) src(%dma_wait3A_37 : memref<640x64xf32, #tpu.memory_space<vmem_shared>>) dst(%dma_wait3A_35 : memref<640x64xf32, #tpu.memory_space<hbm>>)
        tpu.yield
      }) : () -> ()
    } else {
    }
    return
  }
}

#map = affine_map<(d0, d1) -> (0, 0)>
module attributes {stable_mosaic.version = 14 : i64} {
  func.func @_spmm_body(%arg0: i32, %arg1: i32, %arg2: memref<10240x64xf32, #tpu.memory_space<hbm>>, %arg3: memref<10240x64xf32, #tpu.memory_space<hbm>>, %arg4: memref<2560x128xi32, #tpu.memory_space<hbm>>, %arg5: memref<2560x128xi32, #tpu.memory_space<hbm>>, %arg6: memref<128x64xf32, #tpu.memory_space<hbm>>, %arg7: memref<10240x64xf32, #tpu.memory_space<hbm>>, %arg8: memref<10240x64xf32, #tpu.memory_space<hbm>>, %arg9: memref<160x128xi32, #tpu.memory_space<vmem>>, %arg10: memref<160x128xi32, #tpu.memory_space<vmem>>, %arg11: memref<128x64xf32, #tpu.memory_space<vmem>>, %arg12: memref<10240x64xf32, #tpu.memory_space<vmem_shared>>, %arg13: memref<!tpu.dma_semaphore, #tpu.memory_space<semaphore_mem>>) attributes {dimension_semantics = [#tpu.dimension_semantics<core_parallel>, #tpu.dimension_semantics<subcore_parallel>], iteration_bounds = array<i64: 2, 16>, scalar_prefetch = 0 : i64, scratch_operands = 5 : i64, tpu.core_type = #tpu.core_type<sc_vector_subcore>, window_params = [{transform_indices = #map}, {transform_indices = #map}, {transform_indices = #map}, {transform_indices = #map}, {transform_indices = #map}, {transform_indices = #map}, {transform_indices = #map}]} {
    %mul3A = arith.constant 640 : i32
    %mul3A_0 = arith.muli %arg1, %mul3A : i32
    %add3A = arith.constant 0 : i32
    %add3A_1 = arith.addi %mul3A_0, %add3A : i32
    "tpu.region"() ({
      %run_scoped3A = tpu.sem_alloc : memref<!tpu.dma_semaphore, #tpu.memory_space<semaphore_mem>>
      %dma_start3A = arith.constant 0 : i32
      %dma_start3A_32 = tpu.memref_slice %arg12[%add3A_1, %dma_start3A] : memref<10240x64xf32, #tpu.memory_space<vmem_shared>> -> memref<128x64xf32, #tpu.memory_space<vmem_shared>>
      tpu.enqueue_dma source(%arg6 : memref<128x64xf32, #tpu.memory_space<hbm>>) target(%dma_start3A_32 : memref<128x64xf32, #tpu.memory_space<vmem_shared>>) target_semaphore(%run_scoped3A : memref<!tpu.dma_semaphore, #tpu.memory_space<semaphore_mem>>)
      %dma_wait3A = arith.constant 0 : i32
      %dma_wait3A_33 = tpu.memref_slice %arg12[%add3A_1, %dma_wait3A] : memref<10240x64xf32, #tpu.memory_space<vmem_shared>> -> memref<128x64xf32, #tpu.memory_space<vmem_shared>>
      tpu.wait_dma2 semaphore(%run_scoped3A : memref<!tpu.dma_semaphore, #tpu.memory_space<semaphore_mem>>) src(%arg6 : memref<128x64xf32, #tpu.memory_space<hbm>>) dst(%dma_wait3A_33 : memref<128x64xf32, #tpu.memory_space<vmem_shared>>)
      tpu.yield
    }) : () -> ()
    %add3A_2 = arith.constant 128 : i32
    %add3A_3 = arith.addi %mul3A_0, %add3A_2 : i32
    "tpu.region"() ({
      %run_scoped3A = tpu.sem_alloc : memref<!tpu.dma_semaphore, #tpu.memory_space<semaphore_mem>>
      %dma_start3A = arith.constant 0 : i32
      %dma_start3A_32 = tpu.memref_slice %arg12[%add3A_3, %dma_start3A] : memref<10240x64xf32, #tpu.memory_space<vmem_shared>> -> memref<128x64xf32, #tpu.memory_space<vmem_shared>>
      tpu.enqueue_dma source(%arg6 : memref<128x64xf32, #tpu.memory_space<hbm>>) target(%dma_start3A_32 : memref<128x64xf32, #tpu.memory_space<vmem_shared>>) target_semaphore(%run_scoped3A : memref<!tpu.dma_semaphore, #tpu.memory_space<semaphore_mem>>)
      %dma_wait3A = arith.constant 0 : i32
      %dma_wait3A_33 = tpu.memref_slice %arg12[%add3A_3, %dma_wait3A] : memref<10240x64xf32, #tpu.memory_space<vmem_shared>> -> memref<128x64xf32, #tpu.memory_space<vmem_shared>>
      tpu.wait_dma2 semaphore(%run_scoped3A : memref<!tpu.dma_semaphore, #tpu.memory_space<semaphore_mem>>) src(%arg6 : memref<128x64xf32, #tpu.memory_space<hbm>>) dst(%dma_wait3A_33 : memref<128x64xf32, #tpu.memory_space<vmem_shared>>)
      tpu.yield
    }) : () -> ()
    %add3A_4 = arith.constant 256 : i32
    %add3A_5 = arith.addi %mul3A_0, %add3A_4 : i32
    "tpu.region"() ({
      %run_scoped3A = tpu.sem_alloc : memref<!tpu.dma_semaphore, #tpu.memory_space<semaphore_mem>>
      %dma_start3A = arith.constant 0 : i32
      %dma_start3A_32 = tpu.memref_slice %arg12[%add3A_5, %dma_start3A] : memref<10240x64xf32, #tpu.memory_space<vmem_shared>> -> memref<128x64xf32, #tpu.memory_space<vmem_shared>>
      tpu.enqueue_dma source(%arg6 : memref<128x64xf32, #tpu.memory_space<hbm>>) target(%dma_start3A_32 : memref<128x64xf32, #tpu.memory_space<vmem_shared>>) target_semaphore(%run_scoped3A : memref<!tpu.dma_semaphore, #tpu.memory_space<semaphore_mem>>)
      %dma_wait3A = arith.constant 0 : i32
      %dma_wait3A_33 = tpu.memref_slice %arg12[%add3A_5, %dma_wait3A] : memref<10240x64xf32, #tpu.memory_space<vmem_shared>> -> memref<128x64xf32, #tpu.memory_space<vmem_shared>>
      tpu.wait_dma2 semaphore(%run_scoped3A : memref<!tpu.dma_semaphore, #tpu.memory_space<semaphore_mem>>) src(%arg6 : memref<128x64xf32, #tpu.memory_space<hbm>>) dst(%dma_wait3A_33 : memref<128x64xf32, #tpu.memory_space<vmem_shared>>)
      tpu.yield
    }) : () -> ()
    %add3A_6 = arith.constant 384 : i32
    %add3A_7 = arith.addi %mul3A_0, %add3A_6 : i32
    "tpu.region"() ({
      %run_scoped3A = tpu.sem_alloc : memref<!tpu.dma_semaphore, #tpu.memory_space<semaphore_mem>>
      %dma_start3A = arith.constant 0 : i32
      %dma_start3A_32 = tpu.memref_slice %arg12[%add3A_7, %dma_start3A] : memref<10240x64xf32, #tpu.memory_space<vmem_shared>> -> memref<128x64xf32, #tpu.memory_space<vmem_shared>>
      tpu.enqueue_dma source(%arg6 : memref<128x64xf32, #tpu.memory_space<hbm>>) target(%dma_start3A_32 : memref<128x64xf32, #tpu.memory_space<vmem_shared>>) target_semaphore(%run_scoped3A : memref<!tpu.dma_semaphore, #tpu.memory_space<semaphore_mem>>)
      %dma_wait3A = arith.constant 0 : i32
      %dma_wait3A_33 = tpu.memref_slice %arg12[%add3A_7, %dma_wait3A] : memref<10240x64xf32, #tpu.memory_space<vmem_shared>> -> memref<128x64xf32, #tpu.memory_space<vmem_shared>>
      tpu.wait_dma2 semaphore(%run_scoped3A : memref<!tpu.dma_semaphore, #tpu.memory_space<semaphore_mem>>) src(%arg6 : memref<128x64xf32, #tpu.memory_space<hbm>>) dst(%dma_wait3A_33 : memref<128x64xf32, #tpu.memory_space<vmem_shared>>)
      tpu.yield
    }) : () -> ()
    %add3A_8 = arith.constant 512 : i32
    %add3A_9 = arith.addi %mul3A_0, %add3A_8 : i32
    "tpu.region"() ({
      %run_scoped3A = tpu.sem_alloc : memref<!tpu.dma_semaphore, #tpu.memory_space<semaphore_mem>>
      %dma_start3A = arith.constant 0 : i32
      %dma_start3A_32 = tpu.memref_slice %arg12[%add3A_9, %dma_start3A] : memref<10240x64xf32, #tpu.memory_space<vmem_shared>> -> memref<128x64xf32, #tpu.memory_space<vmem_shared>>
      tpu.enqueue_dma source(%arg6 : memref<128x64xf32, #tpu.memory_space<hbm>>) target(%dma_start3A_32 : memref<128x64xf32, #tpu.memory_space<vmem_shared>>) target_semaphore(%run_scoped3A : memref<!tpu.dma_semaphore, #tpu.memory_space<semaphore_mem>>)
      %dma_wait3A = arith.constant 0 : i32
      %dma_wait3A_33 = tpu.memref_slice %arg12[%add3A_9, %dma_wait3A] : memref<10240x64xf32, #tpu.memory_space<vmem_shared>> -> memref<128x64xf32, #tpu.memory_space<vmem_shared>>
      tpu.wait_dma2 semaphore(%run_scoped3A : memref<!tpu.dma_semaphore, #tpu.memory_space<semaphore_mem>>) src(%arg6 : memref<128x64xf32, #tpu.memory_space<hbm>>) dst(%dma_wait3A_33 : memref<128x64xf32, #tpu.memory_space<vmem_shared>>)
      tpu.yield
    }) : () -> ()
    %mul3A_10 = arith.constant 160 : i32
    %mul3A_11 = arith.muli %arg1, %mul3A_10 : i32
    "tpu.region"() ({
      %run_scoped3A = tpu.sem_alloc : memref<!tpu.dma_semaphore, #tpu.memory_space<semaphore_mem>>
      %dma_start3A = arith.constant 0 : i32
      %dma_start3A_32 = tpu.memref_slice %arg4[%mul3A_11, %dma_start3A] : memref<2560x128xi32, #tpu.memory_space<hbm>> -> memref<160x128xi32, #tpu.memory_space<hbm>>
      %dma_start3A_33 = arith.constant 0 : i32
      %dma_start3A_34 = tpu.memref_slice %arg4[%mul3A_11, %dma_start3A_33] : memref<2560x128xi32, #tpu.memory_space<hbm>> -> memref<160x128xi32, #tpu.memory_space<hbm>>
      tpu.enqueue_dma source(%dma_start3A_34 : memref<160x128xi32, #tpu.memory_space<hbm>>) target(%arg9 : memref<160x128xi32, #tpu.memory_space<vmem>>) target_semaphore(%run_scoped3A : memref<!tpu.dma_semaphore, #tpu.memory_space<semaphore_mem>>)
      %dma_wait3A = arith.constant 0 : i32
      %dma_wait3A_35 = tpu.memref_slice %arg4[%mul3A_11, %dma_wait3A] : memref<2560x128xi32, #tpu.memory_space<hbm>> -> memref<160x128xi32, #tpu.memory_space<hbm>>
      %dma_wait3A_36 = arith.constant 0 : i32
      %dma_wait3A_37 = tpu.memref_slice %arg4[%mul3A_11, %dma_wait3A_36] : memref<2560x128xi32, #tpu.memory_space<hbm>> -> memref<160x128xi32, #tpu.memory_space<hbm>>
      tpu.wait_dma2 semaphore(%run_scoped3A : memref<!tpu.dma_semaphore, #tpu.memory_space<semaphore_mem>>) src(%dma_wait3A_37 : memref<160x128xi32, #tpu.memory_space<hbm>>) dst(%arg9 : memref<160x128xi32, #tpu.memory_space<vmem>>)
      tpu.yield
    }) : () -> ()
    %mul3A_12 = arith.constant 160 : i32
    %mul3A_13 = arith.muli %arg1, %mul3A_12 : i32
    "tpu.region"() ({
      %run_scoped3A = tpu.sem_alloc : memref<!tpu.dma_semaphore, #tpu.memory_space<semaphore_mem>>
      %dma_start3A = arith.constant 0 : i32
      %dma_start3A_32 = tpu.memref_slice %arg5[%mul3A_13, %dma_start3A] : memref<2560x128xi32, #tpu.memory_space<hbm>> -> memref<160x128xi32, #tpu.memory_space<hbm>>
      %dma_start3A_33 = arith.constant 0 : i32
      %dma_start3A_34 = tpu.memref_slice %arg5[%mul3A_13, %dma_start3A_33] : memref<2560x128xi32, #tpu.memory_space<hbm>> -> memref<160x128xi32, #tpu.memory_space<hbm>>
      tpu.enqueue_dma source(%dma_start3A_34 : memref<160x128xi32, #tpu.memory_space<hbm>>) target(%arg10 : memref<160x128xi32, #tpu.memory_space<vmem>>) target_semaphore(%run_scoped3A : memref<!tpu.dma_semaphore, #tpu.memory_space<semaphore_mem>>)
      %dma_wait3A = arith.constant 0 : i32
      %dma_wait3A_35 = tpu.memref_slice %arg5[%mul3A_13, %dma_wait3A] : memref<2560x128xi32, #tpu.memory_space<hbm>> -> memref<160x128xi32, #tpu.memory_space<hbm>>
      %dma_wait3A_36 = arith.constant 0 : i32
      %dma_wait3A_37 = tpu.memref_slice %arg5[%mul3A_13, %dma_wait3A_36] : memref<2560x128xi32, #tpu.memory_space<hbm>> -> memref<160x128xi32, #tpu.memory_space<hbm>>
      tpu.wait_dma2 semaphore(%run_scoped3A : memref<!tpu.dma_semaphore, #tpu.memory_space<semaphore_mem>>) src(%dma_wait3A_37 : memref<160x128xi32, #tpu.memory_space<hbm>>) dst(%arg10 : memref<160x128xi32, #tpu.memory_space<vmem>>)
      tpu.yield
    }) : () -> ()
    %barrier3A = arith.constant 0 : index
    tpu.barrier barrier_id(%barrier3A)
    %eq3A = arith.constant 0 : i32
    %eq3A_14 = arith.cmpi eq, %arg0, %eq3A : i32
    %convert_element_type3A = arith.extui %eq3A_14 : i1 to i32
    %cond3A = arith.constant 0 : i32
    %cond3A_15 = arith.cmpi ne, %convert_element_type3A, %cond3A : i32
    scf.if %cond3A_15 {
      %scan3A = arith.constant 0 : i32
      %scan3A_32 = arith.constant 0 : i32
      %scan3A_33 = arith.constant 160 : i32
      %scan3A_34 = arith.addi %scan3A_32, %scan3A_33 : i32
      %scan3A_35 = arith.constant 1 : i32
      scf.for %scan3A_37 = %scan3A_32 to %scan3A_34 step %scan3A_35  : i32 {
        %dma_start3A = arith.constant 0 : i32
        %dma_start3A_38 = tpu.memref_slice %arg9[%scan3A_37, %dma_start3A] : memref<160x128xi32, #tpu.memory_space<vmem>> -> memref<1x128xi32, #tpu.memory_space<vmem>>
        %dma_start3A_39 = tpu.memref_squeeze %dma_start3A_38 : memref<1x128xi32, #tpu.memory_space<vmem>> -> memref<128xi32, #tpu.memory_space<vmem>>
        %dma_start3A_40 = arith.constant 0 : i32
        %dma_start3A_41 = arith.constant 0 : i32
        %dma_start3A_42 = tpu.memref_slice %arg2[%dma_start3A_40, %dma_start3A_41] : memref<10240x64xf32, #tpu.memory_space<hbm>> -> memref<10240x64xf32, #tpu.memory_space<hbm>>
        tpu.enqueue_indirect_dma source(%dma_start3A_42 : memref<10240x64xf32, #tpu.memory_space<hbm>>) target(%arg11 : memref<128x64xf32, #tpu.memory_space<vmem>>) offsets(%dma_start3A_39 : memref<128xi32, #tpu.memory_space<vmem>>) semaphore(%arg13 : memref<!tpu.dma_semaphore, #tpu.memory_space<semaphore_mem>>)
        %dma_wait3A = arith.constant 0 : i32
        %dma_wait3A_43 = tpu.memref_slice %arg9[%scan3A_37, %dma_wait3A] : memref<160x128xi32, #tpu.memory_space<vmem>> -> memref<1x128xi32, #tpu.memory_space<vmem>>
        %dma_wait3A_44 = tpu.memref_squeeze %dma_wait3A_43 : memref<1x128xi32, #tpu.memory_space<vmem>> -> memref<128xi32, #tpu.memory_space<vmem>>
        %dma_wait3A_45 = arith.constant 0 : i32
        %dma_wait3A_46 = arith.constant 0 : i32
        %dma_wait3A_47 = tpu.memref_slice %arg2[%dma_wait3A_45, %dma_wait3A_46] : memref<10240x64xf32, #tpu.memory_space<hbm>> -> memref<10240x64xf32, #tpu.memory_space<hbm>>
        tpu.wait_indirect_dma semaphore(%arg13 : memref<!tpu.dma_semaphore, #tpu.memory_space<semaphore_mem>>) src(%dma_wait3A_47 : memref<10240x64xf32, #tpu.memory_space<hbm>>) dst(%arg11 : memref<128x64xf32, #tpu.memory_space<vmem>>)
        "tpu.region"() ({
          %run_scoped3A = tpu.sem_alloc : memref<!tpu.dma_semaphore, #tpu.memory_space<semaphore_mem>>
          %dma_start3A_48 = arith.constant 0 : i32
          %dma_start3A_49 = tpu.memref_slice %arg10[%scan3A_37, %dma_start3A_48] : memref<160x128xi32, #tpu.memory_space<vmem>> -> memref<1x128xi32, #tpu.memory_space<vmem>>
          %dma_start3A_50 = tpu.memref_squeeze %dma_start3A_49 : memref<1x128xi32, #tpu.memory_space<vmem>> -> memref<128xi32, #tpu.memory_space<vmem>>
          %dma_start3A_51 = arith.constant 0 : i32
          %dma_start3A_52 = arith.constant 0 : i32
          %dma_start3A_53 = tpu.memref_slice %arg12[%dma_start3A_51, %dma_start3A_52] : memref<10240x64xf32, #tpu.memory_space<vmem_shared>> -> memref<10240x64xf32, #tpu.memory_space<vmem_shared>>
          tpu.enqueue_indirect_dma source(%arg11 : memref<128x64xf32, #tpu.memory_space<vmem>>) target(%dma_start3A_53 : memref<10240x64xf32, #tpu.memory_space<vmem_shared>>) offsets(%dma_start3A_50 : memref<128xi32, #tpu.memory_space<vmem>>) semaphore(%run_scoped3A : memref<!tpu.dma_semaphore, #tpu.memory_space<semaphore_mem>>) {add = true}
          %dma_wait3A_54 = arith.constant 0 : i32
          %dma_wait3A_55 = tpu.memref_slice %arg10[%scan3A_37, %dma_wait3A_54] : memref<160x128xi32, #tpu.memory_space<vmem>> -> memref<1x128xi32, #tpu.memory_space<vmem>>
          %dma_wait3A_56 = tpu.memref_squeeze %dma_wait3A_55 : memref<1x128xi32, #tpu.memory_space<vmem>> -> memref<128xi32, #tpu.memory_space<vmem>>
          %dma_wait3A_57 = arith.constant 0 : i32
          %dma_wait3A_58 = arith.constant 0 : i32
          %dma_wait3A_59 = tpu.memref_slice %arg12[%dma_wait3A_57, %dma_wait3A_58] : memref<10240x64xf32, #tpu.memory_space<vmem_shared>> -> memref<10240x64xf32, #tpu.memory_space<vmem_shared>>
          tpu.wait_indirect_dma semaphore(%run_scoped3A : memref<!tpu.dma_semaphore, #tpu.memory_space<semaphore_mem>>) src(%arg11 : memref<128x64xf32, #tpu.memory_space<vmem>>) dst(%dma_wait3A_59 : memref<10240x64xf32, #tpu.memory_space<vmem_shared>>)
          tpu.yield
        }) : () -> ()
      }
      %scan3A_36 = arith.constant 160 : i32
    } else {
    }
    %eq3A_16 = arith.constant 1 : i32
    %eq3A_17 = arith.cmpi eq, %arg0, %eq3A_16 : i32
    %convert_element_type3A_18 = arith.extui %eq3A_17 : i1 to i32
    %cond3A_19 = arith.constant 0 : i32
    %cond3A_20 = arith.cmpi ne, %convert_element_type3A_18, %cond3A_19 : i32
    scf.if %cond3A_20 {
      %scan3A = arith.constant 0 : i32
      %scan3A_32 = arith.constant 0 : i32
      %scan3A_33 = arith.constant 160 : i32
      %scan3A_34 = arith.addi %scan3A_32, %scan3A_33 : i32
      %scan3A_35 = arith.constant 1 : i32
      scf.for %scan3A_37 = %scan3A_32 to %scan3A_34 step %scan3A_35  : i32 {
        %dma_start3A = arith.constant 0 : i32
        %dma_start3A_38 = tpu.memref_slice %arg9[%scan3A_37, %dma_start3A] : memref<160x128xi32, #tpu.memory_space<vmem>> -> memref<1x128xi32, #tpu.memory_space<vmem>>
        %dma_start3A_39 = tpu.memref_squeeze %dma_start3A_38 : memref<1x128xi32, #tpu.memory_space<vmem>> -> memref<128xi32, #tpu.memory_space<vmem>>
        %dma_start3A_40 = arith.constant 0 : i32
        %dma_start3A_41 = arith.constant 0 : i32
        %dma_start3A_42 = tpu.memref_slice %arg3[%dma_start3A_40, %dma_start3A_41] : memref<10240x64xf32, #tpu.memory_space<hbm>> -> memref<10240x64xf32, #tpu.memory_space<hbm>>
        tpu.enqueue_indirect_dma source(%dma_start3A_42 : memref<10240x64xf32, #tpu.memory_space<hbm>>) target(%arg11 : memref<128x64xf32, #tpu.memory_space<vmem>>) offsets(%dma_start3A_39 : memref<128xi32, #tpu.memory_space<vmem>>) semaphore(%arg13 : memref<!tpu.dma_semaphore, #tpu.memory_space<semaphore_mem>>)
        %dma_wait3A = arith.constant 0 : i32
        %dma_wait3A_43 = tpu.memref_slice %arg9[%scan3A_37, %dma_wait3A] : memref<160x128xi32, #tpu.memory_space<vmem>> -> memref<1x128xi32, #tpu.memory_space<vmem>>
        %dma_wait3A_44 = tpu.memref_squeeze %dma_wait3A_43 : memref<1x128xi32, #tpu.memory_space<vmem>> -> memref<128xi32, #tpu.memory_space<vmem>>
        %dma_wait3A_45 = arith.constant 0 : i32
        %dma_wait3A_46 = arith.constant 0 : i32
        %dma_wait3A_47 = tpu.memref_slice %arg3[%dma_wait3A_45, %dma_wait3A_46] : memref<10240x64xf32, #tpu.memory_space<hbm>> -> memref<10240x64xf32, #tpu.memory_space<hbm>>
        tpu.wait_indirect_dma semaphore(%arg13 : memref<!tpu.dma_semaphore, #tpu.memory_space<semaphore_mem>>) src(%dma_wait3A_47 : memref<10240x64xf32, #tpu.memory_space<hbm>>) dst(%arg11 : memref<128x64xf32, #tpu.memory_space<vmem>>)
        "tpu.region"() ({
          %run_scoped3A = tpu.sem_alloc : memref<!tpu.dma_semaphore, #tpu.memory_space<semaphore_mem>>
          %dma_start3A_48 = arith.constant 0 : i32
          %dma_start3A_49 = tpu.memref_slice %arg10[%scan3A_37, %dma_start3A_48] : memref<160x128xi32, #tpu.memory_space<vmem>> -> memref<1x128xi32, #tpu.memory_space<vmem>>
          %dma_start3A_50 = tpu.memref_squeeze %dma_start3A_49 : memref<1x128xi32, #tpu.memory_space<vmem>> -> memref<128xi32, #tpu.memory_space<vmem>>
          %dma_start3A_51 = arith.constant 0 : i32
          %dma_start3A_52 = arith.constant 0 : i32
          %dma_start3A_53 = tpu.memref_slice %arg12[%dma_start3A_51, %dma_start3A_52] : memref<10240x64xf32, #tpu.memory_space<vmem_shared>> -> memref<10240x64xf32, #tpu.memory_space<vmem_shared>>
          tpu.enqueue_indirect_dma source(%arg11 : memref<128x64xf32, #tpu.memory_space<vmem>>) target(%dma_start3A_53 : memref<10240x64xf32, #tpu.memory_space<vmem_shared>>) offsets(%dma_start3A_50 : memref<128xi32, #tpu.memory_space<vmem>>) semaphore(%run_scoped3A : memref<!tpu.dma_semaphore, #tpu.memory_space<semaphore_mem>>) {add = true}
          %dma_wait3A_54 = arith.constant 0 : i32
          %dma_wait3A_55 = tpu.memref_slice %arg10[%scan3A_37, %dma_wait3A_54] : memref<160x128xi32, #tpu.memory_space<vmem>> -> memref<1x128xi32, #tpu.memory_space<vmem>>
          %dma_wait3A_56 = tpu.memref_squeeze %dma_wait3A_55 : memref<1x128xi32, #tpu.memory_space<vmem>> -> memref<128xi32, #tpu.memory_space<vmem>>
          %dma_wait3A_57 = arith.constant 0 : i32
          %dma_wait3A_58 = arith.constant 0 : i32
          %dma_wait3A_59 = tpu.memref_slice %arg12[%dma_wait3A_57, %dma_wait3A_58] : memref<10240x64xf32, #tpu.memory_space<vmem_shared>> -> memref<10240x64xf32, #tpu.memory_space<vmem_shared>>
          tpu.wait_indirect_dma semaphore(%run_scoped3A : memref<!tpu.dma_semaphore, #tpu.memory_space<semaphore_mem>>) src(%arg11 : memref<128x64xf32, #tpu.memory_space<vmem>>) dst(%dma_wait3A_59 : memref<10240x64xf32, #tpu.memory_space<vmem_shared>>)
          tpu.yield
        }) : () -> ()
      }
      %scan3A_36 = arith.constant 160 : i32
    } else {
    }
    %barrier3A_21 = arith.constant 0 : index
    tpu.barrier barrier_id(%barrier3A_21)
    %eq3A_22 = arith.constant 0 : i32
    %eq3A_23 = arith.cmpi eq, %arg0, %eq3A_22 : i32
    %convert_element_type3A_24 = arith.extui %eq3A_23 : i1 to i32
    %cond3A_25 = arith.constant 0 : i32
    %cond3A_26 = arith.cmpi ne, %convert_element_type3A_24, %cond3A_25 : i32
    scf.if %cond3A_26 {
      "tpu.region"() ({
        %run_scoped3A = tpu.sem_alloc : memref<!tpu.dma_semaphore, #tpu.memory_space<semaphore_mem>>
        %dma_start3A = arith.constant 0 : i32
        %dma_start3A_32 = tpu.memref_slice %arg7[%mul3A_0, %dma_start3A] : memref<10240x64xf32, #tpu.memory_space<hbm>> -> memref<640x64xf32, #tpu.memory_space<hbm>>
        %dma_start3A_33 = arith.constant 0 : i32
        %dma_start3A_34 = tpu.memref_slice %arg12[%mul3A_0, %dma_start3A_33] : memref<10240x64xf32, #tpu.memory_space<vmem_shared>> -> memref<640x64xf32, #tpu.memory_space<vmem_shared>>
        tpu.enqueue_dma source(%dma_start3A_34 : memref<640x64xf32, #tpu.memory_space<vmem_shared>>) target(%dma_start3A_32 : memref<640x64xf32, #tpu.memory_space<hbm>>) target_semaphore(%run_scoped3A : memref<!tpu.dma_semaphore, #tpu.memory_space<semaphore_mem>>)
        %dma_wait3A = arith.constant 0 : i32
        %dma_wait3A_35 = tpu.memref_slice %arg7[%mul3A_0, %dma_wait3A] : memref<10240x64xf32, #tpu.memory_space<hbm>> -> memref<640x64xf32, #tpu.memory_space<hbm>>
        %dma_wait3A_36 = arith.constant 0 : i32
        %dma_wait3A_37 = tpu.memref_slice %arg12[%mul3A_0, %dma_wait3A_36] : memref<10240x64xf32, #tpu.memory_space<vmem_shared>> -> memref<640x64xf32, #tpu.memory_space<vmem_shared>>
        tpu.wait_dma2 semaphore(%run_scoped3A : memref<!tpu.dma_semaphore, #tpu.memory_space<semaphore_mem>>) src(%dma_wait3A_37 : memref<640x64xf32, #tpu.memory_space<vmem_shared>>) dst(%dma_wait3A_35 : memref<640x64xf32, #tpu.memory_space<hbm>>)
        tpu.yield
      }) : () -> ()
    } else {
    }
    %eq3A_27 = arith.constant 1 : i32
    %eq3A_28 = arith.cmpi eq, %arg0, %eq3A_27 : i32
    %convert_element_type3A_29 = arith.extui %eq3A_28 : i1 to i32
    %cond3A_30 = arith.constant 0 : i32
    %cond3A_31 = arith.cmpi ne, %convert_element_type3A_29, %cond3A_30 : i32
    scf.if %cond3A_31 {
      "tpu.region"() ({
        %run_scoped3A = tpu.sem_alloc : memref<!tpu.dma_semaphore, #tpu.memory_space<semaphore_mem>>
        %dma_start3A = arith.constant 0 : i32
        %dma_start3A_32 = tpu.memref_slice %arg8[%mul3A_0, %dma_start3A] : memref<10240x64xf32, #tpu.memory_space<hbm>> -> memref<640x64xf32, #tpu.memory_space<hbm>>
        %dma_start3A_33 = arith.constant 0 : i32
        %dma_start3A_34 = tpu.memref_slice %arg12[%mul3A_0, %dma_start3A_33] : memref<10240x64xf32, #tpu.memory_space<vmem_shared>> -> memref<640x64xf32, #tpu.memory_space<vmem_shared>>
        tpu.enqueue_dma source(%dma_start3A_34 : memref<640x64xf32, #tpu.memory_space<vmem_shared>>) target(%dma_start3A_32 : memref<640x64xf32, #tpu.memory_space<hbm>>) target_semaphore(%run_scoped3A : memref<!tpu.dma_semaphore, #tpu.memory_space<semaphore_mem>>)
        %dma_wait3A = arith.constant 0 : i32
        %dma_wait3A_35 = tpu.memref_slice %arg8[%mul3A_0, %dma_wait3A] : memref<10240x64xf32, #tpu.memory_space<hbm>> -> memref<640x64xf32, #tpu.memory_space<hbm>>
        %dma_wait3A_36 = arith.constant 0 : i32
        %dma_wait3A_37 = tpu.memref_slice %arg12[%mul3A_0, %dma_wait3A_36] : memref<10240x64xf32, #tpu.memory_space<vmem_shared>> -> memref<640x64xf32, #tpu.memory_space<vmem_shared>>
        tpu.wait_dma2 semaphore(%run_scoped3A : memref<!tpu.dma_semaphore, #tpu.memory_space<semaphore_mem>>) src(%dma_wait3A_37 : memref<640x64xf32, #tpu.memory_space<vmem_shared>>) dst(%dma_wait3A_35 : memref<640x64xf32, #tpu.memory_space<hbm>>)
        tpu.yield
      }) : () -> ()
    } else {
    }
    return
  }
}

#map = affine_map<(d0, d1) -> (0, 0)>
module attributes {stable_mosaic.version = 14 : i64} {
  func.func @_spmm_body(%arg0: i32, %arg1: i32, %arg2: memref<10240x64xf32, #tpu.memory_space<hbm>>, %arg3: memref<10240x64xf32, #tpu.memory_space<hbm>>, %arg4: memref<2560x128xi32, #tpu.memory_space<hbm>>, %arg5: memref<2560x128xi32, #tpu.memory_space<hbm>>, %arg6: memref<128x64xf32, #tpu.memory_space<hbm>>, %arg7: memref<10240x64xf32, #tpu.memory_space<hbm>>, %arg8: memref<10240x64xf32, #tpu.memory_space<hbm>>, %arg9: memref<160x128xi32, #tpu.memory_space<vmem>>, %arg10: memref<160x128xi32, #tpu.memory_space<vmem>>, %arg11: memref<128x64xf32, #tpu.memory_space<vmem>>, %arg12: memref<10240x64xf32, #tpu.memory_space<vmem_shared>>, %arg13: memref<!tpu.dma_semaphore, #tpu.memory_space<semaphore_mem>>) attributes {dimension_semantics = [#tpu.dimension_semantics<core_parallel>, #tpu.dimension_semantics<subcore_parallel>], iteration_bounds = array<i64: 2, 16>, scalar_prefetch = 0 : i64, scratch_operands = 5 : i64, tpu.core_type = #tpu.core_type<sc_vector_subcore>, window_params = [{transform_indices = #map}, {transform_indices = #map}, {transform_indices = #map}, {transform_indices = #map}, {transform_indices = #map}, {transform_indices = #map}, {transform_indices = #map}]} {
    %mul3A = arith.constant 640 : i32
    %mul3A_0 = arith.muli %arg1, %mul3A : i32
    %add3A = arith.constant 0 : i32
    %add3A_1 = arith.addi %mul3A_0, %add3A : i32
    "tpu.region"() ({
      %run_scoped3A = tpu.sem_alloc : memref<!tpu.dma_semaphore, #tpu.memory_space<semaphore_mem>>
      %dma_start3A = arith.constant 0 : i32
      %dma_start3A_32 = tpu.memref_slice %arg12[%add3A_1, %dma_start3A] : memref<10240x64xf32, #tpu.memory_space<vmem_shared>> -> memref<128x64xf32, #tpu.memory_space<vmem_shared>>
      tpu.enqueue_dma source(%arg6 : memref<128x64xf32, #tpu.memory_space<hbm>>) target(%dma_start3A_32 : memref<128x64xf32, #tpu.memory_space<vmem_shared>>) target_semaphore(%run_scoped3A : memref<!tpu.dma_semaphore, #tpu.memory_space<semaphore_mem>>)
      %dma_wait3A = arith.constant 0 : i32
      %dma_wait3A_33 = tpu.memref_slice %arg12[%add3A_1, %dma_wait3A] : memref<10240x64xf32, #tpu.memory_space<vmem_shared>> -> memref<128x64xf32, #tpu.memory_space<vmem_shared>>
      tpu.wait_dma2 semaphore(%run_scoped3A : memref<!tpu.dma_semaphore, #tpu.memory_space<semaphore_mem>>) src(%arg6 : memref<128x64xf32, #tpu.memory_space<hbm>>) dst(%dma_wait3A_33 : memref<128x64xf32, #tpu.memory_space<vmem_shared>>)
      tpu.yield
    }) : () -> ()
    %add3A_2 = arith.constant 128 : i32
    %add3A_3 = arith.addi %mul3A_0, %add3A_2 : i32
    "tpu.region"() ({
      %run_scoped3A = tpu.sem_alloc : memref<!tpu.dma_semaphore, #tpu.memory_space<semaphore_mem>>
      %dma_start3A = arith.constant 0 : i32
      %dma_start3A_32 = tpu.memref_slice %arg12[%add3A_3, %dma_start3A] : memref<10240x64xf32, #tpu.memory_space<vmem_shared>> -> memref<128x64xf32, #tpu.memory_space<vmem_shared>>
      tpu.enqueue_dma source(%arg6 : memref<128x64xf32, #tpu.memory_space<hbm>>) target(%dma_start3A_32 : memref<128x64xf32, #tpu.memory_space<vmem_shared>>) target_semaphore(%run_scoped3A : memref<!tpu.dma_semaphore, #tpu.memory_space<semaphore_mem>>)
      %dma_wait3A = arith.constant 0 : i32
      %dma_wait3A_33 = tpu.memref_slice %arg12[%add3A_3, %dma_wait3A] : memref<10240x64xf32, #tpu.memory_space<vmem_shared>> -> memref<128x64xf32, #tpu.memory_space<vmem_shared>>
      tpu.wait_dma2 semaphore(%run_scoped3A : memref<!tpu.dma_semaphore, #tpu.memory_space<semaphore_mem>>) src(%arg6 : memref<128x64xf32, #tpu.memory_space<hbm>>) dst(%dma_wait3A_33 : memref<128x64xf32, #tpu.memory_space<vmem_shared>>)
      tpu.yield
    }) : () -> ()
    %add3A_4 = arith.constant 256 : i32
    %add3A_5 = arith.addi %mul3A_0, %add3A_4 : i32
    "tpu.region"() ({
      %run_scoped3A = tpu.sem_alloc : memref<!tpu.dma_semaphore, #tpu.memory_space<semaphore_mem>>
      %dma_start3A = arith.constant 0 : i32
      %dma_start3A_32 = tpu.memref_slice %arg12[%add3A_5, %dma_start3A] : memref<10240x64xf32, #tpu.memory_space<vmem_shared>> -> memref<128x64xf32, #tpu.memory_space<vmem_shared>>
      tpu.enqueue_dma source(%arg6 : memref<128x64xf32, #tpu.memory_space<hbm>>) target(%dma_start3A_32 : memref<128x64xf32, #tpu.memory_space<vmem_shared>>) target_semaphore(%run_scoped3A : memref<!tpu.dma_semaphore, #tpu.memory_space<semaphore_mem>>)
      %dma_wait3A = arith.constant 0 : i32
      %dma_wait3A_33 = tpu.memref_slice %arg12[%add3A_5, %dma_wait3A] : memref<10240x64xf32, #tpu.memory_space<vmem_shared>> -> memref<128x64xf32, #tpu.memory_space<vmem_shared>>
      tpu.wait_dma2 semaphore(%run_scoped3A : memref<!tpu.dma_semaphore, #tpu.memory_space<semaphore_mem>>) src(%arg6 : memref<128x64xf32, #tpu.memory_space<hbm>>) dst(%dma_wait3A_33 : memref<128x64xf32, #tpu.memory_space<vmem_shared>>)
      tpu.yield
    }) : () -> ()
    %add3A_6 = arith.constant 384 : i32
    %add3A_7 = arith.addi %mul3A_0, %add3A_6 : i32
    "tpu.region"() ({
      %run_scoped3A = tpu.sem_alloc : memref<!tpu.dma_semaphore, #tpu.memory_space<semaphore_mem>>
      %dma_start3A = arith.constant 0 : i32
      %dma_start3A_32 = tpu.memref_slice %arg12[%add3A_7, %dma_start3A] : memref<10240x64xf32, #tpu.memory_space<vmem_shared>> -> memref<128x64xf32, #tpu.memory_space<vmem_shared>>
      tpu.enqueue_dma source(%arg6 : memref<128x64xf32, #tpu.memory_space<hbm>>) target(%dma_start3A_32 : memref<128x64xf32, #tpu.memory_space<vmem_shared>>) target_semaphore(%run_scoped3A : memref<!tpu.dma_semaphore, #tpu.memory_space<semaphore_mem>>)
      %dma_wait3A = arith.constant 0 : i32
      %dma_wait3A_33 = tpu.memref_slice %arg12[%add3A_7, %dma_wait3A] : memref<10240x64xf32, #tpu.memory_space<vmem_shared>> -> memref<128x64xf32, #tpu.memory_space<vmem_shared>>
      tpu.wait_dma2 semaphore(%run_scoped3A : memref<!tpu.dma_semaphore, #tpu.memory_space<semaphore_mem>>) src(%arg6 : memref<128x64xf32, #tpu.memory_space<hbm>>) dst(%dma_wait3A_33 : memref<128x64xf32, #tpu.memory_space<vmem_shared>>)
      tpu.yield
    }) : () -> ()
    %add3A_8 = arith.constant 512 : i32
    %add3A_9 = arith.addi %mul3A_0, %add3A_8 : i32
    "tpu.region"() ({
      %run_scoped3A = tpu.sem_alloc : memref<!tpu.dma_semaphore, #tpu.memory_space<semaphore_mem>>
      %dma_start3A = arith.constant 0 : i32
      %dma_start3A_32 = tpu.memref_slice %arg12[%add3A_9, %dma_start3A] : memref<10240x64xf32, #tpu.memory_space<vmem_shared>> -> memref<128x64xf32, #tpu.memory_space<vmem_shared>>
      tpu.enqueue_dma source(%arg6 : memref<128x64xf32, #tpu.memory_space<hbm>>) target(%dma_start3A_32 : memref<128x64xf32, #tpu.memory_space<vmem_shared>>) target_semaphore(%run_scoped3A : memref<!tpu.dma_semaphore, #tpu.memory_space<semaphore_mem>>)
      %dma_wait3A = arith.constant 0 : i32
      %dma_wait3A_33 = tpu.memref_slice %arg12[%add3A_9, %dma_wait3A] : memref<10240x64xf32, #tpu.memory_space<vmem_shared>> -> memref<128x64xf32, #tpu.memory_space<vmem_shared>>
      tpu.wait_dma2 semaphore(%run_scoped3A : memref<!tpu.dma_semaphore, #tpu.memory_space<semaphore_mem>>) src(%arg6 : memref<128x64xf32, #tpu.memory_space<hbm>>) dst(%dma_wait3A_33 : memref<128x64xf32, #tpu.memory_space<vmem_shared>>)
      tpu.yield
    }) : () -> ()
    %mul3A_10 = arith.constant 160 : i32
    %mul3A_11 = arith.muli %arg1, %mul3A_10 : i32
    "tpu.region"() ({
      %run_scoped3A = tpu.sem_alloc : memref<!tpu.dma_semaphore, #tpu.memory_space<semaphore_mem>>
      %dma_start3A = arith.constant 0 : i32
      %dma_start3A_32 = tpu.memref_slice %arg4[%mul3A_11, %dma_start3A] : memref<2560x128xi32, #tpu.memory_space<hbm>> -> memref<160x128xi32, #tpu.memory_space<hbm>>
      %dma_start3A_33 = arith.constant 0 : i32
      %dma_start3A_34 = tpu.memref_slice %arg4[%mul3A_11, %dma_start3A_33] : memref<2560x128xi32, #tpu.memory_space<hbm>> -> memref<160x128xi32, #tpu.memory_space<hbm>>
      tpu.enqueue_dma source(%dma_start3A_34 : memref<160x128xi32, #tpu.memory_space<hbm>>) target(%arg9 : memref<160x128xi32, #tpu.memory_space<vmem>>) target_semaphore(%run_scoped3A : memref<!tpu.dma_semaphore, #tpu.memory_space<semaphore_mem>>)
      %dma_wait3A = arith.constant 0 : i32
      %dma_wait3A_35 = tpu.memref_slice %arg4[%mul3A_11, %dma_wait3A] : memref<2560x128xi32, #tpu.memory_space<hbm>> -> memref<160x128xi32, #tpu.memory_space<hbm>>
      %dma_wait3A_36 = arith.constant 0 : i32
      %dma_wait3A_37 = tpu.memref_slice %arg4[%mul3A_11, %dma_wait3A_36] : memref<2560x128xi32, #tpu.memory_space<hbm>> -> memref<160x128xi32, #tpu.memory_space<hbm>>
      tpu.wait_dma2 semaphore(%run_scoped3A : memref<!tpu.dma_semaphore, #tpu.memory_space<semaphore_mem>>) src(%dma_wait3A_37 : memref<160x128xi32, #tpu.memory_space<hbm>>) dst(%arg9 : memref<160x128xi32, #tpu.memory_space<vmem>>)
      tpu.yield
    }) : () -> ()
    %mul3A_12 = arith.constant 160 : i32
    %mul3A_13 = arith.muli %arg1, %mul3A_12 : i32
    "tpu.region"() ({
      %run_scoped3A = tpu.sem_alloc : memref<!tpu.dma_semaphore, #tpu.memory_space<semaphore_mem>>
      %dma_start3A = arith.constant 0 : i32
      %dma_start3A_32 = tpu.memref_slice %arg5[%mul3A_13, %dma_start3A] : memref<2560x128xi32, #tpu.memory_space<hbm>> -> memref<160x128xi32, #tpu.memory_space<hbm>>
      %dma_start3A_33 = arith.constant 0 : i32
      %dma_start3A_34 = tpu.memref_slice %arg5[%mul3A_13, %dma_start3A_33] : memref<2560x128xi32, #tpu.memory_space<hbm>> -> memref<160x128xi32, #tpu.memory_space<hbm>>
      tpu.enqueue_dma source(%dma_start3A_34 : memref<160x128xi32, #tpu.memory_space<hbm>>) target(%arg10 : memref<160x128xi32, #tpu.memory_space<vmem>>) target_semaphore(%run_scoped3A : memref<!tpu.dma_semaphore, #tpu.memory_space<semaphore_mem>>)
      %dma_wait3A = arith.constant 0 : i32
      %dma_wait3A_35 = tpu.memref_slice %arg5[%mul3A_13, %dma_wait3A] : memref<2560x128xi32, #tpu.memory_space<hbm>> -> memref<160x128xi32, #tpu.memory_space<hbm>>
      %dma_wait3A_36 = arith.constant 0 : i32
      %dma_wait3A_37 = tpu.memref_slice %arg5[%mul3A_13, %dma_wait3A_36] : memref<2560x128xi32, #tpu.memory_space<hbm>> -> memref<160x128xi32, #tpu.memory_space<hbm>>
      tpu.wait_dma2 semaphore(%run_scoped3A : memref<!tpu.dma_semaphore, #tpu.memory_space<semaphore_mem>>) src(%dma_wait3A_37 : memref<160x128xi32, #tpu.memory_space<hbm>>) dst(%arg10 : memref<160x128xi32, #tpu.memory_space<vmem>>)
      tpu.yield
    }) : () -> ()
    %barrier3A = arith.constant 0 : index
    tpu.barrier barrier_id(%barrier3A)
    %eq3A = arith.constant 0 : i32
    %eq3A_14 = arith.cmpi eq, %arg0, %eq3A : i32
    %convert_element_type3A = arith.extui %eq3A_14 : i1 to i32
    %cond3A = arith.constant 0 : i32
    %cond3A_15 = arith.cmpi ne, %convert_element_type3A, %cond3A : i32
    scf.if %cond3A_15 {
      %scan3A = arith.constant 0 : i32
      %scan3A_32 = arith.constant 0 : i32
      %scan3A_33 = arith.constant 160 : i32
      %scan3A_34 = arith.addi %scan3A_32, %scan3A_33 : i32
      %scan3A_35 = arith.constant 1 : i32
      scf.for %scan3A_37 = %scan3A_32 to %scan3A_34 step %scan3A_35  : i32 {
        %dma_start3A = arith.constant 0 : i32
        %dma_start3A_38 = tpu.memref_slice %arg9[%scan3A_37, %dma_start3A] : memref<160x128xi32, #tpu.memory_space<vmem>> -> memref<1x128xi32, #tpu.memory_space<vmem>>
        %dma_start3A_39 = tpu.memref_squeeze %dma_start3A_38 : memref<1x128xi32, #tpu.memory_space<vmem>> -> memref<128xi32, #tpu.memory_space<vmem>>
        %dma_start3A_40 = arith.constant 0 : i32
        %dma_start3A_41 = arith.constant 0 : i32
        %dma_start3A_42 = tpu.memref_slice %arg2[%dma_start3A_40, %dma_start3A_41] : memref<10240x64xf32, #tpu.memory_space<hbm>> -> memref<10240x64xf32, #tpu.memory_space<hbm>>
        tpu.enqueue_indirect_dma source(%dma_start3A_42 : memref<10240x64xf32, #tpu.memory_space<hbm>>) target(%arg11 : memref<128x64xf32, #tpu.memory_space<vmem>>) offsets(%dma_start3A_39 : memref<128xi32, #tpu.memory_space<vmem>>) semaphore(%arg13 : memref<!tpu.dma_semaphore, #tpu.memory_space<semaphore_mem>>)
        %dma_wait3A = arith.constant 0 : i32
        %dma_wait3A_43 = tpu.memref_slice %arg9[%scan3A_37, %dma_wait3A] : memref<160x128xi32, #tpu.memory_space<vmem>> -> memref<1x128xi32, #tpu.memory_space<vmem>>
        %dma_wait3A_44 = tpu.memref_squeeze %dma_wait3A_43 : memref<1x128xi32, #tpu.memory_space<vmem>> -> memref<128xi32, #tpu.memory_space<vmem>>
        %dma_wait3A_45 = arith.constant 0 : i32
        %dma_wait3A_46 = arith.constant 0 : i32
        %dma_wait3A_47 = tpu.memref_slice %arg2[%dma_wait3A_45, %dma_wait3A_46] : memref<10240x64xf32, #tpu.memory_space<hbm>> -> memref<10240x64xf32, #tpu.memory_space<hbm>>
        tpu.wait_indirect_dma semaphore(%arg13 : memref<!tpu.dma_semaphore, #tpu.memory_space<semaphore_mem>>) src(%dma_wait3A_47 : memref<10240x64xf32, #tpu.memory_space<hbm>>) dst(%arg11 : memref<128x64xf32, #tpu.memory_space<vmem>>)
        "tpu.region"() ({
          %run_scoped3A = tpu.sem_alloc : memref<!tpu.dma_semaphore, #tpu.memory_space<semaphore_mem>>
          %dma_start3A_48 = arith.constant 0 : i32
          %dma_start3A_49 = tpu.memref_slice %arg10[%scan3A_37, %dma_start3A_48] : memref<160x128xi32, #tpu.memory_space<vmem>> -> memref<1x128xi32, #tpu.memory_space<vmem>>
          %dma_start3A_50 = tpu.memref_squeeze %dma_start3A_49 : memref<1x128xi32, #tpu.memory_space<vmem>> -> memref<128xi32, #tpu.memory_space<vmem>>
          %dma_start3A_51 = arith.constant 0 : i32
          %dma_start3A_52 = arith.constant 0 : i32
          %dma_start3A_53 = tpu.memref_slice %arg12[%dma_start3A_51, %dma_start3A_52] : memref<10240x64xf32, #tpu.memory_space<vmem_shared>> -> memref<10240x64xf32, #tpu.memory_space<vmem_shared>>
          tpu.enqueue_indirect_dma source(%arg11 : memref<128x64xf32, #tpu.memory_space<vmem>>) target(%dma_start3A_53 : memref<10240x64xf32, #tpu.memory_space<vmem_shared>>) offsets(%dma_start3A_50 : memref<128xi32, #tpu.memory_space<vmem>>) semaphore(%run_scoped3A : memref<!tpu.dma_semaphore, #tpu.memory_space<semaphore_mem>>) {add = true}
          %dma_wait3A_54 = arith.constant 0 : i32
          %dma_wait3A_55 = tpu.memref_slice %arg10[%scan3A_37, %dma_wait3A_54] : memref<160x128xi32, #tpu.memory_space<vmem>> -> memref<1x128xi32, #tpu.memory_space<vmem>>
          %dma_wait3A_56 = tpu.memref_squeeze %dma_wait3A_55 : memref<1x128xi32, #tpu.memory_space<vmem>> -> memref<128xi32, #tpu.memory_space<vmem>>
          %dma_wait3A_57 = arith.constant 0 : i32
          %dma_wait3A_58 = arith.constant 0 : i32
          %dma_wait3A_59 = tpu.memref_slice %arg12[%dma_wait3A_57, %dma_wait3A_58] : memref<10240x64xf32, #tpu.memory_space<vmem_shared>> -> memref<10240x64xf32, #tpu.memory_space<vmem_shared>>
          tpu.wait_indirect_dma semaphore(%run_scoped3A : memref<!tpu.dma_semaphore, #tpu.memory_space<semaphore_mem>>) src(%arg11 : memref<128x64xf32, #tpu.memory_space<vmem>>) dst(%dma_wait3A_59 : memref<10240x64xf32, #tpu.memory_space<vmem_shared>>)
          tpu.yield
        }) : () -> ()
      }
      %scan3A_36 = arith.constant 160 : i32
    } else {
    }
    %eq3A_16 = arith.constant 1 : i32
    %eq3A_17 = arith.cmpi eq, %arg0, %eq3A_16 : i32
    %convert_element_type3A_18 = arith.extui %eq3A_17 : i1 to i32
    %cond3A_19 = arith.constant 0 : i32
    %cond3A_20 = arith.cmpi ne, %convert_element_type3A_18, %cond3A_19 : i32
    scf.if %cond3A_20 {
      %scan3A = arith.constant 0 : i32
      %scan3A_32 = arith.constant 0 : i32
      %scan3A_33 = arith.constant 160 : i32
      %scan3A_34 = arith.addi %scan3A_32, %scan3A_33 : i32
      %scan3A_35 = arith.constant 1 : i32
      scf.for %scan3A_37 = %scan3A_32 to %scan3A_34 step %scan3A_35  : i32 {
        %dma_start3A = arith.constant 0 : i32
        %dma_start3A_38 = tpu.memref_slice %arg9[%scan3A_37, %dma_start3A] : memref<160x128xi32, #tpu.memory_space<vmem>> -> memref<1x128xi32, #tpu.memory_space<vmem>>
        %dma_start3A_39 = tpu.memref_squeeze %dma_start3A_38 : memref<1x128xi32, #tpu.memory_space<vmem>> -> memref<128xi32, #tpu.memory_space<vmem>>
        %dma_start3A_40 = arith.constant 0 : i32
        %dma_start3A_41 = arith.constant 0 : i32
        %dma_start3A_42 = tpu.memref_slice %arg3[%dma_start3A_40, %dma_start3A_41] : memref<10240x64xf32, #tpu.memory_space<hbm>> -> memref<10240x64xf32, #tpu.memory_space<hbm>>
        tpu.enqueue_indirect_dma source(%dma_start3A_42 : memref<10240x64xf32, #tpu.memory_space<hbm>>) target(%arg11 : memref<128x64xf32, #tpu.memory_space<vmem>>) offsets(%dma_start3A_39 : memref<128xi32, #tpu.memory_space<vmem>>) semaphore(%arg13 : memref<!tpu.dma_semaphore, #tpu.memory_space<semaphore_mem>>)
        %dma_wait3A = arith.constant 0 : i32
        %dma_wait3A_43 = tpu.memref_slice %arg9[%scan3A_37, %dma_wait3A] : memref<160x128xi32, #tpu.memory_space<vmem>> -> memref<1x128xi32, #tpu.memory_space<vmem>>
        %dma_wait3A_44 = tpu.memref_squeeze %dma_wait3A_43 : memref<1x128xi32, #tpu.memory_space<vmem>> -> memref<128xi32, #tpu.memory_space<vmem>>
        %dma_wait3A_45 = arith.constant 0 : i32
        %dma_wait3A_46 = arith.constant 0 : i32
        %dma_wait3A_47 = tpu.memref_slice %arg3[%dma_wait3A_45, %dma_wait3A_46] : memref<10240x64xf32, #tpu.memory_space<hbm>> -> memref<10240x64xf32, #tpu.memory_space<hbm>>
        tpu.wait_indirect_dma semaphore(%arg13 : memref<!tpu.dma_semaphore, #tpu.memory_space<semaphore_mem>>) src(%dma_wait3A_47 : memref<10240x64xf32, #tpu.memory_space<hbm>>) dst(%arg11 : memref<128x64xf32, #tpu.memory_space<vmem>>)
        "tpu.region"() ({
          %run_scoped3A = tpu.sem_alloc : memref<!tpu.dma_semaphore, #tpu.memory_space<semaphore_mem>>
          %dma_start3A_48 = arith.constant 0 : i32
          %dma_start3A_49 = tpu.memref_slice %arg10[%scan3A_37, %dma_start3A_48] : memref<160x128xi32, #tpu.memory_space<vmem>> -> memref<1x128xi32, #tpu.memory_space<vmem>>
          %dma_start3A_50 = tpu.memref_squeeze %dma_start3A_49 : memref<1x128xi32, #tpu.memory_space<vmem>> -> memref<128xi32, #tpu.memory_space<vmem>>
          %dma_start3A_51 = arith.constant 0 : i32
          %dma_start3A_52 = arith.constant 0 : i32
          %dma_start3A_53 = tpu.memref_slice %arg12[%dma_start3A_51, %dma_start3A_52] : memref<10240x64xf32, #tpu.memory_space<vmem_shared>> -> memref<10240x64xf32, #tpu.memory_space<vmem_shared>>
          tpu.enqueue_indirect_dma source(%arg11 : memref<128x64xf32, #tpu.memory_space<vmem>>) target(%dma_start3A_53 : memref<10240x64xf32, #tpu.memory_space<vmem_shared>>) offsets(%dma_start3A_50 : memref<128xi32, #tpu.memory_space<vmem>>) semaphore(%run_scoped3A : memref<!tpu.dma_semaphore, #tpu.memory_space<semaphore_mem>>) {add = true}
          %dma_wait3A_54 = arith.constant 0 : i32
          %dma_wait3A_55 = tpu.memref_slice %arg10[%scan3A_37, %dma_wait3A_54] : memref<160x128xi32, #tpu.memory_space<vmem>> -> memref<1x128xi32, #tpu.memory_space<vmem>>
          %dma_wait3A_56 = tpu.memref_squeeze %dma_wait3A_55 : memref<1x128xi32, #tpu.memory_space<vmem>> -> memref<128xi32, #tpu.memory_space<vmem>>
          %dma_wait3A_57 = arith.constant 0 : i32
          %dma_wait3A_58 = arith.constant 0 : i32
          %dma_wait3A_59 = tpu.memref_slice %arg12[%dma_wait3A_57, %dma_wait3A_58] : memref<10240x64xf32, #tpu.memory_space<vmem_shared>> -> memref<10240x64xf32, #tpu.memory_space<vmem_shared>>
          tpu.wait_indirect_dma semaphore(%run_scoped3A : memref<!tpu.dma_semaphore, #tpu.memory_space<semaphore_mem>>) src(%arg11 : memref<128x64xf32, #tpu.memory_space<vmem>>) dst(%dma_wait3A_59 : memref<10240x64xf32, #tpu.memory_space<vmem_shared>>)
          tpu.yield
        }) : () -> ()
      }
      %scan3A_36 = arith.constant 160 : i32
    } else {
    }
    %barrier3A_21 = arith.constant 0 : index
    tpu.barrier barrier_id(%barrier3A_21)
    %eq3A_22 = arith.constant 0 : i32
    %eq3A_23 = arith.cmpi eq, %arg0, %eq3A_22 : i32
    %convert_element_type3A_24 = arith.extui %eq3A_23 : i1 to i32
    %cond3A_25 = arith.constant 0 : i32
    %cond3A_26 = arith.cmpi ne, %convert_element_type3A_24, %cond3A_25 : i32
    scf.if %cond3A_26 {
      "tpu.region"() ({
        %run_scoped3A = tpu.sem_alloc : memref<!tpu.dma_semaphore, #tpu.memory_space<semaphore_mem>>
        %dma_start3A = arith.constant 0 : i32
        %dma_start3A_32 = tpu.memref_slice %arg7[%mul3A_0, %dma_start3A] : memref<10240x64xf32, #tpu.memory_space<hbm>> -> memref<640x64xf32, #tpu.memory_space<hbm>>
        %dma_start3A_33 = arith.constant 0 : i32
        %dma_start3A_34 = tpu.memref_slice %arg12[%mul3A_0, %dma_start3A_33] : memref<10240x64xf32, #tpu.memory_space<vmem_shared>> -> memref<640x64xf32, #tpu.memory_space<vmem_shared>>
        tpu.enqueue_dma source(%dma_start3A_34 : memref<640x64xf32, #tpu.memory_space<vmem_shared>>) target(%dma_start3A_32 : memref<640x64xf32, #tpu.memory_space<hbm>>) target_semaphore(%run_scoped3A : memref<!tpu.dma_semaphore, #tpu.memory_space<semaphore_mem>>)
        %dma_wait3A = arith.constant 0 : i32
        %dma_wait3A_35 = tpu.memref_slice %arg7[%mul3A_0, %dma_wait3A] : memref<10240x64xf32, #tpu.memory_space<hbm>> -> memref<640x64xf32, #tpu.memory_space<hbm>>
        %dma_wait3A_36 = arith.constant 0 : i32
        %dma_wait3A_37 = tpu.memref_slice %arg12[%mul3A_0, %dma_wait3A_36] : memref<10240x64xf32, #tpu.memory_space<vmem_shared>> -> memref<640x64xf32, #tpu.memory_space<vmem_shared>>
        tpu.wait_dma2 semaphore(%run_scoped3A : memref<!tpu.dma_semaphore, #tpu.memory_space<semaphore_mem>>) src(%dma_wait3A_37 : memref<640x64xf32, #tpu.memory_space<vmem_shared>>) dst(%dma_wait3A_35 : memref<640x64xf32, #tpu.memory_space<hbm>>)
        tpu.yield
      }) : () -> ()
    } else {
    }
    %eq3A_27 = arith.constant 1 : i32
    %eq3A_28 = arith.cmpi eq, %arg0, %eq3A_27 : i32
    %convert_element_type3A_29 = arith.extui %eq3A_28 : i1 to i32
    %cond3A_30 = arith.constant 0 : i32
    %cond3A_31 = arith.cmpi ne, %convert_element_type3A_29, %cond3A_30 : i32
    scf.if %cond3A_31 {
      "tpu.region"() ({
        %run_scoped3A = tpu.sem_alloc : memref<!tpu.dma_semaphore, #tpu.memory_space<semaphore_mem>>
        %dma_start3A = arith.constant 0 : i32
        %dma_start3A_32 = tpu.memref_slice %arg8[%mul3A_0, %dma_start3A] : memref<10240x64xf32, #tpu.memory_space<hbm>> -> memref<640x64xf32, #tpu.memory_space<hbm>>
        %dma_start3A_33 = arith.constant 0 : i32
        %dma_start3A_34 = tpu.memref_slice %arg12[%mul3A_0, %dma_start3A_33] : memref<10240x64xf32, #tpu.memory_space<vmem_shared>> -> memref<640x64xf32, #tpu.memory_space<vmem_shared>>
        tpu.enqueue_dma source(%dma_start3A_34 : memref<640x64xf32, #tpu.memory_space<vmem_shared>>) target(%dma_start3A_32 : memref<640x64xf32, #tpu.memory_space<hbm>>) target_semaphore(%run_scoped3A : memref<!tpu.dma_semaphore, #tpu.memory_space<semaphore_mem>>)
        %dma_wait3A = arith.constant 0 : i32
        %dma_wait3A_35 = tpu.memref_slice %arg8[%mul3A_0, %dma_wait3A] : memref<10240x64xf32, #tpu.memory_space<hbm>> -> memref<640x64xf32, #tpu.memory_space<hbm>>
        %dma_wait3A_36 = arith.constant 0 : i32
        %dma_wait3A_37 = tpu.memref_slice %arg12[%mul3A_0, %dma_wait3A_36] : memref<10240x64xf32, #tpu.memory_space<vmem_shared>> -> memref<640x64xf32, #tpu.memory_space<vmem_shared>>
        tpu.wait_dma2 semaphore(%run_scoped3A : memref<!tpu.dma_semaphore, #tpu.memory_space<semaphore_mem>>) src(%dma_wait3A_37 : memref<640x64xf32, #tpu.memory_space<vmem_shared>>) dst(%dma_wait3A_35 : memref<640x64xf32, #tpu.memory_space<hbm>>)
        tpu.yield
      }) : () -> ()
    } else {
    }
    return
  }
}

#map = affine_map<(d0, d1) -> (0, 0)>
module attributes {stable_mosaic.version = 14 : i64} {
  func.func @_spmm_body(%arg0: i32, %arg1: i32, %arg2: memref<10240x64xf32, #tpu.memory_space<hbm>>, %arg3: memref<10240x64xf32, #tpu.memory_space<hbm>>, %arg4: memref<2560x128xi32, #tpu.memory_space<hbm>>, %arg5: memref<2560x128xi32, #tpu.memory_space<hbm>>, %arg6: memref<128x64xf32, #tpu.memory_space<hbm>>, %arg7: memref<10240x64xf32, #tpu.memory_space<hbm>>, %arg8: memref<10240x64xf32, #tpu.memory_space<hbm>>, %arg9: memref<160x128xi32, #tpu.memory_space<vmem>>, %arg10: memref<160x128xi32, #tpu.memory_space<vmem>>, %arg11: memref<128x64xf32, #tpu.memory_space<vmem>>, %arg12: memref<10240x64xf32, #tpu.memory_space<vmem_shared>>, %arg13: memref<!tpu.dma_semaphore, #tpu.memory_space<semaphore_mem>>) attributes {dimension_semantics = [#tpu.dimension_semantics<core_parallel>, #tpu.dimension_semantics<subcore_parallel>], iteration_bounds = array<i64: 2, 16>, scalar_prefetch = 0 : i64, scratch_operands = 5 : i64, tpu.core_type = #tpu.core_type<sc_vector_subcore>, window_params = [{transform_indices = #map}, {transform_indices = #map}, {transform_indices = #map}, {transform_indices = #map}, {transform_indices = #map}, {transform_indices = #map}, {transform_indices = #map}]} {
    %mul3A = arith.constant 640 : i32
    %mul3A_0 = arith.muli %arg1, %mul3A : i32
    %add3A = arith.constant 0 : i32
    %add3A_1 = arith.addi %mul3A_0, %add3A : i32
    "tpu.region"() ({
      %run_scoped3A = tpu.sem_alloc : memref<!tpu.dma_semaphore, #tpu.memory_space<semaphore_mem>>
      %dma_start3A = arith.constant 0 : i32
      %dma_start3A_32 = tpu.memref_slice %arg12[%add3A_1, %dma_start3A] : memref<10240x64xf32, #tpu.memory_space<vmem_shared>> -> memref<128x64xf32, #tpu.memory_space<vmem_shared>>
      tpu.enqueue_dma source(%arg6 : memref<128x64xf32, #tpu.memory_space<hbm>>) target(%dma_start3A_32 : memref<128x64xf32, #tpu.memory_space<vmem_shared>>) target_semaphore(%run_scoped3A : memref<!tpu.dma_semaphore, #tpu.memory_space<semaphore_mem>>)
      %dma_wait3A = arith.constant 0 : i32
      %dma_wait3A_33 = tpu.memref_slice %arg12[%add3A_1, %dma_wait3A] : memref<10240x64xf32, #tpu.memory_space<vmem_shared>> -> memref<128x64xf32, #tpu.memory_space<vmem_shared>>
      tpu.wait_dma2 semaphore(%run_scoped3A : memref<!tpu.dma_semaphore, #tpu.memory_space<semaphore_mem>>) src(%arg6 : memref<128x64xf32, #tpu.memory_space<hbm>>) dst(%dma_wait3A_33 : memref<128x64xf32, #tpu.memory_space<vmem_shared>>)
      tpu.yield
    }) : () -> ()
    %add3A_2 = arith.constant 128 : i32
    %add3A_3 = arith.addi %mul3A_0, %add3A_2 : i32
    "tpu.region"() ({
      %run_scoped3A = tpu.sem_alloc : memref<!tpu.dma_semaphore, #tpu.memory_space<semaphore_mem>>
      %dma_start3A = arith.constant 0 : i32
      %dma_start3A_32 = tpu.memref_slice %arg12[%add3A_3, %dma_start3A] : memref<10240x64xf32, #tpu.memory_space<vmem_shared>> -> memref<128x64xf32, #tpu.memory_space<vmem_shared>>
      tpu.enqueue_dma source(%arg6 : memref<128x64xf32, #tpu.memory_space<hbm>>) target(%dma_start3A_32 : memref<128x64xf32, #tpu.memory_space<vmem_shared>>) target_semaphore(%run_scoped3A : memref<!tpu.dma_semaphore, #tpu.memory_space<semaphore_mem>>)
      %dma_wait3A = arith.constant 0 : i32
      %dma_wait3A_33 = tpu.memref_slice %arg12[%add3A_3, %dma_wait3A] : memref<10240x64xf32, #tpu.memory_space<vmem_shared>> -> memref<128x64xf32, #tpu.memory_space<vmem_shared>>
      tpu.wait_dma2 semaphore(%run_scoped3A : memref<!tpu.dma_semaphore, #tpu.memory_space<semaphore_mem>>) src(%arg6 : memref<128x64xf32, #tpu.memory_space<hbm>>) dst(%dma_wait3A_33 : memref<128x64xf32, #tpu.memory_space<vmem_shared>>)
      tpu.yield
    }) : () -> ()
    %add3A_4 = arith.constant 256 : i32
    %add3A_5 = arith.addi %mul3A_0, %add3A_4 : i32
    "tpu.region"() ({
      %run_scoped3A = tpu.sem_alloc : memref<!tpu.dma_semaphore, #tpu.memory_space<semaphore_mem>>
      %dma_start3A = arith.constant 0 : i32
      %dma_start3A_32 = tpu.memref_slice %arg12[%add3A_5, %dma_start3A] : memref<10240x64xf32, #tpu.memory_space<vmem_shared>> -> memref<128x64xf32, #tpu.memory_space<vmem_shared>>
      tpu.enqueue_dma source(%arg6 : memref<128x64xf32, #tpu.memory_space<hbm>>) target(%dma_start3A_32 : memref<128x64xf32, #tpu.memory_space<vmem_shared>>) target_semaphore(%run_scoped3A : memref<!tpu.dma_semaphore, #tpu.memory_space<semaphore_mem>>)
      %dma_wait3A = arith.constant 0 : i32
      %dma_wait3A_33 = tpu.memref_slice %arg12[%add3A_5, %dma_wait3A] : memref<10240x64xf32, #tpu.memory_space<vmem_shared>> -> memref<128x64xf32, #tpu.memory_space<vmem_shared>>
      tpu.wait_dma2 semaphore(%run_scoped3A : memref<!tpu.dma_semaphore, #tpu.memory_space<semaphore_mem>>) src(%arg6 : memref<128x64xf32, #tpu.memory_space<hbm>>) dst(%dma_wait3A_33 : memref<128x64xf32, #tpu.memory_space<vmem_shared>>)
      tpu.yield
    }) : () -> ()
    %add3A_6 = arith.constant 384 : i32
    %add3A_7 = arith.addi %mul3A_0, %add3A_6 : i32
    "tpu.region"() ({
      %run_scoped3A = tpu.sem_alloc : memref<!tpu.dma_semaphore, #tpu.memory_space<semaphore_mem>>
      %dma_start3A = arith.constant 0 : i32
      %dma_start3A_32 = tpu.memref_slice %arg12[%add3A_7, %dma_start3A] : memref<10240x64xf32, #tpu.memory_space<vmem_shared>> -> memref<128x64xf32, #tpu.memory_space<vmem_shared>>
      tpu.enqueue_dma source(%arg6 : memref<128x64xf32, #tpu.memory_space<hbm>>) target(%dma_start3A_32 : memref<128x64xf32, #tpu.memory_space<vmem_shared>>) target_semaphore(%run_scoped3A : memref<!tpu.dma_semaphore, #tpu.memory_space<semaphore_mem>>)
      %dma_wait3A = arith.constant 0 : i32
      %dma_wait3A_33 = tpu.memref_slice %arg12[%add3A_7, %dma_wait3A] : memref<10240x64xf32, #tpu.memory_space<vmem_shared>> -> memref<128x64xf32, #tpu.memory_space<vmem_shared>>
      tpu.wait_dma2 semaphore(%run_scoped3A : memref<!tpu.dma_semaphore, #tpu.memory_space<semaphore_mem>>) src(%arg6 : memref<128x64xf32, #tpu.memory_space<hbm>>) dst(%dma_wait3A_33 : memref<128x64xf32, #tpu.memory_space<vmem_shared>>)
      tpu.yield
    }) : () -> ()
    %add3A_8 = arith.constant 512 : i32
    %add3A_9 = arith.addi %mul3A_0, %add3A_8 : i32
    "tpu.region"() ({
      %run_scoped3A = tpu.sem_alloc : memref<!tpu.dma_semaphore, #tpu.memory_space<semaphore_mem>>
      %dma_start3A = arith.constant 0 : i32
      %dma_start3A_32 = tpu.memref_slice %arg12[%add3A_9, %dma_start3A] : memref<10240x64xf32, #tpu.memory_space<vmem_shared>> -> memref<128x64xf32, #tpu.memory_space<vmem_shared>>
      tpu.enqueue_dma source(%arg6 : memref<128x64xf32, #tpu.memory_space<hbm>>) target(%dma_start3A_32 : memref<128x64xf32, #tpu.memory_space<vmem_shared>>) target_semaphore(%run_scoped3A : memref<!tpu.dma_semaphore, #tpu.memory_space<semaphore_mem>>)
      %dma_wait3A = arith.constant 0 : i32
      %dma_wait3A_33 = tpu.memref_slice %arg12[%add3A_9, %dma_wait3A] : memref<10240x64xf32, #tpu.memory_space<vmem_shared>> -> memref<128x64xf32, #tpu.memory_space<vmem_shared>>
      tpu.wait_dma2 semaphore(%run_scoped3A : memref<!tpu.dma_semaphore, #tpu.memory_space<semaphore_mem>>) src(%arg6 : memref<128x64xf32, #tpu.memory_space<hbm>>) dst(%dma_wait3A_33 : memref<128x64xf32, #tpu.memory_space<vmem_shared>>)
      tpu.yield
    }) : () -> ()
    %mul3A_10 = arith.constant 160 : i32
    %mul3A_11 = arith.muli %arg1, %mul3A_10 : i32
    "tpu.region"() ({
      %run_scoped3A = tpu.sem_alloc : memref<!tpu.dma_semaphore, #tpu.memory_space<semaphore_mem>>
      %dma_start3A = arith.constant 0 : i32
      %dma_start3A_32 = tpu.memref_slice %arg4[%mul3A_11, %dma_start3A] : memref<2560x128xi32, #tpu.memory_space<hbm>> -> memref<160x128xi32, #tpu.memory_space<hbm>>
      %dma_start3A_33 = arith.constant 0 : i32
      %dma_start3A_34 = tpu.memref_slice %arg4[%mul3A_11, %dma_start3A_33] : memref<2560x128xi32, #tpu.memory_space<hbm>> -> memref<160x128xi32, #tpu.memory_space<hbm>>
      tpu.enqueue_dma source(%dma_start3A_34 : memref<160x128xi32, #tpu.memory_space<hbm>>) target(%arg9 : memref<160x128xi32, #tpu.memory_space<vmem>>) target_semaphore(%run_scoped3A : memref<!tpu.dma_semaphore, #tpu.memory_space<semaphore_mem>>)
      %dma_wait3A = arith.constant 0 : i32
      %dma_wait3A_35 = tpu.memref_slice %arg4[%mul3A_11, %dma_wait3A] : memref<2560x128xi32, #tpu.memory_space<hbm>> -> memref<160x128xi32, #tpu.memory_space<hbm>>
      %dma_wait3A_36 = arith.constant 0 : i32
      %dma_wait3A_37 = tpu.memref_slice %arg4[%mul3A_11, %dma_wait3A_36] : memref<2560x128xi32, #tpu.memory_space<hbm>> -> memref<160x128xi32, #tpu.memory_space<hbm>>
      tpu.wait_dma2 semaphore(%run_scoped3A : memref<!tpu.dma_semaphore, #tpu.memory_space<semaphore_mem>>) src(%dma_wait3A_37 : memref<160x128xi32, #tpu.memory_space<hbm>>) dst(%arg9 : memref<160x128xi32, #tpu.memory_space<vmem>>)
      tpu.yield
    }) : () -> ()
    %mul3A_12 = arith.constant 160 : i32
    %mul3A_13 = arith.muli %arg1, %mul3A_12 : i32
    "tpu.region"() ({
      %run_scoped3A = tpu.sem_alloc : memref<!tpu.dma_semaphore, #tpu.memory_space<semaphore_mem>>
      %dma_start3A = arith.constant 0 : i32
      %dma_start3A_32 = tpu.memref_slice %arg5[%mul3A_13, %dma_start3A] : memref<2560x128xi32, #tpu.memory_space<hbm>> -> memref<160x128xi32, #tpu.memory_space<hbm>>
      %dma_start3A_33 = arith.constant 0 : i32
      %dma_start3A_34 = tpu.memref_slice %arg5[%mul3A_13, %dma_start3A_33] : memref<2560x128xi32, #tpu.memory_space<hbm>> -> memref<160x128xi32, #tpu.memory_space<hbm>>
      tpu.enqueue_dma source(%dma_start3A_34 : memref<160x128xi32, #tpu.memory_space<hbm>>) target(%arg10 : memref<160x128xi32, #tpu.memory_space<vmem>>) target_semaphore(%run_scoped3A : memref<!tpu.dma_semaphore, #tpu.memory_space<semaphore_mem>>)
      %dma_wait3A = arith.constant 0 : i32
      %dma_wait3A_35 = tpu.memref_slice %arg5[%mul3A_13, %dma_wait3A] : memref<2560x128xi32, #tpu.memory_space<hbm>> -> memref<160x128xi32, #tpu.memory_space<hbm>>
      %dma_wait3A_36 = arith.constant 0 : i32
      %dma_wait3A_37 = tpu.memref_slice %arg5[%mul3A_13, %dma_wait3A_36] : memref<2560x128xi32, #tpu.memory_space<hbm>> -> memref<160x128xi32, #tpu.memory_space<hbm>>
      tpu.wait_dma2 semaphore(%run_scoped3A : memref<!tpu.dma_semaphore, #tpu.memory_space<semaphore_mem>>) src(%dma_wait3A_37 : memref<160x128xi32, #tpu.memory_space<hbm>>) dst(%arg10 : memref<160x128xi32, #tpu.memory_space<vmem>>)
      tpu.yield
    }) : () -> ()
    %barrier3A = arith.constant 0 : index
    tpu.barrier barrier_id(%barrier3A)
    %eq3A = arith.constant 0 : i32
    %eq3A_14 = arith.cmpi eq, %arg0, %eq3A : i32
    %convert_element_type3A = arith.extui %eq3A_14 : i1 to i32
    %cond3A = arith.constant 0 : i32
    %cond3A_15 = arith.cmpi ne, %convert_element_type3A, %cond3A : i32
    scf.if %cond3A_15 {
      %scan3A = arith.constant 0 : i32
      %scan3A_32 = arith.constant 0 : i32
      %scan3A_33 = arith.constant 160 : i32
      %scan3A_34 = arith.addi %scan3A_32, %scan3A_33 : i32
      %scan3A_35 = arith.constant 1 : i32
      scf.for %scan3A_37 = %scan3A_32 to %scan3A_34 step %scan3A_35  : i32 {
        %dma_start3A = arith.constant 0 : i32
        %dma_start3A_38 = tpu.memref_slice %arg9[%scan3A_37, %dma_start3A] : memref<160x128xi32, #tpu.memory_space<vmem>> -> memref<1x128xi32, #tpu.memory_space<vmem>>
        %dma_start3A_39 = tpu.memref_squeeze %dma_start3A_38 : memref<1x128xi32, #tpu.memory_space<vmem>> -> memref<128xi32, #tpu.memory_space<vmem>>
        %dma_start3A_40 = arith.constant 0 : i32
        %dma_start3A_41 = arith.constant 0 : i32
        %dma_start3A_42 = tpu.memref_slice %arg2[%dma_start3A_40, %dma_start3A_41] : memref<10240x64xf32, #tpu.memory_space<hbm>> -> memref<10240x64xf32, #tpu.memory_space<hbm>>
        tpu.enqueue_indirect_dma source(%dma_start3A_42 : memref<10240x64xf32, #tpu.memory_space<hbm>>) target(%arg11 : memref<128x64xf32, #tpu.memory_space<vmem>>) offsets(%dma_start3A_39 : memref<128xi32, #tpu.memory_space<vmem>>) semaphore(%arg13 : memref<!tpu.dma_semaphore, #tpu.memory_space<semaphore_mem>>)
        %dma_wait3A = arith.constant 0 : i32
        %dma_wait3A_43 = tpu.memref_slice %arg9[%scan3A_37, %dma_wait3A] : memref<160x128xi32, #tpu.memory_space<vmem>> -> memref<1x128xi32, #tpu.memory_space<vmem>>
        %dma_wait3A_44 = tpu.memref_squeeze %dma_wait3A_43 : memref<1x128xi32, #tpu.memory_space<vmem>> -> memref<128xi32, #tpu.memory_space<vmem>>
        %dma_wait3A_45 = arith.constant 0 : i32
        %dma_wait3A_46 = arith.constant 0 : i32
        %dma_wait3A_47 = tpu.memref_slice %arg2[%dma_wait3A_45, %dma_wait3A_46] : memref<10240x64xf32, #tpu.memory_space<hbm>> -> memref<10240x64xf32, #tpu.memory_space<hbm>>
        tpu.wait_indirect_dma semaphore(%arg13 : memref<!tpu.dma_semaphore, #tpu.memory_space<semaphore_mem>>) src(%dma_wait3A_47 : memref<10240x64xf32, #tpu.memory_space<hbm>>) dst(%arg11 : memref<128x64xf32, #tpu.memory_space<vmem>>)
        "tpu.region"() ({
          %run_scoped3A = tpu.sem_alloc : memref<!tpu.dma_semaphore, #tpu.memory_space<semaphore_mem>>
          %dma_start3A_48 = arith.constant 0 : i32
          %dma_start3A_49 = tpu.memref_slice %arg10[%scan3A_37, %dma_start3A_48] : memref<160x128xi32, #tpu.memory_space<vmem>> -> memref<1x128xi32, #tpu.memory_space<vmem>>
          %dma_start3A_50 = tpu.memref_squeeze %dma_start3A_49 : memref<1x128xi32, #tpu.memory_space<vmem>> -> memref<128xi32, #tpu.memory_space<vmem>>
          %dma_start3A_51 = arith.constant 0 : i32
          %dma_start3A_52 = arith.constant 0 : i32
          %dma_start3A_53 = tpu.memref_slice %arg12[%dma_start3A_51, %dma_start3A_52] : memref<10240x64xf32, #tpu.memory_space<vmem_shared>> -> memref<10240x64xf32, #tpu.memory_space<vmem_shared>>
          tpu.enqueue_indirect_dma source(%arg11 : memref<128x64xf32, #tpu.memory_space<vmem>>) target(%dma_start3A_53 : memref<10240x64xf32, #tpu.memory_space<vmem_shared>>) offsets(%dma_start3A_50 : memref<128xi32, #tpu.memory_space<vmem>>) semaphore(%run_scoped3A : memref<!tpu.dma_semaphore, #tpu.memory_space<semaphore_mem>>) {add = true}
          %dma_wait3A_54 = arith.constant 0 : i32
          %dma_wait3A_55 = tpu.memref_slice %arg10[%scan3A_37, %dma_wait3A_54] : memref<160x128xi32, #tpu.memory_space<vmem>> -> memref<1x128xi32, #tpu.memory_space<vmem>>
          %dma_wait3A_56 = tpu.memref_squeeze %dma_wait3A_55 : memref<1x128xi32, #tpu.memory_space<vmem>> -> memref<128xi32, #tpu.memory_space<vmem>>
          %dma_wait3A_57 = arith.constant 0 : i32
          %dma_wait3A_58 = arith.constant 0 : i32
          %dma_wait3A_59 = tpu.memref_slice %arg12[%dma_wait3A_57, %dma_wait3A_58] : memref<10240x64xf32, #tpu.memory_space<vmem_shared>> -> memref<10240x64xf32, #tpu.memory_space<vmem_shared>>
          tpu.wait_indirect_dma semaphore(%run_scoped3A : memref<!tpu.dma_semaphore, #tpu.memory_space<semaphore_mem>>) src(%arg11 : memref<128x64xf32, #tpu.memory_space<vmem>>) dst(%dma_wait3A_59 : memref<10240x64xf32, #tpu.memory_space<vmem_shared>>)
          tpu.yield
        }) : () -> ()
      }
      %scan3A_36 = arith.constant 160 : i32
    } else {
    }
    %eq3A_16 = arith.constant 1 : i32
    %eq3A_17 = arith.cmpi eq, %arg0, %eq3A_16 : i32
    %convert_element_type3A_18 = arith.extui %eq3A_17 : i1 to i32
    %cond3A_19 = arith.constant 0 : i32
    %cond3A_20 = arith.cmpi ne, %convert_element_type3A_18, %cond3A_19 : i32
    scf.if %cond3A_20 {
      %scan3A = arith.constant 0 : i32
      %scan3A_32 = arith.constant 0 : i32
      %scan3A_33 = arith.constant 160 : i32
      %scan3A_34 = arith.addi %scan3A_32, %scan3A_33 : i32
      %scan3A_35 = arith.constant 1 : i32
      scf.for %scan3A_37 = %scan3A_32 to %scan3A_34 step %scan3A_35  : i32 {
        %dma_start3A = arith.constant 0 : i32
        %dma_start3A_38 = tpu.memref_slice %arg9[%scan3A_37, %dma_start3A] : memref<160x128xi32, #tpu.memory_space<vmem>> -> memref<1x128xi32, #tpu.memory_space<vmem>>
        %dma_start3A_39 = tpu.memref_squeeze %dma_start3A_38 : memref<1x128xi32, #tpu.memory_space<vmem>> -> memref<128xi32, #tpu.memory_space<vmem>>
        %dma_start3A_40 = arith.constant 0 : i32
        %dma_start3A_41 = arith.constant 0 : i32
        %dma_start3A_42 = tpu.memref_slice %arg3[%dma_start3A_40, %dma_start3A_41] : memref<10240x64xf32, #tpu.memory_space<hbm>> -> memref<10240x64xf32, #tpu.memory_space<hbm>>
        tpu.enqueue_indirect_dma source(%dma_start3A_42 : memref<10240x64xf32, #tpu.memory_space<hbm>>) target(%arg11 : memref<128x64xf32, #tpu.memory_space<vmem>>) offsets(%dma_start3A_39 : memref<128xi32, #tpu.memory_space<vmem>>) semaphore(%arg13 : memref<!tpu.dma_semaphore, #tpu.memory_space<semaphore_mem>>)
        %dma_wait3A = arith.constant 0 : i32
        %dma_wait3A_43 = tpu.memref_slice %arg9[%scan3A_37, %dma_wait3A] : memref<160x128xi32, #tpu.memory_space<vmem>> -> memref<1x128xi32, #tpu.memory_space<vmem>>
        %dma_wait3A_44 = tpu.memref_squeeze %dma_wait3A_43 : memref<1x128xi32, #tpu.memory_space<vmem>> -> memref<128xi32, #tpu.memory_space<vmem>>
        %dma_wait3A_45 = arith.constant 0 : i32
        %dma_wait3A_46 = arith.constant 0 : i32
        %dma_wait3A_47 = tpu.memref_slice %arg3[%dma_wait3A_45, %dma_wait3A_46] : memref<10240x64xf32, #tpu.memory_space<hbm>> -> memref<10240x64xf32, #tpu.memory_space<hbm>>
        tpu.wait_indirect_dma semaphore(%arg13 : memref<!tpu.dma_semaphore, #tpu.memory_space<semaphore_mem>>) src(%dma_wait3A_47 : memref<10240x64xf32, #tpu.memory_space<hbm>>) dst(%arg11 : memref<128x64xf32, #tpu.memory_space<vmem>>)
        "tpu.region"() ({
          %run_scoped3A = tpu.sem_alloc : memref<!tpu.dma_semaphore, #tpu.memory_space<semaphore_mem>>
          %dma_start3A_48 = arith.constant 0 : i32
          %dma_start3A_49 = tpu.memref_slice %arg10[%scan3A_37, %dma_start3A_48] : memref<160x128xi32, #tpu.memory_space<vmem>> -> memref<1x128xi32, #tpu.memory_space<vmem>>
          %dma_start3A_50 = tpu.memref_squeeze %dma_start3A_49 : memref<1x128xi32, #tpu.memory_space<vmem>> -> memref<128xi32, #tpu.memory_space<vmem>>
          %dma_start3A_51 = arith.constant 0 : i32
          %dma_start3A_52 = arith.constant 0 : i32
          %dma_start3A_53 = tpu.memref_slice %arg12[%dma_start3A_51, %dma_start3A_52] : memref<10240x64xf32, #tpu.memory_space<vmem_shared>> -> memref<10240x64xf32, #tpu.memory_space<vmem_shared>>
          tpu.enqueue_indirect_dma source(%arg11 : memref<128x64xf32, #tpu.memory_space<vmem>>) target(%dma_start3A_53 : memref<10240x64xf32, #tpu.memory_space<vmem_shared>>) offsets(%dma_start3A_50 : memref<128xi32, #tpu.memory_space<vmem>>) semaphore(%run_scoped3A : memref<!tpu.dma_semaphore, #tpu.memory_space<semaphore_mem>>) {add = true}
          %dma_wait3A_54 = arith.constant 0 : i32
          %dma_wait3A_55 = tpu.memref_slice %arg10[%scan3A_37, %dma_wait3A_54] : memref<160x128xi32, #tpu.memory_space<vmem>> -> memref<1x128xi32, #tpu.memory_space<vmem>>
          %dma_wait3A_56 = tpu.memref_squeeze %dma_wait3A_55 : memref<1x128xi32, #tpu.memory_space<vmem>> -> memref<128xi32, #tpu.memory_space<vmem>>
          %dma_wait3A_57 = arith.constant 0 : i32
          %dma_wait3A_58 = arith.constant 0 : i32
          %dma_wait3A_59 = tpu.memref_slice %arg12[%dma_wait3A_57, %dma_wait3A_58] : memref<10240x64xf32, #tpu.memory_space<vmem_shared>> -> memref<10240x64xf32, #tpu.memory_space<vmem_shared>>
          tpu.wait_indirect_dma semaphore(%run_scoped3A : memref<!tpu.dma_semaphore, #tpu.memory_space<semaphore_mem>>) src(%arg11 : memref<128x64xf32, #tpu.memory_space<vmem>>) dst(%dma_wait3A_59 : memref<10240x64xf32, #tpu.memory_space<vmem_shared>>)
          tpu.yield
        }) : () -> ()
      }
      %scan3A_36 = arith.constant 160 : i32
    } else {
    }
    %barrier3A_21 = arith.constant 0 : index
    tpu.barrier barrier_id(%barrier3A_21)
    %eq3A_22 = arith.constant 0 : i32
    %eq3A_23 = arith.cmpi eq, %arg0, %eq3A_22 : i32
    %convert_element_type3A_24 = arith.extui %eq3A_23 : i1 to i32
    %cond3A_25 = arith.constant 0 : i32
    %cond3A_26 = arith.cmpi ne, %convert_element_type3A_24, %cond3A_25 : i32
    scf.if %cond3A_26 {
      "tpu.region"() ({
        %run_scoped3A = tpu.sem_alloc : memref<!tpu.dma_semaphore, #tpu.memory_space<semaphore_mem>>
        %dma_start3A = arith.constant 0 : i32
        %dma_start3A_32 = tpu.memref_slice %arg7[%mul3A_0, %dma_start3A] : memref<10240x64xf32, #tpu.memory_space<hbm>> -> memref<640x64xf32, #tpu.memory_space<hbm>>
        %dma_start3A_33 = arith.constant 0 : i32
        %dma_start3A_34 = tpu.memref_slice %arg12[%mul3A_0, %dma_start3A_33] : memref<10240x64xf32, #tpu.memory_space<vmem_shared>> -> memref<640x64xf32, #tpu.memory_space<vmem_shared>>
        tpu.enqueue_dma source(%dma_start3A_34 : memref<640x64xf32, #tpu.memory_space<vmem_shared>>) target(%dma_start3A_32 : memref<640x64xf32, #tpu.memory_space<hbm>>) target_semaphore(%run_scoped3A : memref<!tpu.dma_semaphore, #tpu.memory_space<semaphore_mem>>)
        %dma_wait3A = arith.constant 0 : i32
        %dma_wait3A_35 = tpu.memref_slice %arg7[%mul3A_0, %dma_wait3A] : memref<10240x64xf32, #tpu.memory_space<hbm>> -> memref<640x64xf32, #tpu.memory_space<hbm>>
        %dma_wait3A_36 = arith.constant 0 : i32
        %dma_wait3A_37 = tpu.memref_slice %arg12[%mul3A_0, %dma_wait3A_36] : memref<10240x64xf32, #tpu.memory_space<vmem_shared>> -> memref<640x64xf32, #tpu.memory_space<vmem_shared>>
        tpu.wait_dma2 semaphore(%run_scoped3A : memref<!tpu.dma_semaphore, #tpu.memory_space<semaphore_mem>>) src(%dma_wait3A_37 : memref<640x64xf32, #tpu.memory_space<vmem_shared>>) dst(%dma_wait3A_35 : memref<640x64xf32, #tpu.memory_space<hbm>>)
        tpu.yield
      }) : () -> ()
    } else {
    }
    %eq3A_27 = arith.constant 1 : i32
    %eq3A_28 = arith.cmpi eq, %arg0, %eq3A_27 : i32
    %convert_element_type3A_29 = arith.extui %eq3A_28 : i1 to i32
    %cond3A_30 = arith.constant 0 : i32
    %cond3A_31 = arith.cmpi ne, %convert_element_type3A_29, %cond3A_30 : i32
    scf.if %cond3A_31 {
      "tpu.region"() ({
        %run_scoped3A = tpu.sem_alloc : memref<!tpu.dma_semaphore, #tpu.memory_space<semaphore_mem>>
        %dma_start3A = arith.constant 0 : i32
        %dma_start3A_32 = tpu.memref_slice %arg8[%mul3A_0, %dma_start3A] : memref<10240x64xf32, #tpu.memory_space<hbm>> -> memref<640x64xf32, #tpu.memory_space<hbm>>
        %dma_start3A_33 = arith.constant 0 : i32
        %dma_start3A_34 = tpu.memref_slice %arg12[%mul3A_0, %dma_start3A_33] : memref<10240x64xf32, #tpu.memory_space<vmem_shared>> -> memref<640x64xf32, #tpu.memory_space<vmem_shared>>
        tpu.enqueue_dma source(%dma_start3A_34 : memref<640x64xf32, #tpu.memory_space<vmem_shared>>) target(%dma_start3A_32 : memref<640x64xf32, #tpu.memory_space<hbm>>) target_semaphore(%run_scoped3A : memref<!tpu.dma_semaphore, #tpu.memory_space<semaphore_mem>>)
        %dma_wait3A = arith.constant 0 : i32
        %dma_wait3A_35 = tpu.memref_slice %arg8[%mul3A_0, %dma_wait3A] : memref<10240x64xf32, #tpu.memory_space<hbm>> -> memref<640x64xf32, #tpu.memory_space<hbm>>
        %dma_wait3A_36 = arith.constant 0 : i32
        %dma_wait3A_37 = tpu.memref_slice %arg12[%mul3A_0, %dma_wait3A_36] : memref<10240x64xf32, #tpu.memory_space<vmem_shared>> -> memref<640x64xf32, #tpu.memory_space<vmem_shared>>
        tpu.wait_dma2 semaphore(%run_scoped3A : memref<!tpu.dma_semaphore, #tpu.memory_space<semaphore_mem>>) src(%dma_wait3A_37 : memref<640x64xf32, #tpu.memory_space<vmem_shared>>) dst(%dma_wait3A_35 : memref<640x64xf32, #tpu.memory_space<hbm>>)
        tpu.yield
      }) : () -> ()
    } else {
    }
    return
  }
}

#map = affine_map<(d0, d1) -> (0, 0)>
module attributes {stable_mosaic.version = 14 : i64} {
  func.func @_spmm_body(%arg0: i32, %arg1: i32, %arg2: memref<10240x64xf32, #tpu.memory_space<hbm>>, %arg3: memref<10240x64xf32, #tpu.memory_space<hbm>>, %arg4: memref<2560x128xi32, #tpu.memory_space<hbm>>, %arg5: memref<2560x128xi32, #tpu.memory_space<hbm>>, %arg6: memref<128x64xf32, #tpu.memory_space<hbm>>, %arg7: memref<10240x64xf32, #tpu.memory_space<hbm>>, %arg8: memref<10240x64xf32, #tpu.memory_space<hbm>>, %arg9: memref<160x128xi32, #tpu.memory_space<vmem>>, %arg10: memref<160x128xi32, #tpu.memory_space<vmem>>, %arg11: memref<128x64xf32, #tpu.memory_space<vmem>>, %arg12: memref<10240x64xf32, #tpu.memory_space<vmem_shared>>, %arg13: memref<!tpu.dma_semaphore, #tpu.memory_space<semaphore_mem>>) attributes {dimension_semantics = [#tpu.dimension_semantics<core_parallel>, #tpu.dimension_semantics<subcore_parallel>], iteration_bounds = array<i64: 2, 16>, scalar_prefetch = 0 : i64, scratch_operands = 5 : i64, tpu.core_type = #tpu.core_type<sc_vector_subcore>, window_params = [{transform_indices = #map}, {transform_indices = #map}, {transform_indices = #map}, {transform_indices = #map}, {transform_indices = #map}, {transform_indices = #map}, {transform_indices = #map}]} {
    %mul3A = arith.constant 640 : i32
    %mul3A_0 = arith.muli %arg1, %mul3A : i32
    %add3A = arith.constant 0 : i32
    %add3A_1 = arith.addi %mul3A_0, %add3A : i32
    "tpu.region"() ({
      %run_scoped3A = tpu.sem_alloc : memref<!tpu.dma_semaphore, #tpu.memory_space<semaphore_mem>>
      %dma_start3A = arith.constant 0 : i32
      %dma_start3A_32 = tpu.memref_slice %arg12[%add3A_1, %dma_start3A] : memref<10240x64xf32, #tpu.memory_space<vmem_shared>> -> memref<128x64xf32, #tpu.memory_space<vmem_shared>>
      tpu.enqueue_dma source(%arg6 : memref<128x64xf32, #tpu.memory_space<hbm>>) target(%dma_start3A_32 : memref<128x64xf32, #tpu.memory_space<vmem_shared>>) target_semaphore(%run_scoped3A : memref<!tpu.dma_semaphore, #tpu.memory_space<semaphore_mem>>)
      %dma_wait3A = arith.constant 0 : i32
      %dma_wait3A_33 = tpu.memref_slice %arg12[%add3A_1, %dma_wait3A] : memref<10240x64xf32, #tpu.memory_space<vmem_shared>> -> memref<128x64xf32, #tpu.memory_space<vmem_shared>>
      tpu.wait_dma2 semaphore(%run_scoped3A : memref<!tpu.dma_semaphore, #tpu.memory_space<semaphore_mem>>) src(%arg6 : memref<128x64xf32, #tpu.memory_space<hbm>>) dst(%dma_wait3A_33 : memref<128x64xf32, #tpu.memory_space<vmem_shared>>)
      tpu.yield
    }) : () -> ()
    %add3A_2 = arith.constant 128 : i32
    %add3A_3 = arith.addi %mul3A_0, %add3A_2 : i32
    "tpu.region"() ({
      %run_scoped3A = tpu.sem_alloc : memref<!tpu.dma_semaphore, #tpu.memory_space<semaphore_mem>>
      %dma_start3A = arith.constant 0 : i32
      %dma_start3A_32 = tpu.memref_slice %arg12[%add3A_3, %dma_start3A] : memref<10240x64xf32, #tpu.memory_space<vmem_shared>> -> memref<128x64xf32, #tpu.memory_space<vmem_shared>>
      tpu.enqueue_dma source(%arg6 : memref<128x64xf32, #tpu.memory_space<hbm>>) target(%dma_start3A_32 : memref<128x64xf32, #tpu.memory_space<vmem_shared>>) target_semaphore(%run_scoped3A : memref<!tpu.dma_semaphore, #tpu.memory_space<semaphore_mem>>)
      %dma_wait3A = arith.constant 0 : i32
      %dma_wait3A_33 = tpu.memref_slice %arg12[%add3A_3, %dma_wait3A] : memref<10240x64xf32, #tpu.memory_space<vmem_shared>> -> memref<128x64xf32, #tpu.memory_space<vmem_shared>>
      tpu.wait_dma2 semaphore(%run_scoped3A : memref<!tpu.dma_semaphore, #tpu.memory_space<semaphore_mem>>) src(%arg6 : memref<128x64xf32, #tpu.memory_space<hbm>>) dst(%dma_wait3A_33 : memref<128x64xf32, #tpu.memory_space<vmem_shared>>)
      tpu.yield
    }) : () -> ()
    %add3A_4 = arith.constant 256 : i32
    %add3A_5 = arith.addi %mul3A_0, %add3A_4 : i32
    "tpu.region"() ({
      %run_scoped3A = tpu.sem_alloc : memref<!tpu.dma_semaphore, #tpu.memory_space<semaphore_mem>>
      %dma_start3A = arith.constant 0 : i32
      %dma_start3A_32 = tpu.memref_slice %arg12[%add3A_5, %dma_start3A] : memref<10240x64xf32, #tpu.memory_space<vmem_shared>> -> memref<128x64xf32, #tpu.memory_space<vmem_shared>>
      tpu.enqueue_dma source(%arg6 : memref<128x64xf32, #tpu.memory_space<hbm>>) target(%dma_start3A_32 : memref<128x64xf32, #tpu.memory_space<vmem_shared>>) target_semaphore(%run_scoped3A : memref<!tpu.dma_semaphore, #tpu.memory_space<semaphore_mem>>)
      %dma_wait3A = arith.constant 0 : i32
      %dma_wait3A_33 = tpu.memref_slice %arg12[%add3A_5, %dma_wait3A] : memref<10240x64xf32, #tpu.memory_space<vmem_shared>> -> memref<128x64xf32, #tpu.memory_space<vmem_shared>>
      tpu.wait_dma2 semaphore(%run_scoped3A : memref<!tpu.dma_semaphore, #tpu.memory_space<semaphore_mem>>) src(%arg6 : memref<128x64xf32, #tpu.memory_space<hbm>>) dst(%dma_wait3A_33 : memref<128x64xf32, #tpu.memory_space<vmem_shared>>)
      tpu.yield
    }) : () -> ()
    %add3A_6 = arith.constant 384 : i32
    %add3A_7 = arith.addi %mul3A_0, %add3A_6 : i32
    "tpu.region"() ({
      %run_scoped3A = tpu.sem_alloc : memref<!tpu.dma_semaphore, #tpu.memory_space<semaphore_mem>>
      %dma_start3A = arith.constant 0 : i32
      %dma_start3A_32 = tpu.memref_slice %arg12[%add3A_7, %dma_start3A] : memref<10240x64xf32, #tpu.memory_space<vmem_shared>> -> memref<128x64xf32, #tpu.memory_space<vmem_shared>>
      tpu.enqueue_dma source(%arg6 : memref<128x64xf32, #tpu.memory_space<hbm>>) target(%dma_start3A_32 : memref<128x64xf32, #tpu.memory_space<vmem_shared>>) target_semaphore(%run_scoped3A : memref<!tpu.dma_semaphore, #tpu.memory_space<semaphore_mem>>)
      %dma_wait3A = arith.constant 0 : i32
      %dma_wait3A_33 = tpu.memref_slice %arg12[%add3A_7, %dma_wait3A] : memref<10240x64xf32, #tpu.memory_space<vmem_shared>> -> memref<128x64xf32, #tpu.memory_space<vmem_shared>>
      tpu.wait_dma2 semaphore(%run_scoped3A : memref<!tpu.dma_semaphore, #tpu.memory_space<semaphore_mem>>) src(%arg6 : memref<128x64xf32, #tpu.memory_space<hbm>>) dst(%dma_wait3A_33 : memref<128x64xf32, #tpu.memory_space<vmem_shared>>)
      tpu.yield
    }) : () -> ()
    %add3A_8 = arith.constant 512 : i32
    %add3A_9 = arith.addi %mul3A_0, %add3A_8 : i32
    "tpu.region"() ({
      %run_scoped3A = tpu.sem_alloc : memref<!tpu.dma_semaphore, #tpu.memory_space<semaphore_mem>>
      %dma_start3A = arith.constant 0 : i32
      %dma_start3A_32 = tpu.memref_slice %arg12[%add3A_9, %dma_start3A] : memref<10240x64xf32, #tpu.memory_space<vmem_shared>> -> memref<128x64xf32, #tpu.memory_space<vmem_shared>>
      tpu.enqueue_dma source(%arg6 : memref<128x64xf32, #tpu.memory_space<hbm>>) target(%dma_start3A_32 : memref<128x64xf32, #tpu.memory_space<vmem_shared>>) target_semaphore(%run_scoped3A : memref<!tpu.dma_semaphore, #tpu.memory_space<semaphore_mem>>)
      %dma_wait3A = arith.constant 0 : i32
      %dma_wait3A_33 = tpu.memref_slice %arg12[%add3A_9, %dma_wait3A] : memref<10240x64xf32, #tpu.memory_space<vmem_shared>> -> memref<128x64xf32, #tpu.memory_space<vmem_shared>>
      tpu.wait_dma2 semaphore(%run_scoped3A : memref<!tpu.dma_semaphore, #tpu.memory_space<semaphore_mem>>) src(%arg6 : memref<128x64xf32, #tpu.memory_space<hbm>>) dst(%dma_wait3A_33 : memref<128x64xf32, #tpu.memory_space<vmem_shared>>)
      tpu.yield
    }) : () -> ()
    %mul3A_10 = arith.constant 160 : i32
    %mul3A_11 = arith.muli %arg1, %mul3A_10 : i32
    "tpu.region"() ({
      %run_scoped3A = tpu.sem_alloc : memref<!tpu.dma_semaphore, #tpu.memory_space<semaphore_mem>>
      %dma_start3A = arith.constant 0 : i32
      %dma_start3A_32 = tpu.memref_slice %arg4[%mul3A_11, %dma_start3A] : memref<2560x128xi32, #tpu.memory_space<hbm>> -> memref<160x128xi32, #tpu.memory_space<hbm>>
      %dma_start3A_33 = arith.constant 0 : i32
      %dma_start3A_34 = tpu.memref_slice %arg4[%mul3A_11, %dma_start3A_33] : memref<2560x128xi32, #tpu.memory_space<hbm>> -> memref<160x128xi32, #tpu.memory_space<hbm>>
      tpu.enqueue_dma source(%dma_start3A_34 : memref<160x128xi32, #tpu.memory_space<hbm>>) target(%arg9 : memref<160x128xi32, #tpu.memory_space<vmem>>) target_semaphore(%run_scoped3A : memref<!tpu.dma_semaphore, #tpu.memory_space<semaphore_mem>>)
      %dma_wait3A = arith.constant 0 : i32
      %dma_wait3A_35 = tpu.memref_slice %arg4[%mul3A_11, %dma_wait3A] : memref<2560x128xi32, #tpu.memory_space<hbm>> -> memref<160x128xi32, #tpu.memory_space<hbm>>
      %dma_wait3A_36 = arith.constant 0 : i32
      %dma_wait3A_37 = tpu.memref_slice %arg4[%mul3A_11, %dma_wait3A_36] : memref<2560x128xi32, #tpu.memory_space<hbm>> -> memref<160x128xi32, #tpu.memory_space<hbm>>
      tpu.wait_dma2 semaphore(%run_scoped3A : memref<!tpu.dma_semaphore, #tpu.memory_space<semaphore_mem>>) src(%dma_wait3A_37 : memref<160x128xi32, #tpu.memory_space<hbm>>) dst(%arg9 : memref<160x128xi32, #tpu.memory_space<vmem>>)
      tpu.yield
    }) : () -> ()
    %mul3A_12 = arith.constant 160 : i32
    %mul3A_13 = arith.muli %arg1, %mul3A_12 : i32
    "tpu.region"() ({
      %run_scoped3A = tpu.sem_alloc : memref<!tpu.dma_semaphore, #tpu.memory_space<semaphore_mem>>
      %dma_start3A = arith.constant 0 : i32
      %dma_start3A_32 = tpu.memref_slice %arg5[%mul3A_13, %dma_start3A] : memref<2560x128xi32, #tpu.memory_space<hbm>> -> memref<160x128xi32, #tpu.memory_space<hbm>>
      %dma_start3A_33 = arith.constant 0 : i32
      %dma_start3A_34 = tpu.memref_slice %arg5[%mul3A_13, %dma_start3A_33] : memref<2560x128xi32, #tpu.memory_space<hbm>> -> memref<160x128xi32, #tpu.memory_space<hbm>>
      tpu.enqueue_dma source(%dma_start3A_34 : memref<160x128xi32, #tpu.memory_space<hbm>>) target(%arg10 : memref<160x128xi32, #tpu.memory_space<vmem>>) target_semaphore(%run_scoped3A : memref<!tpu.dma_semaphore, #tpu.memory_space<semaphore_mem>>)
      %dma_wait3A = arith.constant 0 : i32
      %dma_wait3A_35 = tpu.memref_slice %arg5[%mul3A_13, %dma_wait3A] : memref<2560x128xi32, #tpu.memory_space<hbm>> -> memref<160x128xi32, #tpu.memory_space<hbm>>
      %dma_wait3A_36 = arith.constant 0 : i32
      %dma_wait3A_37 = tpu.memref_slice %arg5[%mul3A_13, %dma_wait3A_36] : memref<2560x128xi32, #tpu.memory_space<hbm>> -> memref<160x128xi32, #tpu.memory_space<hbm>>
      tpu.wait_dma2 semaphore(%run_scoped3A : memref<!tpu.dma_semaphore, #tpu.memory_space<semaphore_mem>>) src(%dma_wait3A_37 : memref<160x128xi32, #tpu.memory_space<hbm>>) dst(%arg10 : memref<160x128xi32, #tpu.memory_space<vmem>>)
      tpu.yield
    }) : () -> ()
    %barrier3A = arith.constant 0 : index
    tpu.barrier barrier_id(%barrier3A)
    %eq3A = arith.constant 0 : i32
    %eq3A_14 = arith.cmpi eq, %arg0, %eq3A : i32
    %convert_element_type3A = arith.extui %eq3A_14 : i1 to i32
    %cond3A = arith.constant 0 : i32
    %cond3A_15 = arith.cmpi ne, %convert_element_type3A, %cond3A : i32
    scf.if %cond3A_15 {
      %scan3A = arith.constant 0 : i32
      %scan3A_32 = arith.constant 0 : i32
      %scan3A_33 = arith.constant 160 : i32
      %scan3A_34 = arith.addi %scan3A_32, %scan3A_33 : i32
      %scan3A_35 = arith.constant 1 : i32
      scf.for %scan3A_37 = %scan3A_32 to %scan3A_34 step %scan3A_35  : i32 {
        %dma_start3A = arith.constant 0 : i32
        %dma_start3A_38 = tpu.memref_slice %arg9[%scan3A_37, %dma_start3A] : memref<160x128xi32, #tpu.memory_space<vmem>> -> memref<1x128xi32, #tpu.memory_space<vmem>>
        %dma_start3A_39 = tpu.memref_squeeze %dma_start3A_38 : memref<1x128xi32, #tpu.memory_space<vmem>> -> memref<128xi32, #tpu.memory_space<vmem>>
        %dma_start3A_40 = arith.constant 0 : i32
        %dma_start3A_41 = arith.constant 0 : i32
        %dma_start3A_42 = tpu.memref_slice %arg2[%dma_start3A_40, %dma_start3A_41] : memref<10240x64xf32, #tpu.memory_space<hbm>> -> memref<10240x64xf32, #tpu.memory_space<hbm>>
        tpu.enqueue_indirect_dma source(%dma_start3A_42 : memref<10240x64xf32, #tpu.memory_space<hbm>>) target(%arg11 : memref<128x64xf32, #tpu.memory_space<vmem>>) offsets(%dma_start3A_39 : memref<128xi32, #tpu.memory_space<vmem>>) semaphore(%arg13 : memref<!tpu.dma_semaphore, #tpu.memory_space<semaphore_mem>>)
        %dma_wait3A = arith.constant 0 : i32
        %dma_wait3A_43 = tpu.memref_slice %arg9[%scan3A_37, %dma_wait3A] : memref<160x128xi32, #tpu.memory_space<vmem>> -> memref<1x128xi32, #tpu.memory_space<vmem>>
        %dma_wait3A_44 = tpu.memref_squeeze %dma_wait3A_43 : memref<1x128xi32, #tpu.memory_space<vmem>> -> memref<128xi32, #tpu.memory_space<vmem>>
        %dma_wait3A_45 = arith.constant 0 : i32
        %dma_wait3A_46 = arith.constant 0 : i32
        %dma_wait3A_47 = tpu.memref_slice %arg2[%dma_wait3A_45, %dma_wait3A_46] : memref<10240x64xf32, #tpu.memory_space<hbm>> -> memref<10240x64xf32, #tpu.memory_space<hbm>>
        tpu.wait_indirect_dma semaphore(%arg13 : memref<!tpu.dma_semaphore, #tpu.memory_space<semaphore_mem>>) src(%dma_wait3A_47 : memref<10240x64xf32, #tpu.memory_space<hbm>>) dst(%arg11 : memref<128x64xf32, #tpu.memory_space<vmem>>)
        "tpu.region"() ({
          %run_scoped3A = tpu.sem_alloc : memref<!tpu.dma_semaphore, #tpu.memory_space<semaphore_mem>>
          %dma_start3A_48 = arith.constant 0 : i32
          %dma_start3A_49 = tpu.memref_slice %arg10[%scan3A_37, %dma_start3A_48] : memref<160x128xi32, #tpu.memory_space<vmem>> -> memref<1x128xi32, #tpu.memory_space<vmem>>
          %dma_start3A_50 = tpu.memref_squeeze %dma_start3A_49 : memref<1x128xi32, #tpu.memory_space<vmem>> -> memref<128xi32, #tpu.memory_space<vmem>>
          %dma_start3A_51 = arith.constant 0 : i32
          %dma_start3A_52 = arith.constant 0 : i32
          %dma_start3A_53 = tpu.memref_slice %arg12[%dma_start3A_51, %dma_start3A_52] : memref<10240x64xf32, #tpu.memory_space<vmem_shared>> -> memref<10240x64xf32, #tpu.memory_space<vmem_shared>>
          tpu.enqueue_indirect_dma source(%arg11 : memref<128x64xf32, #tpu.memory_space<vmem>>) target(%dma_start3A_53 : memref<10240x64xf32, #tpu.memory_space<vmem_shared>>) offsets(%dma_start3A_50 : memref<128xi32, #tpu.memory_space<vmem>>) semaphore(%run_scoped3A : memref<!tpu.dma_semaphore, #tpu.memory_space<semaphore_mem>>) {add = true}
          %dma_wait3A_54 = arith.constant 0 : i32
          %dma_wait3A_55 = tpu.memref_slice %arg10[%scan3A_37, %dma_wait3A_54] : memref<160x128xi32, #tpu.memory_space<vmem>> -> memref<1x128xi32, #tpu.memory_space<vmem>>
          %dma_wait3A_56 = tpu.memref_squeeze %dma_wait3A_55 : memref<1x128xi32, #tpu.memory_space<vmem>> -> memref<128xi32, #tpu.memory_space<vmem>>
          %dma_wait3A_57 = arith.constant 0 : i32
          %dma_wait3A_58 = arith.constant 0 : i32
          %dma_wait3A_59 = tpu.memref_slice %arg12[%dma_wait3A_57, %dma_wait3A_58] : memref<10240x64xf32, #tpu.memory_space<vmem_shared>> -> memref<10240x64xf32, #tpu.memory_space<vmem_shared>>
          tpu.wait_indirect_dma semaphore(%run_scoped3A : memref<!tpu.dma_semaphore, #tpu.memory_space<semaphore_mem>>) src(%arg11 : memref<128x64xf32, #tpu.memory_space<vmem>>) dst(%dma_wait3A_59 : memref<10240x64xf32, #tpu.memory_space<vmem_shared>>)
          tpu.yield
        }) : () -> ()
      }
      %scan3A_36 = arith.constant 160 : i32
    } else {
    }
    %eq3A_16 = arith.constant 1 : i32
    %eq3A_17 = arith.cmpi eq, %arg0, %eq3A_16 : i32
    %convert_element_type3A_18 = arith.extui %eq3A_17 : i1 to i32
    %cond3A_19 = arith.constant 0 : i32
    %cond3A_20 = arith.cmpi ne, %convert_element_type3A_18, %cond3A_19 : i32
    scf.if %cond3A_20 {
      %scan3A = arith.constant 0 : i32
      %scan3A_32 = arith.constant 0 : i32
      %scan3A_33 = arith.constant 160 : i32
      %scan3A_34 = arith.addi %scan3A_32, %scan3A_33 : i32
      %scan3A_35 = arith.constant 1 : i32
      scf.for %scan3A_37 = %scan3A_32 to %scan3A_34 step %scan3A_35  : i32 {
        %dma_start3A = arith.constant 0 : i32
        %dma_start3A_38 = tpu.memref_slice %arg9[%scan3A_37, %dma_start3A] : memref<160x128xi32, #tpu.memory_space<vmem>> -> memref<1x128xi32, #tpu.memory_space<vmem>>
        %dma_start3A_39 = tpu.memref_squeeze %dma_start3A_38 : memref<1x128xi32, #tpu.memory_space<vmem>> -> memref<128xi32, #tpu.memory_space<vmem>>
        %dma_start3A_40 = arith.constant 0 : i32
        %dma_start3A_41 = arith.constant 0 : i32
        %dma_start3A_42 = tpu.memref_slice %arg3[%dma_start3A_40, %dma_start3A_41] : memref<10240x64xf32, #tpu.memory_space<hbm>> -> memref<10240x64xf32, #tpu.memory_space<hbm>>
        tpu.enqueue_indirect_dma source(%dma_start3A_42 : memref<10240x64xf32, #tpu.memory_space<hbm>>) target(%arg11 : memref<128x64xf32, #tpu.memory_space<vmem>>) offsets(%dma_start3A_39 : memref<128xi32, #tpu.memory_space<vmem>>) semaphore(%arg13 : memref<!tpu.dma_semaphore, #tpu.memory_space<semaphore_mem>>)
        %dma_wait3A = arith.constant 0 : i32
        %dma_wait3A_43 = tpu.memref_slice %arg9[%scan3A_37, %dma_wait3A] : memref<160x128xi32, #tpu.memory_space<vmem>> -> memref<1x128xi32, #tpu.memory_space<vmem>>
        %dma_wait3A_44 = tpu.memref_squeeze %dma_wait3A_43 : memref<1x128xi32, #tpu.memory_space<vmem>> -> memref<128xi32, #tpu.memory_space<vmem>>
        %dma_wait3A_45 = arith.constant 0 : i32
        %dma_wait3A_46 = arith.constant 0 : i32
        %dma_wait3A_47 = tpu.memref_slice %arg3[%dma_wait3A_45, %dma_wait3A_46] : memref<10240x64xf32, #tpu.memory_space<hbm>> -> memref<10240x64xf32, #tpu.memory_space<hbm>>
        tpu.wait_indirect_dma semaphore(%arg13 : memref<!tpu.dma_semaphore, #tpu.memory_space<semaphore_mem>>) src(%dma_wait3A_47 : memref<10240x64xf32, #tpu.memory_space<hbm>>) dst(%arg11 : memref<128x64xf32, #tpu.memory_space<vmem>>)
        "tpu.region"() ({
          %run_scoped3A = tpu.sem_alloc : memref<!tpu.dma_semaphore, #tpu.memory_space<semaphore_mem>>
          %dma_start3A_48 = arith.constant 0 : i32
          %dma_start3A_49 = tpu.memref_slice %arg10[%scan3A_37, %dma_start3A_48] : memref<160x128xi32, #tpu.memory_space<vmem>> -> memref<1x128xi32, #tpu.memory_space<vmem>>
          %dma_start3A_50 = tpu.memref_squeeze %dma_start3A_49 : memref<1x128xi32, #tpu.memory_space<vmem>> -> memref<128xi32, #tpu.memory_space<vmem>>
          %dma_start3A_51 = arith.constant 0 : i32
          %dma_start3A_52 = arith.constant 0 : i32
          %dma_start3A_53 = tpu.memref_slice %arg12[%dma_start3A_51, %dma_start3A_52] : memref<10240x64xf32, #tpu.memory_space<vmem_shared>> -> memref<10240x64xf32, #tpu.memory_space<vmem_shared>>
          tpu.enqueue_indirect_dma source(%arg11 : memref<128x64xf32, #tpu.memory_space<vmem>>) target(%dma_start3A_53 : memref<10240x64xf32, #tpu.memory_space<vmem_shared>>) offsets(%dma_start3A_50 : memref<128xi32, #tpu.memory_space<vmem>>) semaphore(%run_scoped3A : memref<!tpu.dma_semaphore, #tpu.memory_space<semaphore_mem>>) {add = true}
          %dma_wait3A_54 = arith.constant 0 : i32
          %dma_wait3A_55 = tpu.memref_slice %arg10[%scan3A_37, %dma_wait3A_54] : memref<160x128xi32, #tpu.memory_space<vmem>> -> memref<1x128xi32, #tpu.memory_space<vmem>>
          %dma_wait3A_56 = tpu.memref_squeeze %dma_wait3A_55 : memref<1x128xi32, #tpu.memory_space<vmem>> -> memref<128xi32, #tpu.memory_space<vmem>>
          %dma_wait3A_57 = arith.constant 0 : i32
          %dma_wait3A_58 = arith.constant 0 : i32
          %dma_wait3A_59 = tpu.memref_slice %arg12[%dma_wait3A_57, %dma_wait3A_58] : memref<10240x64xf32, #tpu.memory_space<vmem_shared>> -> memref<10240x64xf32, #tpu.memory_space<vmem_shared>>
          tpu.wait_indirect_dma semaphore(%run_scoped3A : memref<!tpu.dma_semaphore, #tpu.memory_space<semaphore_mem>>) src(%arg11 : memref<128x64xf32, #tpu.memory_space<vmem>>) dst(%dma_wait3A_59 : memref<10240x64xf32, #tpu.memory_space<vmem_shared>>)
          tpu.yield
        }) : () -> ()
      }
      %scan3A_36 = arith.constant 160 : i32
    } else {
    }
    %barrier3A_21 = arith.constant 0 : index
    tpu.barrier barrier_id(%barrier3A_21)
    %eq3A_22 = arith.constant 0 : i32
    %eq3A_23 = arith.cmpi eq, %arg0, %eq3A_22 : i32
    %convert_element_type3A_24 = arith.extui %eq3A_23 : i1 to i32
    %cond3A_25 = arith.constant 0 : i32
    %cond3A_26 = arith.cmpi ne, %convert_element_type3A_24, %cond3A_25 : i32
    scf.if %cond3A_26 {
      "tpu.region"() ({
        %run_scoped3A = tpu.sem_alloc : memref<!tpu.dma_semaphore, #tpu.memory_space<semaphore_mem>>
        %dma_start3A = arith.constant 0 : i32
        %dma_start3A_32 = tpu.memref_slice %arg7[%mul3A_0, %dma_start3A] : memref<10240x64xf32, #tpu.memory_space<hbm>> -> memref<640x64xf32, #tpu.memory_space<hbm>>
        %dma_start3A_33 = arith.constant 0 : i32
        %dma_start3A_34 = tpu.memref_slice %arg12[%mul3A_0, %dma_start3A_33] : memref<10240x64xf32, #tpu.memory_space<vmem_shared>> -> memref<640x64xf32, #tpu.memory_space<vmem_shared>>
        tpu.enqueue_dma source(%dma_start3A_34 : memref<640x64xf32, #tpu.memory_space<vmem_shared>>) target(%dma_start3A_32 : memref<640x64xf32, #tpu.memory_space<hbm>>) target_semaphore(%run_scoped3A : memref<!tpu.dma_semaphore, #tpu.memory_space<semaphore_mem>>)
        %dma_wait3A = arith.constant 0 : i32
        %dma_wait3A_35 = tpu.memref_slice %arg7[%mul3A_0, %dma_wait3A] : memref<10240x64xf32, #tpu.memory_space<hbm>> -> memref<640x64xf32, #tpu.memory_space<hbm>>
        %dma_wait3A_36 = arith.constant 0 : i32
        %dma_wait3A_37 = tpu.memref_slice %arg12[%mul3A_0, %dma_wait3A_36] : memref<10240x64xf32, #tpu.memory_space<vmem_shared>> -> memref<640x64xf32, #tpu.memory_space<vmem_shared>>
        tpu.wait_dma2 semaphore(%run_scoped3A : memref<!tpu.dma_semaphore, #tpu.memory_space<semaphore_mem>>) src(%dma_wait3A_37 : memref<640x64xf32, #tpu.memory_space<vmem_shared>>) dst(%dma_wait3A_35 : memref<640x64xf32, #tpu.memory_space<hbm>>)
        tpu.yield
      }) : () -> ()
    } else {
    }
    %eq3A_27 = arith.constant 1 : i32
    %eq3A_28 = arith.cmpi eq, %arg0, %eq3A_27 : i32
    %convert_element_type3A_29 = arith.extui %eq3A_28 : i1 to i32
    %cond3A_30 = arith.constant 0 : i32
    %cond3A_31 = arith.cmpi ne, %convert_element_type3A_29, %cond3A_30 : i32
    scf.if %cond3A_31 {
      "tpu.region"() ({
        %run_scoped3A = tpu.sem_alloc : memref<!tpu.dma_semaphore, #tpu.memory_space<semaphore_mem>>
        %dma_start3A = arith.constant 0 : i32
        %dma_start3A_32 = tpu.memref_slice %arg8[%mul3A_0, %dma_start3A] : memref<10240x64xf32, #tpu.memory_space<hbm>> -> memref<640x64xf32, #tpu.memory_space<hbm>>
        %dma_start3A_33 = arith.constant 0 : i32
        %dma_start3A_34 = tpu.memref_slice %arg12[%mul3A_0, %dma_start3A_33] : memref<10240x64xf32, #tpu.memory_space<vmem_shared>> -> memref<640x64xf32, #tpu.memory_space<vmem_shared>>
        tpu.enqueue_dma source(%dma_start3A_34 : memref<640x64xf32, #tpu.memory_space<vmem_shared>>) target(%dma_start3A_32 : memref<640x64xf32, #tpu.memory_space<hbm>>) target_semaphore(%run_scoped3A : memref<!tpu.dma_semaphore, #tpu.memory_space<semaphore_mem>>)
        %dma_wait3A = arith.constant 0 : i32
        %dma_wait3A_35 = tpu.memref_slice %arg8[%mul3A_0, %dma_wait3A] : memref<10240x64xf32, #tpu.memory_space<hbm>> -> memref<640x64xf32, #tpu.memory_space<hbm>>
        %dma_wait3A_36 = arith.constant 0 : i32
        %dma_wait3A_37 = tpu.memref_slice %arg12[%mul3A_0, %dma_wait3A_36] : memref<10240x64xf32, #tpu.memory_space<vmem_shared>> -> memref<640x64xf32, #tpu.memory_space<vmem_shared>>
        tpu.wait_dma2 semaphore(%run_scoped3A : memref<!tpu.dma_semaphore, #tpu.memory_space<semaphore_mem>>) src(%dma_wait3A_37 : memref<640x64xf32, #tpu.memory_space<vmem_shared>>) dst(%dma_wait3A_35 : memref<640x64xf32, #tpu.memory_space<hbm>>)
        tpu.yield
      }) : () -> ()
    } else {
    }
    return
  }
}

#map = affine_map<(d0, d1) -> (0, 0)>
module attributes {stable_mosaic.version = 14 : i64} {
  func.func @_spmm_body(%arg0: i32, %arg1: i32, %arg2: memref<10240x64xf32, #tpu.memory_space<hbm>>, %arg3: memref<10240x64xf32, #tpu.memory_space<hbm>>, %arg4: memref<2560x128xi32, #tpu.memory_space<hbm>>, %arg5: memref<2560x128xi32, #tpu.memory_space<hbm>>, %arg6: memref<128x64xf32, #tpu.memory_space<hbm>>, %arg7: memref<10240x64xf32, #tpu.memory_space<hbm>>, %arg8: memref<10240x64xf32, #tpu.memory_space<hbm>>, %arg9: memref<160x128xi32, #tpu.memory_space<vmem>>, %arg10: memref<160x128xi32, #tpu.memory_space<vmem>>, %arg11: memref<128x64xf32, #tpu.memory_space<vmem>>, %arg12: memref<10240x64xf32, #tpu.memory_space<vmem_shared>>, %arg13: memref<!tpu.dma_semaphore, #tpu.memory_space<semaphore_mem>>) attributes {dimension_semantics = [#tpu.dimension_semantics<core_parallel>, #tpu.dimension_semantics<subcore_parallel>], iteration_bounds = array<i64: 2, 16>, scalar_prefetch = 0 : i64, scratch_operands = 5 : i64, tpu.core_type = #tpu.core_type<sc_vector_subcore>, window_params = [{transform_indices = #map}, {transform_indices = #map}, {transform_indices = #map}, {transform_indices = #map}, {transform_indices = #map}, {transform_indices = #map}, {transform_indices = #map}]} {
    %mul3A = arith.constant 640 : i32
    %mul3A_0 = arith.muli %arg1, %mul3A : i32
    %add3A = arith.constant 0 : i32
    %add3A_1 = arith.addi %mul3A_0, %add3A : i32
    "tpu.region"() ({
      %run_scoped3A = tpu.sem_alloc : memref<!tpu.dma_semaphore, #tpu.memory_space<semaphore_mem>>
      %dma_start3A = arith.constant 0 : i32
      %dma_start3A_32 = tpu.memref_slice %arg12[%add3A_1, %dma_start3A] : memref<10240x64xf32, #tpu.memory_space<vmem_shared>> -> memref<128x64xf32, #tpu.memory_space<vmem_shared>>
      tpu.enqueue_dma source(%arg6 : memref<128x64xf32, #tpu.memory_space<hbm>>) target(%dma_start3A_32 : memref<128x64xf32, #tpu.memory_space<vmem_shared>>) target_semaphore(%run_scoped3A : memref<!tpu.dma_semaphore, #tpu.memory_space<semaphore_mem>>)
      %dma_wait3A = arith.constant 0 : i32
      %dma_wait3A_33 = tpu.memref_slice %arg12[%add3A_1, %dma_wait3A] : memref<10240x64xf32, #tpu.memory_space<vmem_shared>> -> memref<128x64xf32, #tpu.memory_space<vmem_shared>>
      tpu.wait_dma2 semaphore(%run_scoped3A : memref<!tpu.dma_semaphore, #tpu.memory_space<semaphore_mem>>) src(%arg6 : memref<128x64xf32, #tpu.memory_space<hbm>>) dst(%dma_wait3A_33 : memref<128x64xf32, #tpu.memory_space<vmem_shared>>)
      tpu.yield
    }) : () -> ()
    %add3A_2 = arith.constant 128 : i32
    %add3A_3 = arith.addi %mul3A_0, %add3A_2 : i32
    "tpu.region"() ({
      %run_scoped3A = tpu.sem_alloc : memref<!tpu.dma_semaphore, #tpu.memory_space<semaphore_mem>>
      %dma_start3A = arith.constant 0 : i32
      %dma_start3A_32 = tpu.memref_slice %arg12[%add3A_3, %dma_start3A] : memref<10240x64xf32, #tpu.memory_space<vmem_shared>> -> memref<128x64xf32, #tpu.memory_space<vmem_shared>>
      tpu.enqueue_dma source(%arg6 : memref<128x64xf32, #tpu.memory_space<hbm>>) target(%dma_start3A_32 : memref<128x64xf32, #tpu.memory_space<vmem_shared>>) target_semaphore(%run_scoped3A : memref<!tpu.dma_semaphore, #tpu.memory_space<semaphore_mem>>)
      %dma_wait3A = arith.constant 0 : i32
      %dma_wait3A_33 = tpu.memref_slice %arg12[%add3A_3, %dma_wait3A] : memref<10240x64xf32, #tpu.memory_space<vmem_shared>> -> memref<128x64xf32, #tpu.memory_space<vmem_shared>>
      tpu.wait_dma2 semaphore(%run_scoped3A : memref<!tpu.dma_semaphore, #tpu.memory_space<semaphore_mem>>) src(%arg6 : memref<128x64xf32, #tpu.memory_space<hbm>>) dst(%dma_wait3A_33 : memref<128x64xf32, #tpu.memory_space<vmem_shared>>)
      tpu.yield
    }) : () -> ()
    %add3A_4 = arith.constant 256 : i32
    %add3A_5 = arith.addi %mul3A_0, %add3A_4 : i32
    "tpu.region"() ({
      %run_scoped3A = tpu.sem_alloc : memref<!tpu.dma_semaphore, #tpu.memory_space<semaphore_mem>>
      %dma_start3A = arith.constant 0 : i32
      %dma_start3A_32 = tpu.memref_slice %arg12[%add3A_5, %dma_start3A] : memref<10240x64xf32, #tpu.memory_space<vmem_shared>> -> memref<128x64xf32, #tpu.memory_space<vmem_shared>>
      tpu.enqueue_dma source(%arg6 : memref<128x64xf32, #tpu.memory_space<hbm>>) target(%dma_start3A_32 : memref<128x64xf32, #tpu.memory_space<vmem_shared>>) target_semaphore(%run_scoped3A : memref<!tpu.dma_semaphore, #tpu.memory_space<semaphore_mem>>)
      %dma_wait3A = arith.constant 0 : i32
      %dma_wait3A_33 = tpu.memref_slice %arg12[%add3A_5, %dma_wait3A] : memref<10240x64xf32, #tpu.memory_space<vmem_shared>> -> memref<128x64xf32, #tpu.memory_space<vmem_shared>>
      tpu.wait_dma2 semaphore(%run_scoped3A : memref<!tpu.dma_semaphore, #tpu.memory_space<semaphore_mem>>) src(%arg6 : memref<128x64xf32, #tpu.memory_space<hbm>>) dst(%dma_wait3A_33 : memref<128x64xf32, #tpu.memory_space<vmem_shared>>)
      tpu.yield
    }) : () -> ()
    %add3A_6 = arith.constant 384 : i32
    %add3A_7 = arith.addi %mul3A_0, %add3A_6 : i32
    "tpu.region"() ({
      %run_scoped3A = tpu.sem_alloc : memref<!tpu.dma_semaphore, #tpu.memory_space<semaphore_mem>>
      %dma_start3A = arith.constant 0 : i32
      %dma_start3A_32 = tpu.memref_slice %arg12[%add3A_7, %dma_start3A] : memref<10240x64xf32, #tpu.memory_space<vmem_shared>> -> memref<128x64xf32, #tpu.memory_space<vmem_shared>>
      tpu.enqueue_dma source(%arg6 : memref<128x64xf32, #tpu.memory_space<hbm>>) target(%dma_start3A_32 : memref<128x64xf32, #tpu.memory_space<vmem_shared>>) target_semaphore(%run_scoped3A : memref<!tpu.dma_semaphore, #tpu.memory_space<semaphore_mem>>)
      %dma_wait3A = arith.constant 0 : i32
      %dma_wait3A_33 = tpu.memref_slice %arg12[%add3A_7, %dma_wait3A] : memref<10240x64xf32, #tpu.memory_space<vmem_shared>> -> memref<128x64xf32, #tpu.memory_space<vmem_shared>>
      tpu.wait_dma2 semaphore(%run_scoped3A : memref<!tpu.dma_semaphore, #tpu.memory_space<semaphore_mem>>) src(%arg6 : memref<128x64xf32, #tpu.memory_space<hbm>>) dst(%dma_wait3A_33 : memref<128x64xf32, #tpu.memory_space<vmem_shared>>)
      tpu.yield
    }) : () -> ()
    %add3A_8 = arith.constant 512 : i32
    %add3A_9 = arith.addi %mul3A_0, %add3A_8 : i32
    "tpu.region"() ({
      %run_scoped3A = tpu.sem_alloc : memref<!tpu.dma_semaphore, #tpu.memory_space<semaphore_mem>>
      %dma_start3A = arith.constant 0 : i32
      %dma_start3A_32 = tpu.memref_slice %arg12[%add3A_9, %dma_start3A] : memref<10240x64xf32, #tpu.memory_space<vmem_shared>> -> memref<128x64xf32, #tpu.memory_space<vmem_shared>>
      tpu.enqueue_dma source(%arg6 : memref<128x64xf32, #tpu.memory_space<hbm>>) target(%dma_start3A_32 : memref<128x64xf32, #tpu.memory_space<vmem_shared>>) target_semaphore(%run_scoped3A : memref<!tpu.dma_semaphore, #tpu.memory_space<semaphore_mem>>)
      %dma_wait3A = arith.constant 0 : i32
      %dma_wait3A_33 = tpu.memref_slice %arg12[%add3A_9, %dma_wait3A] : memref<10240x64xf32, #tpu.memory_space<vmem_shared>> -> memref<128x64xf32, #tpu.memory_space<vmem_shared>>
      tpu.wait_dma2 semaphore(%run_scoped3A : memref<!tpu.dma_semaphore, #tpu.memory_space<semaphore_mem>>) src(%arg6 : memref<128x64xf32, #tpu.memory_space<hbm>>) dst(%dma_wait3A_33 : memref<128x64xf32, #tpu.memory_space<vmem_shared>>)
      tpu.yield
    }) : () -> ()
    %mul3A_10 = arith.constant 160 : i32
    %mul3A_11 = arith.muli %arg1, %mul3A_10 : i32
    "tpu.region"() ({
      %run_scoped3A = tpu.sem_alloc : memref<!tpu.dma_semaphore, #tpu.memory_space<semaphore_mem>>
      %dma_start3A = arith.constant 0 : i32
      %dma_start3A_32 = tpu.memref_slice %arg4[%mul3A_11, %dma_start3A] : memref<2560x128xi32, #tpu.memory_space<hbm>> -> memref<160x128xi32, #tpu.memory_space<hbm>>
      %dma_start3A_33 = arith.constant 0 : i32
      %dma_start3A_34 = tpu.memref_slice %arg4[%mul3A_11, %dma_start3A_33] : memref<2560x128xi32, #tpu.memory_space<hbm>> -> memref<160x128xi32, #tpu.memory_space<hbm>>
      tpu.enqueue_dma source(%dma_start3A_34 : memref<160x128xi32, #tpu.memory_space<hbm>>) target(%arg9 : memref<160x128xi32, #tpu.memory_space<vmem>>) target_semaphore(%run_scoped3A : memref<!tpu.dma_semaphore, #tpu.memory_space<semaphore_mem>>)
      %dma_wait3A = arith.constant 0 : i32
      %dma_wait3A_35 = tpu.memref_slice %arg4[%mul3A_11, %dma_wait3A] : memref<2560x128xi32, #tpu.memory_space<hbm>> -> memref<160x128xi32, #tpu.memory_space<hbm>>
      %dma_wait3A_36 = arith.constant 0 : i32
      %dma_wait3A_37 = tpu.memref_slice %arg4[%mul3A_11, %dma_wait3A_36] : memref<2560x128xi32, #tpu.memory_space<hbm>> -> memref<160x128xi32, #tpu.memory_space<hbm>>
      tpu.wait_dma2 semaphore(%run_scoped3A : memref<!tpu.dma_semaphore, #tpu.memory_space<semaphore_mem>>) src(%dma_wait3A_37 : memref<160x128xi32, #tpu.memory_space<hbm>>) dst(%arg9 : memref<160x128xi32, #tpu.memory_space<vmem>>)
      tpu.yield
    }) : () -> ()
    %mul3A_12 = arith.constant 160 : i32
    %mul3A_13 = arith.muli %arg1, %mul3A_12 : i32
    "tpu.region"() ({
      %run_scoped3A = tpu.sem_alloc : memref<!tpu.dma_semaphore, #tpu.memory_space<semaphore_mem>>
      %dma_start3A = arith.constant 0 : i32
      %dma_start3A_32 = tpu.memref_slice %arg5[%mul3A_13, %dma_start3A] : memref<2560x128xi32, #tpu.memory_space<hbm>> -> memref<160x128xi32, #tpu.memory_space<hbm>>
      %dma_start3A_33 = arith.constant 0 : i32
      %dma_start3A_34 = tpu.memref_slice %arg5[%mul3A_13, %dma_start3A_33] : memref<2560x128xi32, #tpu.memory_space<hbm>> -> memref<160x128xi32, #tpu.memory_space<hbm>>
      tpu.enqueue_dma source(%dma_start3A_34 : memref<160x128xi32, #tpu.memory_space<hbm>>) target(%arg10 : memref<160x128xi32, #tpu.memory_space<vmem>>) target_semaphore(%run_scoped3A : memref<!tpu.dma_semaphore, #tpu.memory_space<semaphore_mem>>)
      %dma_wait3A = arith.constant 0 : i32
      %dma_wait3A_35 = tpu.memref_slice %arg5[%mul3A_13, %dma_wait3A] : memref<2560x128xi32, #tpu.memory_space<hbm>> -> memref<160x128xi32, #tpu.memory_space<hbm>>
      %dma_wait3A_36 = arith.constant 0 : i32
      %dma_wait3A_37 = tpu.memref_slice %arg5[%mul3A_13, %dma_wait3A_36] : memref<2560x128xi32, #tpu.memory_space<hbm>> -> memref<160x128xi32, #tpu.memory_space<hbm>>
      tpu.wait_dma2 semaphore(%run_scoped3A : memref<!tpu.dma_semaphore, #tpu.memory_space<semaphore_mem>>) src(%dma_wait3A_37 : memref<160x128xi32, #tpu.memory_space<hbm>>) dst(%arg10 : memref<160x128xi32, #tpu.memory_space<vmem>>)
      tpu.yield
    }) : () -> ()
    %barrier3A = arith.constant 0 : index
    tpu.barrier barrier_id(%barrier3A)
    %eq3A = arith.constant 0 : i32
    %eq3A_14 = arith.cmpi eq, %arg0, %eq3A : i32
    %convert_element_type3A = arith.extui %eq3A_14 : i1 to i32
    %cond3A = arith.constant 0 : i32
    %cond3A_15 = arith.cmpi ne, %convert_element_type3A, %cond3A : i32
    scf.if %cond3A_15 {
      %scan3A = arith.constant 0 : i32
      %scan3A_32 = arith.constant 0 : i32
      %scan3A_33 = arith.constant 160 : i32
      %scan3A_34 = arith.addi %scan3A_32, %scan3A_33 : i32
      %scan3A_35 = arith.constant 1 : i32
      scf.for %scan3A_37 = %scan3A_32 to %scan3A_34 step %scan3A_35  : i32 {
        %dma_start3A = arith.constant 0 : i32
        %dma_start3A_38 = tpu.memref_slice %arg9[%scan3A_37, %dma_start3A] : memref<160x128xi32, #tpu.memory_space<vmem>> -> memref<1x128xi32, #tpu.memory_space<vmem>>
        %dma_start3A_39 = tpu.memref_squeeze %dma_start3A_38 : memref<1x128xi32, #tpu.memory_space<vmem>> -> memref<128xi32, #tpu.memory_space<vmem>>
        %dma_start3A_40 = arith.constant 0 : i32
        %dma_start3A_41 = arith.constant 0 : i32
        %dma_start3A_42 = tpu.memref_slice %arg2[%dma_start3A_40, %dma_start3A_41] : memref<10240x64xf32, #tpu.memory_space<hbm>> -> memref<10240x64xf32, #tpu.memory_space<hbm>>
        tpu.enqueue_indirect_dma source(%dma_start3A_42 : memref<10240x64xf32, #tpu.memory_space<hbm>>) target(%arg11 : memref<128x64xf32, #tpu.memory_space<vmem>>) offsets(%dma_start3A_39 : memref<128xi32, #tpu.memory_space<vmem>>) semaphore(%arg13 : memref<!tpu.dma_semaphore, #tpu.memory_space<semaphore_mem>>)
        %dma_wait3A = arith.constant 0 : i32
        %dma_wait3A_43 = tpu.memref_slice %arg9[%scan3A_37, %dma_wait3A] : memref<160x128xi32, #tpu.memory_space<vmem>> -> memref<1x128xi32, #tpu.memory_space<vmem>>
        %dma_wait3A_44 = tpu.memref_squeeze %dma_wait3A_43 : memref<1x128xi32, #tpu.memory_space<vmem>> -> memref<128xi32, #tpu.memory_space<vmem>>
        %dma_wait3A_45 = arith.constant 0 : i32
        %dma_wait3A_46 = arith.constant 0 : i32
        %dma_wait3A_47 = tpu.memref_slice %arg2[%dma_wait3A_45, %dma_wait3A_46] : memref<10240x64xf32, #tpu.memory_space<hbm>> -> memref<10240x64xf32, #tpu.memory_space<hbm>>
        tpu.wait_indirect_dma semaphore(%arg13 : memref<!tpu.dma_semaphore, #tpu.memory_space<semaphore_mem>>) src(%dma_wait3A_47 : memref<10240x64xf32, #tpu.memory_space<hbm>>) dst(%arg11 : memref<128x64xf32, #tpu.memory_space<vmem>>)
        "tpu.region"() ({
          %run_scoped3A = tpu.sem_alloc : memref<!tpu.dma_semaphore, #tpu.memory_space<semaphore_mem>>
          %dma_start3A_48 = arith.constant 0 : i32
          %dma_start3A_49 = tpu.memref_slice %arg10[%scan3A_37, %dma_start3A_48] : memref<160x128xi32, #tpu.memory_space<vmem>> -> memref<1x128xi32, #tpu.memory_space<vmem>>
          %dma_start3A_50 = tpu.memref_squeeze %dma_start3A_49 : memref<1x128xi32, #tpu.memory_space<vmem>> -> memref<128xi32, #tpu.memory_space<vmem>>
          %dma_start3A_51 = arith.constant 0 : i32
          %dma_start3A_52 = arith.constant 0 : i32
          %dma_start3A_53 = tpu.memref_slice %arg12[%dma_start3A_51, %dma_start3A_52] : memref<10240x64xf32, #tpu.memory_space<vmem_shared>> -> memref<10240x64xf32, #tpu.memory_space<vmem_shared>>
          tpu.enqueue_indirect_dma source(%arg11 : memref<128x64xf32, #tpu.memory_space<vmem>>) target(%dma_start3A_53 : memref<10240x64xf32, #tpu.memory_space<vmem_shared>>) offsets(%dma_start3A_50 : memref<128xi32, #tpu.memory_space<vmem>>) semaphore(%run_scoped3A : memref<!tpu.dma_semaphore, #tpu.memory_space<semaphore_mem>>) {add = true}
          %dma_wait3A_54 = arith.constant 0 : i32
          %dma_wait3A_55 = tpu.memref_slice %arg10[%scan3A_37, %dma_wait3A_54] : memref<160x128xi32, #tpu.memory_space<vmem>> -> memref<1x128xi32, #tpu.memory_space<vmem>>
          %dma_wait3A_56 = tpu.memref_squeeze %dma_wait3A_55 : memref<1x128xi32, #tpu.memory_space<vmem>> -> memref<128xi32, #tpu.memory_space<vmem>>
          %dma_wait3A_57 = arith.constant 0 : i32
          %dma_wait3A_58 = arith.constant 0 : i32
          %dma_wait3A_59 = tpu.memref_slice %arg12[%dma_wait3A_57, %dma_wait3A_58] : memref<10240x64xf32, #tpu.memory_space<vmem_shared>> -> memref<10240x64xf32, #tpu.memory_space<vmem_shared>>
          tpu.wait_indirect_dma semaphore(%run_scoped3A : memref<!tpu.dma_semaphore, #tpu.memory_space<semaphore_mem>>) src(%arg11 : memref<128x64xf32, #tpu.memory_space<vmem>>) dst(%dma_wait3A_59 : memref<10240x64xf32, #tpu.memory_space<vmem_shared>>)
          tpu.yield
        }) : () -> ()
      }
      %scan3A_36 = arith.constant 160 : i32
    } else {
    }
    %eq3A_16 = arith.constant 1 : i32
    %eq3A_17 = arith.cmpi eq, %arg0, %eq3A_16 : i32
    %convert_element_type3A_18 = arith.extui %eq3A_17 : i1 to i32
    %cond3A_19 = arith.constant 0 : i32
    %cond3A_20 = arith.cmpi ne, %convert_element_type3A_18, %cond3A_19 : i32
    scf.if %cond3A_20 {
      %scan3A = arith.constant 0 : i32
      %scan3A_32 = arith.constant 0 : i32
      %scan3A_33 = arith.constant 160 : i32
      %scan3A_34 = arith.addi %scan3A_32, %scan3A_33 : i32
      %scan3A_35 = arith.constant 1 : i32
      scf.for %scan3A_37 = %scan3A_32 to %scan3A_34 step %scan3A_35  : i32 {
        %dma_start3A = arith.constant 0 : i32
        %dma_start3A_38 = tpu.memref_slice %arg9[%scan3A_37, %dma_start3A] : memref<160x128xi32, #tpu.memory_space<vmem>> -> memref<1x128xi32, #tpu.memory_space<vmem>>
        %dma_start3A_39 = tpu.memref_squeeze %dma_start3A_38 : memref<1x128xi32, #tpu.memory_space<vmem>> -> memref<128xi32, #tpu.memory_space<vmem>>
        %dma_start3A_40 = arith.constant 0 : i32
        %dma_start3A_41 = arith.constant 0 : i32
        %dma_start3A_42 = tpu.memref_slice %arg3[%dma_start3A_40, %dma_start3A_41] : memref<10240x64xf32, #tpu.memory_space<hbm>> -> memref<10240x64xf32, #tpu.memory_space<hbm>>
        tpu.enqueue_indirect_dma source(%dma_start3A_42 : memref<10240x64xf32, #tpu.memory_space<hbm>>) target(%arg11 : memref<128x64xf32, #tpu.memory_space<vmem>>) offsets(%dma_start3A_39 : memref<128xi32, #tpu.memory_space<vmem>>) semaphore(%arg13 : memref<!tpu.dma_semaphore, #tpu.memory_space<semaphore_mem>>)
        %dma_wait3A = arith.constant 0 : i32
        %dma_wait3A_43 = tpu.memref_slice %arg9[%scan3A_37, %dma_wait3A] : memref<160x128xi32, #tpu.memory_space<vmem>> -> memref<1x128xi32, #tpu.memory_space<vmem>>
        %dma_wait3A_44 = tpu.memref_squeeze %dma_wait3A_43 : memref<1x128xi32, #tpu.memory_space<vmem>> -> memref<128xi32, #tpu.memory_space<vmem>>
        %dma_wait3A_45 = arith.constant 0 : i32
        %dma_wait3A_46 = arith.constant 0 : i32
        %dma_wait3A_47 = tpu.memref_slice %arg3[%dma_wait3A_45, %dma_wait3A_46] : memref<10240x64xf32, #tpu.memory_space<hbm>> -> memref<10240x64xf32, #tpu.memory_space<hbm>>
        tpu.wait_indirect_dma semaphore(%arg13 : memref<!tpu.dma_semaphore, #tpu.memory_space<semaphore_mem>>) src(%dma_wait3A_47 : memref<10240x64xf32, #tpu.memory_space<hbm>>) dst(%arg11 : memref<128x64xf32, #tpu.memory_space<vmem>>)
        "tpu.region"() ({
          %run_scoped3A = tpu.sem_alloc : memref<!tpu.dma_semaphore, #tpu.memory_space<semaphore_mem>>
          %dma_start3A_48 = arith.constant 0 : i32
          %dma_start3A_49 = tpu.memref_slice %arg10[%scan3A_37, %dma_start3A_48] : memref<160x128xi32, #tpu.memory_space<vmem>> -> memref<1x128xi32, #tpu.memory_space<vmem>>
          %dma_start3A_50 = tpu.memref_squeeze %dma_start3A_49 : memref<1x128xi32, #tpu.memory_space<vmem>> -> memref<128xi32, #tpu.memory_space<vmem>>
          %dma_start3A_51 = arith.constant 0 : i32
          %dma_start3A_52 = arith.constant 0 : i32
          %dma_start3A_53 = tpu.memref_slice %arg12[%dma_start3A_51, %dma_start3A_52] : memref<10240x64xf32, #tpu.memory_space<vmem_shared>> -> memref<10240x64xf32, #tpu.memory_space<vmem_shared>>
          tpu.enqueue_indirect_dma source(%arg11 : memref<128x64xf32, #tpu.memory_space<vmem>>) target(%dma_start3A_53 : memref<10240x64xf32, #tpu.memory_space<vmem_shared>>) offsets(%dma_start3A_50 : memref<128xi32, #tpu.memory_space<vmem>>) semaphore(%run_scoped3A : memref<!tpu.dma_semaphore, #tpu.memory_space<semaphore_mem>>) {add = true}
          %dma_wait3A_54 = arith.constant 0 : i32
          %dma_wait3A_55 = tpu.memref_slice %arg10[%scan3A_37, %dma_wait3A_54] : memref<160x128xi32, #tpu.memory_space<vmem>> -> memref<1x128xi32, #tpu.memory_space<vmem>>
          %dma_wait3A_56 = tpu.memref_squeeze %dma_wait3A_55 : memref<1x128xi32, #tpu.memory_space<vmem>> -> memref<128xi32, #tpu.memory_space<vmem>>
          %dma_wait3A_57 = arith.constant 0 : i32
          %dma_wait3A_58 = arith.constant 0 : i32
          %dma_wait3A_59 = tpu.memref_slice %arg12[%dma_wait3A_57, %dma_wait3A_58] : memref<10240x64xf32, #tpu.memory_space<vmem_shared>> -> memref<10240x64xf32, #tpu.memory_space<vmem_shared>>
          tpu.wait_indirect_dma semaphore(%run_scoped3A : memref<!tpu.dma_semaphore, #tpu.memory_space<semaphore_mem>>) src(%arg11 : memref<128x64xf32, #tpu.memory_space<vmem>>) dst(%dma_wait3A_59 : memref<10240x64xf32, #tpu.memory_space<vmem_shared>>)
          tpu.yield
        }) : () -> ()
      }
      %scan3A_36 = arith.constant 160 : i32
    } else {
    }
    %barrier3A_21 = arith.constant 0 : index
    tpu.barrier barrier_id(%barrier3A_21)
    %eq3A_22 = arith.constant 0 : i32
    %eq3A_23 = arith.cmpi eq, %arg0, %eq3A_22 : i32
    %convert_element_type3A_24 = arith.extui %eq3A_23 : i1 to i32
    %cond3A_25 = arith.constant 0 : i32
    %cond3A_26 = arith.cmpi ne, %convert_element_type3A_24, %cond3A_25 : i32
    scf.if %cond3A_26 {
      "tpu.region"() ({
        %run_scoped3A = tpu.sem_alloc : memref<!tpu.dma_semaphore, #tpu.memory_space<semaphore_mem>>
        %dma_start3A = arith.constant 0 : i32
        %dma_start3A_32 = tpu.memref_slice %arg7[%mul3A_0, %dma_start3A] : memref<10240x64xf32, #tpu.memory_space<hbm>> -> memref<640x64xf32, #tpu.memory_space<hbm>>
        %dma_start3A_33 = arith.constant 0 : i32
        %dma_start3A_34 = tpu.memref_slice %arg12[%mul3A_0, %dma_start3A_33] : memref<10240x64xf32, #tpu.memory_space<vmem_shared>> -> memref<640x64xf32, #tpu.memory_space<vmem_shared>>
        tpu.enqueue_dma source(%dma_start3A_34 : memref<640x64xf32, #tpu.memory_space<vmem_shared>>) target(%dma_start3A_32 : memref<640x64xf32, #tpu.memory_space<hbm>>) target_semaphore(%run_scoped3A : memref<!tpu.dma_semaphore, #tpu.memory_space<semaphore_mem>>)
        %dma_wait3A = arith.constant 0 : i32
        %dma_wait3A_35 = tpu.memref_slice %arg7[%mul3A_0, %dma_wait3A] : memref<10240x64xf32, #tpu.memory_space<hbm>> -> memref<640x64xf32, #tpu.memory_space<hbm>>
        %dma_wait3A_36 = arith.constant 0 : i32
        %dma_wait3A_37 = tpu.memref_slice %arg12[%mul3A_0, %dma_wait3A_36] : memref<10240x64xf32, #tpu.memory_space<vmem_shared>> -> memref<640x64xf32, #tpu.memory_space<vmem_shared>>
        tpu.wait_dma2 semaphore(%run_scoped3A : memref<!tpu.dma_semaphore, #tpu.memory_space<semaphore_mem>>) src(%dma_wait3A_37 : memref<640x64xf32, #tpu.memory_space<vmem_shared>>) dst(%dma_wait3A_35 : memref<640x64xf32, #tpu.memory_space<hbm>>)
        tpu.yield
      }) : () -> ()
    } else {
    }
    %eq3A_27 = arith.constant 1 : i32
    %eq3A_28 = arith.cmpi eq, %arg0, %eq3A_27 : i32
    %convert_element_type3A_29 = arith.extui %eq3A_28 : i1 to i32
    %cond3A_30 = arith.constant 0 : i32
    %cond3A_31 = arith.cmpi ne, %convert_element_type3A_29, %cond3A_30 : i32
    scf.if %cond3A_31 {
      "tpu.region"() ({
        %run_scoped3A = tpu.sem_alloc : memref<!tpu.dma_semaphore, #tpu.memory_space<semaphore_mem>>
        %dma_start3A = arith.constant 0 : i32
        %dma_start3A_32 = tpu.memref_slice %arg8[%mul3A_0, %dma_start3A] : memref<10240x64xf32, #tpu.memory_space<hbm>> -> memref<640x64xf32, #tpu.memory_space<hbm>>
        %dma_start3A_33 = arith.constant 0 : i32
        %dma_start3A_34 = tpu.memref_slice %arg12[%mul3A_0, %dma_start3A_33] : memref<10240x64xf32, #tpu.memory_space<vmem_shared>> -> memref<640x64xf32, #tpu.memory_space<vmem_shared>>
        tpu.enqueue_dma source(%dma_start3A_34 : memref<640x64xf32, #tpu.memory_space<vmem_shared>>) target(%dma_start3A_32 : memref<640x64xf32, #tpu.memory_space<hbm>>) target_semaphore(%run_scoped3A : memref<!tpu.dma_semaphore, #tpu.memory_space<semaphore_mem>>)
        %dma_wait3A = arith.constant 0 : i32
        %dma_wait3A_35 = tpu.memref_slice %arg8[%mul3A_0, %dma_wait3A] : memref<10240x64xf32, #tpu.memory_space<hbm>> -> memref<640x64xf32, #tpu.memory_space<hbm>>
        %dma_wait3A_36 = arith.constant 0 : i32
        %dma_wait3A_37 = tpu.memref_slice %arg12[%mul3A_0, %dma_wait3A_36] : memref<10240x64xf32, #tpu.memory_space<vmem_shared>> -> memref<640x64xf32, #tpu.memory_space<vmem_shared>>
        tpu.wait_dma2 semaphore(%run_scoped3A : memref<!tpu.dma_semaphore, #tpu.memory_space<semaphore_mem>>) src(%dma_wait3A_37 : memref<640x64xf32, #tpu.memory_space<vmem_shared>>) dst(%dma_wait3A_35 : memref<640x64xf32, #tpu.memory_space<hbm>>)
        tpu.yield
      }) : () -> ()
    } else {
    }
    return
  }
}

module attributes {stable_mosaic.version = 14 : i64} {
  func.func @_center_body(%arg0: i32, %arg1: memref<1024x128xf32, #tpu.memory_space<vmem>>, %arg2: memref<1024x64xf32, #tpu.memory_space<vmem>>, %arg3: memref<1024x64xf32, #tpu.memory_space<vmem>>) attributes {dimension_semantics = [#tpu.dimension_semantics<arbitrary>], iteration_bounds = array<i64: 10>, scalar_prefetch = 0 : i64, scratch_operands = 0 : i64, tpu.core_type = #tpu.core_type<tc>, window_params = [{transform_indices = @transform_0, window_bounds = array<i64: 1024, 128>}, {transform_indices = @transform_1, window_bounds = array<i64: 1024, 64>}, {transform_indices = @transform_2, window_bounds = array<i64: 1024, 64>}]} {
    %get3A = arith.constant 0 : index
    %get3A_0 = arith.constant 0 : index
    %get3A_1 = vector.load %arg1[%get3A, %get3A_0] : memref<1024x128xf32, #tpu.memory_space<vmem>>, vector<1024x128xf32>
    %reduce_sum3A = arith.constant dense<0.000000e+00> : vector<1024xf32>
    %reduce_sum3A_2 = vector.multi_reduction <add>, %get3A_1, %reduce_sum3A [1] : vector<1024x128xf32> to vector<1024xf32>
    %broadcast_in_dim3A = vector.shape_cast %reduce_sum3A_2 : vector<1024xf32> to vector<1024x1xf32>
    %div3A = arith.constant 1.280000e+02 : f32
    %div3A_3 = vector.broadcast %div3A : f32 to vector<1024x1xf32>
    %div3A_4 = arith.divf %broadcast_in_dim3A, %div3A_3 : vector<1024x1xf32>
    %sub3A = vector.broadcast %div3A_4 : vector<1024x1xf32> to vector<1024x128xf32>
    %sub3A_5 = arith.subf %get3A_1, %sub3A : vector<1024x128xf32>
    %slice3A = vector.extract_strided_slice %sub3A_5 {offsets = [0, 0], sizes = [1024, 64], strides = [1, 1]} : vector<1024x128xf32> to vector<1024x64xf32>
    %swap3A = arith.constant 0 : index
    %swap3A_6 = arith.constant 0 : index
    %swap3A_7 = vector.load %arg2[%swap3A, %swap3A_6] : memref<1024x64xf32, #tpu.memory_space<vmem>>, vector<1024x64xf32>
    tpu.vector_store %arg2[%swap3A, %swap3A_6], %slice3A {strides = array<i32>} : memref<1024x64xf32, #tpu.memory_space<vmem>>, vector<1024x64xf32>,
    %slice3A_8 = vector.extract_strided_slice %sub3A_5 {offsets = [0, 64], sizes = [1024, 64], strides = [1, 1]} : vector<1024x128xf32> to vector<1024x64xf32>
    %swap3A_9 = arith.constant 0 : index
    %swap3A_10 = arith.constant 0 : index
    %swap3A_11 = vector.load %arg3[%swap3A_9, %swap3A_10] : memref<1024x64xf32, #tpu.memory_space<vmem>>, vector<1024x64xf32>
    tpu.vector_store %arg3[%swap3A_9, %swap3A_10], %slice3A_8 {strides = array<i32>} : memref<1024x64xf32, #tpu.memory_space<vmem>>, vector<1024x64xf32>,
    return
  }
  func.func @transform_0(%arg0: i32) -> (i32, i32) {
    %c0_i32 = arith.constant 0 : i32
    %c0_i32_0 = arith.constant 0 : i32
    return %arg0, %c0_i32 : i32, i32
  }
  func.func @transform_1(%arg0: i32) -> (i32, i32) {
    %c0_i32 = arith.constant 0 : i32
    %c0_i32_0 = arith.constant 0 : i32
    return %arg0, %c0_i32 : i32, i32
  }
  func.func @transform_2(%arg0: i32) -> (i32, i32) {
    %c0_i32 = arith.constant 0 : i32
    %c0_i32_0 = arith.constant 0 : i32
    return %arg0, %c0_i32 : i32, i32
  }
}

module attributes {stable_mosaic.version = 14 : i64} {
  func.func @_final_body(%arg0: i32, %arg1: memref<1024x64xf32, #tpu.memory_space<vmem>>, %arg2: memref<1024x64xf32, #tpu.memory_space<vmem>>, %arg3: memref<1024x128xf32, #tpu.memory_space<vmem>>, %arg4: memref<1024x128xf32, #tpu.memory_space<vmem>>) attributes {dimension_semantics = [#tpu.dimension_semantics<arbitrary>], iteration_bounds = array<i64: 10>, scalar_prefetch = 0 : i64, scratch_operands = 0 : i64, tpu.core_type = #tpu.core_type<tc>, window_params = [{transform_indices = @transform_0, window_bounds = array<i64: 1024, 64>}, {transform_indices = @transform_1, window_bounds = array<i64: 1024, 64>}, {transform_indices = @transform_2, window_bounds = array<i64: 1024, 128>}, {transform_indices = @transform_3, window_bounds = array<i64: 1024, 128>}]} {
    %get3A = arith.constant 0 : index
    %get3A_0 = arith.constant 0 : index
    %get3A_1 = vector.load %arg1[%get3A, %get3A_0] : memref<1024x64xf32, #tpu.memory_space<vmem>>, vector<1024x64xf32>
    %get3A_2 = arith.constant 0 : index
    %get3A_3 = arith.constant 0 : index
    %get3A_4 = vector.load %arg2[%get3A_2, %get3A_3] : memref<1024x64xf32, #tpu.memory_space<vmem>>, vector<1024x64xf32>
    %concatenate3A = tpu.concatenate %get3A_1, %get3A_4 in 1 : vector<1024x64xf32>, vector<1024x64xf32> -> vector<1024x128xf32>
    %swap3A = arith.constant 0 : index
    %swap3A_5 = arith.constant 0 : index
    %swap3A_6 = vector.load %arg3[%swap3A, %swap3A_5] : memref<1024x128xf32, #tpu.memory_space<vmem>>, vector<1024x128xf32>
    tpu.vector_store %arg3[%swap3A, %swap3A_5], %concatenate3A {strides = array<i32>} : memref<1024x128xf32, #tpu.memory_space<vmem>>, vector<1024x128xf32>,
    %reduce_max3A = arith.constant dense<0xFF800000> : vector<1024xf32>
    %reduce_max3A_7 = vector.multi_reduction <maximumf>, %concatenate3A, %reduce_max3A [1] : vector<1024x128xf32> to vector<1024xf32>
    %broadcast_in_dim3A = vector.shape_cast %reduce_max3A_7 : vector<1024xf32> to vector<1024x1xf32>
    %sub3A = vector.broadcast %broadcast_in_dim3A : vector<1024x1xf32> to vector<1024x128xf32>
    %sub3A_8 = arith.subf %concatenate3A, %sub3A : vector<1024x128xf32>
    %exp3A = math.exp %sub3A_8 : vector<1024x128xf32>
    %sub3A_9 = vector.broadcast %broadcast_in_dim3A : vector<1024x1xf32> to vector<1024x128xf32>
    %sub3A_10 = arith.subf %concatenate3A, %sub3A_9 : vector<1024x128xf32>
    %reduce_sum3A = arith.constant dense<0.000000e+00> : vector<1024xf32>
    %reduce_sum3A_11 = vector.multi_reduction <add>, %exp3A, %reduce_sum3A [1] : vector<1024x128xf32> to vector<1024xf32>
    %broadcast_in_dim3A_12 = vector.shape_cast %reduce_sum3A_11 : vector<1024xf32> to vector<1024x1xf32>
    %log3A = math.log %broadcast_in_dim3A_12 : vector<1024x1xf32>
    %sub3A_13 = vector.broadcast %log3A : vector<1024x1xf32> to vector<1024x128xf32>
    %sub3A_14 = arith.subf %sub3A_10, %sub3A_13 : vector<1024x128xf32>
    %swap3A_15 = arith.constant 0 : index
    %swap3A_16 = arith.constant 0 : index
    %swap3A_17 = vector.load %arg4[%swap3A_15, %swap3A_16] : memref<1024x128xf32, #tpu.memory_space<vmem>>, vector<1024x128xf32>
    tpu.vector_store %arg4[%swap3A_15, %swap3A_16], %sub3A_14 {strides = array<i32>} : memref<1024x128xf32, #tpu.memory_space<vmem>>, vector<1024x128xf32>,
    return
  }
  func.func @transform_0(%arg0: i32) -> (i32, i32) {
    %c0_i32 = arith.constant 0 : i32
    %c0_i32_0 = arith.constant 0 : i32
    return %arg0, %c0_i32 : i32, i32
  }
  func.func @transform_1(%arg0: i32) -> (i32, i32) {
    %c0_i32 = arith.constant 0 : i32
    %c0_i32_0 = arith.constant 0 : i32
    return %arg0, %c0_i32 : i32, i32
  }
  func.func @transform_2(%arg0: i32) -> (i32, i32) {
    %c0_i32 = arith.constant 0 : i32
    %c0_i32_0 = arith.constant 0 : i32
    return %arg0, %c0_i32 : i32, i32
  }
  func.func @transform_3(%arg0: i32) -> (i32, i32) {
    %c0_i32 = arith.constant 0 : i32
    %c0_i32_0 = arith.constant 0 : i32
    return %arg0, %c0_i32 : i32, i32
  }
}

</mosaic_0001>

<sc_bundles>
// kernel: _run.12.cloned.1.call-start
scs
__scs_entry_jumppad:
0x0: {  	(pc) =	sbr.rel $0x88, $3  }
0x1: {  	(tag) =	ssettag $0x0;
	lr =	simm.s32 $0x1  }
0x2: {  	[smem:$0x3F9F] =	sst lr;
	_ =	strace $0xD0000000  }
0x3: {  	_ = 	snop  }
0x4: {  	_ = 	snop  }
0x5: {  	_ = 	snop  }
0x6: {  	_ = 	snop  }
0x7: {  	_ = 	snop  }
__scs_overlays_trampoline_lowered:
0x8: {  	[smem:$0x3FAE] =	sst s0  }
0x9: {  	[smem:$0x3FAF] =	sst s1  }
0xa: {  	[smem:$0x3FB0] =	sst s2  }
0xb: {  	[smem:$0x3FB1] =	sst s3  }
0xc: {  	[smem:$0x3FB2] =	sst s4  }
0xd: {  	[smem:$0x3FB3] =	sst s5  }
0xe: {  	[smem:$0x3FB4] =	sst s6  }
0xf: {  	[smem:$0x3FB5] =	sst s7  }
0x10: {  	[smem:$0x3FB6] =	sst s8  }
0x11: {  	[smem:$0x3FB7] =	sst s9;
	s0 =	simm.s32 @!p0 $0x0  }
0x12: {  	s1 =	sld [smem:$0x3F9D];
	s0 =	simm.s32 @p0 $0x1  }
0x13: {  	[smem:$0x3FB8] =	sst s0;
	s0 =	simm.s32 @!p1 $0x0  }
0x14: {  	s2 =	sld [smem:$0x3F9C];
	s0 =	simm.s32 @p1 $0x1  }
0x15: {  	[smem:$0x3FB9] =	sst s0;
	s0 =	simm.s32 @!p2 $0x0  }
0x16: {  	s3 =	sld [smem:$0x3FDB];
	s0 =	simm.s32 @p2 $0x1  }
0x17: {  	s4 =	simm.s32 $0x1BF5;
	[smem:$0x3FBB] =	sst s0  }
0x18: {  	s0 =	sld [smem:$0x3F9E];
	_ =	swait.ge [sflag:s4], $0x0  }
0x19: {  	s7 =	sld [smem:$0x3F9F]  }
0x1a: {  	s8 =	sadd.s32 $0xFFFFE003, lr  }
0x1b: {  	s9 =	sadd.s32 $0xFFFFFEF7, lr;
	s5 =	simm.s32 $0xFFFFFFFF;
	p2 =	slt.u32 s8, $0xFFFFF086  }
0x1c: {  	p1 =	slt.u32 s9, $0xF7A;
	s5 =	simm.s32 @!p2 $0x0  }
0x1d: {  	s5 =	simm.s32 @p1 $0x1;
	p0 =	seq.s32 s7, s2  }
0x1e: {  	s7 =	smul.u32 @!p0 $0xF7A, s2;
	p2 =	seq.s32 @!p0 s5, $0x0  }
0x1f: {  	s9 =	smul.u32 $0xF7A, s1;
	s8 =	simm.s32 @!p0 $0x1BF5;
	p2 =	por !p2, p0  }
0x20: {  	[sflag:s8] =	ssyncset.s32 @!p0 $0xFFFFF086;
	s6 =	sadd.s32 @!p0 s3, s7;
	s7 =	simm.s32 @!p0 $0x108  }
0x21: {  	s3 =	sadd.s32 s3, s9;
	s6 =	sadd.s32 @!p0 $0x88, s6;
	s7 =	simm.s32 @p2 $0x1082  }
0x22: {  	[simem:s7], [sflag:s8] =	dma.local @!p0 [hbm:s6], $0xF7A  }
0x23: {  	s9 =	sor.u32 $0xD0000000, s2;
	s6 =	simm.s32 $0x108;
	_ =	swait.ge @!p0 [sflag:s8], $0x0  }
0x24: {  	s3 =	sadd.s32 $0x88, s3;
	s6 =	simm.s32 @!p1 $0x1082;
	[sflag:s4] =	ssyncset.s32 $0xFFFFF086  }
0x25: {  	[simem:s6], [sflag:s4] =	dma.local [hbm:s3], $0xF7A  }
0x26: {  	[smem:$0x3F9F] =	sst s1;
	(tag) =	ssettag s2;
	_ =	strace s9  }
0x27: {  	s1 =	sld [smem:$0x3FAF]  }
0x28: {  	s2 =	sld [smem:$0x3FB0]  }
0x29: {  	s4 =	sld [smem:$0x3FB2]  }
0x2a: {  	p0 =	seq.s32 s5, $0x0;
	s5 =	sld [smem:$0x3FB3]  }
0x2b: {  	s6 =	sld [smem:$0x3FB4]  }
0x2c: {  	s7 =	sld [smem:$0x3FB5]  }
0x2d: {  	s3 =	simm.s32 $0x108;
	s8 =	sld [smem:$0x3FB6]  }
0x2e: {  	s3 =	simm.s32 @!p0 $0x1082;
	s9 =	sld [smem:$0x3FB7]  }
0x2f: {  	lr =	sadd.s32 s0, s3;
	s0 =	sld [smem:$0x3FAE]  }
0x30: {  	s3 =	sld [smem:$0x3FB1]  }
0x31: {  	[smem:$0x3FBA] =	sst s10  }
0x32: {  	s10 =	sld [smem:$0x3FB8];
	_ =	sdelay $0x3  }
0x33: {  	p0 =	seq.s32 s10, $0x1;
	s10 =	sld [smem:$0x3FBA];
	_ =	sdelay $0x3  }
0x34: {  	[smem:$0x3FBA] =	sst s10  }
0x35: {  	s10 =	sld [smem:$0x3FB9];
	_ =	sdelay $0x3  }
0x36: {  	p1 =	seq.s32 s10, $0x1;
	s10 =	sld [smem:$0x3FBA];
	_ =	sdelay $0x3  }
0x37: {  	[smem:$0x3FBA] =	sst s10  }
0x38: {  	s10 =	sld [smem:$0x3FBB]  }
0x39: {  	_ = 	snop;
	(pc) =	sbr.ind lr, $3  }
0x3a: {  	_ = 	snop  }
0x3b: {  	_ = 	snop  }
0x3c: {  	p2 =	seq.s32 s10, $0x1;
	s10 =	sld [smem:$0x3FBA]  }
0x3d: {  	_ =	shalt  }
0x3e: {  	_ =	shalt  }
0x3f: {  	_ =	shalt  }
0x40: {  	_ =	shalt  }
0x41: {  	_ =	shalt  }
0x42: {  	_ =	shalt  }
0x43: {  	_ =	shalt  }
0x44: {  	_ =	shalt  }
0x45: {  	_ =	shalt  }
0x46: {  	_ =	shalt  }
0x47: {  	_ =	shalt  }
0x48: {  	_ =	shalt  }
0x49: {  	_ =	shalt  }
0x4a: {  	_ =	shalt  }
0x4b: {  	_ =	shalt  }
0x4c: {  	_ =	shalt  }
0x4d: {  	_ =	shalt  }
0x4e: {  	_ =	shalt  }
0x4f: {  	_ =	shalt  }
0x50: {  	_ =	shalt  }
0x51: {  	_ =	shalt  }
0x52: {  	_ =	shalt  }
0x53: {  	_ =	shalt  }
0x54: {  	_ =	shalt  }
0x55: {  	_ =	shalt  }
0x56: {  	_ =	shalt  }
0x57: {  	_ =	shalt  }
0x58: {  	_ =	shalt  }
0x59: {  	_ =	shalt  }
0x5a: {  	_ =	shalt  }
0x5b: {  	_ =	shalt  }
0x5c: {  	_ =	shalt  }
0x5d: {  	_ =	shalt  }
0x5e: {  	_ =	shalt  }
0x5f: {  	_ =	shalt  }
0x60: {  	_ =	shalt  }
0x61: {  	_ =	shalt  }
0x62: {  	_ =	shalt  }
0x63: {  	_ =	shalt  }
0x64: {  	_ =	shalt  }
0x65: {  	_ =	shalt  }
0x66: {  	_ =	shalt  }
0x67: {  	_ =	shalt  }
0x68: {  	_ =	shalt  }
0x69: {  	_ =	shalt  }
0x6a: {  	_ =	shalt  }
0x6b: {  	_ =	shalt  }
0x6c: {  	_ =	shalt  }
0x6d: {  	_ =	shalt  }
0x6e: {  	_ =	shalt  }
0x6f: {  	_ =	shalt  }
0x70: {  	_ =	shalt  }
0x71: {  	_ =	shalt  }
0x72: {  	_ =	shalt  }
0x73: {  	_ =	shalt  }
0x74: {  	_ =	shalt  }
0x75: {  	_ =	shalt  }
0x76: {  	_ =	shalt  }
0x77: {  	_ =	shalt  }
0x78: {  	_ =	shalt  }
0x79: {  	_ =	shalt  }
0x7a: {  	_ =	shalt  }
0x7b: {  	_ =	shalt  }
0x7c: {  	_ =	shalt  }
0x7d: {  	_ =	shalt  }
0x7e: {  	_ =	shalt  }
0x7f: {  	_ =	shalt  }
0x80: {  	_ =	shalt  }
0x81: {  	_ =	shalt  }
0x82: {  	_ =	shalt  }
0x83: {  	_ =	shalt  }
0x84: {  	_ =	shalt  }
0x85: {  	_ =	shalt  }
0x86: {  	_ =	shalt  }
0x87: {  	_ =	shalt  }
.Lfunc_end0:
.L_simem_size_0:
called_computation_lowered:
.L_overlay_start_0:
0x88: {  	s2 =	sld [smem:$0x3FD9]  }
0x89: {  	s3 =	sld [smem:$0x3FFE];
	_ =	sdelay $0x1  }
0x8a: {  	s1 =	srdreg.scid  }
0x8b: {  	s0 =	sand.u32 $0x1, s1  }
0x8c: {  	s14 =	sshll.u32 s0, $0xA;
	s2 =	sadd.s32 s3, s2  }
0x8d: {  	s2 =	sadd.s32 s2, s14  }
0x8e: {  	[smem:$0x3FC6] =	sst s2  }
0x8f: {  	_ = 	snop  }
0x90: {  	s2 =	sld [smem:$0x3FD0];
	_ =	sdelay $0x2  }
0x91: {  	s15 =	simm.s32 $0xA;
	s4 =	simm.s32 $0x10  }
0x92: {  	[smem:s4], [sflag:s15] =	dma.local [hbm:s2], $0x1  }
0x93: {  	_ =	swait.eq [sflag:s15], $0x1  }
0x94: {  	[sflag:s15] =	ssyncset.done $0x0  }
0x95: {  	s16 =	sld [smem:$0x10];
	[sflag:s15] =	ssyncadd.s32 $0xFFFFFFFF  }
0x96: {  	s17 =	sld [smem:$0x11];
	(tm) =	ssettm $0x1  }
0x97: {  	s18 =	sld [smem:$0x3FFB];
	_ =	sdelay $0x3  }
0x98: {  	_ =	strace s18  }
0x99: {  	s4 =	sld [smem:$0x3FFC];
	_ =	sdelay $0x3  }
0x9a: {  	_ =	strace s4  }
0x9b: {  	s4 =	sld [smem:$0x3FFD];
	_ =	sdelay $0x3  }
0x9c: {  	_ =	strace s4  }
0x9d: {  	_ =	strace $0x8FFFFFFF  }
0x9e: {  	s19 =	sld [smem:$0x3FDB];
	_ =	sdelay $0x1  }
0x9f: {  	s5 =	simm.s32 $_scs_section_size  }
0xa0: {  	s6 =	simm.s32 $_size__tile_overlayer_lowered;
	s7 =	simm.s32 $_tile_overlayer_lowered  }
0xa1: {  	s22 =	simm.s32 $0x1BFF;
	s21 =	sshll.u32 s7, $0x1;
	s4 =	sadd.s32 s5, s19  }
0xa2: {  	s8 =	simm.s32 $0x0;
	s20 =	sshll.u32 s6, $0x1;
	s6 =	sadd.s32 s21, s4  }
0xa3: {  	[timem:s8], [sflag:s22] =	dma.local [hbm:s6], s20  }
0xa4: {  	_ =	swait.ge [sflag:s22], s20  }
0xa5: {  	s5 =	ssub.s32 $0x0, s20;
	[sflag:s22] =	ssyncset.done $0x0  }
0xa6: {  	[sflag:s22] =	ssyncadd.s32 s5;
	_ =	sdelay $0x1  }
0xa7: {  	s23 =	simm.s32 $0x1B8B  }
0xa8: {  	_ =	swait.ge [sflag:s23], $0x1  }
0xa9: {  	[sflag:s23] =	ssyncset.done $0x0  }
0xaa: {  	s25 =	simm.s32 $0x1B8E;
	s24 =	sld [smem:$0x3FFE];
	[sflag:s23] =	ssyncadd.s32 $0xFFFFFFFF  }
0xab: {  	s26 =	simm.s32 $execute0_lowered;
	[smem:$0x3FD2] =	sst s25  }
0xac: {  	s6 =	sshll.u32 s26, $0x1;
	_ =	strace $0x80000046;
	[dreg:$0x1] =	wrdreg $0xFFFFFFFF  }
0xad: {  	s28 =	simm.s32 $_size_execute0_lowered;
	s4 =	sadd.s32 s4, s6;
	[dreg:$0x0] =	wrdreg $0x0  }
0xae: {  	s6 =	sshll.u32 s28, $0x1;
	[dreg:$0x2] =	wrdreg s4  }
0xaf: {  	[dreg:$0x3] =	wrdreg s6  }
0xb0: {  	[dreg:$0x4] =	wrdreg $0xC0  }
0xb1: {  	_ =	task [dreg:s8], $0x5FFFF  }
0xb2: {  	[dreg:$0x1] =	wrdreg $0xFFFFFFFF  }
0xb3: {  	[dreg:$0x0] =	wrdreg $0x60  }
0xb4: {  	[dreg:$0x2] =	wrdreg s17  }
0xb5: {  	[dreg:$0x3] =	wrdreg s16  }
0xb6: {  	[dreg:$0x4] =	wrdreg s24  }
0xb7: {  	[dreg:$0x5] =	wrdreg $0xC0000  }
0xb8: {  	[dreg:$0x6] =	wrdreg $0x9  }
0xb9: {  	_ =	task.clear_ibuf [dreg:s8], $0x7FFFF;
	_ =	strace $0x90000046  }
0xba: {  	s29 =	simm.s32 $0x9;
	_ =	strace $0x80000048  }
0xbb: {  	_ =	swait.ge [sflag:s29], $0x1  }
0xbc: {  	[sflag:s29] =	ssyncadd.s32 $0xFFFFFFFF  }
0xbd: {  	_ =	strace $0x90000048  }
0xbe: {  	_ =	sfence  }
0xbf: {  	s30 =	sld [smem:$0x0];
	_ =	sdelay $0x2  }
0xc0: {  	s31 =	sshll.u32 s1, $0xD;
	s1 =	sshrl.u32 s1, $0x2  }
0xc1: {  	s3 =	sand.u32 $0x4000, s31;
	s1 =	sadd.s32 s1, s30  }
0xc2: {  	s0 =	sor.u32 s3, s0;
	s1 =	sshll.u32 s1, $0x11  }
0xc3: {  	s0 =	sor.u32 s1, s0  }
0xc4: {  	s0 =	sadd.s32 $0x8F2B, s0  }
0xc5: {  	[sflag:s0] =	ssyncadd.remote.s32 $0x1  }
0xc6: {  	_ =	sfence.sel $0xFFFF  }
0xc7: {  	[dreg:$0x0] =	wrdreg $0xFFFFFFFF;
	(pc) =	sbr.abs _section_cstart, $3  }
0xc8: {  	[dreg:$0x1] =	wrdreg $0xFFFFFFFF  }
0xc9: {  	_ =	task.clear_ibuf [dreg:s8], $0x2FFFF;
	_ =	strace $0x9FFFFFFF  }
0xca: {  	(tm) =	ssettm $0x7FFFFFFF  }
0xcb: {  	_ =	shalt  }
tec
execute0_lowered:
.L_overlay_start_1:
0x0: {  	(tag) =	ssettag $0x1  }
0x1: {  	s2 =	rddreg [dreg:$0x0]  }
0x2: {  	s3 =	rddreg [dreg:$0x1]  }
0x3: {  	s8 =	rddreg [dreg:$0x2]  }
0x4: {  	s4 =	rddreg [dreg:$0x3];
	s1 =	stileid.u32  }
0x5: {  	s0 =	rddreg [dreg:$0x4];
	s5 =	simm.s32 $0x0;
	s7 =	srdreg.scid  }
0x6: {  	s21 =	simm.s32 $0x80;
	s22 =	simm.s32 $0xA000;
	s23 =	simm.s32 $0x1  }
0x7: {  	s24 =	simm.s32 $0x0;
	s6 =	smul.u32 $0xA00, s1;
	[smem:$0x7FF] =	sst s5  }
0x8: {  	s14 =	sand.u32 $0x1, s7;
	s10 =	smul.u32 $0x28000, s1;
	s7 =	sadd.s32 $0x18400, s8  }
0x9: {  	s13 =	smul.u32 $0xA000, s1;
	s30 =	sshll.u32 s1, $0x6;
	_ =	strace $0x80000047  }
0xa: {  	s9 =	ssub.s32 $0x2, s14;
	p0 =	sne.s32 s14, $0x0;
	s11 =	sadd.s32 s6, s8  }
0xb: {  	s6 =	sadd.s32 $0x18000, s8;
	s12 =	sshrl.u32 s9, $0x1;
	s8 =	sadd.s32 $0x2C400, s8  }
0xc: {  	s29 =	sshrl.u32 s10, $0x2;
	s16 =	sadd.s32 s13, s4;
	s15 =	ssub.s32 s9, s12  }
0xd: {  	s31 =	sadd.s32 s29, s4;
	s9 =	sor.u32 $0x1C02, s30;
	s10 =	sadd.s32 $0xE000, s11  }
.Ltmp0:
0xe: {  	s11 =	sadd.s32 $0x4000, s11;
	s12 =	sshrl.u32 s13, $0x3;
	(pc) =	sbr.rel .LBB2_1-.Ltmp0, $4  }
0xf: {  	s14 =	sshrl.u32 s16, $0x3;
	s17 =	sadd.s32 $0x2000, s31;
	s18 =	sadd.s32 $0x4000, s31  }
0x10: {  	s19 =	sadd.s32 $0x6000, s31;
	s20 =	sadd.s32 $0x8000, s31;
	s13 =	smax.u32 s15, $0x1  }
0x11: {  	s15 =	simm.s32 $0x2;
	s16 =	sshrl.u32 s17, $0x3;
	s17 =	sshrl.u32 s18, $0x3  }
0x12: {  	s18 =	sshrl.u32 s19, $0x3;
	s19 =	sshrl.u32 s20, $0x3;
	s20 =	simm.s32 $0x5000  }
.LBB2_7:
0x13: {  	s25 =	sshra.s32 s25, $0x2;
	[sflag:s15] =	ssyncadd.s32 $0xFFFFE000  }
0x14: {  	[tilespmem:s22], [sflag:$0x1] =	stream.indirect.gather [hbm4b:s3+s21], $0x40, s25, s21, $0xb8;
	[tilespmem:$0x16000] =	vst v63  }
0x15: {  	_ =	swait.ge [sflag:s23], $0x2000  }
0x16: {  	[sflag:s23] =	ssyncset.done $0x0  }
0x17: {  	s25 =	sadd.s32 $0x5000, s25;
	[sflag:s23] =	ssyncadd.s32 $0xFFFFE000  }
0x18: {  	[spmem:s4] =	stream.indirect.scatter.add.f32 [tilespmem:s22], [sflag:$0x2], $0x40, s25, s21, $0xb8;
	[tilespmem:$0x16000] =	vst v63  }
0x19: {  	_ =	swait.ge [sflag:s15], $0x2000  }
0x1a: {  	[sflag:s15] =	ssyncset.done $0x0  }
0x1b: {  	s25 =	smov.u32 s8;
	[sflag:s15] =	ssyncadd.s32 $0xFFFFE000  }
.LBB2_8:
0x1c: {  	s24 =	sadd.s32 $0x1, s24  }
0x1d: {  	p1 =	sne.s32 s24, s13  }
.Ltmp1:
0x1e: {  	s25 =	sadd.s32 s25, s12;
	[bflag:$0x0] =	sbarrier.arrive $0xFFFF;
	(pc) =	sbr.rel @!p1 .LBB2_9-.Ltmp1, $4  }
0x1f: {  	[hbm:s25], [sflag:s9] =	dma.local [spmem:s14], $0x1400  }
0x20: {  	_ =	swait.ge [sflag:s15], $0x1400  }
0x21: {  	[sflag:s15] =	ssyncset.done $0x0  }
0x22: {  	[sflag:s15] =	ssyncadd.s32 $0xFFFFEC00  }
.LBB2_1:
0x23: {  	[spmem:s14], [sflag:s9] =	dma.local [hbm:s6], $0x400  }
0x24: {  	_ =	swait.ge [sflag:s15], $0x400  }
0x25: {  	[sflag:s15] =	ssyncset.done $0x0  }
0x26: {  	[sflag:s15] =	ssyncadd.s32 $0xFFFFFC00  }
0x27: {  	[spmem:s16], [sflag:s9] =	dma.local [hbm:s6], $0x400  }
0x28: {  	_ =	swait.ge [sflag:s15], $0x400  }
0x29: {  	[sflag:s15] =	ssyncset.done $0x0  }
0x2a: {  	[sflag:s15] =	ssyncadd.s32 $0xFFFFFC00  }
0x2b: {  	[spmem:s17], [sflag:s9] =	dma.local [hbm:s6], $0x400  }
0x2c: {  	_ =	swait.ge [sflag:s15], $0x400  }
0x2d: {  	[sflag:s15] =	ssyncset.done $0x0  }
0x2e: {  	[sflag:s15] =	ssyncadd.s32 $0xFFFFFC00  }
0x2f: {  	[spmem:s18], [sflag:s9] =	dma.local [hbm:s6], $0x400  }
0x30: {  	_ =	swait.ge [sflag:s15], $0x400  }
0x31: {  	[sflag:s15] =	ssyncset.done $0x0  }
0x32: {  	[sflag:s15] =	ssyncadd.s32 $0xFFFFFC00  }
0x33: {  	[spmem:s19], [sflag:s9] =	dma.local [hbm:s6], $0x400  }
0x34: {  	_ =	swait.ge [sflag:s15], $0x400  }
0x35: {  	[sflag:s15] =	ssyncset.done $0x0  }
0x36: {  	[sflag:s15] =	ssyncadd.s32 $0xFFFFFC00  }
0x37: {  	[tilespmem:s5], [sflag:$0x2] =	stream.linear.gather [hbm4b:s10+s5], $0x5000, $0x38;
	[tilespmem:$0x16000] =	vst v63  }
0x38: {  	_ =	swait.ge [sflag:s15], $0x5000  }
0x39: {  	[sflag:s15] =	ssyncset.done $0x0  }
0x3a: {  	[sflag:s15] =	ssyncadd.s32 $0xFFFFB000  }
0x3b: {  	[tilespmem:s20], [sflag:$0x2] =	stream.linear.gather [hbm4b:s11+s5], $0x5000, $0x38;
	[tilespmem:$0x16000] =	vst v63  }
.Ltmp2:
0x3c: {  	_ =	swait.ge [sflag:s15], $0x5000;
	(pc) =	sbr.rel @p0 .LBB2_5-.Ltmp2, $4  }
0x3d: {  	[sflag:s15] =	ssyncset.done $0x0  }
0x3e: {  	[sflag:s15] =	ssyncadd.s32 $0xFFFFB000  }
0x3f: {  	[bflag:$0x0] =	sbarrier.arrive $0xFFFF  }
0x40: {  	s25 =	simm.s32 $0x0  }
0x41: {  	[tilespmem:s22], [sflag:$0x1] =	stream.indirect.gather [hbm4b:s2+s21], $0x40, s25, s21, $0xb8;
	[tilespmem:$0x16000] =	vst v63  }
0x42: {  	_ =	swait.ge [sflag:s23], $0x2000  }
0x43: {  	[sflag:s23] =	ssyncset.done $0x0  }
0x44: {  	s31 =	simm.s32 $0x5000;
	[sflag:s23] =	ssyncadd.s32 $0xFFFFE000  }
0x45: {  	[spmem:s4] =	stream.indirect.scatter.add.f32 [tilespmem:s22], [sflag:$0x2], $0x40, s31, s21, $0xb8;
	[tilespmem:$0x16000] =	vst v63  }
0x46: {  	_ =	swait.ge [sflag:s15], $0x2000  }
0x47: {  	s25 =	simm.s32 $0x200;
	s26 =	simm.s32 $0x400;
	[sflag:s15] =	ssyncset.done $0x0  }
.LBB2_3:
0x48: {  	s28 =	sshra.s32 s25, $0x2  }
0x49: {  	[sflag:s15] =	ssyncadd.s32 $0xFFFFE000;
	s25 =	smov.u32 s26;
	s29 =	sadd.s32 $0x200, s26  }
0x4a: {  	[tilespmem:s22], [sflag:$0x1] =	stream.indirect.gather [hbm4b:s2+s21], $0x40, s28, s21, $0xb8;
	[tilespmem:$0x16000] =	vst v63  }
0x4b: {  	p1 =	seq.s32 s26, $0x13E00;
	_ =	swait.ge [sflag:s23], $0x2000  }
.Ltmp3:
0x4c: {  	[sflag:s23] =	ssyncset.done $0x0;
	(pc) =	sbr.rel @!p1 .LBB2_3-.Ltmp3, $4  }
0x4d: {  	s26 =	sadd.s32 $0x5000, s28;
	[sflag:s23] =	ssyncadd.s32 $0xFFFFE000  }
0x4e: {  	[spmem:s4] =	stream.indirect.scatter.add.f32 [tilespmem:s22], [sflag:$0x2], $0x40, s26, s21, $0xb8;
	[tilespmem:$0x16000] =	vst v63  }
0x4f: {  	_ =	swait.ge [sflag:s15], $0x2000  }
0x50: {  	s26 =	smov.u32 s29;
	[sflag:s15] =	ssyncset.done $0x0  }
0x51: {  	s25 =	sshra.s32 s25, $0x2;
	[sflag:s15] =	ssyncadd.s32 $0xFFFFE000  }
0x52: {  	[tilespmem:s22], [sflag:$0x1] =	stream.indirect.gather [hbm4b:s2+s21], $0x40, s25, s21, $0xb8;
	[tilespmem:$0x16000] =	vst v63  }
0x53: {  	_ =	swait.ge [sflag:s23], $0x2000  }
0x54: {  	[sflag:s23] =	ssyncset.done $0x0  }
.Ltmp4:
0x55: {  	s25 =	sadd.s32 $0x5000, s25;
	[sflag:s23] =	ssyncadd.s32 $0xFFFFE000;
	(pc) =	sbr.rel .LBB2_8-.Ltmp4, $4  }
0x56: {  	[spmem:s4] =	stream.indirect.scatter.add.f32 [tilespmem:s22], [sflag:$0x2], $0x40, s25, s21, $0xb8;
	[tilespmem:$0x16000] =	vst v63  }
0x57: {  	_ =	swait.ge [sflag:s15], $0x2000  }
0x58: {  	[sflag:s15] =	ssyncset.done $0x0  }
0x59: {  	s25 =	smov.u32 s7;
	[sflag:s15] =	ssyncadd.s32 $0xFFFFE000  }
.LBB2_5:
0x5a: {  	[tilespmem:s22], [sflag:$0x1] =	stream.indirect.gather [hbm4b:s3+s21], $0x40, s25, s21, $0xb8;
	[tilespmem:$0x16000] =	vst v63  }
0x5b: {  	_ =	swait.ge [sflag:s23], $0x2000  }
0x5c: {  	[sflag:s23] =	ssyncset.done $0x0  }
0x5d: {  	s31 =	simm.s32 $0x5000;
	[sflag:s23] =	ssyncadd.s32 $0xFFFFE000  }
0x5e: {  	[spmem:s4] =	stream.indirect.scatter.add.f32 [tilespmem:s22], [sflag:$0x2], $0x40, s31, s21, $0xb8;
	[tilespmem:$0x16000] =	vst v63  }
0x5f: {  	_ =	swait.ge [sflag:s15], $0x2000  }
0x60: {  	s25 =	simm.s32 $0x200;
	s26 =	simm.s32 $0x400;
	[sflag:s15] =	ssyncset.done $0x0  }
.LBB2_6:
0x61: {  	s28 =	sshra.s32 s25, $0x2  }
0x62: {  	[sflag:s15] =	ssyncadd.s32 $0xFFFFE000;
	s25 =	smov.u32 s26;
	s29 =	sadd.s32 $0x200, s26  }
0x63: {  	[tilespmem:s22], [sflag:$0x1] =	stream.indirect.gather [hbm4b:s3+s21], $0x40, s28, s21, $0xb8;
	[tilespmem:$0x16000] =	vst v63  }
0x64: {  	p1 =	sne.s32 s26, $0x13E00;
	_ =	swait.ge [sflag:s23], $0x2000  }
.Ltmp5:
0x65: {  	[sflag:s23] =	ssyncset.done $0x0;
	(pc) =	sbr.rel @p1 .LBB2_6-.Ltmp5, $4  }
0x66: {  	s26 =	sadd.s32 $0x5000, s28;
	[sflag:s23] =	ssyncadd.s32 $0xFFFFE000  }
0x67: {  	[spmem:s4] =	stream.indirect.scatter.add.f32 [tilespmem:s22], [sflag:$0x2], $0x40, s26, s21, $0xb8;
	[tilespmem:$0x16000] =	vst v63  }
0x68: {  	_ =	swait.ge [sflag:s15], $0x2000  }
0x69: {  	s26 =	smov.u32 s29;
	[sflag:s15] =	ssyncset.done $0x0  }
.Ltmp6:
0x6a: {  	_ = 	snop;
	(pc) =	sbr.rel .LBB2_7-.Ltmp6, $1  }
0x6b: {  	_ =	sdelay $0x3  }
.LBB2_9:
0x6c: {  	_ =	sfence.sel $0x180000  }
0x6d: {  	[bflag:$0x0] =	sbarrier.arrive $0xFFFF  }
0x6e: {  	p0 =	sne.s32 s1, $0x0;
	_ =	strace $0x90000047  }
0x6f: {  	s0 =	sadd.s32 @!p0 $0x100000, s0;
	[bflag:$0x2] =	sbarrier.arrive $0xFFFF  }
0x70: {  	[sflag:s0] =	ssyncadd.tile.s32 @!p0 $0x1;
	_ =	shalt  }
.Lfunc_end2:
_tile_overlayer_lowered:
.L_overlay_start_2:
0x71: {  	(tag) =	ssettag $0x2  }
0x72: {  	s0 =	rddreg [dreg:$0x0];
	s2 =	stileid.u32  }
0x73: {  	s1 =	rddreg [dreg:$0x1];
	p0 =	sne.s32 s2, $0x0  }
0x74: {  	s3 =	rddreg [dreg:$0x2];
	[bflag:$0x3] =	sbarrier.arrive $0xFFFF;
	s2 =	simm.s32 @!p0 $0x1C02  }
0x75: {  	[timem:s3], [sflag:s2] =	dma.local @!p0 [hbm:s0], s1  }
0x76: {  	s0 =	simm.s32 @!p0 $0x2  }
0x77: {  	_ =	swait.ge @!p0 [sflag:s0], s1  }
0x78: {  	s1 =	ssub.s32 @!p0 $0x0, s1;
	[sflag:s0] =	ssyncset.done @!p0 $0x0  }
0x79: {  	[sflag:s0] =	ssyncadd.s32 @!p0 s1  }
0x7a: {  	[bflag:$0x3] =	sbarrier.arrive $0xFFFF  }
0x7b: {  	_ =	shalt  }

// kernel: _run.15.cloned.1.call-start
scs
__scs_entry_jumppad:
0x0: {  	(pc) =	sbr.rel $0x88, $3  }
0x1: {  	(tag) =	ssettag $0x0;
	lr =	simm.s32 $0x1  }
0x2: {  	[smem:$0x3F9F] =	sst lr;
	_ =	strace $0xD0000000  }
0x3: {  	_ = 	snop  }
0x4: {  	_ = 	snop  }
0x5: {  	_ = 	snop  }
0x6: {  	_ = 	snop  }
0x7: {  	_ = 	snop  }
__scs_overlays_trampoline_lowered:
0x8: {  	[smem:$0x3FAE] =	sst s0  }
0x9: {  	[smem:$0x3FAF] =	sst s1  }
0xa: {  	[smem:$0x3FB0] =	sst s2  }
0xb: {  	[smem:$0x3FB1] =	sst s3  }
0xc: {  	[smem:$0x3FB2] =	sst s4  }
0xd: {  	[smem:$0x3FB3] =	sst s5  }
0xe: {  	[smem:$0x3FB4] =	sst s6  }
0xf: {  	[smem:$0x3FB5] =	sst s7  }
0x10: {  	[smem:$0x3FB6] =	sst s8  }
0x11: {  	[smem:$0x3FB7] =	sst s9;
	s0 =	simm.s32 @!p0 $0x0  }
0x12: {  	s1 =	sld [smem:$0x3F9D];
	s0 =	simm.s32 @p0 $0x1  }
0x13: {  	[smem:$0x3FB8] =	sst s0;
	s0 =	simm.s32 @!p1 $0x0  }
0x14: {  	s2 =	sld [smem:$0x3F9C];
	s0 =	simm.s32 @p1 $0x1  }
0x15: {  	[smem:$0x3FB9] =	sst s0;
	s0 =	simm.s32 @!p2 $0x0  }
0x16: {  	s3 =	sld [smem:$0x3FDB];
	s0 =	simm.s32 @p2 $0x1  }
0x17: {  	s4 =	simm.s32 $0x1BF5;
	[smem:$0x3FBB] =	sst s0  }
0x18: {  	s0 =	sld [smem:$0x3F9E];
	_ =	swait.ge [sflag:s4], $0x0  }
0x19: {  	s7 =	sld [smem:$0x3F9F]  }
0x1a: {  	s8 =	sadd.s32 $0xFFFFE003, lr  }
0x1b: {  	s9 =	sadd.s32 $0xFFFFFEF7, lr;
	s5 =	simm.s32 $0xFFFFFFFF;
	p2 =	slt.u32 s8, $0xFFFFF086  }
0x1c: {  	p1 =	slt.u32 s9, $0xF7A;
	s5 =	simm.s32 @!p2 $0x0  }
0x1d: {  	s5 =	simm.s32 @p1 $0x1;
	p0 =	seq.s32 s7, s2  }
0x1e: {  	s7 =	smul.u32 @!p0 $0xF7A, s2;
	p2 =	seq.s32 @!p0 s5, $0x0  }
0x1f: {  	s9 =	smul.u32 $0xF7A, s1;
	s8 =	simm.s32 @!p0 $0x1BF5;
	p2 =	por !p2, p0  }
0x20: {  	[sflag:s8] =	ssyncset.s32 @!p0 $0xFFFFF086;
	s6 =	sadd.s32 @!p0 s3, s7;
	s7 =	simm.s32 @!p0 $0x108  }
0x21: {  	s3 =	sadd.s32 s3, s9;
	s6 =	sadd.s32 @!p0 $0x88, s6;
	s7 =	simm.s32 @p2 $0x1082  }
0x22: {  	[simem:s7], [sflag:s8] =	dma.local @!p0 [hbm:s6], $0xF7A  }
0x23: {  	s9 =	sor.u32 $0xD0000000, s2;
	s6 =	simm.s32 $0x108;
	_ =	swait.ge @!p0 [sflag:s8], $0x0  }
0x24: {  	s3 =	sadd.s32 $0x88, s3;
	s6 =	simm.s32 @!p1 $0x1082;
	[sflag:s4] =	ssyncset.s32 $0xFFFFF086  }
0x25: {  	[simem:s6], [sflag:s4] =	dma.local [hbm:s3], $0xF7A  }
0x26: {  	[smem:$0x3F9F] =	sst s1;
	(tag) =	ssettag s2;
	_ =	strace s9  }
0x27: {  	s1 =	sld [smem:$0x3FAF]  }
0x28: {  	s2 =	sld [smem:$0x3FB0]  }
0x29: {  	s4 =	sld [smem:$0x3FB2]  }
0x2a: {  	p0 =	seq.s32 s5, $0x0;
	s5 =	sld [smem:$0x3FB3]  }
0x2b: {  	s6 =	sld [smem:$0x3FB4]  }
0x2c: {  	s7 =	sld [smem:$0x3FB5]  }
0x2d: {  	s3 =	simm.s32 $0x108;
	s8 =	sld [smem:$0x3FB6]  }
0x2e: {  	s3 =	simm.s32 @!p0 $0x1082;
	s9 =	sld [smem:$0x3FB7]  }
0x2f: {  	lr =	sadd.s32 s0, s3;
	s0 =	sld [smem:$0x3FAE]  }
0x30: {  	s3 =	sld [smem:$0x3FB1]  }
0x31: {  	[smem:$0x3FBA] =	sst s10  }
0x32: {  	s10 =	sld [smem:$0x3FB8];
	_ =	sdelay $0x3  }
0x33: {  	p0 =	seq.s32 s10, $0x1;
	s10 =	sld [smem:$0x3FBA];
	_ =	sdelay $0x3  }
0x34: {  	[smem:$0x3FBA] =	sst s10  }
0x35: {  	s10 =	sld [smem:$0x3FB9];
	_ =	sdelay $0x3  }
0x36: {  	p1 =	seq.s32 s10, $0x1;
	s10 =	sld [smem:$0x3FBA];
	_ =	sdelay $0x3  }
0x37: {  	[smem:$0x3FBA] =	sst s10  }
0x38: {  	s10 =	sld [smem:$0x3FBB]  }
0x39: {  	_ = 	snop;
	(pc) =	sbr.ind lr, $3  }
0x3a: {  	_ = 	snop  }
0x3b: {  	_ = 	snop  }
0x3c: {  	p2 =	seq.s32 s10, $0x1;
	s10 =	sld [smem:$0x3FBA]  }
0x3d: {  	_ =	shalt  }
0x3e: {  	_ =	shalt  }
0x3f: {  	_ =	shalt  }
0x40: {  	_ =	shalt  }
0x41: {  	_ =	shalt  }
0x42: {  	_ =	shalt  }
0x43: {  	_ =	shalt  }
0x44: {  	_ =	shalt  }
0x45: {  	_ =	shalt  }
0x46: {  	_ =	shalt  }
0x47: {  	_ =	shalt  }
0x48: {  	_ =	shalt  }
0x49: {  	_ =	shalt  }
0x4a: {  	_ =	shalt  }
0x4b: {  	_ =	shalt  }
0x4c: {  	_ =	shalt  }
0x4d: {  	_ =	shalt  }
0x4e: {  	_ =	shalt  }
0x4f: {  	_ =	shalt  }
0x50: {  	_ =	shalt  }
0x51: {  	_ =	shalt  }
0x52: {  	_ =	shalt  }
0x53: {  	_ =	shalt  }
0x54: {  	_ =	shalt  }
0x55: {  	_ =	shalt  }
0x56: {  	_ =	shalt  }
0x57: {  	_ =	shalt  }
0x58: {  	_ =	shalt  }
0x59: {  	_ =	shalt  }
0x5a: {  	_ =	shalt  }
0x5b: {  	_ =	shalt  }
0x5c: {  	_ =	shalt  }
0x5d: {  	_ =	shalt  }
0x5e: {  	_ =	shalt  }
0x5f: {  	_ =	shalt  }
0x60: {  	_ =	shalt  }
0x61: {  	_ =	shalt  }
0x62: {  	_ =	shalt  }
0x63: {  	_ =	shalt  }
0x64: {  	_ =	shalt  }
0x65: {  	_ =	shalt  }
0x66: {  	_ =	shalt  }
0x67: {  	_ =	shalt  }
0x68: {  	_ =	shalt  }
0x69: {  	_ =	shalt  }
0x6a: {  	_ =	shalt  }
0x6b: {  	_ =	shalt  }
0x6c: {  	_ =	shalt  }
0x6d: {  	_ =	shalt  }
0x6e: {  	_ =	shalt  }
0x6f: {  	_ =	shalt  }
0x70: {  	_ =	shalt  }
0x71: {  	_ =	shalt  }
0x72: {  	_ =	shalt  }
0x73: {  	_ =	shalt  }
0x74: {  	_ =	shalt  }
0x75: {  	_ =	shalt  }
0x76: {  	_ =	shalt  }
0x77: {  	_ =	shalt  }
0x78: {  	_ =	shalt  }
0x79: {  	_ =	shalt  }
0x7a: {  	_ =	shalt  }
0x7b: {  	_ =	shalt  }
0x7c: {  	_ =	shalt  }
0x7d: {  	_ =	shalt  }
0x7e: {  	_ =	shalt  }
0x7f: {  	_ =	shalt  }
0x80: {  	_ =	shalt  }
0x81: {  	_ =	shalt  }
0x82: {  	_ =	shalt  }
0x83: {  	_ =	shalt  }
0x84: {  	_ =	shalt  }
0x85: {  	_ =	shalt  }
0x86: {  	_ =	shalt  }
0x87: {  	_ =	shalt  }
.Lfunc_end0:
.L_simem_size_0:
called_computation.1_lowered:
.L_overlay_start_0:
0x88: {  	s2 =	sld [smem:$0x3FD9]  }
0x89: {  	s3 =	sld [smem:$0x3FFE];
	_ =	sdelay $0x1  }
0x8a: {  	s1 =	srdreg.scid  }
0x8b: {  	s0 =	sand.u32 $0x1, s1  }
0x8c: {  	s14 =	sshll.u32 s0, $0xA;
	s2 =	sadd.s32 s3, s2  }
0x8d: {  	s2 =	sadd.s32 s2, s14  }
0x8e: {  	[smem:$0x3FC6] =	sst s2  }
0x8f: {  	_ = 	snop  }
0x90: {  	s2 =	sld [smem:$0x3FD0];
	_ =	sdelay $0x2  }
0x91: {  	s15 =	simm.s32 $0xA;
	s4 =	simm.s32 $0x10  }
0x92: {  	[smem:s4], [sflag:s15] =	dma.local [hbm:s2], $0x1  }
0x93: {  	_ =	swait.eq [sflag:s15], $0x1  }
0x94: {  	[sflag:s15] =	ssyncset.done $0x0  }
0x95: {  	s16 =	sld [smem:$0x10];
	[sflag:s15] =	ssyncadd.s32 $0xFFFFFFFF  }
0x96: {  	s17 =	sld [smem:$0x11];
	(tm) =	ssettm $0x1  }
0x97: {  	s18 =	sld [smem:$0x3FFB];
	_ =	sdelay $0x3  }
0x98: {  	_ =	strace s18  }
0x99: {  	s4 =	sld [smem:$0x3FFC];
	_ =	sdelay $0x3  }
0x9a: {  	_ =	strace s4  }
0x9b: {  	s4 =	sld [smem:$0x3FFD];
	_ =	sdelay $0x3  }
0x9c: {  	_ =	strace s4  }
0x9d: {  	_ =	strace $0x8FFFFFFF  }
0x9e: {  	s19 =	sld [smem:$0x3FDB];
	_ =	sdelay $0x1  }
0x9f: {  	s5 =	simm.s32 $_scs_section_size  }
0xa0: {  	s6 =	simm.s32 $_size__tile_overlayer_lowered;
	s7 =	simm.s32 $_tile_overlayer_lowered  }
0xa1: {  	s22 =	simm.s32 $0x1BFF;
	s21 =	sshll.u32 s7, $0x1;
	s4 =	sadd.s32 s5, s19  }
0xa2: {  	s8 =	simm.s32 $0x0;
	s20 =	sshll.u32 s6, $0x1;
	s6 =	sadd.s32 s21, s4  }
0xa3: {  	[timem:s8], [sflag:s22] =	dma.local [hbm:s6], s20  }
0xa4: {  	_ =	swait.ge [sflag:s22], s20  }
0xa5: {  	s5 =	ssub.s32 $0x0, s20;
	[sflag:s22] =	ssyncset.done $0x0  }
0xa6: {  	[sflag:s22] =	ssyncadd.s32 s5;
	_ =	sdelay $0x1  }
0xa7: {  	s23 =	simm.s32 $0x1B8B  }
0xa8: {  	_ =	swait.ge [sflag:s23], $0x1  }
0xa9: {  	[sflag:s23] =	ssyncset.done $0x0  }
0xaa: {  	s25 =	simm.s32 $0x1B8E;
	s24 =	sld [smem:$0x3FFE];
	[sflag:s23] =	ssyncadd.s32 $0xFFFFFFFF  }
0xab: {  	s26 =	simm.s32 $execute0_lowered;
	[smem:$0x3FD2] =	sst s25  }
0xac: {  	s6 =	sshll.u32 s26, $0x1;
	_ =	strace $0x80000049;
	[dreg:$0x1] =	wrdreg $0xFFFFFFFF  }
0xad: {  	s28 =	simm.s32 $_size_execute0_lowered;
	s4 =	sadd.s32 s4, s6;
	[dreg:$0x0] =	wrdreg $0x0  }
0xae: {  	s6 =	sshll.u32 s28, $0x1;
	[dreg:$0x2] =	wrdreg s4  }
0xaf: {  	[dreg:$0x3] =	wrdreg s6  }
0xb0: {  	[dreg:$0x4] =	wrdreg $0xC0  }
0xb1: {  	_ =	task [dreg:s8], $0x5FFFF  }
0xb2: {  	[dreg:$0x1] =	wrdreg $0xFFFFFFFF  }
0xb3: {  	[dreg:$0x0] =	wrdreg $0x60  }
0xb4: {  	[dreg:$0x2] =	wrdreg s24  }
0xb5: {  	[dreg:$0x3] =	wrdreg s17  }
0xb6: {  	[dreg:$0x4] =	wrdreg s16  }
0xb7: {  	[dreg:$0x5] =	wrdreg $0xC0000  }
0xb8: {  	[dreg:$0x6] =	wrdreg $0x9  }
0xb9: {  	_ =	task.clear_ibuf [dreg:s8], $0x7FFFF;
	_ =	strace $0x90000049  }
0xba: {  	s29 =	simm.s32 $0x9;
	_ =	strace $0x8000004B  }
0xbb: {  	_ =	swait.ge [sflag:s29], $0x1  }
0xbc: {  	[sflag:s29] =	ssyncadd.s32 $0xFFFFFFFF  }
0xbd: {  	_ =	strace $0x9000004B  }
0xbe: {  	_ =	sfence  }
0xbf: {  	s30 =	sld [smem:$0x0];
	_ =	sdelay $0x2  }
0xc0: {  	s31 =	sshll.u32 s1, $0xD;
	s1 =	sshrl.u32 s1, $0x2  }
0xc1: {  	s3 =	sand.u32 $0x4000, s31;
	s1 =	sadd.s32 s1, s30  }
0xc2: {  	s0 =	sor.u32 s3, s0;
	s1 =	sshll.u32 s1, $0x11  }
0xc3: {  	s0 =	sor.u32 s1, s0  }
0xc4: {  	s0 =	sadd.s32 $0x8F2B, s0  }
0xc5: {  	[sflag:s0] =	ssyncadd.remote.s32 $0x1  }
0xc6: {  	_ =	sfence.sel $0xFFFF  }
0xc7: {  	[dreg:$0x0] =	wrdreg $0xFFFFFFFF;
	(pc) =	sbr.abs _section_cstart, $3  }
0xc8: {  	[dreg:$0x1] =	wrdreg $0xFFFFFFFF  }
0xc9: {  	_ =	task.clear_ibuf [dreg:s8], $0x2FFFF;
	_ =	strace $0x9FFFFFFF  }
0xca: {  	(tm) =	ssettm $0x7FFFFFFF  }
0xcb: {  	_ =	shalt  }
tec
execute0_lowered:
.L_overlay_start_1:
0x0: {  	(tag) =	ssettag $0x1  }
0x1: {  	s8 =	rddreg [dreg:$0x0]  }
0x2: {  	s1 =	rddreg [dreg:$0x1]  }
0x3: {  	s2 =	rddreg [dreg:$0x2]  }
0x4: {  	s3 =	rddreg [dreg:$0x3]  }
0x5: {  	s0 =	rddreg [dreg:$0x4]  }
0x6: {  	s5 =	simm.s32 $0x0;
	s4 =	stileid.u32;
	s7 =	srdreg.scid  }
0x7: {  	s21 =	simm.s32 $0x80;
	s22 =	simm.s32 $0xA000;
	s23 =	simm.s32 $0x1  }
0x8: {  	s24 =	simm.s32 $0x0;
	[smem:$0x7FF] =	sst s5;
	s9 =	smul.u32 $0xA00, s4  }
0x9: {  	s6 =	sadd.s32 $0x18400, s8;
	s14 =	sand.u32 $0x1, s7;
	s11 =	smul.u32 $0x28000, s4  }
0xa: {  	s7 =	sadd.s32 $0x2C400, s8;
	s13 =	smul.u32 $0xA000, s4;
	s31 =	sshll.u32 s4, $0x6  }
0xb: {  	_ =	strace $0x8000004A;
	s10 =	ssub.s32 $0x2, s14;
	p0 =	sne.s32 s14, $0x0  }
0xc: {  	s12 =	sadd.s32 s9, s8;
	s29 =	sshrl.u32 s10, $0x1;
	s8 =	sadd.s32 $0x18000, s8  }
0xd: {  	s30 =	sshrl.u32 s11, $0x2;
	s16 =	sadd.s32 s13, s3;
	s9 =	sor.u32 $0x1C02, s31  }
0xe: {  	s15 =	ssub.s32 s10, s29;
	s11 =	sadd.s32 s30, s3;
	s10 =	sadd.s32 $0xE000, s12  }
.Ltmp0:
0xf: {  	s14 =	sshrl.u32 s16, $0x3;
	s17 =	sadd.s32 $0x2000, s11;
	(pc) =	sbr.rel .LBB2_1-.Ltmp0, $4  }
0x10: {  	s18 =	sadd.s32 $0x4000, s11;
	s19 =	sadd.s32 $0x6000, s11;
	s20 =	sadd.s32 $0x8000, s11  }
0x11: {  	s11 =	sadd.s32 $0x4000, s12;
	s12 =	sshrl.u32 s13, $0x3;
	s13 =	smax.u32 s15, $0x1  }
0x12: {  	s15 =	simm.s32 $0x2;
	s16 =	sshrl.u32 s17, $0x3;
	s17 =	sshrl.u32 s18, $0x3  }
0x13: {  	s18 =	sshrl.u32 s19, $0x3;
	s19 =	sshrl.u32 s20, $0x3;
	s20 =	simm.s32 $0x5000  }
.LBB2_7:
0x14: {  	s25 =	sshra.s32 s25, $0x2;
	[sflag:s15] =	ssyncadd.s32 $0xFFFFE000  }
0x15: {  	[tilespmem:s22], [sflag:$0x1] =	stream.indirect.gather [hbm4b:s7+s21], $0x40, s25, s21, $0xb8;
	[tilespmem:$0x16000] =	vst v63  }
0x16: {  	_ =	swait.ge [sflag:s23], $0x2000  }
0x17: {  	[sflag:s23] =	ssyncset.done $0x0  }
0x18: {  	s25 =	sadd.s32 $0x5000, s25;
	[sflag:s23] =	ssyncadd.s32 $0xFFFFE000  }
0x19: {  	[spmem:s3] =	stream.indirect.scatter.add.f32 [tilespmem:s22], [sflag:$0x2], $0x40, s25, s21, $0xb8;
	[tilespmem:$0x16000] =	vst v63  }
0x1a: {  	_ =	swait.ge [sflag:s15], $0x2000  }
0x1b: {  	[sflag:s15] =	ssyncset.done $0x0  }
0x1c: {  	s25 =	smov.u32 s2;
	[sflag:s15] =	ssyncadd.s32 $0xFFFFE000  }
.LBB2_8:
0x1d: {  	s24 =	sadd.s32 $0x1, s24  }
0x1e: {  	p1 =	sne.s32 s24, s13  }
.Ltmp1:
0x1f: {  	s25 =	sadd.s32 s25, s12;
	[bflag:$0x0] =	sbarrier.arrive $0xFFFF;
	(pc) =	sbr.rel @!p1 .LBB2_9-.Ltmp1, $4  }
0x20: {  	[hbm:s25], [sflag:s9] =	dma.local [spmem:s14], $0x1400  }
0x21: {  	_ =	swait.ge [sflag:s15], $0x1400  }
0x22: {  	[sflag:s15] =	ssyncset.done $0x0  }
0x23: {  	[sflag:s15] =	ssyncadd.s32 $0xFFFFEC00  }
.LBB2_1:
0x24: {  	[spmem:s14], [sflag:s9] =	dma.local [hbm:s8], $0x400  }
0x25: {  	_ =	swait.ge [sflag:s15], $0x400  }
0x26: {  	[sflag:s15] =	ssyncset.done $0x0  }
0x27: {  	[sflag:s15] =	ssyncadd.s32 $0xFFFFFC00  }
0x28: {  	[spmem:s16], [sflag:s9] =	dma.local [hbm:s8], $0x400  }
0x29: {  	_ =	swait.ge [sflag:s15], $0x400  }
0x2a: {  	[sflag:s15] =	ssyncset.done $0x0  }
0x2b: {  	[sflag:s15] =	ssyncadd.s32 $0xFFFFFC00  }
0x2c: {  	[spmem:s17], [sflag:s9] =	dma.local [hbm:s8], $0x400  }
0x2d: {  	_ =	swait.ge [sflag:s15], $0x400  }
0x2e: {  	[sflag:s15] =	ssyncset.done $0x0  }
0x2f: {  	[sflag:s15] =	ssyncadd.s32 $0xFFFFFC00  }
0x30: {  	[spmem:s18], [sflag:s9] =	dma.local [hbm:s8], $0x400  }
0x31: {  	_ =	swait.ge [sflag:s15], $0x400  }
0x32: {  	[sflag:s15] =	ssyncset.done $0x0  }
0x33: {  	[sflag:s15] =	ssyncadd.s32 $0xFFFFFC00  }
0x34: {  	[spmem:s19], [sflag:s9] =	dma.local [hbm:s8], $0x400  }
0x35: {  	_ =	swait.ge [sflag:s15], $0x400  }
0x36: {  	[sflag:s15] =	ssyncset.done $0x0  }
0x37: {  	[sflag:s15] =	ssyncadd.s32 $0xFFFFFC00  }
0x38: {  	[tilespmem:s5], [sflag:$0x2] =	stream.linear.gather [hbm4b:s10+s5], $0x5000, $0x38;
	[tilespmem:$0x16000] =	vst v63  }
0x39: {  	_ =	swait.ge [sflag:s15], $0x5000  }
0x3a: {  	[sflag:s15] =	ssyncset.done $0x0  }
0x3b: {  	[sflag:s15] =	ssyncadd.s32 $0xFFFFB000  }
0x3c: {  	[tilespmem:s20], [sflag:$0x2] =	stream.linear.gather [hbm4b:s11+s5], $0x5000, $0x38;
	[tilespmem:$0x16000] =	vst v63  }
.Ltmp2:
0x3d: {  	_ =	swait.ge [sflag:s15], $0x5000;
	(pc) =	sbr.rel @p0 .LBB2_5-.Ltmp2, $4  }
0x3e: {  	[sflag:s15] =	ssyncset.done $0x0  }
0x3f: {  	[sflag:s15] =	ssyncadd.s32 $0xFFFFB000  }
0x40: {  	[bflag:$0x0] =	sbarrier.arrive $0xFFFF  }
0x41: {  	s25 =	simm.s32 $0x0  }
0x42: {  	[tilespmem:s22], [sflag:$0x1] =	stream.indirect.gather [hbm4b:s6+s21], $0x40, s25, s21, $0xb8;
	[tilespmem:$0x16000] =	vst v63  }
0x43: {  	_ =	swait.ge [sflag:s23], $0x2000  }
0x44: {  	[sflag:s23] =	ssyncset.done $0x0  }
0x45: {  	s31 =	simm.s32 $0x5000;
	[sflag:s23] =	ssyncadd.s32 $0xFFFFE000  }
0x46: {  	[spmem:s3] =	stream.indirect.scatter.add.f32 [tilespmem:s22], [sflag:$0x2], $0x40, s31, s21, $0xb8;
	[tilespmem:$0x16000] =	vst v63  }
0x47: {  	_ =	swait.ge [sflag:s15], $0x2000  }
0x48: {  	s25 =	simm.s32 $0x200;
	s26 =	simm.s32 $0x400;
	[sflag:s15] =	ssyncset.done $0x0  }
.LBB2_3:
0x49: {  	s28 =	sshra.s32 s25, $0x2  }
0x4a: {  	[sflag:s15] =	ssyncadd.s32 $0xFFFFE000;
	s25 =	smov.u32 s26;
	s29 =	sadd.s32 $0x200, s26  }
0x4b: {  	[tilespmem:s22], [sflag:$0x1] =	stream.indirect.gather [hbm4b:s6+s21], $0x40, s28, s21, $0xb8;
	[tilespmem:$0x16000] =	vst v63  }
0x4c: {  	p1 =	seq.s32 s26, $0x13E00;
	_ =	swait.ge [sflag:s23], $0x2000  }
.Ltmp3:
0x4d: {  	[sflag:s23] =	ssyncset.done $0x0;
	(pc) =	sbr.rel @!p1 .LBB2_3-.Ltmp3, $4  }
0x4e: {  	s26 =	sadd.s32 $0x5000, s28;
	[sflag:s23] =	ssyncadd.s32 $0xFFFFE000  }
0x4f: {  	[spmem:s3] =	stream.indirect.scatter.add.f32 [tilespmem:s22], [sflag:$0x2], $0x40, s26, s21, $0xb8;
	[tilespmem:$0x16000] =	vst v63  }
0x50: {  	_ =	swait.ge [sflag:s15], $0x2000  }
0x51: {  	s26 =	smov.u32 s29;
	[sflag:s15] =	ssyncset.done $0x0  }
0x52: {  	s25 =	sshra.s32 s25, $0x2;
	[sflag:s15] =	ssyncadd.s32 $0xFFFFE000  }
0x53: {  	[tilespmem:s22], [sflag:$0x1] =	stream.indirect.gather [hbm4b:s6+s21], $0x40, s25, s21, $0xb8;
	[tilespmem:$0x16000] =	vst v63  }
0x54: {  	_ =	swait.ge [sflag:s23], $0x2000  }
0x55: {  	[sflag:s23] =	ssyncset.done $0x0  }
.Ltmp4:
0x56: {  	s25 =	sadd.s32 $0x5000, s25;
	[sflag:s23] =	ssyncadd.s32 $0xFFFFE000;
	(pc) =	sbr.rel .LBB2_8-.Ltmp4, $4  }
0x57: {  	[spmem:s3] =	stream.indirect.scatter.add.f32 [tilespmem:s22], [sflag:$0x2], $0x40, s25, s21, $0xb8;
	[tilespmem:$0x16000] =	vst v63  }
0x58: {  	_ =	swait.ge [sflag:s15], $0x2000  }
0x59: {  	[sflag:s15] =	ssyncset.done $0x0  }
0x5a: {  	s25 =	smov.u32 s1;
	[sflag:s15] =	ssyncadd.s32 $0xFFFFE000  }
.LBB2_5:
0x5b: {  	[tilespmem:s22], [sflag:$0x1] =	stream.indirect.gather [hbm4b:s7+s21], $0x40, s25, s21, $0xb8;
	[tilespmem:$0x16000] =	vst v63  }
0x5c: {  	_ =	swait.ge [sflag:s23], $0x2000  }
0x5d: {  	[sflag:s23] =	ssyncset.done $0x0  }
0x5e: {  	s31 =	simm.s32 $0x5000;
	[sflag:s23] =	ssyncadd.s32 $0xFFFFE000  }
0x5f: {  	[spmem:s3] =	stream.indirect.scatter.add.f32 [tilespmem:s22], [sflag:$0x2], $0x40, s31, s21, $0xb8;
	[tilespmem:$0x16000] =	vst v63  }
0x60: {  	_ =	swait.ge [sflag:s15], $0x2000  }
0x61: {  	s25 =	simm.s32 $0x200;
	s26 =	simm.s32 $0x400;
	[sflag:s15] =	ssyncset.done $0x0  }
.LBB2_6:
0x62: {  	s28 =	sshra.s32 s25, $0x2  }
0x63: {  	[sflag:s15] =	ssyncadd.s32 $0xFFFFE000;
	s25 =	smov.u32 s26;
	s29 =	sadd.s32 $0x200, s26  }
0x64: {  	[tilespmem:s22], [sflag:$0x1] =	stream.indirect.gather [hbm4b:s7+s21], $0x40, s28, s21, $0xb8;
	[tilespmem:$0x16000] =	vst v63  }
0x65: {  	p1 =	sne.s32 s26, $0x13E00;
	_ =	swait.ge [sflag:s23], $0x2000  }
.Ltmp5:
0x66: {  	[sflag:s23] =	ssyncset.done $0x0;
	(pc) =	sbr.rel @p1 .LBB2_6-.Ltmp5, $4  }
0x67: {  	s26 =	sadd.s32 $0x5000, s28;
	[sflag:s23] =	ssyncadd.s32 $0xFFFFE000  }
0x68: {  	[spmem:s3] =	stream.indirect.scatter.add.f32 [tilespmem:s22], [sflag:$0x2], $0x40, s26, s21, $0xb8;
	[tilespmem:$0x16000] =	vst v63  }
0x69: {  	_ =	swait.ge [sflag:s15], $0x2000  }
0x6a: {  	s26 =	smov.u32 s29;
	[sflag:s15] =	ssyncset.done $0x0  }
.Ltmp6:
0x6b: {  	_ = 	snop;
	(pc) =	sbr.rel .LBB2_7-.Ltmp6, $1  }
0x6c: {  	_ =	sdelay $0x3  }
.LBB2_9:
0x6d: {  	_ =	sfence.sel $0x180000  }
0x6e: {  	[bflag:$0x0] =	sbarrier.arrive $0xFFFF  }
0x6f: {  	p0 =	sne.s32 s4, $0x0;
	_ =	strace $0x9000004A  }
0x70: {  	s0 =	sadd.s32 @!p0 $0x100000, s0;
	[bflag:$0x2] =	sbarrier.arrive $0xFFFF  }
0x71: {  	[sflag:s0] =	ssyncadd.tile.s32 @!p0 $0x1;
	_ =	shalt  }
.Lfunc_end2:
_tile_overlayer_lowered:
.L_overlay_start_2:
0x72: {  	(tag) =	ssettag $0x2  }
0x73: {  	s0 =	rddreg [dreg:$0x0];
	s2 =	stileid.u32  }
0x74: {  	s1 =	rddreg [dreg:$0x1];
	p0 =	sne.s32 s2, $0x0  }
0x75: {  	s3 =	rddreg [dreg:$0x2];
	[bflag:$0x3] =	sbarrier.arrive $0xFFFF;
	s2 =	simm.s32 @!p0 $0x1C02  }
0x76: {  	[timem:s3], [sflag:s2] =	dma.local @!p0 [hbm:s0], s1  }
0x77: {  	s0 =	simm.s32 @!p0 $0x2  }
0x78: {  	_ =	swait.ge @!p0 [sflag:s0], s1  }
0x79: {  	s1 =	ssub.s32 @!p0 $0x0, s1;
	[sflag:s0] =	ssyncset.done @!p0 $0x0  }
0x7a: {  	[sflag:s0] =	ssyncadd.s32 @!p0 s1  }
0x7b: {  	[bflag:$0x3] =	sbarrier.arrive $0xFFFF  }
0x7c: {  	_ =	shalt  }

// kernel: _run.18.cloned.1.call-start
scs
__scs_entry_jumppad:
0x0: {  	(pc) =	sbr.rel $0x88, $3  }
0x1: {  	(tag) =	ssettag $0x0;
	lr =	simm.s32 $0x1  }
0x2: {  	[smem:$0x3F9F] =	sst lr;
	_ =	strace $0xD0000000  }
0x3: {  	_ = 	snop  }
0x4: {  	_ = 	snop  }
0x5: {  	_ = 	snop  }
0x6: {  	_ = 	snop  }
0x7: {  	_ = 	snop  }
__scs_overlays_trampoline_lowered:
0x8: {  	[smem:$0x3FAE] =	sst s0  }
0x9: {  	[smem:$0x3FAF] =	sst s1  }
0xa: {  	[smem:$0x3FB0] =	sst s2  }
0xb: {  	[smem:$0x3FB1] =	sst s3  }
0xc: {  	[smem:$0x3FB2] =	sst s4  }
0xd: {  	[smem:$0x3FB3] =	sst s5  }
0xe: {  	[smem:$0x3FB4] =	sst s6  }
0xf: {  	[smem:$0x3FB5] =	sst s7  }
0x10: {  	[smem:$0x3FB6] =	sst s8  }
0x11: {  	[smem:$0x3FB7] =	sst s9;
	s0 =	simm.s32 @!p0 $0x0  }
0x12: {  	s1 =	sld [smem:$0x3F9D];
	s0 =	simm.s32 @p0 $0x1  }
0x13: {  	[smem:$0x3FB8] =	sst s0;
	s0 =	simm.s32 @!p1 $0x0  }
0x14: {  	s2 =	sld [smem:$0x3F9C];
	s0 =	simm.s32 @p1 $0x1  }
0x15: {  	[smem:$0x3FB9] =	sst s0;
	s0 =	simm.s32 @!p2 $0x0  }
0x16: {  	s3 =	sld [smem:$0x3FDB];
	s0 =	simm.s32 @p2 $0x1  }
0x17: {  	s4 =	simm.s32 $0x1BF5;
	[smem:$0x3FBB] =	sst s0  }
0x18: {  	s0 =	sld [smem:$0x3F9E];
	_ =	swait.ge [sflag:s4], $0x0  }
0x19: {  	s7 =	sld [smem:$0x3F9F]  }
0x1a: {  	s8 =	sadd.s32 $0xFFFFE003, lr  }
0x1b: {  	s9 =	sadd.s32 $0xFFFFFEF7, lr;
	s5 =	simm.s32 $0xFFFFFFFF;
	p2 =	slt.u32 s8, $0xFFFFF086  }
0x1c: {  	p1 =	slt.u32 s9, $0xF7A;
	s5 =	simm.s32 @!p2 $0x0  }
0x1d: {  	s5 =	simm.s32 @p1 $0x1;
	p0 =	seq.s32 s7, s2  }
0x1e: {  	s7 =	smul.u32 @!p0 $0xF7A, s2;
	p2 =	seq.s32 @!p0 s5, $0x0  }
0x1f: {  	s9 =	smul.u32 $0xF7A, s1;
	s8 =	simm.s32 @!p0 $0x1BF5;
	p2 =	por !p2, p0  }
0x20: {  	[sflag:s8] =	ssyncset.s32 @!p0 $0xFFFFF086;
	s6 =	sadd.s32 @!p0 s3, s7;
	s7 =	simm.s32 @!p0 $0x108  }
0x21: {  	s3 =	sadd.s32 s3, s9;
	s6 =	sadd.s32 @!p0 $0x88, s6;
	s7 =	simm.s32 @p2 $0x1082  }
0x22: {  	[simem:s7], [sflag:s8] =	dma.local @!p0 [hbm:s6], $0xF7A  }
0x23: {  	s9 =	sor.u32 $0xD0000000, s2;
	s6 =	simm.s32 $0x108;
	_ =	swait.ge @!p0 [sflag:s8], $0x0  }
0x24: {  	s3 =	sadd.s32 $0x88, s3;
	s6 =	simm.s32 @!p1 $0x1082;
	[sflag:s4] =	ssyncset.s32 $0xFFFFF086  }
0x25: {  	[simem:s6], [sflag:s4] =	dma.local [hbm:s3], $0xF7A  }
0x26: {  	[smem:$0x3F9F] =	sst s1;
	(tag) =	ssettag s2;
	_ =	strace s9  }
0x27: {  	s1 =	sld [smem:$0x3FAF]  }
0x28: {  	s2 =	sld [smem:$0x3FB0]  }
0x29: {  	s4 =	sld [smem:$0x3FB2]  }
0x2a: {  	p0 =	seq.s32 s5, $0x0;
	s5 =	sld [smem:$0x3FB3]  }
0x2b: {  	s6 =	sld [smem:$0x3FB4]  }
0x2c: {  	s7 =	sld [smem:$0x3FB5]  }
0x2d: {  	s3 =	simm.s32 $0x108;
	s8 =	sld [smem:$0x3FB6]  }
0x2e: {  	s3 =	simm.s32 @!p0 $0x1082;
	s9 =	sld [smem:$0x3FB7]  }
0x2f: {  	lr =	sadd.s32 s0, s3;
	s0 =	sld [smem:$0x3FAE]  }
0x30: {  	s3 =	sld [smem:$0x3FB1]  }
0x31: {  	[smem:$0x3FBA] =	sst s10  }
0x32: {  	s10 =	sld [smem:$0x3FB8];
	_ =	sdelay $0x3  }
0x33: {  	p0 =	seq.s32 s10, $0x1;
	s10 =	sld [smem:$0x3FBA];
	_ =	sdelay $0x3  }
0x34: {  	[smem:$0x3FBA] =	sst s10  }
0x35: {  	s10 =	sld [smem:$0x3FB9];
	_ =	sdelay $0x3  }
0x36: {  	p1 =	seq.s32 s10, $0x1;
	s10 =	sld [smem:$0x3FBA];
	_ =	sdelay $0x3  }
0x37: {  	[smem:$0x3FBA] =	sst s10  }
0x38: {  	s10 =	sld [smem:$0x3FBB]  }
0x39: {  	_ = 	snop;
	(pc) =	sbr.ind lr, $3  }
0x3a: {  	_ = 	snop  }
0x3b: {  	_ = 	snop  }
0x3c: {  	p2 =	seq.s32 s10, $0x1;
	s10 =	sld [smem:$0x3FBA]  }
0x3d: {  	_ =	shalt  }
0x3e: {  	_ =	shalt  }
0x3f: {  	_ =	shalt  }
0x40: {  	_ =	shalt  }
0x41: {  	_ =	shalt  }
0x42: {  	_ =	shalt  }
0x43: {  	_ =	shalt  }
0x44: {  	_ =	shalt  }
0x45: {  	_ =	shalt  }
0x46: {  	_ =	shalt  }
0x47: {  	_ =	shalt  }
0x48: {  	_ =	shalt  }
0x49: {  	_ =	shalt  }
0x4a: {  	_ =	shalt  }
0x4b: {  	_ =	shalt  }
0x4c: {  	_ =	shalt  }
0x4d: {  	_ =	shalt  }
0x4e: {  	_ =	shalt  }
0x4f: {  	_ =	shalt  }
0x50: {  	_ =	shalt  }
0x51: {  	_ =	shalt  }
0x52: {  	_ =	shalt  }
0x53: {  	_ =	shalt  }
0x54: {  	_ =	shalt  }
0x55: {  	_ =	shalt  }
0x56: {  	_ =	shalt  }
0x57: {  	_ =	shalt  }
0x58: {  	_ =	shalt  }
0x59: {  	_ =	shalt  }
0x5a: {  	_ =	shalt  }
0x5b: {  	_ =	shalt  }
0x5c: {  	_ =	shalt  }
0x5d: {  	_ =	shalt  }
0x5e: {  	_ =	shalt  }
0x5f: {  	_ =	shalt  }
0x60: {  	_ =	shalt  }
0x61: {  	_ =	shalt  }
0x62: {  	_ =	shalt  }
0x63: {  	_ =	shalt  }
0x64: {  	_ =	shalt  }
0x65: {  	_ =	shalt  }
0x66: {  	_ =	shalt  }
0x67: {  	_ =	shalt  }
0x68: {  	_ =	shalt  }
0x69: {  	_ =	shalt  }
0x6a: {  	_ =	shalt  }
0x6b: {  	_ =	shalt  }
0x6c: {  	_ =	shalt  }
0x6d: {  	_ =	shalt  }
0x6e: {  	_ =	shalt  }
0x6f: {  	_ =	shalt  }
0x70: {  	_ =	shalt  }
0x71: {  	_ =	shalt  }
0x72: {  	_ =	shalt  }
0x73: {  	_ =	shalt  }
0x74: {  	_ =	shalt  }
0x75: {  	_ =	shalt  }
0x76: {  	_ =	shalt  }
0x77: {  	_ =	shalt  }
0x78: {  	_ =	shalt  }
0x79: {  	_ =	shalt  }
0x7a: {  	_ =	shalt  }
0x7b: {  	_ =	shalt  }
0x7c: {  	_ =	shalt  }
0x7d: {  	_ =	shalt  }
0x7e: {  	_ =	shalt  }
0x7f: {  	_ =	shalt  }
0x80: {  	_ =	shalt  }
0x81: {  	_ =	shalt  }
0x82: {  	_ =	shalt  }
0x83: {  	_ =	shalt  }
0x84: {  	_ =	shalt  }
0x85: {  	_ =	shalt  }
0x86: {  	_ =	shalt  }
0x87: {  	_ =	shalt  }
.Lfunc_end0:
.L_simem_size_0:
called_computation.2_lowered:
.L_overlay_start_0:
0x88: {  	s2 =	sld [smem:$0x3FD9]  }
0x89: {  	s3 =	sld [smem:$0x3FFE];
	_ =	sdelay $0x1  }
0x8a: {  	s1 =	srdreg.scid  }
0x8b: {  	s0 =	sand.u32 $0x1, s1  }
0x8c: {  	s14 =	sshll.u32 s0, $0xA;
	s2 =	sadd.s32 s3, s2  }
0x8d: {  	s2 =	sadd.s32 s2, s14  }
0x8e: {  	[smem:$0x3FC6] =	sst s2  }
0x8f: {  	_ = 	snop  }
0x90: {  	s2 =	sld [smem:$0x3FD0];
	_ =	sdelay $0x2  }
0x91: {  	s15 =	simm.s32 $0xA;
	s4 =	simm.s32 $0x10  }
0x92: {  	[smem:s4], [sflag:s15] =	dma.local [hbm:s2], $0x1  }
0x93: {  	_ =	swait.eq [sflag:s15], $0x1  }
0x94: {  	[sflag:s15] =	ssyncset.done $0x0  }
0x95: {  	s16 =	sld [smem:$0x10];
	[sflag:s15] =	ssyncadd.s32 $0xFFFFFFFF  }
0x96: {  	s17 =	sld [smem:$0x11];
	(tm) =	ssettm $0x1  }
0x97: {  	s18 =	sld [smem:$0x3FFB];
	_ =	sdelay $0x3  }
0x98: {  	_ =	strace s18  }
0x99: {  	s4 =	sld [smem:$0x3FFC];
	_ =	sdelay $0x3  }
0x9a: {  	_ =	strace s4  }
0x9b: {  	s4 =	sld [smem:$0x3FFD];
	_ =	sdelay $0x3  }
0x9c: {  	_ =	strace s4  }
0x9d: {  	_ =	strace $0x8FFFFFFF  }
0x9e: {  	s19 =	sld [smem:$0x3FDB];
	_ =	sdelay $0x1  }
0x9f: {  	s5 =	simm.s32 $_scs_section_size  }
0xa0: {  	s6 =	simm.s32 $_size__tile_overlayer_lowered;
	s7 =	simm.s32 $_tile_overlayer_lowered  }
0xa1: {  	s22 =	simm.s32 $0x1BFF;
	s21 =	sshll.u32 s7, $0x1;
	s4 =	sadd.s32 s5, s19  }
0xa2: {  	s8 =	simm.s32 $0x0;
	s20 =	sshll.u32 s6, $0x1;
	s6 =	sadd.s32 s21, s4  }
0xa3: {  	[timem:s8], [sflag:s22] =	dma.local [hbm:s6], s20  }
0xa4: {  	_ =	swait.ge [sflag:s22], s20  }
0xa5: {  	s5 =	ssub.s32 $0x0, s20;
	[sflag:s22] =	ssyncset.done $0x0  }
0xa6: {  	[sflag:s22] =	ssyncadd.s32 s5;
	_ =	sdelay $0x1  }
0xa7: {  	s23 =	simm.s32 $0x1B8B  }
0xa8: {  	_ =	swait.ge [sflag:s23], $0x1  }
0xa9: {  	[sflag:s23] =	ssyncset.done $0x0  }
0xaa: {  	s25 =	simm.s32 $0x1B8E;
	s24 =	sld [smem:$0x3FFE];
	[sflag:s23] =	ssyncadd.s32 $0xFFFFFFFF  }
0xab: {  	s26 =	simm.s32 $execute0_lowered;
	[smem:$0x3FD2] =	sst s25  }
0xac: {  	s6 =	sshll.u32 s26, $0x1;
	_ =	strace $0x8000004C;
	[dreg:$0x1] =	wrdreg $0xFFFFFFFF  }
0xad: {  	s28 =	simm.s32 $_size_execute0_lowered;
	s4 =	sadd.s32 s4, s6;
	[dreg:$0x0] =	wrdreg $0x0  }
0xae: {  	s6 =	sshll.u32 s28, $0x1;
	[dreg:$0x2] =	wrdreg s4  }
0xaf: {  	[dreg:$0x3] =	wrdreg s6  }
0xb0: {  	[dreg:$0x4] =	wrdreg $0xC0  }
0xb1: {  	_ =	task [dreg:s8], $0x5FFFF  }
0xb2: {  	[dreg:$0x1] =	wrdreg $0xFFFFFFFF  }
0xb3: {  	[dreg:$0x0] =	wrdreg $0x60  }
0xb4: {  	[dreg:$0x2] =	wrdreg s17  }
0xb5: {  	[dreg:$0x3] =	wrdreg s16  }
0xb6: {  	[dreg:$0x4] =	wrdreg s24  }
0xb7: {  	[dreg:$0x5] =	wrdreg $0xC0000  }
0xb8: {  	[dreg:$0x6] =	wrdreg $0x9  }
0xb9: {  	_ =	task.clear_ibuf [dreg:s8], $0x7FFFF;
	_ =	strace $0x9000004C  }
0xba: {  	s29 =	simm.s32 $0x9;
	_ =	strace $0x8000004E  }
0xbb: {  	_ =	swait.ge [sflag:s29], $0x1  }
0xbc: {  	[sflag:s29] =	ssyncadd.s32 $0xFFFFFFFF  }
0xbd: {  	_ =	strace $0x9000004E  }
0xbe: {  	_ =	sfence  }
0xbf: {  	s30 =	sld [smem:$0x0];
	_ =	sdelay $0x2  }
0xc0: {  	s31 =	sshll.u32 s1, $0xD;
	s1 =	sshrl.u32 s1, $0x2  }
0xc1: {  	s3 =	sand.u32 $0x4000, s31;
	s1 =	sadd.s32 s1, s30  }
0xc2: {  	s0 =	sor.u32 s3, s0;
	s1 =	sshll.u32 s1, $0x11  }
0xc3: {  	s0 =	sor.u32 s1, s0  }
0xc4: {  	s0 =	sadd.s32 $0x8F2B, s0  }
0xc5: {  	[sflag:s0] =	ssyncadd.remote.s32 $0x1  }
0xc6: {  	_ =	sfence.sel $0xFFFF  }
0xc7: {  	[dreg:$0x0] =	wrdreg $0xFFFFFFFF;
	(pc) =	sbr.abs _section_cstart, $3  }
0xc8: {  	[dreg:$0x1] =	wrdreg $0xFFFFFFFF  }
0xc9: {  	_ =	task.clear_ibuf [dreg:s8], $0x2FFFF;
	_ =	strace $0x9FFFFFFF  }
0xca: {  	(tm) =	ssettm $0x7FFFFFFF  }
0xcb: {  	_ =	shalt  }
tec
execute0_lowered:
.L_overlay_start_1:
0x0: {  	(tag) =	ssettag $0x1  }
0x1: {  	s2 =	rddreg [dreg:$0x0]  }
0x2: {  	s3 =	rddreg [dreg:$0x1]  }
0x3: {  	s8 =	rddreg [dreg:$0x2]  }
0x4: {  	s4 =	rddreg [dreg:$0x3];
	s1 =	stileid.u32  }
0x5: {  	s0 =	rddreg [dreg:$0x4];
	s5 =	simm.s32 $0x0;
	s7 =	srdreg.scid  }
0x6: {  	s21 =	simm.s32 $0x80;
	s22 =	simm.s32 $0xA000;
	s23 =	simm.s32 $0x1  }
0x7: {  	s24 =	simm.s32 $0x0;
	s6 =	smul.u32 $0xA00, s1;
	[smem:$0x7FF] =	sst s5  }
0x8: {  	s14 =	sand.u32 $0x1, s7;
	s10 =	smul.u32 $0x28000, s1;
	s7 =	sadd.s32 $0x18400, s8  }
0x9: {  	s13 =	smul.u32 $0xA000, s1;
	s30 =	sshll.u32 s1, $0x6;
	_ =	strace $0x8000004D  }
0xa: {  	s9 =	ssub.s32 $0x2, s14;
	p0 =	sne.s32 s14, $0x0;
	s11 =	sadd.s32 s6, s8  }
0xb: {  	s6 =	sadd.s32 $0x18000, s8;
	s12 =	sshrl.u32 s9, $0x1;
	s8 =	sadd.s32 $0x2C400, s8  }
0xc: {  	s29 =	sshrl.u32 s10, $0x2;
	s16 =	sadd.s32 s13, s4;
	s15 =	ssub.s32 s9, s12  }
0xd: {  	s31 =	sadd.s32 s29, s4;
	s9 =	sor.u32 $0x1C02, s30;
	s10 =	sadd.s32 $0xE000, s11  }
.Ltmp0:
0xe: {  	s11 =	sadd.s32 $0x4000, s11;
	s12 =	sshrl.u32 s13, $0x3;
	(pc) =	sbr.rel .LBB2_1-.Ltmp0, $4  }
0xf: {  	s14 =	sshrl.u32 s16, $0x3;
	s17 =	sadd.s32 $0x2000, s31;
	s18 =	sadd.s32 $0x4000, s31  }
0x10: {  	s19 =	sadd.s32 $0x6000, s31;
	s20 =	sadd.s32 $0x8000, s31;
	s13 =	smax.u32 s15, $0x1  }
0x11: {  	s15 =	simm.s32 $0x2;
	s16 =	sshrl.u32 s17, $0x3;
	s17 =	sshrl.u32 s18, $0x3  }
0x12: {  	s18 =	sshrl.u32 s19, $0x3;
	s19 =	sshrl.u32 s20, $0x3;
	s20 =	simm.s32 $0x5000  }
.LBB2_7:
0x13: {  	s25 =	sshra.s32 s25, $0x2;
	[sflag:s15] =	ssyncadd.s32 $0xFFFFE000  }
0x14: {  	[tilespmem:s22], [sflag:$0x1] =	stream.indirect.gather [hbm4b:s3+s21], $0x40, s25, s21, $0xb8;
	[tilespmem:$0x16000] =	vst v63  }
0x15: {  	_ =	swait.ge [sflag:s23], $0x2000  }
0x16: {  	[sflag:s23] =	ssyncset.done $0x0  }
0x17: {  	s25 =	sadd.s32 $0x5000, s25;
	[sflag:s23] =	ssyncadd.s32 $0xFFFFE000  }
0x18: {  	[spmem:s4] =	stream.indirect.scatter.add.f32 [tilespmem:s22], [sflag:$0x2], $0x40, s25, s21, $0xb8;
	[tilespmem:$0x16000] =	vst v63  }
0x19: {  	_ =	swait.ge [sflag:s15], $0x2000  }
0x1a: {  	[sflag:s15] =	ssyncset.done $0x0  }
0x1b: {  	s25 =	smov.u32 s8;
	[sflag:s15] =	ssyncadd.s32 $0xFFFFE000  }
.LBB2_8:
0x1c: {  	s24 =	sadd.s32 $0x1, s24  }
0x1d: {  	p1 =	sne.s32 s24, s13  }
.Ltmp1:
0x1e: {  	s25 =	sadd.s32 s25, s12;
	[bflag:$0x0] =	sbarrier.arrive $0xFFFF;
	(pc) =	sbr.rel @!p1 .LBB2_9-.Ltmp1, $4  }
0x1f: {  	[hbm:s25], [sflag:s9] =	dma.local [spmem:s14], $0x1400  }
0x20: {  	_ =	swait.ge [sflag:s15], $0x1400  }
0x21: {  	[sflag:s15] =	ssyncset.done $0x0  }
0x22: {  	[sflag:s15] =	ssyncadd.s32 $0xFFFFEC00  }
.LBB2_1:
0x23: {  	[spmem:s14], [sflag:s9] =	dma.local [hbm:s6], $0x400  }
0x24: {  	_ =	swait.ge [sflag:s15], $0x400  }
0x25: {  	[sflag:s15] =	ssyncset.done $0x0  }
0x26: {  	[sflag:s15] =	ssyncadd.s32 $0xFFFFFC00  }
0x27: {  	[spmem:s16], [sflag:s9] =	dma.local [hbm:s6], $0x400  }
0x28: {  	_ =	swait.ge [sflag:s15], $0x400  }
0x29: {  	[sflag:s15] =	ssyncset.done $0x0  }
0x2a: {  	[sflag:s15] =	ssyncadd.s32 $0xFFFFFC00  }
0x2b: {  	[spmem:s17], [sflag:s9] =	dma.local [hbm:s6], $0x400  }
0x2c: {  	_ =	swait.ge [sflag:s15], $0x400  }
0x2d: {  	[sflag:s15] =	ssyncset.done $0x0  }
0x2e: {  	[sflag:s15] =	ssyncadd.s32 $0xFFFFFC00  }
0x2f: {  	[spmem:s18], [sflag:s9] =	dma.local [hbm:s6], $0x400  }
0x30: {  	_ =	swait.ge [sflag:s15], $0x400  }
0x31: {  	[sflag:s15] =	ssyncset.done $0x0  }
0x32: {  	[sflag:s15] =	ssyncadd.s32 $0xFFFFFC00  }
0x33: {  	[spmem:s19], [sflag:s9] =	dma.local [hbm:s6], $0x400  }
0x34: {  	_ =	swait.ge [sflag:s15], $0x400  }
0x35: {  	[sflag:s15] =	ssyncset.done $0x0  }
0x36: {  	[sflag:s15] =	ssyncadd.s32 $0xFFFFFC00  }
0x37: {  	[tilespmem:s5], [sflag:$0x2] =	stream.linear.gather [hbm4b:s10+s5], $0x5000, $0x38;
	[tilespmem:$0x16000] =	vst v63  }
0x38: {  	_ =	swait.ge [sflag:s15], $0x5000  }
0x39: {  	[sflag:s15] =	ssyncset.done $0x0  }
0x3a: {  	[sflag:s15] =	ssyncadd.s32 $0xFFFFB000  }
0x3b: {  	[tilespmem:s20], [sflag:$0x2] =	stream.linear.gather [hbm4b:s11+s5], $0x5000, $0x38;
	[tilespmem:$0x16000] =	vst v63  }
.Ltmp2:
0x3c: {  	_ =	swait.ge [sflag:s15], $0x5000;
	(pc) =	sbr.rel @p0 .LBB2_5-.Ltmp2, $4  }
0x3d: {  	[sflag:s15] =	ssyncset.done $0x0  }
0x3e: {  	[sflag:s15] =	ssyncadd.s32 $0xFFFFB000  }
0x3f: {  	[bflag:$0x0] =	sbarrier.arrive $0xFFFF  }
0x40: {  	s25 =	simm.s32 $0x0  }
0x41: {  	[tilespmem:s22], [sflag:$0x1] =	stream.indirect.gather [hbm4b:s2+s21], $0x40, s25, s21, $0xb8;
	[tilespmem:$0x16000] =	vst v63  }
0x42: {  	_ =	swait.ge [sflag:s23], $0x2000  }
0x43: {  	[sflag:s23] =	ssyncset.done $0x0  }
0x44: {  	s31 =	simm.s32 $0x5000;
	[sflag:s23] =	ssyncadd.s32 $0xFFFFE000  }
0x45: {  	[spmem:s4] =	stream.indirect.scatter.add.f32 [tilespmem:s22], [sflag:$0x2], $0x40, s31, s21, $0xb8;
	[tilespmem:$0x16000] =	vst v63  }
0x46: {  	_ =	swait.ge [sflag:s15], $0x2000  }
0x47: {  	s25 =	simm.s32 $0x200;
	s26 =	simm.s32 $0x400;
	[sflag:s15] =	ssyncset.done $0x0  }
.LBB2_3:
0x48: {  	s28 =	sshra.s32 s25, $0x2  }
0x49: {  	[sflag:s15] =	ssyncadd.s32 $0xFFFFE000;
	s25 =	smov.u32 s26;
	s29 =	sadd.s32 $0x200, s26  }
0x4a: {  	[tilespmem:s22], [sflag:$0x1] =	stream.indirect.gather [hbm4b:s2+s21], $0x40, s28, s21, $0xb8;
	[tilespmem:$0x16000] =	vst v63  }
0x4b: {  	p1 =	seq.s32 s26, $0x13E00;
	_ =	swait.ge [sflag:s23], $0x2000  }
.Ltmp3:
0x4c: {  	[sflag:s23] =	ssyncset.done $0x0;
	(pc) =	sbr.rel @!p1 .LBB2_3-.Ltmp3, $4  }
0x4d: {  	s26 =	sadd.s32 $0x5000, s28;
	[sflag:s23] =	ssyncadd.s32 $0xFFFFE000  }
0x4e: {  	[spmem:s4] =	stream.indirect.scatter.add.f32 [tilespmem:s22], [sflag:$0x2], $0x40, s26, s21, $0xb8;
	[tilespmem:$0x16000] =	vst v63  }
0x4f: {  	_ =	swait.ge [sflag:s15], $0x2000  }
0x50: {  	s26 =	smov.u32 s29;
	[sflag:s15] =	ssyncset.done $0x0  }
0x51: {  	s25 =	sshra.s32 s25, $0x2;
	[sflag:s15] =	ssyncadd.s32 $0xFFFFE000  }
0x52: {  	[tilespmem:s22], [sflag:$0x1] =	stream.indirect.gather [hbm4b:s2+s21], $0x40, s25, s21, $0xb8;
	[tilespmem:$0x16000] =	vst v63  }
0x53: {  	_ =	swait.ge [sflag:s23], $0x2000  }
0x54: {  	[sflag:s23] =	ssyncset.done $0x0  }
.Ltmp4:
0x55: {  	s25 =	sadd.s32 $0x5000, s25;
	[sflag:s23] =	ssyncadd.s32 $0xFFFFE000;
	(pc) =	sbr.rel .LBB2_8-.Ltmp4, $4  }
0x56: {  	[spmem:s4] =	stream.indirect.scatter.add.f32 [tilespmem:s22], [sflag:$0x2], $0x40, s25, s21, $0xb8;
	[tilespmem:$0x16000] =	vst v63  }
0x57: {  	_ =	swait.ge [sflag:s15], $0x2000  }
0x58: {  	[sflag:s15] =	ssyncset.done $0x0  }
0x59: {  	s25 =	smov.u32 s7;
	[sflag:s15] =	ssyncadd.s32 $0xFFFFE000  }
.LBB2_5:
0x5a: {  	[tilespmem:s22], [sflag:$0x1] =	stream.indirect.gather [hbm4b:s3+s21], $0x40, s25, s21, $0xb8;
	[tilespmem:$0x16000] =	vst v63  }
0x5b: {  	_ =	swait.ge [sflag:s23], $0x2000  }
0x5c: {  	[sflag:s23] =	ssyncset.done $0x0  }
0x5d: {  	s31 =	simm.s32 $0x5000;
	[sflag:s23] =	ssyncadd.s32 $0xFFFFE000  }
0x5e: {  	[spmem:s4] =	stream.indirect.scatter.add.f32 [tilespmem:s22], [sflag:$0x2], $0x40, s31, s21, $0xb8;
	[tilespmem:$0x16000] =	vst v63  }
0x5f: {  	_ =	swait.ge [sflag:s15], $0x2000  }
0x60: {  	s25 =	simm.s32 $0x200;
	s26 =	simm.s32 $0x400;
	[sflag:s15] =	ssyncset.done $0x0  }
.LBB2_6:
0x61: {  	s28 =	sshra.s32 s25, $0x2  }
0x62: {  	[sflag:s15] =	ssyncadd.s32 $0xFFFFE000;
	s25 =	smov.u32 s26;
	s29 =	sadd.s32 $0x200, s26  }
0x63: {  	[tilespmem:s22], [sflag:$0x1] =	stream.indirect.gather [hbm4b:s3+s21], $0x40, s28, s21, $0xb8;
	[tilespmem:$0x16000] =	vst v63  }
0x64: {  	p1 =	sne.s32 s26, $0x13E00;
	_ =	swait.ge [sflag:s23], $0x2000  }
.Ltmp5:
0x65: {  	[sflag:s23] =	ssyncset.done $0x0;
	(pc) =	sbr.rel @p1 .LBB2_6-.Ltmp5, $4  }
0x66: {  	s26 =	sadd.s32 $0x5000, s28;
	[sflag:s23] =	ssyncadd.s32 $0xFFFFE000  }
0x67: {  	[spmem:s4] =	stream.indirect.scatter.add.f32 [tilespmem:s22], [sflag:$0x2], $0x40, s26, s21, $0xb8;
	[tilespmem:$0x16000] =	vst v63  }
0x68: {  	_ =	swait.ge [sflag:s15], $0x2000  }
0x69: {  	s26 =	smov.u32 s29;
	[sflag:s15] =	ssyncset.done $0x0  }
.Ltmp6:
0x6a: {  	_ = 	snop;
	(pc) =	sbr.rel .LBB2_7-.Ltmp6, $1  }
0x6b: {  	_ =	sdelay $0x3  }
.LBB2_9:
0x6c: {  	_ =	sfence.sel $0x180000  }
0x6d: {  	[bflag:$0x0] =	sbarrier.arrive $0xFFFF  }
0x6e: {  	p0 =	sne.s32 s1, $0x0;
	_ =	strace $0x9000004D  }
0x6f: {  	s0 =	sadd.s32 @!p0 $0x100000, s0;
	[bflag:$0x2] =	sbarrier.arrive $0xFFFF  }
0x70: {  	[sflag:s0] =	ssyncadd.tile.s32 @!p0 $0x1;
	_ =	shalt  }
.Lfunc_end2:
_tile_overlayer_lowered:
.L_overlay_start_2:
0x71: {  	(tag) =	ssettag $0x2  }
0x72: {  	s0 =	rddreg [dreg:$0x0];
	s2 =	stileid.u32  }
0x73: {  	s1 =	rddreg [dreg:$0x1];
	p0 =	sne.s32 s2, $0x0  }
0x74: {  	s3 =	rddreg [dreg:$0x2];
	[bflag:$0x3] =	sbarrier.arrive $0xFFFF;
	s2 =	simm.s32 @!p0 $0x1C02  }
0x75: {  	[timem:s3], [sflag:s2] =	dma.local @!p0 [hbm:s0], s1  }
0x76: {  	s0 =	simm.s32 @!p0 $0x2  }
0x77: {  	_ =	swait.ge @!p0 [sflag:s0], s1  }
0x78: {  	s1 =	ssub.s32 @!p0 $0x0, s1;
	[sflag:s0] =	ssyncset.done @!p0 $0x0  }
0x79: {  	[sflag:s0] =	ssyncadd.s32 @!p0 s1  }
0x7a: {  	[bflag:$0x3] =	sbarrier.arrive $0xFFFF  }
0x7b: {  	_ =	shalt  }

// kernel: _run.21.cloned.1.call-start
scs
__scs_entry_jumppad:
0x0: {  	(pc) =	sbr.rel $0x88, $3  }
0x1: {  	(tag) =	ssettag $0x0;
	lr =	simm.s32 $0x1  }
0x2: {  	[smem:$0x3F9F] =	sst lr;
	_ =	strace $0xD0000000  }
0x3: {  	_ = 	snop  }
0x4: {  	_ = 	snop  }
0x5: {  	_ = 	snop  }
0x6: {  	_ = 	snop  }
0x7: {  	_ = 	snop  }
__scs_overlays_trampoline_lowered:
0x8: {  	[smem:$0x3FAE] =	sst s0  }
0x9: {  	[smem:$0x3FAF] =	sst s1  }
0xa: {  	[smem:$0x3FB0] =	sst s2  }
0xb: {  	[smem:$0x3FB1] =	sst s3  }
0xc: {  	[smem:$0x3FB2] =	sst s4  }
0xd: {  	[smem:$0x3FB3] =	sst s5  }
0xe: {  	[smem:$0x3FB4] =	sst s6  }
0xf: {  	[smem:$0x3FB5] =	sst s7  }
0x10: {  	[smem:$0x3FB6] =	sst s8  }
0x11: {  	[smem:$0x3FB7] =	sst s9;
	s0 =	simm.s32 @!p0 $0x0  }
0x12: {  	s1 =	sld [smem:$0x3F9D];
	s0 =	simm.s32 @p0 $0x1  }
0x13: {  	[smem:$0x3FB8] =	sst s0;
	s0 =	simm.s32 @!p1 $0x0  }
0x14: {  	s2 =	sld [smem:$0x3F9C];
	s0 =	simm.s32 @p1 $0x1  }
0x15: {  	[smem:$0x3FB9] =	sst s0;
	s0 =	simm.s32 @!p2 $0x0  }
0x16: {  	s3 =	sld [smem:$0x3FDB];
	s0 =	simm.s32 @p2 $0x1  }
0x17: {  	s4 =	simm.s32 $0x1BF5;
	[smem:$0x3FBB] =	sst s0  }
0x18: {  	s0 =	sld [smem:$0x3F9E];
	_ =	swait.ge [sflag:s4], $0x0  }
0x19: {  	s7 =	sld [smem:$0x3F9F]  }
0x1a: {  	s8 =	sadd.s32 $0xFFFFE003, lr  }
0x1b: {  	s9 =	sadd.s32 $0xFFFFFEF7, lr;
	s5 =	simm.s32 $0xFFFFFFFF;
	p2 =	slt.u32 s8, $0xFFFFF086  }
0x1c: {  	p1 =	slt.u32 s9, $0xF7A;
	s5 =	simm.s32 @!p2 $0x0  }
0x1d: {  	s5 =	simm.s32 @p1 $0x1;
	p0 =	seq.s32 s7, s2  }
0x1e: {  	s7 =	smul.u32 @!p0 $0xF7A, s2;
	p2 =	seq.s32 @!p0 s5, $0x0  }
0x1f: {  	s9 =	smul.u32 $0xF7A, s1;
	s8 =	simm.s32 @!p0 $0x1BF5;
	p2 =	por !p2, p0  }
0x20: {  	[sflag:s8] =	ssyncset.s32 @!p0 $0xFFFFF086;
	s6 =	sadd.s32 @!p0 s3, s7;
	s7 =	simm.s32 @!p0 $0x108  }
0x21: {  	s3 =	sadd.s32 s3, s9;
	s6 =	sadd.s32 @!p0 $0x88, s6;
	s7 =	simm.s32 @p2 $0x1082  }
0x22: {  	[simem:s7], [sflag:s8] =	dma.local @!p0 [hbm:s6], $0xF7A  }
0x23: {  	s9 =	sor.u32 $0xD0000000, s2;
	s6 =	simm.s32 $0x108;
	_ =	swait.ge @!p0 [sflag:s8], $0x0  }
0x24: {  	s3 =	sadd.s32 $0x88, s3;
	s6 =	simm.s32 @!p1 $0x1082;
	[sflag:s4] =	ssyncset.s32 $0xFFFFF086  }
0x25: {  	[simem:s6], [sflag:s4] =	dma.local [hbm:s3], $0xF7A  }
0x26: {  	[smem:$0x3F9F] =	sst s1;
	(tag) =	ssettag s2;
	_ =	strace s9  }
0x27: {  	s1 =	sld [smem:$0x3FAF]  }
0x28: {  	s2 =	sld [smem:$0x3FB0]  }
0x29: {  	s4 =	sld [smem:$0x3FB2]  }
0x2a: {  	p0 =	seq.s32 s5, $0x0;
	s5 =	sld [smem:$0x3FB3]  }
0x2b: {  	s6 =	sld [smem:$0x3FB4]  }
0x2c: {  	s7 =	sld [smem:$0x3FB5]  }
0x2d: {  	s3 =	simm.s32 $0x108;
	s8 =	sld [smem:$0x3FB6]  }
0x2e: {  	s3 =	simm.s32 @!p0 $0x1082;
	s9 =	sld [smem:$0x3FB7]  }
0x2f: {  	lr =	sadd.s32 s0, s3;
	s0 =	sld [smem:$0x3FAE]  }
0x30: {  	s3 =	sld [smem:$0x3FB1]  }
0x31: {  	[smem:$0x3FBA] =	sst s10  }
0x32: {  	s10 =	sld [smem:$0x3FB8];
	_ =	sdelay $0x3  }
0x33: {  	p0 =	seq.s32 s10, $0x1;
	s10 =	sld [smem:$0x3FBA];
	_ =	sdelay $0x3  }
0x34: {  	[smem:$0x3FBA] =	sst s10  }
0x35: {  	s10 =	sld [smem:$0x3FB9];
	_ =	sdelay $0x3  }
0x36: {  	p1 =	seq.s32 s10, $0x1;
	s10 =	sld [smem:$0x3FBA];
	_ =	sdelay $0x3  }
0x37: {  	[smem:$0x3FBA] =	sst s10  }
0x38: {  	s10 =	sld [smem:$0x3FBB]  }
0x39: {  	_ = 	snop;
	(pc) =	sbr.ind lr, $3  }
0x3a: {  	_ = 	snop  }
0x3b: {  	_ = 	snop  }
0x3c: {  	p2 =	seq.s32 s10, $0x1;
	s10 =	sld [smem:$0x3FBA]  }
0x3d: {  	_ =	shalt  }
0x3e: {  	_ =	shalt  }
0x3f: {  	_ =	shalt  }
0x40: {  	_ =	shalt  }
0x41: {  	_ =	shalt  }
0x42: {  	_ =	shalt  }
0x43: {  	_ =	shalt  }
0x44: {  	_ =	shalt  }
0x45: {  	_ =	shalt  }
0x46: {  	_ =	shalt  }
0x47: {  	_ =	shalt  }
0x48: {  	_ =	shalt  }
0x49: {  	_ =	shalt  }
0x4a: {  	_ =	shalt  }
0x4b: {  	_ =	shalt  }
0x4c: {  	_ =	shalt  }
0x4d: {  	_ =	shalt  }
0x4e: {  	_ =	shalt  }
0x4f: {  	_ =	shalt  }
0x50: {  	_ =	shalt  }
0x51: {  	_ =	shalt  }
0x52: {  	_ =	shalt  }
0x53: {  	_ =	shalt  }
0x54: {  	_ =	shalt  }
0x55: {  	_ =	shalt  }
0x56: {  	_ =	shalt  }
0x57: {  	_ =	shalt  }
0x58: {  	_ =	shalt  }
0x59: {  	_ =	shalt  }
0x5a: {  	_ =	shalt  }
0x5b: {  	_ =	shalt  }
0x5c: {  	_ =	shalt  }
0x5d: {  	_ =	shalt  }
0x5e: {  	_ =	shalt  }
0x5f: {  	_ =	shalt  }
0x60: {  	_ =	shalt  }
0x61: {  	_ =	shalt  }
0x62: {  	_ =	shalt  }
0x63: {  	_ =	shalt  }
0x64: {  	_ =	shalt  }
0x65: {  	_ =	shalt  }
0x66: {  	_ =	shalt  }
0x67: {  	_ =	shalt  }
0x68: {  	_ =	shalt  }
0x69: {  	_ =	shalt  }
0x6a: {  	_ =	shalt  }
0x6b: {  	_ =	shalt  }
0x6c: {  	_ =	shalt  }
0x6d: {  	_ =	shalt  }
0x6e: {  	_ =	shalt  }
0x6f: {  	_ =	shalt  }
0x70: {  	_ =	shalt  }
0x71: {  	_ =	shalt  }
0x72: {  	_ =	shalt  }
0x73: {  	_ =	shalt  }
0x74: {  	_ =	shalt  }
0x75: {  	_ =	shalt  }
0x76: {  	_ =	shalt  }
0x77: {  	_ =	shalt  }
0x78: {  	_ =	shalt  }
0x79: {  	_ =	shalt  }
0x7a: {  	_ =	shalt  }
0x7b: {  	_ =	shalt  }
0x7c: {  	_ =	shalt  }
0x7d: {  	_ =	shalt  }
0x7e: {  	_ =	shalt  }
0x7f: {  	_ =	shalt  }
0x80: {  	_ =	shalt  }
0x81: {  	_ =	shalt  }
0x82: {  	_ =	shalt  }
0x83: {  	_ =	shalt  }
0x84: {  	_ =	shalt  }
0x85: {  	_ =	shalt  }
0x86: {  	_ =	shalt  }
0x87: {  	_ =	shalt  }
.Lfunc_end0:
.L_simem_size_0:
called_computation.3_lowered:
.L_overlay_start_0:
0x88: {  	s2 =	sld [smem:$0x3FD9]  }
0x89: {  	s3 =	sld [smem:$0x3FFE];
	_ =	sdelay $0x1  }
0x8a: {  	s1 =	srdreg.scid  }
0x8b: {  	s0 =	sand.u32 $0x1, s1  }
0x8c: {  	s14 =	sshll.u32 s0, $0xA;
	s2 =	sadd.s32 s3, s2  }
0x8d: {  	s2 =	sadd.s32 s2, s14  }
0x8e: {  	[smem:$0x3FC6] =	sst s2  }
0x8f: {  	_ = 	snop  }
0x90: {  	s2 =	sld [smem:$0x3FD0];
	_ =	sdelay $0x2  }
0x91: {  	s15 =	simm.s32 $0xA;
	s4 =	simm.s32 $0x10  }
0x92: {  	[smem:s4], [sflag:s15] =	dma.local [hbm:s2], $0x1  }
0x93: {  	_ =	swait.eq [sflag:s15], $0x1  }
0x94: {  	[sflag:s15] =	ssyncset.done $0x0  }
0x95: {  	s16 =	sld [smem:$0x10];
	[sflag:s15] =	ssyncadd.s32 $0xFFFFFFFF  }
0x96: {  	s17 =	sld [smem:$0x11];
	(tm) =	ssettm $0x1  }
0x97: {  	s18 =	sld [smem:$0x3FFB];
	_ =	sdelay $0x3  }
0x98: {  	_ =	strace s18  }
0x99: {  	s4 =	sld [smem:$0x3FFC];
	_ =	sdelay $0x3  }
0x9a: {  	_ =	strace s4  }
0x9b: {  	s4 =	sld [smem:$0x3FFD];
	_ =	sdelay $0x3  }
0x9c: {  	_ =	strace s4  }
0x9d: {  	_ =	strace $0x8FFFFFFF  }
0x9e: {  	s19 =	sld [smem:$0x3FDB];
	_ =	sdelay $0x1  }
0x9f: {  	s5 =	simm.s32 $_scs_section_size  }
0xa0: {  	s6 =	simm.s32 $_size__tile_overlayer_lowered;
	s7 =	simm.s32 $_tile_overlayer_lowered  }
0xa1: {  	s22 =	simm.s32 $0x1BFF;
	s21 =	sshll.u32 s7, $0x1;
	s4 =	sadd.s32 s5, s19  }
0xa2: {  	s8 =	simm.s32 $0x0;
	s20 =	sshll.u32 s6, $0x1;
	s6 =	sadd.s32 s21, s4  }
0xa3: {  	[timem:s8], [sflag:s22] =	dma.local [hbm:s6], s20  }
0xa4: {  	_ =	swait.ge [sflag:s22], s20  }
0xa5: {  	s5 =	ssub.s32 $0x0, s20;
	[sflag:s22] =	ssyncset.done $0x0  }
0xa6: {  	[sflag:s22] =	ssyncadd.s32 s5;
	_ =	sdelay $0x1  }
0xa7: {  	s23 =	simm.s32 $0x1B8B  }
0xa8: {  	_ =	swait.ge [sflag:s23], $0x1  }
0xa9: {  	[sflag:s23] =	ssyncset.done $0x0  }
0xaa: {  	s25 =	simm.s32 $0x1B8E;
	s24 =	sld [smem:$0x3FFE];
	[sflag:s23] =	ssyncadd.s32 $0xFFFFFFFF  }
0xab: {  	s26 =	simm.s32 $execute0_lowered;
	[smem:$0x3FD2] =	sst s25  }
0xac: {  	s6 =	sshll.u32 s26, $0x1;
	_ =	strace $0x8000004F;
	[dreg:$0x1] =	wrdreg $0xFFFFFFFF  }
0xad: {  	s28 =	simm.s32 $_size_execute0_lowered;
	s4 =	sadd.s32 s4, s6;
	[dreg:$0x0] =	wrdreg $0x0  }
0xae: {  	s6 =	sshll.u32 s28, $0x1;
	[dreg:$0x2] =	wrdreg s4  }
0xaf: {  	[dreg:$0x3] =	wrdreg s6  }
0xb0: {  	[dreg:$0x4] =	wrdreg $0xC0  }
0xb1: {  	_ =	task [dreg:s8], $0x5FFFF  }
0xb2: {  	[dreg:$0x1] =	wrdreg $0xFFFFFFFF  }
0xb3: {  	[dreg:$0x0] =	wrdreg $0x60  }
0xb4: {  	[dreg:$0x2] =	wrdreg s24  }
0xb5: {  	[dreg:$0x3] =	wrdreg s17  }
0xb6: {  	[dreg:$0x4] =	wrdreg s16  }
0xb7: {  	[dreg:$0x5] =	wrdreg $0xC0000  }
0xb8: {  	[dreg:$0x6] =	wrdreg $0x9  }
0xb9: {  	_ =	task.clear_ibuf [dreg:s8], $0x7FFFF;
	_ =	strace $0x9000004F  }
0xba: {  	s29 =	simm.s32 $0x9;
	_ =	strace $0x80000051  }
0xbb: {  	_ =	swait.ge [sflag:s29], $0x1  }
0xbc: {  	[sflag:s29] =	ssyncadd.s32 $0xFFFFFFFF  }
0xbd: {  	_ =	strace $0x90000051  }
0xbe: {  	_ =	sfence  }
0xbf: {  	s30 =	sld [smem:$0x0];
	_ =	sdelay $0x2  }
0xc0: {  	s31 =	sshll.u32 s1, $0xD;
	s1 =	sshrl.u32 s1, $0x2  }
0xc1: {  	s3 =	sand.u32 $0x4000, s31;
	s1 =	sadd.s32 s1, s30  }
0xc2: {  	s0 =	sor.u32 s3, s0;
	s1 =	sshll.u32 s1, $0x11  }
0xc3: {  	s0 =	sor.u32 s1, s0  }
0xc4: {  	s0 =	sadd.s32 $0x8F2B, s0  }
0xc5: {  	[sflag:s0] =	ssyncadd.remote.s32 $0x1  }
0xc6: {  	_ =	sfence.sel $0xFFFF  }
0xc7: {  	[dreg:$0x0] =	wrdreg $0xFFFFFFFF;
	(pc) =	sbr.abs _section_cstart, $3  }
0xc8: {  	[dreg:$0x1] =	wrdreg $0xFFFFFFFF  }
0xc9: {  	_ =	task.clear_ibuf [dreg:s8], $0x2FFFF;
	_ =	strace $0x9FFFFFFF  }
0xca: {  	(tm) =	ssettm $0x7FFFFFFF  }
0xcb: {  	_ =	shalt  }
tec
execute0_lowered:
.L_overlay_start_1:
0x0: {  	(tag) =	ssettag $0x1  }
0x1: {  	s8 =	rddreg [dreg:$0x0]  }
0x2: {  	s1 =	rddreg [dreg:$0x1]  }
0x3: {  	s2 =	rddreg [dreg:$0x2]  }
0x4: {  	s3 =	rddreg [dreg:$0x3]  }
0x5: {  	s0 =	rddreg [dreg:$0x4]  }
0x6: {  	s5 =	simm.s32 $0x0;
	s4 =	stileid.u32;
	s7 =	srdreg.scid  }
0x7: {  	s21 =	simm.s32 $0x80;
	s22 =	simm.s32 $0xA000;
	s23 =	simm.s32 $0x1  }
0x8: {  	s24 =	simm.s32 $0x0;
	[smem:$0x7FF] =	sst s5;
	s9 =	smul.u32 $0xA00, s4  }
0x9: {  	s6 =	sadd.s32 $0x18400, s8;
	s14 =	sand.u32 $0x1, s7;
	s11 =	smul.u32 $0x28000, s4  }
0xa: {  	s7 =	sadd.s32 $0x2C400, s8;
	s13 =	smul.u32 $0xA000, s4;
	s31 =	sshll.u32 s4, $0x6  }
0xb: {  	_ =	strace $0x80000050;
	s10 =	ssub.s32 $0x2, s14;
	p0 =	sne.s32 s14, $0x0  }
0xc: {  	s12 =	sadd.s32 s9, s8;
	s29 =	sshrl.u32 s10, $0x1;
	s8 =	sadd.s32 $0x18000, s8  }
0xd: {  	s30 =	sshrl.u32 s11, $0x2;
	s16 =	sadd.s32 s13, s3;
	s9 =	sor.u32 $0x1C02, s31  }
0xe: {  	s15 =	ssub.s32 s10, s29;
	s11 =	sadd.s32 s30, s3;
	s10 =	sadd.s32 $0xE000, s12  }
.Ltmp0:
0xf: {  	s14 =	sshrl.u32 s16, $0x3;
	s17 =	sadd.s32 $0x2000, s11;
	(pc) =	sbr.rel .LBB2_1-.Ltmp0, $4  }
0x10: {  	s18 =	sadd.s32 $0x4000, s11;
	s19 =	sadd.s32 $0x6000, s11;
	s20 =	sadd.s32 $0x8000, s11  }
0x11: {  	s11 =	sadd.s32 $0x4000, s12;
	s12 =	sshrl.u32 s13, $0x3;
	s13 =	smax.u32 s15, $0x1  }
0x12: {  	s15 =	simm.s32 $0x2;
	s16 =	sshrl.u32 s17, $0x3;
	s17 =	sshrl.u32 s18, $0x3  }
0x13: {  	s18 =	sshrl.u32 s19, $0x3;
	s19 =	sshrl.u32 s20, $0x3;
	s20 =	simm.s32 $0x5000  }
.LBB2_7:
0x14: {  	s25 =	sshra.s32 s25, $0x2;
	[sflag:s15] =	ssyncadd.s32 $0xFFFFE000  }
0x15: {  	[tilespmem:s22], [sflag:$0x1] =	stream.indirect.gather [hbm4b:s7+s21], $0x40, s25, s21, $0xb8;
	[tilespmem:$0x16000] =	vst v63  }
0x16: {  	_ =	swait.ge [sflag:s23], $0x2000  }
0x17: {  	[sflag:s23] =	ssyncset.done $0x0  }
0x18: {  	s25 =	sadd.s32 $0x5000, s25;
	[sflag:s23] =	ssyncadd.s32 $0xFFFFE000  }
0x19: {  	[spmem:s3] =	stream.indirect.scatter.add.f32 [tilespmem:s22], [sflag:$0x2], $0x40, s25, s21, $0xb8;
	[tilespmem:$0x16000] =	vst v63  }
0x1a: {  	_ =	swait.ge [sflag:s15], $0x2000  }
0x1b: {  	[sflag:s15] =	ssyncset.done $0x0  }
0x1c: {  	s25 =	smov.u32 s2;
	[sflag:s15] =	ssyncadd.s32 $0xFFFFE000  }
.LBB2_8:
0x1d: {  	s24 =	sadd.s32 $0x1, s24  }
0x1e: {  	p1 =	sne.s32 s24, s13  }
.Ltmp1:
0x1f: {  	s25 =	sadd.s32 s25, s12;
	[bflag:$0x0] =	sbarrier.arrive $0xFFFF;
	(pc) =	sbr.rel @!p1 .LBB2_9-.Ltmp1, $4  }
0x20: {  	[hbm:s25], [sflag:s9] =	dma.local [spmem:s14], $0x1400  }
0x21: {  	_ =	swait.ge [sflag:s15], $0x1400  }
0x22: {  	[sflag:s15] =	ssyncset.done $0x0  }
0x23: {  	[sflag:s15] =	ssyncadd.s32 $0xFFFFEC00  }
.LBB2_1:
0x24: {  	[spmem:s14], [sflag:s9] =	dma.local [hbm:s8], $0x400  }
0x25: {  	_ =	swait.ge [sflag:s15], $0x400  }
0x26: {  	[sflag:s15] =	ssyncset.done $0x0  }
0x27: {  	[sflag:s15] =	ssyncadd.s32 $0xFFFFFC00  }
0x28: {  	[spmem:s16], [sflag:s9] =	dma.local [hbm:s8], $0x400  }
0x29: {  	_ =	swait.ge [sflag:s15], $0x400  }
0x2a: {  	[sflag:s15] =	ssyncset.done $0x0  }
0x2b: {  	[sflag:s15] =	ssyncadd.s32 $0xFFFFFC00  }
0x2c: {  	[spmem:s17], [sflag:s9] =	dma.local [hbm:s8], $0x400  }
0x2d: {  	_ =	swait.ge [sflag:s15], $0x400  }
0x2e: {  	[sflag:s15] =	ssyncset.done $0x0  }
0x2f: {  	[sflag:s15] =	ssyncadd.s32 $0xFFFFFC00  }
0x30: {  	[spmem:s18], [sflag:s9] =	dma.local [hbm:s8], $0x400  }
0x31: {  	_ =	swait.ge [sflag:s15], $0x400  }
0x32: {  	[sflag:s15] =	ssyncset.done $0x0  }
0x33: {  	[sflag:s15] =	ssyncadd.s32 $0xFFFFFC00  }
0x34: {  	[spmem:s19], [sflag:s9] =	dma.local [hbm:s8], $0x400  }
0x35: {  	_ =	swait.ge [sflag:s15], $0x400  }
0x36: {  	[sflag:s15] =	ssyncset.done $0x0  }
0x37: {  	[sflag:s15] =	ssyncadd.s32 $0xFFFFFC00  }
0x38: {  	[tilespmem:s5], [sflag:$0x2] =	stream.linear.gather [hbm4b:s10+s5], $0x5000, $0x38;
	[tilespmem:$0x16000] =	vst v63  }
0x39: {  	_ =	swait.ge [sflag:s15], $0x5000  }
0x3a: {  	[sflag:s15] =	ssyncset.done $0x0  }
0x3b: {  	[sflag:s15] =	ssyncadd.s32 $0xFFFFB000  }
0x3c: {  	[tilespmem:s20], [sflag:$0x2] =	stream.linear.gather [hbm4b:s11+s5], $0x5000, $0x38;
	[tilespmem:$0x16000] =	vst v63  }
.Ltmp2:
0x3d: {  	_ =	swait.ge [sflag:s15], $0x5000;
	(pc) =	sbr.rel @p0 .LBB2_5-.Ltmp2, $4  }
0x3e: {  	[sflag:s15] =	ssyncset.done $0x0  }
0x3f: {  	[sflag:s15] =	ssyncadd.s32 $0xFFFFB000  }
0x40: {  	[bflag:$0x0] =	sbarrier.arrive $0xFFFF  }
0x41: {  	s25 =	simm.s32 $0x0  }
0x42: {  	[tilespmem:s22], [sflag:$0x1] =	stream.indirect.gather [hbm4b:s6+s21], $0x40, s25, s21, $0xb8;
	[tilespmem:$0x16000] =	vst v63  }
0x43: {  	_ =	swait.ge [sflag:s23], $0x2000  }
0x44: {  	[sflag:s23] =	ssyncset.done $0x0  }
0x45: {  	s31 =	simm.s32 $0x5000;
	[sflag:s23] =	ssyncadd.s32 $0xFFFFE000  }
0x46: {  	[spmem:s3] =	stream.indirect.scatter.add.f32 [tilespmem:s22], [sflag:$0x2], $0x40, s31, s21, $0xb8;
	[tilespmem:$0x16000] =	vst v63  }
0x47: {  	_ =	swait.ge [sflag:s15], $0x2000  }
0x48: {  	s25 =	simm.s32 $0x200;
	s26 =	simm.s32 $0x400;
	[sflag:s15] =	ssyncset.done $0x0  }
.LBB2_3:
0x49: {  	s28 =	sshra.s32 s25, $0x2  }
0x4a: {  	[sflag:s15] =	ssyncadd.s32 $0xFFFFE000;
	s25 =	smov.u32 s26;
	s29 =	sadd.s32 $0x200, s26  }
0x4b: {  	[tilespmem:s22], [sflag:$0x1] =	stream.indirect.gather [hbm4b:s6+s21], $0x40, s28, s21, $0xb8;
	[tilespmem:$0x16000] =	vst v63  }
0x4c: {  	p1 =	seq.s32 s26, $0x13E00;
	_ =	swait.ge [sflag:s23], $0x2000  }
.Ltmp3:
0x4d: {  	[sflag:s23] =	ssyncset.done $0x0;
	(pc) =	sbr.rel @!p1 .LBB2_3-.Ltmp3, $4  }
0x4e: {  	s26 =	sadd.s32 $0x5000, s28;
	[sflag:s23] =	ssyncadd.s32 $0xFFFFE000  }
0x4f: {  	[spmem:s3] =	stream.indirect.scatter.add.f32 [tilespmem:s22], [sflag:$0x2], $0x40, s26, s21, $0xb8;
	[tilespmem:$0x16000] =	vst v63  }
0x50: {  	_ =	swait.ge [sflag:s15], $0x2000  }
0x51: {  	s26 =	smov.u32 s29;
	[sflag:s15] =	ssyncset.done $0x0  }
0x52: {  	s25 =	sshra.s32 s25, $0x2;
	[sflag:s15] =	ssyncadd.s32 $0xFFFFE000  }
0x53: {  	[tilespmem:s22], [sflag:$0x1] =	stream.indirect.gather [hbm4b:s6+s21], $0x40, s25, s21, $0xb8;
	[tilespmem:$0x16000] =	vst v63  }
0x54: {  	_ =	swait.ge [sflag:s23], $0x2000  }
0x55: {  	[sflag:s23] =	ssyncset.done $0x0  }
.Ltmp4:
0x56: {  	s25 =	sadd.s32 $0x5000, s25;
	[sflag:s23] =	ssyncadd.s32 $0xFFFFE000;
	(pc) =	sbr.rel .LBB2_8-.Ltmp4, $4  }
0x57: {  	[spmem:s3] =	stream.indirect.scatter.add.f32 [tilespmem:s22], [sflag:$0x2], $0x40, s25, s21, $0xb8;
	[tilespmem:$0x16000] =	vst v63  }
0x58: {  	_ =	swait.ge [sflag:s15], $0x2000  }
0x59: {  	[sflag:s15] =	ssyncset.done $0x0  }
0x5a: {  	s25 =	smov.u32 s1;
	[sflag:s15] =	ssyncadd.s32 $0xFFFFE000  }
.LBB2_5:
0x5b: {  	[tilespmem:s22], [sflag:$0x1] =	stream.indirect.gather [hbm4b:s7+s21], $0x40, s25, s21, $0xb8;
	[tilespmem:$0x16000] =	vst v63  }
0x5c: {  	_ =	swait.ge [sflag:s23], $0x2000  }
0x5d: {  	[sflag:s23] =	ssyncset.done $0x0  }
0x5e: {  	s31 =	simm.s32 $0x5000;
	[sflag:s23] =	ssyncadd.s32 $0xFFFFE000  }
0x5f: {  	[spmem:s3] =	stream.indirect.scatter.add.f32 [tilespmem:s22], [sflag:$0x2], $0x40, s31, s21, $0xb8;
	[tilespmem:$0x16000] =	vst v63  }
0x60: {  	_ =	swait.ge [sflag:s15], $0x2000  }
0x61: {  	s25 =	simm.s32 $0x200;
	s26 =	simm.s32 $0x400;
	[sflag:s15] =	ssyncset.done $0x0  }
.LBB2_6:
0x62: {  	s28 =	sshra.s32 s25, $0x2  }
0x63: {  	[sflag:s15] =	ssyncadd.s32 $0xFFFFE000;
	s25 =	smov.u32 s26;
	s29 =	sadd.s32 $0x200, s26  }
0x64: {  	[tilespmem:s22], [sflag:$0x1] =	stream.indirect.gather [hbm4b:s7+s21], $0x40, s28, s21, $0xb8;
	[tilespmem:$0x16000] =	vst v63  }
0x65: {  	p1 =	sne.s32 s26, $0x13E00;
	_ =	swait.ge [sflag:s23], $0x2000  }
.Ltmp5:
0x66: {  	[sflag:s23] =	ssyncset.done $0x0;
	(pc) =	sbr.rel @p1 .LBB2_6-.Ltmp5, $4  }
0x67: {  	s26 =	sadd.s32 $0x5000, s28;
	[sflag:s23] =	ssyncadd.s32 $0xFFFFE000  }
0x68: {  	[spmem:s3] =	stream.indirect.scatter.add.f32 [tilespmem:s22], [sflag:$0x2], $0x40, s26, s21, $0xb8;
	[tilespmem:$0x16000] =	vst v63  }
0x69: {  	_ =	swait.ge [sflag:s15], $0x2000  }
0x6a: {  	s26 =	smov.u32 s29;
	[sflag:s15] =	ssyncset.done $0x0  }
.Ltmp6:
0x6b: {  	_ = 	snop;
	(pc) =	sbr.rel .LBB2_7-.Ltmp6, $1  }
0x6c: {  	_ =	sdelay $0x3  }
.LBB2_9:
0x6d: {  	_ =	sfence.sel $0x180000  }
0x6e: {  	[bflag:$0x0] =	sbarrier.arrive $0xFFFF  }
0x6f: {  	p0 =	sne.s32 s4, $0x0;
	_ =	strace $0x90000050  }
0x70: {  	s0 =	sadd.s32 @!p0 $0x100000, s0;
	[bflag:$0x2] =	sbarrier.arrive $0xFFFF  }
0x71: {  	[sflag:s0] =	ssyncadd.tile.s32 @!p0 $0x1;
	_ =	shalt  }
.Lfunc_end2:
_tile_overlayer_lowered:
.L_overlay_start_2:
0x72: {  	(tag) =	ssettag $0x2  }
0x73: {  	s0 =	rddreg [dreg:$0x0];
	s2 =	stileid.u32  }
0x74: {  	s1 =	rddreg [dreg:$0x1];
	p0 =	sne.s32 s2, $0x0  }
0x75: {  	s3 =	rddreg [dreg:$0x2];
	[bflag:$0x3] =	sbarrier.arrive $0xFFFF;
	s2 =	simm.s32 @!p0 $0x1C02  }
0x76: {  	[timem:s3], [sflag:s2] =	dma.local @!p0 [hbm:s0], s1  }
0x77: {  	s0 =	simm.s32 @!p0 $0x2  }
0x78: {  	_ =	swait.ge @!p0 [sflag:s0], s1  }
0x79: {  	s1 =	ssub.s32 @!p0 $0x0, s1;
	[sflag:s0] =	ssyncset.done @!p0 $0x0  }
0x7a: {  	[sflag:s0] =	ssyncadd.s32 @!p0 s1  }
0x7b: {  	[bflag:$0x3] =	sbarrier.arrive $0xFFFF  }
0x7c: {  	_ =	shalt  }

// kernel: _run.24.cloned.1.call-start
scs
__scs_entry_jumppad:
0x0: {  	(pc) =	sbr.rel $0x88, $3  }
0x1: {  	(tag) =	ssettag $0x0;
	lr =	simm.s32 $0x1  }
0x2: {  	[smem:$0x3F9F] =	sst lr;
	_ =	strace $0xD0000000  }
0x3: {  	_ = 	snop  }
0x4: {  	_ = 	snop  }
0x5: {  	_ = 	snop  }
0x6: {  	_ = 	snop  }
0x7: {  	_ = 	snop  }
__scs_overlays_trampoline_lowered:
0x8: {  	[smem:$0x3FAE] =	sst s0  }
0x9: {  	[smem:$0x3FAF] =	sst s1  }
0xa: {  	[smem:$0x3FB0] =	sst s2  }
0xb: {  	[smem:$0x3FB1] =	sst s3  }
0xc: {  	[smem:$0x3FB2] =	sst s4  }
0xd: {  	[smem:$0x3FB3] =	sst s5  }
0xe: {  	[smem:$0x3FB4] =	sst s6  }
0xf: {  	[smem:$0x3FB5] =	sst s7  }
0x10: {  	[smem:$0x3FB6] =	sst s8  }
0x11: {  	[smem:$0x3FB7] =	sst s9;
	s0 =	simm.s32 @!p0 $0x0  }
0x12: {  	s1 =	sld [smem:$0x3F9D];
	s0 =	simm.s32 @p0 $0x1  }
0x13: {  	[smem:$0x3FB8] =	sst s0;
	s0 =	simm.s32 @!p1 $0x0  }
0x14: {  	s2 =	sld [smem:$0x3F9C];
	s0 =	simm.s32 @p1 $0x1  }
0x15: {  	[smem:$0x3FB9] =	sst s0;
	s0 =	simm.s32 @!p2 $0x0  }
0x16: {  	s3 =	sld [smem:$0x3FDB];
	s0 =	simm.s32 @p2 $0x1  }
0x17: {  	s4 =	simm.s32 $0x1BF5;
	[smem:$0x3FBB] =	sst s0  }
0x18: {  	s0 =	sld [smem:$0x3F9E];
	_ =	swait.ge [sflag:s4], $0x0  }
0x19: {  	s7 =	sld [smem:$0x3F9F]  }
0x1a: {  	s8 =	sadd.s32 $0xFFFFE003, lr  }
0x1b: {  	s9 =	sadd.s32 $0xFFFFFEF7, lr;
	s5 =	simm.s32 $0xFFFFFFFF;
	p2 =	slt.u32 s8, $0xFFFFF086  }
0x1c: {  	p1 =	slt.u32 s9, $0xF7A;
	s5 =	simm.s32 @!p2 $0x0  }
0x1d: {  	s5 =	simm.s32 @p1 $0x1;
	p0 =	seq.s32 s7, s2  }
0x1e: {  	s7 =	smul.u32 @!p0 $0xF7A, s2;
	p2 =	seq.s32 @!p0 s5, $0x0  }
0x1f: {  	s9 =	smul.u32 $0xF7A, s1;
	s8 =	simm.s32 @!p0 $0x1BF5;
	p2 =	por !p2, p0  }
0x20: {  	[sflag:s8] =	ssyncset.s32 @!p0 $0xFFFFF086;
	s6 =	sadd.s32 @!p0 s3, s7;
	s7 =	simm.s32 @!p0 $0x108  }
0x21: {  	s3 =	sadd.s32 s3, s9;
	s6 =	sadd.s32 @!p0 $0x88, s6;
	s7 =	simm.s32 @p2 $0x1082  }
0x22: {  	[simem:s7], [sflag:s8] =	dma.local @!p0 [hbm:s6], $0xF7A  }
0x23: {  	s9 =	sor.u32 $0xD0000000, s2;
	s6 =	simm.s32 $0x108;
	_ =	swait.ge @!p0 [sflag:s8], $0x0  }
0x24: {  	s3 =	sadd.s32 $0x88, s3;
	s6 =	simm.s32 @!p1 $0x1082;
	[sflag:s4] =	ssyncset.s32 $0xFFFFF086  }
0x25: {  	[simem:s6], [sflag:s4] =	dma.local [hbm:s3], $0xF7A  }
0x26: {  	[smem:$0x3F9F] =	sst s1;
	(tag) =	ssettag s2;
	_ =	strace s9  }
0x27: {  	s1 =	sld [smem:$0x3FAF]  }
0x28: {  	s2 =	sld [smem:$0x3FB0]  }
0x29: {  	s4 =	sld [smem:$0x3FB2]  }
0x2a: {  	p0 =	seq.s32 s5, $0x0;
	s5 =	sld [smem:$0x3FB3]  }
0x2b: {  	s6 =	sld [smem:$0x3FB4]  }
0x2c: {  	s7 =	sld [smem:$0x3FB5]  }
0x2d: {  	s3 =	simm.s32 $0x108;
	s8 =	sld [smem:$0x3FB6]  }
0x2e: {  	s3 =	simm.s32 @!p0 $0x1082;
	s9 =	sld [smem:$0x3FB7]  }
0x2f: {  	lr =	sadd.s32 s0, s3;
	s0 =	sld [smem:$0x3FAE]  }
0x30: {  	s3 =	sld [smem:$0x3FB1]  }
0x31: {  	[smem:$0x3FBA] =	sst s10  }
0x32: {  	s10 =	sld [smem:$0x3FB8];
	_ =	sdelay $0x3  }
0x33: {  	p0 =	seq.s32 s10, $0x1;
	s10 =	sld [smem:$0x3FBA];
	_ =	sdelay $0x3  }
0x34: {  	[smem:$0x3FBA] =	sst s10  }
0x35: {  	s10 =	sld [smem:$0x3FB9];
	_ =	sdelay $0x3  }
0x36: {  	p1 =	seq.s32 s10, $0x1;
	s10 =	sld [smem:$0x3FBA];
	_ =	sdelay $0x3  }
0x37: {  	[smem:$0x3FBA] =	sst s10  }
0x38: {  	s10 =	sld [smem:$0x3FBB]  }
0x39: {  	_ = 	snop;
	(pc) =	sbr.ind lr, $3  }
0x3a: {  	_ = 	snop  }
0x3b: {  	_ = 	snop  }
0x3c: {  	p2 =	seq.s32 s10, $0x1;
	s10 =	sld [smem:$0x3FBA]  }
0x3d: {  	_ =	shalt  }
0x3e: {  	_ =	shalt  }
0x3f: {  	_ =	shalt  }
0x40: {  	_ =	shalt  }
0x41: {  	_ =	shalt  }
0x42: {  	_ =	shalt  }
0x43: {  	_ =	shalt  }
0x44: {  	_ =	shalt  }
0x45: {  	_ =	shalt  }
0x46: {  	_ =	shalt  }
0x47: {  	_ =	shalt  }
0x48: {  	_ =	shalt  }
0x49: {  	_ =	shalt  }
0x4a: {  	_ =	shalt  }
0x4b: {  	_ =	shalt  }
0x4c: {  	_ =	shalt  }
0x4d: {  	_ =	shalt  }
0x4e: {  	_ =	shalt  }
0x4f: {  	_ =	shalt  }
0x50: {  	_ =	shalt  }
0x51: {  	_ =	shalt  }
0x52: {  	_ =	shalt  }
0x53: {  	_ =	shalt  }
0x54: {  	_ =	shalt  }
0x55: {  	_ =	shalt  }
0x56: {  	_ =	shalt  }
0x57: {  	_ =	shalt  }
0x58: {  	_ =	shalt  }
0x59: {  	_ =	shalt  }
0x5a: {  	_ =	shalt  }
0x5b: {  	_ =	shalt  }
0x5c: {  	_ =	shalt  }
0x5d: {  	_ =	shalt  }
0x5e: {  	_ =	shalt  }
0x5f: {  	_ =	shalt  }
0x60: {  	_ =	shalt  }
0x61: {  	_ =	shalt  }
0x62: {  	_ =	shalt  }
0x63: {  	_ =	shalt  }
0x64: {  	_ =	shalt  }
0x65: {  	_ =	shalt  }
0x66: {  	_ =	shalt  }
0x67: {  	_ =	shalt  }
0x68: {  	_ =	shalt  }
0x69: {  	_ =	shalt  }
0x6a: {  	_ =	shalt  }
0x6b: {  	_ =	shalt  }
0x6c: {  	_ =	shalt  }
0x6d: {  	_ =	shalt  }
0x6e: {  	_ =	shalt  }
0x6f: {  	_ =	shalt  }
0x70: {  	_ =	shalt  }
0x71: {  	_ =	shalt  }
0x72: {  	_ =	shalt  }
0x73: {  	_ =	shalt  }
0x74: {  	_ =	shalt  }
0x75: {  	_ =	shalt  }
0x76: {  	_ =	shalt  }
0x77: {  	_ =	shalt  }
0x78: {  	_ =	shalt  }
0x79: {  	_ =	shalt  }
0x7a: {  	_ =	shalt  }
0x7b: {  	_ =	shalt  }
0x7c: {  	_ =	shalt  }
0x7d: {  	_ =	shalt  }
0x7e: {  	_ =	shalt  }
0x7f: {  	_ =	shalt  }
0x80: {  	_ =	shalt  }
0x81: {  	_ =	shalt  }
0x82: {  	_ =	shalt  }
0x83: {  	_ =	shalt  }
0x84: {  	_ =	shalt  }
0x85: {  	_ =	shalt  }
0x86: {  	_ =	shalt  }
0x87: {  	_ =	shalt  }
.Lfunc_end0:
.L_simem_size_0:
called_computation.4_lowered:
.L_overlay_start_0:
0x88: {  	s2 =	sld [smem:$0x3FD9]  }
0x89: {  	s3 =	sld [smem:$0x3FFE];
	_ =	sdelay $0x1  }
0x8a: {  	s1 =	srdreg.scid  }
0x8b: {  	s0 =	sand.u32 $0x1, s1  }
0x8c: {  	s14 =	sshll.u32 s0, $0xA;
	s2 =	sadd.s32 s3, s2  }
0x8d: {  	s2 =	sadd.s32 s2, s14  }
0x8e: {  	[smem:$0x3FC6] =	sst s2  }
0x8f: {  	_ = 	snop  }
0x90: {  	s2 =	sld [smem:$0x3FD0];
	_ =	sdelay $0x2  }
0x91: {  	s15 =	simm.s32 $0xA;
	s4 =	simm.s32 $0x10  }
0x92: {  	[smem:s4], [sflag:s15] =	dma.local [hbm:s2], $0x1  }
0x93: {  	_ =	swait.eq [sflag:s15], $0x1  }
0x94: {  	[sflag:s15] =	ssyncset.done $0x0  }
0x95: {  	s16 =	sld [smem:$0x10];
	[sflag:s15] =	ssyncadd.s32 $0xFFFFFFFF  }
0x96: {  	s17 =	sld [smem:$0x11];
	(tm) =	ssettm $0x1  }
0x97: {  	s18 =	sld [smem:$0x3FFB];
	_ =	sdelay $0x3  }
0x98: {  	_ =	strace s18  }
0x99: {  	s4 =	sld [smem:$0x3FFC];
	_ =	sdelay $0x3  }
0x9a: {  	_ =	strace s4  }
0x9b: {  	s4 =	sld [smem:$0x3FFD];
	_ =	sdelay $0x3  }
0x9c: {  	_ =	strace s4  }
0x9d: {  	_ =	strace $0x8FFFFFFF  }
0x9e: {  	s19 =	sld [smem:$0x3FDB];
	_ =	sdelay $0x1  }
0x9f: {  	s5 =	simm.s32 $_scs_section_size  }
0xa0: {  	s6 =	simm.s32 $_size__tile_overlayer_lowered;
	s7 =	simm.s32 $_tile_overlayer_lowered  }
0xa1: {  	s22 =	simm.s32 $0x1BFF;
	s21 =	sshll.u32 s7, $0x1;
	s4 =	sadd.s32 s5, s19  }
0xa2: {  	s8 =	simm.s32 $0x0;
	s20 =	sshll.u32 s6, $0x1;
	s6 =	sadd.s32 s21, s4  }
0xa3: {  	[timem:s8], [sflag:s22] =	dma.local [hbm:s6], s20  }
0xa4: {  	_ =	swait.ge [sflag:s22], s20  }
0xa5: {  	s5 =	ssub.s32 $0x0, s20;
	[sflag:s22] =	ssyncset.done $0x0  }
0xa6: {  	[sflag:s22] =	ssyncadd.s32 s5;
	_ =	sdelay $0x1  }
0xa7: {  	s23 =	simm.s32 $0x1B8B  }
0xa8: {  	_ =	swait.ge [sflag:s23], $0x1  }
0xa9: {  	[sflag:s23] =	ssyncset.done $0x0  }
0xaa: {  	s25 =	simm.s32 $0x1B8E;
	s24 =	sld [smem:$0x3FFE];
	[sflag:s23] =	ssyncadd.s32 $0xFFFFFFFF  }
0xab: {  	s26 =	simm.s32 $execute0_lowered;
	[smem:$0x3FD2] =	sst s25  }
0xac: {  	s6 =	sshll.u32 s26, $0x1;
	_ =	strace $0x80000052;
	[dreg:$0x1] =	wrdreg $0xFFFFFFFF  }
0xad: {  	s28 =	simm.s32 $_size_execute0_lowered;
	s4 =	sadd.s32 s4, s6;
	[dreg:$0x0] =	wrdreg $0x0  }
0xae: {  	s6 =	sshll.u32 s28, $0x1;
	[dreg:$0x2] =	wrdreg s4  }
0xaf: {  	[dreg:$0x3] =	wrdreg s6  }
0xb0: {  	[dreg:$0x4] =	wrdreg $0xC0  }
0xb1: {  	_ =	task [dreg:s8], $0x5FFFF  }
0xb2: {  	[dreg:$0x1] =	wrdreg $0xFFFFFFFF  }
0xb3: {  	[dreg:$0x0] =	wrdreg $0x60  }
0xb4: {  	[dreg:$0x2] =	wrdreg s17  }
0xb5: {  	[dreg:$0x3] =	wrdreg s16  }
0xb6: {  	[dreg:$0x4] =	wrdreg s24  }
0xb7: {  	[dreg:$0x5] =	wrdreg $0xC0000  }
0xb8: {  	[dreg:$0x6] =	wrdreg $0x9  }
0xb9: {  	_ =	task.clear_ibuf [dreg:s8], $0x7FFFF;
	_ =	strace $0x90000052  }
0xba: {  	s29 =	simm.s32 $0x9;
	_ =	strace $0x80000054  }
0xbb: {  	_ =	swait.ge [sflag:s29], $0x1  }
0xbc: {  	[sflag:s29] =	ssyncadd.s32 $0xFFFFFFFF  }
0xbd: {  	_ =	strace $0x90000054  }
0xbe: {  	_ =	sfence  }
0xbf: {  	s30 =	sld [smem:$0x0];
	_ =	sdelay $0x2  }
0xc0: {  	s31 =	sshll.u32 s1, $0xD;
	s1 =	sshrl.u32 s1, $0x2  }
0xc1: {  	s3 =	sand.u32 $0x4000, s31;
	s1 =	sadd.s32 s1, s30  }
0xc2: {  	s0 =	sor.u32 s3, s0;
	s1 =	sshll.u32 s1, $0x11  }
0xc3: {  	s0 =	sor.u32 s1, s0  }
0xc4: {  	s0 =	sadd.s32 $0x8F2B, s0  }
0xc5: {  	[sflag:s0] =	ssyncadd.remote.s32 $0x1  }
0xc6: {  	_ =	sfence.sel $0xFFFF  }
0xc7: {  	[dreg:$0x0] =	wrdreg $0xFFFFFFFF;
	(pc) =	sbr.abs _section_cstart, $3  }
0xc8: {  	[dreg:$0x1] =	wrdreg $0xFFFFFFFF  }
0xc9: {  	_ =	task.clear_ibuf [dreg:s8], $0x2FFFF;
	_ =	strace $0x9FFFFFFF  }
0xca: {  	(tm) =	ssettm $0x7FFFFFFF  }
0xcb: {  	_ =	shalt  }
tec
execute0_lowered:
.L_overlay_start_1:
0x0: {  	(tag) =	ssettag $0x1  }
0x1: {  	s2 =	rddreg [dreg:$0x0]  }
0x2: {  	s3 =	rddreg [dreg:$0x1]  }
0x3: {  	s8 =	rddreg [dreg:$0x2]  }
0x4: {  	s4 =	rddreg [dreg:$0x3];
	s1 =	stileid.u32  }
0x5: {  	s0 =	rddreg [dreg:$0x4];
	s5 =	simm.s32 $0x0;
	s7 =	srdreg.scid  }
0x6: {  	s21 =	simm.s32 $0x80;
	s22 =	simm.s32 $0xA000;
	s23 =	simm.s32 $0x1  }
0x7: {  	s24 =	simm.s32 $0x0;
	s6 =	smul.u32 $0xA00, s1;
	[smem:$0x7FF] =	sst s5  }
0x8: {  	s14 =	sand.u32 $0x1, s7;
	s10 =	smul.u32 $0x28000, s1;
	s7 =	sadd.s32 $0x18400, s8  }
0x9: {  	s13 =	smul.u32 $0xA000, s1;
	s30 =	sshll.u32 s1, $0x6;
	_ =	strace $0x80000053  }
0xa: {  	s9 =	ssub.s32 $0x2, s14;
	p0 =	sne.s32 s14, $0x0;
	s11 =	sadd.s32 s6, s8  }
0xb: {  	s6 =	sadd.s32 $0x18000, s8;
	s12 =	sshrl.u32 s9, $0x1;
	s8 =	sadd.s32 $0x2C400, s8  }
0xc: {  	s29 =	sshrl.u32 s10, $0x2;
	s16 =	sadd.s32 s13, s4;
	s15 =	ssub.s32 s9, s12  }
0xd: {  	s31 =	sadd.s32 s29, s4;
	s9 =	sor.u32 $0x1C02, s30;
	s10 =	sadd.s32 $0xE000, s11  }
.Ltmp0:
0xe: {  	s11 =	sadd.s32 $0x4000, s11;
	s12 =	sshrl.u32 s13, $0x3;
	(pc) =	sbr.rel .LBB2_1-.Ltmp0, $4  }
0xf: {  	s14 =	sshrl.u32 s16, $0x3;
	s17 =	sadd.s32 $0x2000, s31;
	s18 =	sadd.s32 $0x4000, s31  }
0x10: {  	s19 =	sadd.s32 $0x6000, s31;
	s20 =	sadd.s32 $0x8000, s31;
	s13 =	smax.u32 s15, $0x1  }
0x11: {  	s15 =	simm.s32 $0x2;
	s16 =	sshrl.u32 s17, $0x3;
	s17 =	sshrl.u32 s18, $0x3  }
0x12: {  	s18 =	sshrl.u32 s19, $0x3;
	s19 =	sshrl.u32 s20, $0x3;
	s20 =	simm.s32 $0x5000  }
.LBB2_7:
0x13: {  	s25 =	sshra.s32 s25, $0x2;
	[sflag:s15] =	ssyncadd.s32 $0xFFFFE000  }
0x14: {  	[tilespmem:s22], [sflag:$0x1] =	stream.indirect.gather [hbm4b:s3+s21], $0x40, s25, s21, $0xb8;
	[tilespmem:$0x16000] =	vst v63  }
0x15: {  	_ =	swait.ge [sflag:s23], $0x2000  }
0x16: {  	[sflag:s23] =	ssyncset.done $0x0  }
0x17: {  	s25 =	sadd.s32 $0x5000, s25;
	[sflag:s23] =	ssyncadd.s32 $0xFFFFE000  }
0x18: {  	[spmem:s4] =	stream.indirect.scatter.add.f32 [tilespmem:s22], [sflag:$0x2], $0x40, s25, s21, $0xb8;
	[tilespmem:$0x16000] =	vst v63  }
0x19: {  	_ =	swait.ge [sflag:s15], $0x2000  }
0x1a: {  	[sflag:s15] =	ssyncset.done $0x0  }
0x1b: {  	s25 =	smov.u32 s8;
	[sflag:s15] =	ssyncadd.s32 $0xFFFFE000  }
.LBB2_8:
0x1c: {  	s24 =	sadd.s32 $0x1, s24  }
0x1d: {  	p1 =	sne.s32 s24, s13  }
.Ltmp1:
0x1e: {  	s25 =	sadd.s32 s25, s12;
	[bflag:$0x0] =	sbarrier.arrive $0xFFFF;
	(pc) =	sbr.rel @!p1 .LBB2_9-.Ltmp1, $4  }
0x1f: {  	[hbm:s25], [sflag:s9] =	dma.local [spmem:s14], $0x1400  }
0x20: {  	_ =	swait.ge [sflag:s15], $0x1400  }
0x21: {  	[sflag:s15] =	ssyncset.done $0x0  }
0x22: {  	[sflag:s15] =	ssyncadd.s32 $0xFFFFEC00  }
.LBB2_1:
0x23: {  	[spmem:s14], [sflag:s9] =	dma.local [hbm:s6], $0x400  }
0x24: {  	_ =	swait.ge [sflag:s15], $0x400  }
0x25: {  	[sflag:s15] =	ssyncset.done $0x0  }
0x26: {  	[sflag:s15] =	ssyncadd.s32 $0xFFFFFC00  }
0x27: {  	[spmem:s16], [sflag:s9] =	dma.local [hbm:s6], $0x400  }
0x28: {  	_ =	swait.ge [sflag:s15], $0x400  }
0x29: {  	[sflag:s15] =	ssyncset.done $0x0  }
0x2a: {  	[sflag:s15] =	ssyncadd.s32 $0xFFFFFC00  }
0x2b: {  	[spmem:s17], [sflag:s9] =	dma.local [hbm:s6], $0x400  }
0x2c: {  	_ =	swait.ge [sflag:s15], $0x400  }
0x2d: {  	[sflag:s15] =	ssyncset.done $0x0  }
0x2e: {  	[sflag:s15] =	ssyncadd.s32 $0xFFFFFC00  }
0x2f: {  	[spmem:s18], [sflag:s9] =	dma.local [hbm:s6], $0x400  }
0x30: {  	_ =	swait.ge [sflag:s15], $0x400  }
0x31: {  	[sflag:s15] =	ssyncset.done $0x0  }
0x32: {  	[sflag:s15] =	ssyncadd.s32 $0xFFFFFC00  }
0x33: {  	[spmem:s19], [sflag:s9] =	dma.local [hbm:s6], $0x400  }
0x34: {  	_ =	swait.ge [sflag:s15], $0x400  }
0x35: {  	[sflag:s15] =	ssyncset.done $0x0  }
0x36: {  	[sflag:s15] =	ssyncadd.s32 $0xFFFFFC00  }
0x37: {  	[tilespmem:s5], [sflag:$0x2] =	stream.linear.gather [hbm4b:s10+s5], $0x5000, $0x38;
	[tilespmem:$0x16000] =	vst v63  }
0x38: {  	_ =	swait.ge [sflag:s15], $0x5000  }
0x39: {  	[sflag:s15] =	ssyncset.done $0x0  }
0x3a: {  	[sflag:s15] =	ssyncadd.s32 $0xFFFFB000  }
0x3b: {  	[tilespmem:s20], [sflag:$0x2] =	stream.linear.gather [hbm4b:s11+s5], $0x5000, $0x38;
	[tilespmem:$0x16000] =	vst v63  }
.Ltmp2:
0x3c: {  	_ =	swait.ge [sflag:s15], $0x5000;
	(pc) =	sbr.rel @p0 .LBB2_5-.Ltmp2, $4  }
0x3d: {  	[sflag:s15] =	ssyncset.done $0x0  }
0x3e: {  	[sflag:s15] =	ssyncadd.s32 $0xFFFFB000  }
0x3f: {  	[bflag:$0x0] =	sbarrier.arrive $0xFFFF  }
0x40: {  	s25 =	simm.s32 $0x0  }
0x41: {  	[tilespmem:s22], [sflag:$0x1] =	stream.indirect.gather [hbm4b:s2+s21], $0x40, s25, s21, $0xb8;
	[tilespmem:$0x16000] =	vst v63  }
0x42: {  	_ =	swait.ge [sflag:s23], $0x2000  }
0x43: {  	[sflag:s23] =	ssyncset.done $0x0  }
0x44: {  	s31 =	simm.s32 $0x5000;
	[sflag:s23] =	ssyncadd.s32 $0xFFFFE000  }
0x45: {  	[spmem:s4] =	stream.indirect.scatter.add.f32 [tilespmem:s22], [sflag:$0x2], $0x40, s31, s21, $0xb8;
	[tilespmem:$0x16000] =	vst v63  }
0x46: {  	_ =	swait.ge [sflag:s15], $0x2000  }
0x47: {  	s25 =	simm.s32 $0x200;
	s26 =	simm.s32 $0x400;
	[sflag:s15] =	ssyncset.done $0x0  }
.LBB2_3:
0x48: {  	s28 =	sshra.s32 s25, $0x2  }
0x49: {  	[sflag:s15] =	ssyncadd.s32 $0xFFFFE000;
	s25 =	smov.u32 s26;
	s29 =	sadd.s32 $0x200, s26  }
0x4a: {  	[tilespmem:s22], [sflag:$0x1] =	stream.indirect.gather [hbm4b:s2+s21], $0x40, s28, s21, $0xb8;
	[tilespmem:$0x16000] =	vst v63  }
0x4b: {  	p1 =	seq.s32 s26, $0x13E00;
	_ =	swait.ge [sflag:s23], $0x2000  }
.Ltmp3:
0x4c: {  	[sflag:s23] =	ssyncset.done $0x0;
	(pc) =	sbr.rel @!p1 .LBB2_3-.Ltmp3, $4  }
0x4d: {  	s26 =	sadd.s32 $0x5000, s28;
	[sflag:s23] =	ssyncadd.s32 $0xFFFFE000  }
0x4e: {  	[spmem:s4] =	stream.indirect.scatter.add.f32 [tilespmem:s22], [sflag:$0x2], $0x40, s26, s21, $0xb8;
	[tilespmem:$0x16000] =	vst v63  }
0x4f: {  	_ =	swait.ge [sflag:s15], $0x2000  }
0x50: {  	s26 =	smov.u32 s29;
	[sflag:s15] =	ssyncset.done $0x0  }
0x51: {  	s25 =	sshra.s32 s25, $0x2;
	[sflag:s15] =	ssyncadd.s32 $0xFFFFE000  }
0x52: {  	[tilespmem:s22], [sflag:$0x1] =	stream.indirect.gather [hbm4b:s2+s21], $0x40, s25, s21, $0xb8;
	[tilespmem:$0x16000] =	vst v63  }
0x53: {  	_ =	swait.ge [sflag:s23], $0x2000  }
0x54: {  	[sflag:s23] =	ssyncset.done $0x0  }
.Ltmp4:
0x55: {  	s25 =	sadd.s32 $0x5000, s25;
	[sflag:s23] =	ssyncadd.s32 $0xFFFFE000;
	(pc) =	sbr.rel .LBB2_8-.Ltmp4, $4  }
0x56: {  	[spmem:s4] =	stream.indirect.scatter.add.f32 [tilespmem:s22], [sflag:$0x2], $0x40, s25, s21, $0xb8;
	[tilespmem:$0x16000] =	vst v63  }
0x57: {  	_ =	swait.ge [sflag:s15], $0x2000  }
0x58: {  	[sflag:s15] =	ssyncset.done $0x0  }
0x59: {  	s25 =	smov.u32 s7;
	[sflag:s15] =	ssyncadd.s32 $0xFFFFE000  }
.LBB2_5:
0x5a: {  	[tilespmem:s22], [sflag:$0x1] =	stream.indirect.gather [hbm4b:s3+s21], $0x40, s25, s21, $0xb8;
	[tilespmem:$0x16000] =	vst v63  }
0x5b: {  	_ =	swait.ge [sflag:s23], $0x2000  }
0x5c: {  	[sflag:s23] =	ssyncset.done $0x0  }
0x5d: {  	s31 =	simm.s32 $0x5000;
	[sflag:s23] =	ssyncadd.s32 $0xFFFFE000  }
0x5e: {  	[spmem:s4] =	stream.indirect.scatter.add.f32 [tilespmem:s22], [sflag:$0x2], $0x40, s31, s21, $0xb8;
	[tilespmem:$0x16000] =	vst v63  }
0x5f: {  	_ =	swait.ge [sflag:s15], $0x2000  }
0x60: {  	s25 =	simm.s32 $0x200;
	s26 =	simm.s32 $0x400;
	[sflag:s15] =	ssyncset.done $0x0  }
.LBB2_6:
0x61: {  	s28 =	sshra.s32 s25, $0x2  }
0x62: {  	[sflag:s15] =	ssyncadd.s32 $0xFFFFE000;
	s25 =	smov.u32 s26;
	s29 =	sadd.s32 $0x200, s26  }
0x63: {  	[tilespmem:s22], [sflag:$0x1] =	stream.indirect.gather [hbm4b:s3+s21], $0x40, s28, s21, $0xb8;
	[tilespmem:$0x16000] =	vst v63  }
0x64: {  	p1 =	sne.s32 s26, $0x13E00;
	_ =	swait.ge [sflag:s23], $0x2000  }
.Ltmp5:
0x65: {  	[sflag:s23] =	ssyncset.done $0x0;
	(pc) =	sbr.rel @p1 .LBB2_6-.Ltmp5, $4  }
0x66: {  	s26 =	sadd.s32 $0x5000, s28;
	[sflag:s23] =	ssyncadd.s32 $0xFFFFE000  }
0x67: {  	[spmem:s4] =	stream.indirect.scatter.add.f32 [tilespmem:s22], [sflag:$0x2], $0x40, s26, s21, $0xb8;
	[tilespmem:$0x16000] =	vst v63  }
0x68: {  	_ =	swait.ge [sflag:s15], $0x2000  }
0x69: {  	s26 =	smov.u32 s29;
	[sflag:s15] =	ssyncset.done $0x0  }
.Ltmp6:
0x6a: {  	_ = 	snop;
	(pc) =	sbr.rel .LBB2_7-.Ltmp6, $1  }
0x6b: {  	_ =	sdelay $0x3  }
.LBB2_9:
0x6c: {  	_ =	sfence.sel $0x180000  }
0x6d: {  	[bflag:$0x0] =	sbarrier.arrive $0xFFFF  }
0x6e: {  	p0 =	sne.s32 s1, $0x0;
	_ =	strace $0x90000053  }
0x6f: {  	s0 =	sadd.s32 @!p0 $0x100000, s0;
	[bflag:$0x2] =	sbarrier.arrive $0xFFFF  }
0x70: {  	[sflag:s0] =	ssyncadd.tile.s32 @!p0 $0x1;
	_ =	shalt  }
.Lfunc_end2:
_tile_overlayer_lowered:
.L_overlay_start_2:
0x71: {  	(tag) =	ssettag $0x2  }
0x72: {  	s0 =	rddreg [dreg:$0x0];
	s2 =	stileid.u32  }
0x73: {  	s1 =	rddreg [dreg:$0x1];
	p0 =	sne.s32 s2, $0x0  }
0x74: {  	s3 =	rddreg [dreg:$0x2];
	[bflag:$0x3] =	sbarrier.arrive $0xFFFF;
	s2 =	simm.s32 @!p0 $0x1C02  }
0x75: {  	[timem:s3], [sflag:s2] =	dma.local @!p0 [hbm:s0], s1  }
0x76: {  	s0 =	simm.s32 @!p0 $0x2  }
0x77: {  	_ =	swait.ge @!p0 [sflag:s0], s1  }
0x78: {  	s1 =	ssub.s32 @!p0 $0x0, s1;
	[sflag:s0] =	ssyncset.done @!p0 $0x0  }
0x79: {  	[sflag:s0] =	ssyncadd.s32 @!p0 s1  }
0x7a: {  	[bflag:$0x3] =	sbarrier.arrive $0xFFFF  }
0x7b: {  	_ =	shalt  }

// kernel: _run.27.cloned.1.call-start
scs
__scs_entry_jumppad:
0x0: {  	(pc) =	sbr.rel $0x88, $3  }
0x1: {  	(tag) =	ssettag $0x0;
	lr =	simm.s32 $0x1  }
0x2: {  	[smem:$0x3F9F] =	sst lr;
	_ =	strace $0xD0000000  }
0x3: {  	_ = 	snop  }
0x4: {  	_ = 	snop  }
0x5: {  	_ = 	snop  }
0x6: {  	_ = 	snop  }
0x7: {  	_ = 	snop  }
__scs_overlays_trampoline_lowered:
0x8: {  	[smem:$0x3FAE] =	sst s0  }
0x9: {  	[smem:$0x3FAF] =	sst s1  }
0xa: {  	[smem:$0x3FB0] =	sst s2  }
0xb: {  	[smem:$0x3FB1] =	sst s3  }
0xc: {  	[smem:$0x3FB2] =	sst s4  }
0xd: {  	[smem:$0x3FB3] =	sst s5  }
0xe: {  	[smem:$0x3FB4] =	sst s6  }
0xf: {  	[smem:$0x3FB5] =	sst s7  }
0x10: {  	[smem:$0x3FB6] =	sst s8  }
0x11: {  	[smem:$0x3FB7] =	sst s9;
	s0 =	simm.s32 @!p0 $0x0  }
0x12: {  	s1 =	sld [smem:$0x3F9D];
	s0 =	simm.s32 @p0 $0x1  }
0x13: {  	[smem:$0x3FB8] =	sst s0;
	s0 =	simm.s32 @!p1 $0x0  }
0x14: {  	s2 =	sld [smem:$0x3F9C];
	s0 =	simm.s32 @p1 $0x1  }
0x15: {  	[smem:$0x3FB9] =	sst s0;
	s0 =	simm.s32 @!p2 $0x0  }
0x16: {  	s3 =	sld [smem:$0x3FDB];
	s0 =	simm.s32 @p2 $0x1  }
0x17: {  	s4 =	simm.s32 $0x1BF5;
	[smem:$0x3FBB] =	sst s0  }
0x18: {  	s0 =	sld [smem:$0x3F9E];
	_ =	swait.ge [sflag:s4], $0x0  }
0x19: {  	s7 =	sld [smem:$0x3F9F]  }
0x1a: {  	s8 =	sadd.s32 $0xFFFFE003, lr  }
0x1b: {  	s9 =	sadd.s32 $0xFFFFFEF7, lr;
	s5 =	simm.s32 $0xFFFFFFFF;
	p2 =	slt.u32 s8, $0xFFFFF086  }
0x1c: {  	p1 =	slt.u32 s9, $0xF7A;
	s5 =	simm.s32 @!p2 $0x0  }
0x1d: {  	s5 =	simm.s32 @p1 $0x1;
	p0 =	seq.s32 s7, s2  }
0x1e: {  	s7 =	smul.u32 @!p0 $0xF7A, s2;
	p2 =	seq.s32 @!p0 s5, $0x0  }
0x1f: {  	s9 =	smul.u32 $0xF7A, s1;
	s8 =	simm.s32 @!p0 $0x1BF5;
	p2 =	por !p2, p0  }
0x20: {  	[sflag:s8] =	ssyncset.s32 @!p0 $0xFFFFF086;
	s6 =	sadd.s32 @!p0 s3, s7;
	s7 =	simm.s32 @!p0 $0x108  }
0x21: {  	s3 =	sadd.s32 s3, s9;
	s6 =	sadd.s32 @!p0 $0x88, s6;
	s7 =	simm.s32 @p2 $0x1082  }
0x22: {  	[simem:s7], [sflag:s8] =	dma.local @!p0 [hbm:s6], $0xF7A  }
0x23: {  	s9 =	sor.u32 $0xD0000000, s2;
	s6 =	simm.s32 $0x108;
	_ =	swait.ge @!p0 [sflag:s8], $0x0  }
0x24: {  	s3 =	sadd.s32 $0x88, s3;
	s6 =	simm.s32 @!p1 $0x1082;
	[sflag:s4] =	ssyncset.s32 $0xFFFFF086  }
0x25: {  	[simem:s6], [sflag:s4] =	dma.local [hbm:s3], $0xF7A  }
0x26: {  	[smem:$0x3F9F] =	sst s1;
	(tag) =	ssettag s2;
	_ =	strace s9  }
0x27: {  	s1 =	sld [smem:$0x3FAF]  }
0x28: {  	s2 =	sld [smem:$0x3FB0]  }
0x29: {  	s4 =	sld [smem:$0x3FB2]  }
0x2a: {  	p0 =	seq.s32 s5, $0x0;
	s5 =	sld [smem:$0x3FB3]  }
0x2b: {  	s6 =	sld [smem:$0x3FB4]  }
0x2c: {  	s7 =	sld [smem:$0x3FB5]  }
0x2d: {  	s3 =	simm.s32 $0x108;
	s8 =	sld [smem:$0x3FB6]  }
0x2e: {  	s3 =	simm.s32 @!p0 $0x1082;
	s9 =	sld [smem:$0x3FB7]  }
0x2f: {  	lr =	sadd.s32 s0, s3;
	s0 =	sld [smem:$0x3FAE]  }
0x30: {  	s3 =	sld [smem:$0x3FB1]  }
0x31: {  	[smem:$0x3FBA] =	sst s10  }
0x32: {  	s10 =	sld [smem:$0x3FB8];
	_ =	sdelay $0x3  }
0x33: {  	p0 =	seq.s32 s10, $0x1;
	s10 =	sld [smem:$0x3FBA];
	_ =	sdelay $0x3  }
0x34: {  	[smem:$0x3FBA] =	sst s10  }
0x35: {  	s10 =	sld [smem:$0x3FB9];
	_ =	sdelay $0x3  }
0x36: {  	p1 =	seq.s32 s10, $0x1;
	s10 =	sld [smem:$0x3FBA];
	_ =	sdelay $0x3  }
0x37: {  	[smem:$0x3FBA] =	sst s10  }
0x38: {  	s10 =	sld [smem:$0x3FBB]  }
0x39: {  	_ = 	snop;
	(pc) =	sbr.ind lr, $3  }
0x3a: {  	_ = 	snop  }
0x3b: {  	_ = 	snop  }
0x3c: {  	p2 =	seq.s32 s10, $0x1;
	s10 =	sld [smem:$0x3FBA]  }
0x3d: {  	_ =	shalt  }
0x3e: {  	_ =	shalt  }
0x3f: {  	_ =	shalt  }
0x40: {  	_ =	shalt  }
0x41: {  	_ =	shalt  }
0x42: {  	_ =	shalt  }
0x43: {  	_ =	shalt  }
0x44: {  	_ =	shalt  }
0x45: {  	_ =	shalt  }
0x46: {  	_ =	shalt  }
0x47: {  	_ =	shalt  }
0x48: {  	_ =	shalt  }
0x49: {  	_ =	shalt  }
0x4a: {  	_ =	shalt  }
0x4b: {  	_ =	shalt  }
0x4c: {  	_ =	shalt  }
0x4d: {  	_ =	shalt  }
0x4e: {  	_ =	shalt  }
0x4f: {  	_ =	shalt  }
0x50: {  	_ =	shalt  }
0x51: {  	_ =	shalt  }
0x52: {  	_ =	shalt  }
0x53: {  	_ =	shalt  }
0x54: {  	_ =	shalt  }
0x55: {  	_ =	shalt  }
0x56: {  	_ =	shalt  }
0x57: {  	_ =	shalt  }
0x58: {  	_ =	shalt  }
0x59: {  	_ =	shalt  }
0x5a: {  	_ =	shalt  }
0x5b: {  	_ =	shalt  }
0x5c: {  	_ =	shalt  }
0x5d: {  	_ =	shalt  }
0x5e: {  	_ =	shalt  }
0x5f: {  	_ =	shalt  }
0x60: {  	_ =	shalt  }
0x61: {  	_ =	shalt  }
0x62: {  	_ =	shalt  }
0x63: {  	_ =	shalt  }
0x64: {  	_ =	shalt  }
0x65: {  	_ =	shalt  }
0x66: {  	_ =	shalt  }
0x67: {  	_ =	shalt  }
0x68: {  	_ =	shalt  }
0x69: {  	_ =	shalt  }
0x6a: {  	_ =	shalt  }
0x6b: {  	_ =	shalt  }
0x6c: {  	_ =	shalt  }
0x6d: {  	_ =	shalt  }
0x6e: {  	_ =	shalt  }
0x6f: {  	_ =	shalt  }
0x70: {  	_ =	shalt  }
0x71: {  	_ =	shalt  }
0x72: {  	_ =	shalt  }
0x73: {  	_ =	shalt  }
0x74: {  	_ =	shalt  }
0x75: {  	_ =	shalt  }
0x76: {  	_ =	shalt  }
0x77: {  	_ =	shalt  }
0x78: {  	_ =	shalt  }
0x79: {  	_ =	shalt  }
0x7a: {  	_ =	shalt  }
0x7b: {  	_ =	shalt  }
0x7c: {  	_ =	shalt  }
0x7d: {  	_ =	shalt  }
0x7e: {  	_ =	shalt  }
0x7f: {  	_ =	shalt  }
0x80: {  	_ =	shalt  }
0x81: {  	_ =	shalt  }
0x82: {  	_ =	shalt  }
0x83: {  	_ =	shalt  }
0x84: {  	_ =	shalt  }
0x85: {  	_ =	shalt  }
0x86: {  	_ =	shalt  }
0x87: {  	_ =	shalt  }
.Lfunc_end0:
.L_simem_size_0:
called_computation.5_lowered:
.L_overlay_start_0:
0x88: {  	s2 =	sld [smem:$0x3FD9]  }
0x89: {  	s3 =	sld [smem:$0x3FFE];
	_ =	sdelay $0x1  }
0x8a: {  	s1 =	srdreg.scid  }
0x8b: {  	s0 =	sand.u32 $0x1, s1  }
0x8c: {  	s14 =	sshll.u32 s0, $0xA;
	s2 =	sadd.s32 s3, s2  }
0x8d: {  	s2 =	sadd.s32 s2, s14  }
0x8e: {  	[smem:$0x3FC6] =	sst s2  }
0x8f: {  	_ = 	snop  }
0x90: {  	s2 =	sld [smem:$0x3FD0];
	_ =	sdelay $0x2  }
0x91: {  	s15 =	simm.s32 $0xA;
	s4 =	simm.s32 $0x10  }
0x92: {  	[smem:s4], [sflag:s15] =	dma.local [hbm:s2], $0x1  }
0x93: {  	_ =	swait.eq [sflag:s15], $0x1  }
0x94: {  	[sflag:s15] =	ssyncset.done $0x0  }
0x95: {  	s16 =	sld [smem:$0x10];
	[sflag:s15] =	ssyncadd.s32 $0xFFFFFFFF  }
0x96: {  	s17 =	sld [smem:$0x11];
	(tm) =	ssettm $0x1  }
0x97: {  	s18 =	sld [smem:$0x3FFB];
	_ =	sdelay $0x3  }
0x98: {  	_ =	strace s18  }
0x99: {  	s4 =	sld [smem:$0x3FFC];
	_ =	sdelay $0x3  }
0x9a: {  	_ =	strace s4  }
0x9b: {  	s4 =	sld [smem:$0x3FFD];
	_ =	sdelay $0x3  }
0x9c: {  	_ =	strace s4  }
0x9d: {  	_ =	strace $0x8FFFFFFF  }
0x9e: {  	s19 =	sld [smem:$0x3FDB];
	_ =	sdelay $0x1  }
0x9f: {  	s5 =	simm.s32 $_scs_section_size  }
0xa0: {  	s6 =	simm.s32 $_size__tile_overlayer_lowered;
	s7 =	simm.s32 $_tile_overlayer_lowered  }
0xa1: {  	s22 =	simm.s32 $0x1BFF;
	s21 =	sshll.u32 s7, $0x1;
	s4 =	sadd.s32 s5, s19  }
0xa2: {  	s8 =	simm.s32 $0x0;
	s20 =	sshll.u32 s6, $0x1;
	s6 =	sadd.s32 s21, s4  }
0xa3: {  	[timem:s8], [sflag:s22] =	dma.local [hbm:s6], s20  }
0xa4: {  	_ =	swait.ge [sflag:s22], s20  }
0xa5: {  	s5 =	ssub.s32 $0x0, s20;
	[sflag:s22] =	ssyncset.done $0x0  }
0xa6: {  	[sflag:s22] =	ssyncadd.s32 s5;
	_ =	sdelay $0x1  }
0xa7: {  	s23 =	simm.s32 $0x1B8B  }
0xa8: {  	_ =	swait.ge [sflag:s23], $0x1  }
0xa9: {  	[sflag:s23] =	ssyncset.done $0x0  }
0xaa: {  	s25 =	simm.s32 $0x1B8E;
	s24 =	sld [smem:$0x3FFE];
	[sflag:s23] =	ssyncadd.s32 $0xFFFFFFFF  }
0xab: {  	s26 =	simm.s32 $execute0_lowered;
	[smem:$0x3FD2] =	sst s25  }
0xac: {  	s6 =	sshll.u32 s26, $0x1;
	_ =	strace $0x80000055;
	[dreg:$0x1] =	wrdreg $0xFFFFFFFF  }
0xad: {  	s28 =	simm.s32 $_size_execute0_lowered;
	s4 =	sadd.s32 s4, s6;
	[dreg:$0x0] =	wrdreg $0x0  }
0xae: {  	s6 =	sshll.u32 s28, $0x1;
	[dreg:$0x2] =	wrdreg s4  }
0xaf: {  	[dreg:$0x3] =	wrdreg s6  }
0xb0: {  	[dreg:$0x4] =	wrdreg $0xC0  }
0xb1: {  	_ =	task [dreg:s8], $0x5FFFF  }
0xb2: {  	[dreg:$0x1] =	wrdreg $0xFFFFFFFF  }
0xb3: {  	[dreg:$0x0] =	wrdreg $0x60  }
0xb4: {  	[dreg:$0x2] =	wrdreg s24  }
0xb5: {  	[dreg:$0x3] =	wrdreg s17  }
0xb6: {  	[dreg:$0x4] =	wrdreg s16  }
0xb7: {  	[dreg:$0x5] =	wrdreg $0xC0000  }
0xb8: {  	[dreg:$0x6] =	wrdreg $0x9  }
0xb9: {  	_ =	task.clear_ibuf [dreg:s8], $0x7FFFF;
	_ =	strace $0x90000055  }
0xba: {  	s29 =	simm.s32 $0x9;
	_ =	strace $0x80000057  }
0xbb: {  	_ =	swait.ge [sflag:s29], $0x1  }
0xbc: {  	[sflag:s29] =	ssyncadd.s32 $0xFFFFFFFF  }
0xbd: {  	_ =	strace $0x90000057  }
0xbe: {  	_ =	sfence  }
0xbf: {  	s30 =	sld [smem:$0x0];
	_ =	sdelay $0x2  }
0xc0: {  	s31 =	sshll.u32 s1, $0xD;
	s1 =	sshrl.u32 s1, $0x2  }
0xc1: {  	s3 =	sand.u32 $0x4000, s31;
	s1 =	sadd.s32 s1, s30  }
0xc2: {  	s0 =	sor.u32 s3, s0;
	s1 =	sshll.u32 s1, $0x11  }
0xc3: {  	s0 =	sor.u32 s1, s0  }
0xc4: {  	s0 =	sadd.s32 $0x8F2B, s0  }
0xc5: {  	[sflag:s0] =	ssyncadd.remote.s32 $0x1  }
0xc6: {  	_ =	sfence.sel $0xFFFF  }
0xc7: {  	[dreg:$0x0] =	wrdreg $0xFFFFFFFF;
	(pc) =	sbr.abs _section_cstart, $3  }
0xc8: {  	[dreg:$0x1] =	wrdreg $0xFFFFFFFF  }
0xc9: {  	_ =	task.clear_ibuf [dreg:s8], $0x2FFFF;
	_ =	strace $0x9FFFFFFF  }
0xca: {  	(tm) =	ssettm $0x7FFFFFFF  }
0xcb: {  	_ =	shalt  }
tec
execute0_lowered:
.L_overlay_start_1:
0x0: {  	(tag) =	ssettag $0x1  }
0x1: {  	s8 =	rddreg [dreg:$0x0]  }
0x2: {  	s1 =	rddreg [dreg:$0x1]  }
0x3: {  	s2 =	rddreg [dreg:$0x2]  }
0x4: {  	s3 =	rddreg [dreg:$0x3]  }
0x5: {  	s0 =	rddreg [dreg:$0x4]  }
0x6: {  	s5 =	simm.s32 $0x0;
	s4 =	stileid.u32;
	s7 =	srdreg.scid  }
0x7: {  	s21 =	simm.s32 $0x80;
	s22 =	simm.s32 $0xA000;
	s23 =	simm.s32 $0x1  }
0x8: {  	s24 =	simm.s32 $0x0;
	[smem:$0x7FF] =	sst s5;
	s9 =	smul.u32 $0xA00, s4  }
0x9: {  	s6 =	sadd.s32 $0x18400, s8;
	s14 =	sand.u32 $0x1, s7;
	s11 =	smul.u32 $0x28000, s4  }
0xa: {  	s7 =	sadd.s32 $0x2C400, s8;
	s13 =	smul.u32 $0xA000, s4;
	s31 =	sshll.u32 s4, $0x6  }
0xb: {  	_ =	strace $0x80000056;
	s10 =	ssub.s32 $0x2, s14;
	p0 =	sne.s32 s14, $0x0  }
0xc: {  	s12 =	sadd.s32 s9, s8;
	s29 =	sshrl.u32 s10, $0x1;
	s8 =	sadd.s32 $0x18000, s8  }
0xd: {  	s30 =	sshrl.u32 s11, $0x2;
	s16 =	sadd.s32 s13, s3;
	s9 =	sor.u32 $0x1C02, s31  }
0xe: {  	s15 =	ssub.s32 s10, s29;
	s11 =	sadd.s32 s30, s3;
	s10 =	sadd.s32 $0xE000, s12  }
.Ltmp0:
0xf: {  	s14 =	sshrl.u32 s16, $0x3;
	s17 =	sadd.s32 $0x2000, s11;
	(pc) =	sbr.rel .LBB2_1-.Ltmp0, $4  }
0x10: {  	s18 =	sadd.s32 $0x4000, s11;
	s19 =	sadd.s32 $0x6000, s11;
	s20 =	sadd.s32 $0x8000, s11  }
0x11: {  	s11 =	sadd.s32 $0x4000, s12;
	s12 =	sshrl.u32 s13, $0x3;
	s13 =	smax.u32 s15, $0x1  }
0x12: {  	s15 =	simm.s32 $0x2;
	s16 =	sshrl.u32 s17, $0x3;
	s17 =	sshrl.u32 s18, $0x3  }
0x13: {  	s18 =	sshrl.u32 s19, $0x3;
	s19 =	sshrl.u32 s20, $0x3;
	s20 =	simm.s32 $0x5000  }
.LBB2_7:
0x14: {  	s25 =	sshra.s32 s25, $0x2;
	[sflag:s15] =	ssyncadd.s32 $0xFFFFE000  }
0x15: {  	[tilespmem:s22], [sflag:$0x1] =	stream.indirect.gather [hbm4b:s7+s21], $0x40, s25, s21, $0xb8;
	[tilespmem:$0x16000] =	vst v63  }
0x16: {  	_ =	swait.ge [sflag:s23], $0x2000  }
0x17: {  	[sflag:s23] =	ssyncset.done $0x0  }
0x18: {  	s25 =	sadd.s32 $0x5000, s25;
	[sflag:s23] =	ssyncadd.s32 $0xFFFFE000  }
0x19: {  	[spmem:s3] =	stream.indirect.scatter.add.f32 [tilespmem:s22], [sflag:$0x2], $0x40, s25, s21, $0xb8;
	[tilespmem:$0x16000] =	vst v63  }
0x1a: {  	_ =	swait.ge [sflag:s15], $0x2000  }
0x1b: {  	[sflag:s15] =	ssyncset.done $0x0  }
0x1c: {  	s25 =	smov.u32 s2;
	[sflag:s15] =	ssyncadd.s32 $0xFFFFE000  }
.LBB2_8:
0x1d: {  	s24 =	sadd.s32 $0x1, s24  }
0x1e: {  	p1 =	sne.s32 s24, s13  }
.Ltmp1:
0x1f: {  	s25 =	sadd.s32 s25, s12;
	[bflag:$0x0] =	sbarrier.arrive $0xFFFF;
	(pc) =	sbr.rel @!p1 .LBB2_9-.Ltmp1, $4  }
0x20: {  	[hbm:s25], [sflag:s9] =	dma.local [spmem:s14], $0x1400  }
0x21: {  	_ =	swait.ge [sflag:s15], $0x1400  }
0x22: {  	[sflag:s15] =	ssyncset.done $0x0  }
0x23: {  	[sflag:s15] =	ssyncadd.s32 $0xFFFFEC00  }
.LBB2_1:
0x24: {  	[spmem:s14], [sflag:s9] =	dma.local [hbm:s8], $0x400  }
0x25: {  	_ =	swait.ge [sflag:s15], $0x400  }
0x26: {  	[sflag:s15] =	ssyncset.done $0x0  }
0x27: {  	[sflag:s15] =	ssyncadd.s32 $0xFFFFFC00  }
0x28: {  	[spmem:s16], [sflag:s9] =	dma.local [hbm:s8], $0x400  }
0x29: {  	_ =	swait.ge [sflag:s15], $0x400  }
0x2a: {  	[sflag:s15] =	ssyncset.done $0x0  }
0x2b: {  	[sflag:s15] =	ssyncadd.s32 $0xFFFFFC00  }
0x2c: {  	[spmem:s17], [sflag:s9] =	dma.local [hbm:s8], $0x400  }
0x2d: {  	_ =	swait.ge [sflag:s15], $0x400  }
0x2e: {  	[sflag:s15] =	ssyncset.done $0x0  }
0x2f: {  	[sflag:s15] =	ssyncadd.s32 $0xFFFFFC00  }
0x30: {  	[spmem:s18], [sflag:s9] =	dma.local [hbm:s8], $0x400  }
0x31: {  	_ =	swait.ge [sflag:s15], $0x400  }
0x32: {  	[sflag:s15] =	ssyncset.done $0x0  }
0x33: {  	[sflag:s15] =	ssyncadd.s32 $0xFFFFFC00  }
0x34: {  	[spmem:s19], [sflag:s9] =	dma.local [hbm:s8], $0x400  }
0x35: {  	_ =	swait.ge [sflag:s15], $0x400  }
0x36: {  	[sflag:s15] =	ssyncset.done $0x0  }
0x37: {  	[sflag:s15] =	ssyncadd.s32 $0xFFFFFC00  }
0x38: {  	[tilespmem:s5], [sflag:$0x2] =	stream.linear.gather [hbm4b:s10+s5], $0x5000, $0x38;
	[tilespmem:$0x16000] =	vst v63  }
0x39: {  	_ =	swait.ge [sflag:s15], $0x5000  }
0x3a: {  	[sflag:s15] =	ssyncset.done $0x0  }
0x3b: {  	[sflag:s15] =	ssyncadd.s32 $0xFFFFB000  }
0x3c: {  	[tilespmem:s20], [sflag:$0x2] =	stream.linear.gather [hbm4b:s11+s5], $0x5000, $0x38;
	[tilespmem:$0x16000] =	vst v63  }
.Ltmp2:
0x3d: {  	_ =	swait.ge [sflag:s15], $0x5000;
	(pc) =	sbr.rel @p0 .LBB2_5-.Ltmp2, $4  }
0x3e: {  	[sflag:s15] =	ssyncset.done $0x0  }
0x3f: {  	[sflag:s15] =	ssyncadd.s32 $0xFFFFB000  }
0x40: {  	[bflag:$0x0] =	sbarrier.arrive $0xFFFF  }
0x41: {  	s25 =	simm.s32 $0x0  }
0x42: {  	[tilespmem:s22], [sflag:$0x1] =	stream.indirect.gather [hbm4b:s6+s21], $0x40, s25, s21, $0xb8;
	[tilespmem:$0x16000] =	vst v63  }
0x43: {  	_ =	swait.ge [sflag:s23], $0x2000  }
0x44: {  	[sflag:s23] =	ssyncset.done $0x0  }
0x45: {  	s31 =	simm.s32 $0x5000;
	[sflag:s23] =	ssyncadd.s32 $0xFFFFE000  }
0x46: {  	[spmem:s3] =	stream.indirect.scatter.add.f32 [tilespmem:s22], [sflag:$0x2], $0x40, s31, s21, $0xb8;
	[tilespmem:$0x16000] =	vst v63  }
0x47: {  	_ =	swait.ge [sflag:s15], $0x2000  }
0x48: {  	s25 =	simm.s32 $0x200;
	s26 =	simm.s32 $0x400;
	[sflag:s15] =	ssyncset.done $0x0  }
.LBB2_3:
0x49: {  	s28 =	sshra.s32 s25, $0x2  }
0x4a: {  	[sflag:s15] =	ssyncadd.s32 $0xFFFFE000;
	s25 =	smov.u32 s26;
	s29 =	sadd.s32 $0x200, s26  }
0x4b: {  	[tilespmem:s22], [sflag:$0x1] =	stream.indirect.gather [hbm4b:s6+s21], $0x40, s28, s21, $0xb8;
	[tilespmem:$0x16000] =	vst v63  }
0x4c: {  	p1 =	seq.s32 s26, $0x13E00;
	_ =	swait.ge [sflag:s23], $0x2000  }
.Ltmp3:
0x4d: {  	[sflag:s23] =	ssyncset.done $0x0;
	(pc) =	sbr.rel @!p1 .LBB2_3-.Ltmp3, $4  }
0x4e: {  	s26 =	sadd.s32 $0x5000, s28;
	[sflag:s23] =	ssyncadd.s32 $0xFFFFE000  }
0x4f: {  	[spmem:s3] =	stream.indirect.scatter.add.f32 [tilespmem:s22], [sflag:$0x2], $0x40, s26, s21, $0xb8;
	[tilespmem:$0x16000] =	vst v63  }
0x50: {  	_ =	swait.ge [sflag:s15], $0x2000  }
0x51: {  	s26 =	smov.u32 s29;
	[sflag:s15] =	ssyncset.done $0x0  }
0x52: {  	s25 =	sshra.s32 s25, $0x2;
	[sflag:s15] =	ssyncadd.s32 $0xFFFFE000  }
0x53: {  	[tilespmem:s22], [sflag:$0x1] =	stream.indirect.gather [hbm4b:s6+s21], $0x40, s25, s21, $0xb8;
	[tilespmem:$0x16000] =	vst v63  }
0x54: {  	_ =	swait.ge [sflag:s23], $0x2000  }
0x55: {  	[sflag:s23] =	ssyncset.done $0x0  }
.Ltmp4:
0x56: {  	s25 =	sadd.s32 $0x5000, s25;
	[sflag:s23] =	ssyncadd.s32 $0xFFFFE000;
	(pc) =	sbr.rel .LBB2_8-.Ltmp4, $4  }
0x57: {  	[spmem:s3] =	stream.indirect.scatter.add.f32 [tilespmem:s22], [sflag:$0x2], $0x40, s25, s21, $0xb8;
	[tilespmem:$0x16000] =	vst v63  }
0x58: {  	_ =	swait.ge [sflag:s15], $0x2000  }
0x59: {  	[sflag:s15] =	ssyncset.done $0x0  }
0x5a: {  	s25 =	smov.u32 s1;
	[sflag:s15] =	ssyncadd.s32 $0xFFFFE000  }
.LBB2_5:
0x5b: {  	[tilespmem:s22], [sflag:$0x1] =	stream.indirect.gather [hbm4b:s7+s21], $0x40, s25, s21, $0xb8;
	[tilespmem:$0x16000] =	vst v63  }
0x5c: {  	_ =	swait.ge [sflag:s23], $0x2000  }
0x5d: {  	[sflag:s23] =	ssyncset.done $0x0  }
0x5e: {  	s31 =	simm.s32 $0x5000;
	[sflag:s23] =	ssyncadd.s32 $0xFFFFE000  }
0x5f: {  	[spmem:s3] =	stream.indirect.scatter.add.f32 [tilespmem:s22], [sflag:$0x2], $0x40, s31, s21, $0xb8;
	[tilespmem:$0x16000] =	vst v63  }
0x60: {  	_ =	swait.ge [sflag:s15], $0x2000  }
0x61: {  	s25 =	simm.s32 $0x200;
	s26 =	simm.s32 $0x400;
	[sflag:s15] =	ssyncset.done $0x0  }
.LBB2_6:
0x62: {  	s28 =	sshra.s32 s25, $0x2  }
0x63: {  	[sflag:s15] =	ssyncadd.s32 $0xFFFFE000;
	s25 =	smov.u32 s26;
	s29 =	sadd.s32 $0x200, s26  }
0x64: {  	[tilespmem:s22], [sflag:$0x1] =	stream.indirect.gather [hbm4b:s7+s21], $0x40, s28, s21, $0xb8;
	[tilespmem:$0x16000] =	vst v63  }
0x65: {  	p1 =	sne.s32 s26, $0x13E00;
	_ =	swait.ge [sflag:s23], $0x2000  }
.Ltmp5:
0x66: {  	[sflag:s23] =	ssyncset.done $0x0;
	(pc) =	sbr.rel @p1 .LBB2_6-.Ltmp5, $4  }
0x67: {  	s26 =	sadd.s32 $0x5000, s28;
	[sflag:s23] =	ssyncadd.s32 $0xFFFFE000  }
0x68: {  	[spmem:s3] =	stream.indirect.scatter.add.f32 [tilespmem:s22], [sflag:$0x2], $0x40, s26, s21, $0xb8;
	[tilespmem:$0x16000] =	vst v63  }
0x69: {  	_ =	swait.ge [sflag:s15], $0x2000  }
0x6a: {  	s26 =	smov.u32 s29;
	[sflag:s15] =	ssyncset.done $0x0  }
.Ltmp6:
0x6b: {  	_ = 	snop;
	(pc) =	sbr.rel .LBB2_7-.Ltmp6, $1  }
0x6c: {  	_ =	sdelay $0x3  }
.LBB2_9:
0x6d: {  	_ =	sfence.sel $0x180000  }
0x6e: {  	[bflag:$0x0] =	sbarrier.arrive $0xFFFF  }
0x6f: {  	p0 =	sne.s32 s4, $0x0;
	_ =	strace $0x90000056  }
0x70: {  	s0 =	sadd.s32 @!p0 $0x100000, s0;
	[bflag:$0x2] =	sbarrier.arrive $0xFFFF  }
0x71: {  	[sflag:s0] =	ssyncadd.tile.s32 @!p0 $0x1;
	_ =	shalt  }
.Lfunc_end2:
_tile_overlayer_lowered:
.L_overlay_start_2:
0x72: {  	(tag) =	ssettag $0x2  }
0x73: {  	s0 =	rddreg [dreg:$0x0];
	s2 =	stileid.u32  }
0x74: {  	s1 =	rddreg [dreg:$0x1];
	p0 =	sne.s32 s2, $0x0  }
0x75: {  	s3 =	rddreg [dreg:$0x2];
	[bflag:$0x3] =	sbarrier.arrive $0xFFFF;
	s2 =	simm.s32 @!p0 $0x1C02  }
0x76: {  	[timem:s3], [sflag:s2] =	dma.local @!p0 [hbm:s0], s1  }
0x77: {  	s0 =	simm.s32 @!p0 $0x2  }
0x78: {  	_ =	swait.ge @!p0 [sflag:s0], s1  }
0x79: {  	s1 =	ssub.s32 @!p0 $0x0, s1;
	[sflag:s0] =	ssyncset.done @!p0 $0x0  }
0x7a: {  	[sflag:s0] =	ssyncadd.s32 @!p0 s1  }
0x7b: {  	[bflag:$0x3] =	sbarrier.arrive $0xFFFF  }
0x7c: {  	_ =	shalt  }

// kernel: _run.30.cloned.1.call-start
scs
__scs_entry_jumppad:
0x0: {  	(pc) =	sbr.rel $0x88, $3  }
0x1: {  	(tag) =	ssettag $0x0;
	lr =	simm.s32 $0x1  }
0x2: {  	[smem:$0x3F9F] =	sst lr;
	_ =	strace $0xD0000000  }
0x3: {  	_ = 	snop  }
0x4: {  	_ = 	snop  }
0x5: {  	_ = 	snop  }
0x6: {  	_ = 	snop  }
0x7: {  	_ = 	snop  }
__scs_overlays_trampoline_lowered:
0x8: {  	[smem:$0x3FAE] =	sst s0  }
0x9: {  	[smem:$0x3FAF] =	sst s1  }
0xa: {  	[smem:$0x3FB0] =	sst s2  }
0xb: {  	[smem:$0x3FB1] =	sst s3  }
0xc: {  	[smem:$0x3FB2] =	sst s4  }
0xd: {  	[smem:$0x3FB3] =	sst s5  }
0xe: {  	[smem:$0x3FB4] =	sst s6  }
0xf: {  	[smem:$0x3FB5] =	sst s7  }
0x10: {  	[smem:$0x3FB6] =	sst s8  }
0x11: {  	[smem:$0x3FB7] =	sst s9;
	s0 =	simm.s32 @!p0 $0x0  }
0x12: {  	s1 =	sld [smem:$0x3F9D];
	s0 =	simm.s32 @p0 $0x1  }
0x13: {  	[smem:$0x3FB8] =	sst s0;
	s0 =	simm.s32 @!p1 $0x0  }
0x14: {  	s2 =	sld [smem:$0x3F9C];
	s0 =	simm.s32 @p1 $0x1  }
0x15: {  	[smem:$0x3FB9] =	sst s0;
	s0 =	simm.s32 @!p2 $0x0  }
0x16: {  	s3 =	sld [smem:$0x3FDB];
	s0 =	simm.s32 @p2 $0x1  }
0x17: {  	s4 =	simm.s32 $0x1BF5;
	[smem:$0x3FBB] =	sst s0  }
0x18: {  	s0 =	sld [smem:$0x3F9E];
	_ =	swait.ge [sflag:s4], $0x0  }
0x19: {  	s7 =	sld [smem:$0x3F9F]  }
0x1a: {  	s8 =	sadd.s32 $0xFFFFE003, lr  }
0x1b: {  	s9 =	sadd.s32 $0xFFFFFEF7, lr;
	s5 =	simm.s32 $0xFFFFFFFF;
	p2 =	slt.u32 s8, $0xFFFFF086  }
0x1c: {  	p1 =	slt.u32 s9, $0xF7A;
	s5 =	simm.s32 @!p2 $0x0  }
0x1d: {  	s5 =	simm.s32 @p1 $0x1;
	p0 =	seq.s32 s7, s2  }
0x1e: {  	s7 =	smul.u32 @!p0 $0xF7A, s2;
	p2 =	seq.s32 @!p0 s5, $0x0  }
0x1f: {  	s9 =	smul.u32 $0xF7A, s1;
	s8 =	simm.s32 @!p0 $0x1BF5;
	p2 =	por !p2, p0  }
0x20: {  	[sflag:s8] =	ssyncset.s32 @!p0 $0xFFFFF086;
	s6 =	sadd.s32 @!p0 s3, s7;
	s7 =	simm.s32 @!p0 $0x108  }
0x21: {  	s3 =	sadd.s32 s3, s9;
	s6 =	sadd.s32 @!p0 $0x88, s6;
	s7 =	simm.s32 @p2 $0x1082  }
0x22: {  	[simem:s7], [sflag:s8] =	dma.local @!p0 [hbm:s6], $0xF7A  }
0x23: {  	s9 =	sor.u32 $0xD0000000, s2;
	s6 =	simm.s32 $0x108;
	_ =	swait.ge @!p0 [sflag:s8], $0x0  }
0x24: {  	s3 =	sadd.s32 $0x88, s3;
	s6 =	simm.s32 @!p1 $0x1082;
	[sflag:s4] =	ssyncset.s32 $0xFFFFF086  }
0x25: {  	[simem:s6], [sflag:s4] =	dma.local [hbm:s3], $0xF7A  }
0x26: {  	[smem:$0x3F9F] =	sst s1;
	(tag) =	ssettag s2;
	_ =	strace s9  }
0x27: {  	s1 =	sld [smem:$0x3FAF]  }
0x28: {  	s2 =	sld [smem:$0x3FB0]  }
0x29: {  	s4 =	sld [smem:$0x3FB2]  }
0x2a: {  	p0 =	seq.s32 s5, $0x0;
	s5 =	sld [smem:$0x3FB3]  }
0x2b: {  	s6 =	sld [smem:$0x3FB4]  }
0x2c: {  	s7 =	sld [smem:$0x3FB5]  }
0x2d: {  	s3 =	simm.s32 $0x108;
	s8 =	sld [smem:$0x3FB6]  }
0x2e: {  	s3 =	simm.s32 @!p0 $0x1082;
	s9 =	sld [smem:$0x3FB7]  }
0x2f: {  	lr =	sadd.s32 s0, s3;
	s0 =	sld [smem:$0x3FAE]  }
0x30: {  	s3 =	sld [smem:$0x3FB1]  }
0x31: {  	[smem:$0x3FBA] =	sst s10  }
0x32: {  	s10 =	sld [smem:$0x3FB8];
	_ =	sdelay $0x3  }
0x33: {  	p0 =	seq.s32 s10, $0x1;
	s10 =	sld [smem:$0x3FBA];
	_ =	sdelay $0x3  }
0x34: {  	[smem:$0x3FBA] =	sst s10  }
0x35: {  	s10 =	sld [smem:$0x3FB9];
	_ =	sdelay $0x3  }
0x36: {  	p1 =	seq.s32 s10, $0x1;
	s10 =	sld [smem:$0x3FBA];
	_ =	sdelay $0x3  }
0x37: {  	[smem:$0x3FBA] =	sst s10  }
0x38: {  	s10 =	sld [smem:$0x3FBB]  }
0x39: {  	_ = 	snop;
	(pc) =	sbr.ind lr, $3  }
0x3a: {  	_ = 	snop  }
0x3b: {  	_ = 	snop  }
0x3c: {  	p2 =	seq.s32 s10, $0x1;
	s10 =	sld [smem:$0x3FBA]  }
0x3d: {  	_ =	shalt  }
0x3e: {  	_ =	shalt  }
0x3f: {  	_ =	shalt  }
0x40: {  	_ =	shalt  }
0x41: {  	_ =	shalt  }
0x42: {  	_ =	shalt  }
0x43: {  	_ =	shalt  }
0x44: {  	_ =	shalt  }
0x45: {  	_ =	shalt  }
0x46: {  	_ =	shalt  }
0x47: {  	_ =	shalt  }
0x48: {  	_ =	shalt  }
0x49: {  	_ =	shalt  }
0x4a: {  	_ =	shalt  }
0x4b: {  	_ =	shalt  }
0x4c: {  	_ =	shalt  }
0x4d: {  	_ =	shalt  }
0x4e: {  	_ =	shalt  }
0x4f: {  	_ =	shalt  }
0x50: {  	_ =	shalt  }
0x51: {  	_ =	shalt  }
0x52: {  	_ =	shalt  }
0x53: {  	_ =	shalt  }
0x54: {  	_ =	shalt  }
0x55: {  	_ =	shalt  }
0x56: {  	_ =	shalt  }
0x57: {  	_ =	shalt  }
0x58: {  	_ =	shalt  }
0x59: {  	_ =	shalt  }
0x5a: {  	_ =	shalt  }
0x5b: {  	_ =	shalt  }
0x5c: {  	_ =	shalt  }
0x5d: {  	_ =	shalt  }
0x5e: {  	_ =	shalt  }
0x5f: {  	_ =	shalt  }
0x60: {  	_ =	shalt  }
0x61: {  	_ =	shalt  }
0x62: {  	_ =	shalt  }
0x63: {  	_ =	shalt  }
0x64: {  	_ =	shalt  }
0x65: {  	_ =	shalt  }
0x66: {  	_ =	shalt  }
0x67: {  	_ =	shalt  }
0x68: {  	_ =	shalt  }
0x69: {  	_ =	shalt  }
0x6a: {  	_ =	shalt  }
0x6b: {  	_ =	shalt  }
0x6c: {  	_ =	shalt  }
0x6d: {  	_ =	shalt  }
0x6e: {  	_ =	shalt  }
0x6f: {  	_ =	shalt  }
0x70: {  	_ =	shalt  }
0x71: {  	_ =	shalt  }
0x72: {  	_ =	shalt  }
0x73: {  	_ =	shalt  }
0x74: {  	_ =	shalt  }
0x75: {  	_ =	shalt  }
0x76: {  	_ =	shalt  }
0x77: {  	_ =	shalt  }
0x78: {  	_ =	shalt  }
0x79: {  	_ =	shalt  }
0x7a: {  	_ =	shalt  }
0x7b: {  	_ =	shalt  }
0x7c: {  	_ =	shalt  }
0x7d: {  	_ =	shalt  }
0x7e: {  	_ =	shalt  }
0x7f: {  	_ =	shalt  }
0x80: {  	_ =	shalt  }
0x81: {  	_ =	shalt  }
0x82: {  	_ =	shalt  }
0x83: {  	_ =	shalt  }
0x84: {  	_ =	shalt  }
0x85: {  	_ =	shalt  }
0x86: {  	_ =	shalt  }
0x87: {  	_ =	shalt  }
.Lfunc_end0:
.L_simem_size_0:
called_computation.6_lowered:
.L_overlay_start_0:
0x88: {  	s2 =	sld [smem:$0x3FD9]  }
0x89: {  	s3 =	sld [smem:$0x3FFE];
	_ =	sdelay $0x1  }
0x8a: {  	s1 =	srdreg.scid  }
0x8b: {  	s0 =	sand.u32 $0x1, s1  }
0x8c: {  	s14 =	sshll.u32 s0, $0xA;
	s2 =	sadd.s32 s3, s2  }
0x8d: {  	s2 =	sadd.s32 s2, s14  }
0x8e: {  	[smem:$0x3FC6] =	sst s2  }
0x8f: {  	_ = 	snop  }
0x90: {  	s2 =	sld [smem:$0x3FD0];
	_ =	sdelay $0x2  }
0x91: {  	s15 =	simm.s32 $0xA;
	s4 =	simm.s32 $0x10  }
0x92: {  	[smem:s4], [sflag:s15] =	dma.local [hbm:s2], $0x1  }
0x93: {  	_ =	swait.eq [sflag:s15], $0x1  }
0x94: {  	[sflag:s15] =	ssyncset.done $0x0  }
0x95: {  	s16 =	sld [smem:$0x10];
	[sflag:s15] =	ssyncadd.s32 $0xFFFFFFFF  }
0x96: {  	s17 =	sld [smem:$0x11];
	(tm) =	ssettm $0x1  }
0x97: {  	s18 =	sld [smem:$0x3FFB];
	_ =	sdelay $0x3  }
0x98: {  	_ =	strace s18  }
0x99: {  	s4 =	sld [smem:$0x3FFC];
	_ =	sdelay $0x3  }
0x9a: {  	_ =	strace s4  }
0x9b: {  	s4 =	sld [smem:$0x3FFD];
	_ =	sdelay $0x3  }
0x9c: {  	_ =	strace s4  }
0x9d: {  	_ =	strace $0x8FFFFFFF  }
0x9e: {  	s19 =	sld [smem:$0x3FDB];
	_ =	sdelay $0x1  }
0x9f: {  	s5 =	simm.s32 $_scs_section_size  }
0xa0: {  	s6 =	simm.s32 $_size__tile_overlayer_lowered;
	s7 =	simm.s32 $_tile_overlayer_lowered  }
0xa1: {  	s22 =	simm.s32 $0x1BFF;
	s21 =	sshll.u32 s7, $0x1;
	s4 =	sadd.s32 s5, s19  }
0xa2: {  	s8 =	simm.s32 $0x0;
	s20 =	sshll.u32 s6, $0x1;
	s6 =	sadd.s32 s21, s4  }
0xa3: {  	[timem:s8], [sflag:s22] =	dma.local [hbm:s6], s20  }
0xa4: {  	_ =	swait.ge [sflag:s22], s20  }
0xa5: {  	s5 =	ssub.s32 $0x0, s20;
	[sflag:s22] =	ssyncset.done $0x0  }
0xa6: {  	[sflag:s22] =	ssyncadd.s32 s5;
	_ =	sdelay $0x1  }
0xa7: {  	s23 =	simm.s32 $0x1B8B  }
0xa8: {  	_ =	swait.ge [sflag:s23], $0x1  }
0xa9: {  	[sflag:s23] =	ssyncset.done $0x0  }
0xaa: {  	s25 =	simm.s32 $0x1B8E;
	s24 =	sld [smem:$0x3FFE];
	[sflag:s23] =	ssyncadd.s32 $0xFFFFFFFF  }
0xab: {  	s26 =	simm.s32 $execute0_lowered;
	[smem:$0x3FD2] =	sst s25  }
0xac: {  	s6 =	sshll.u32 s26, $0x1;
	_ =	strace $0x80000058;
	[dreg:$0x1] =	wrdreg $0xFFFFFFFF  }
0xad: {  	s28 =	simm.s32 $_size_execute0_lowered;
	s4 =	sadd.s32 s4, s6;
	[dreg:$0x0] =	wrdreg $0x0  }
0xae: {  	s6 =	sshll.u32 s28, $0x1;
	[dreg:$0x2] =	wrdreg s4  }
0xaf: {  	[dreg:$0x3] =	wrdreg s6  }
0xb0: {  	[dreg:$0x4] =	wrdreg $0xC0  }
0xb1: {  	_ =	task [dreg:s8], $0x5FFFF  }
0xb2: {  	[dreg:$0x1] =	wrdreg $0xFFFFFFFF  }
0xb3: {  	[dreg:$0x0] =	wrdreg $0x60  }
0xb4: {  	[dreg:$0x2] =	wrdreg s17  }
0xb5: {  	[dreg:$0x3] =	wrdreg s16  }
0xb6: {  	[dreg:$0x4] =	wrdreg s24  }
0xb7: {  	[dreg:$0x5] =	wrdreg $0xC0000  }
0xb8: {  	[dreg:$0x6] =	wrdreg $0x9  }
0xb9: {  	_ =	task.clear_ibuf [dreg:s8], $0x7FFFF;
	_ =	strace $0x90000058  }
0xba: {  	s29 =	simm.s32 $0x9;
	_ =	strace $0x8000005A  }
0xbb: {  	_ =	swait.ge [sflag:s29], $0x1  }
0xbc: {  	[sflag:s29] =	ssyncadd.s32 $0xFFFFFFFF  }
0xbd: {  	_ =	strace $0x9000005A  }
0xbe: {  	_ =	sfence  }
0xbf: {  	s30 =	sld [smem:$0x0];
	_ =	sdelay $0x2  }
0xc0: {  	s31 =	sshll.u32 s1, $0xD;
	s1 =	sshrl.u32 s1, $0x2  }
0xc1: {  	s3 =	sand.u32 $0x4000, s31;
	s1 =	sadd.s32 s1, s30  }
0xc2: {  	s0 =	sor.u32 s3, s0;
	s1 =	sshll.u32 s1, $0x11  }
0xc3: {  	s0 =	sor.u32 s1, s0  }
0xc4: {  	s0 =	sadd.s32 $0x8F2B, s0  }
0xc5: {  	[sflag:s0] =	ssyncadd.remote.s32 $0x1  }
0xc6: {  	_ =	sfence.sel $0xFFFF  }
0xc7: {  	[dreg:$0x0] =	wrdreg $0xFFFFFFFF;
	(pc) =	sbr.abs _section_cstart, $3  }
0xc8: {  	[dreg:$0x1] =	wrdreg $0xFFFFFFFF  }
0xc9: {  	_ =	task.clear_ibuf [dreg:s8], $0x2FFFF;
	_ =	strace $0x9FFFFFFF  }
0xca: {  	(tm) =	ssettm $0x7FFFFFFF  }
0xcb: {  	_ =	shalt  }
tec
execute0_lowered:
.L_overlay_start_1:
0x0: {  	(tag) =	ssettag $0x1  }
0x1: {  	s2 =	rddreg [dreg:$0x0]  }
0x2: {  	s3 =	rddreg [dreg:$0x1]  }
0x3: {  	s8 =	rddreg [dreg:$0x2]  }
0x4: {  	s4 =	rddreg [dreg:$0x3];
	s1 =	stileid.u32  }
0x5: {  	s0 =	rddreg [dreg:$0x4];
	s5 =	simm.s32 $0x0;
	s7 =	srdreg.scid  }
0x6: {  	s21 =	simm.s32 $0x80;
	s22 =	simm.s32 $0xA000;
	s23 =	simm.s32 $0x1  }
0x7: {  	s24 =	simm.s32 $0x0;
	s6 =	smul.u32 $0xA00, s1;
	[smem:$0x7FF] =	sst s5  }
0x8: {  	s14 =	sand.u32 $0x1, s7;
	s10 =	smul.u32 $0x28000, s1;
	s7 =	sadd.s32 $0x18400, s8  }
0x9: {  	s13 =	smul.u32 $0xA000, s1;
	s30 =	sshll.u32 s1, $0x6;
	_ =	strace $0x80000059  }
0xa: {  	s9 =	ssub.s32 $0x2, s14;
	p0 =	sne.s32 s14, $0x0;
	s11 =	sadd.s32 s6, s8  }
0xb: {  	s6 =	sadd.s32 $0x18000, s8;
	s12 =	sshrl.u32 s9, $0x1;
	s8 =	sadd.s32 $0x2C400, s8  }
0xc: {  	s29 =	sshrl.u32 s10, $0x2;
	s16 =	sadd.s32 s13, s4;
	s15 =	ssub.s32 s9, s12  }
0xd: {  	s31 =	sadd.s32 s29, s4;
	s9 =	sor.u32 $0x1C02, s30;
	s10 =	sadd.s32 $0xE000, s11  }
.Ltmp0:
0xe: {  	s11 =	sadd.s32 $0x4000, s11;
	s12 =	sshrl.u32 s13, $0x3;
	(pc) =	sbr.rel .LBB2_1-.Ltmp0, $4  }
0xf: {  	s14 =	sshrl.u32 s16, $0x3;
	s17 =	sadd.s32 $0x2000, s31;
	s18 =	sadd.s32 $0x4000, s31  }
0x10: {  	s19 =	sadd.s32 $0x6000, s31;
	s20 =	sadd.s32 $0x8000, s31;
	s13 =	smax.u32 s15, $0x1  }
0x11: {  	s15 =	simm.s32 $0x2;
	s16 =	sshrl.u32 s17, $0x3;
	s17 =	sshrl.u32 s18, $0x3  }
0x12: {  	s18 =	sshrl.u32 s19, $0x3;
	s19 =	sshrl.u32 s20, $0x3;
	s20 =	simm.s32 $0x5000  }
.LBB2_7:
0x13: {  	s25 =	sshra.s32 s25, $0x2;
	[sflag:s15] =	ssyncadd.s32 $0xFFFFE000  }
0x14: {  	[tilespmem:s22], [sflag:$0x1] =	stream.indirect.gather [hbm4b:s3+s21], $0x40, s25, s21, $0xb8;
	[tilespmem:$0x16000] =	vst v63  }
0x15: {  	_ =	swait.ge [sflag:s23], $0x2000  }
0x16: {  	[sflag:s23] =	ssyncset.done $0x0  }
0x17: {  	s25 =	sadd.s32 $0x5000, s25;
	[sflag:s23] =	ssyncadd.s32 $0xFFFFE000  }
0x18: {  	[spmem:s4] =	stream.indirect.scatter.add.f32 [tilespmem:s22], [sflag:$0x2], $0x40, s25, s21, $0xb8;
	[tilespmem:$0x16000] =	vst v63  }
0x19: {  	_ =	swait.ge [sflag:s15], $0x2000  }
0x1a: {  	[sflag:s15] =	ssyncset.done $0x0  }
0x1b: {  	s25 =	smov.u32 s8;
	[sflag:s15] =	ssyncadd.s32 $0xFFFFE000  }
.LBB2_8:
0x1c: {  	s24 =	sadd.s32 $0x1, s24  }
0x1d: {  	p1 =	sne.s32 s24, s13  }
.Ltmp1:
0x1e: {  	s25 =	sadd.s32 s25, s12;
	[bflag:$0x0] =	sbarrier.arrive $0xFFFF;
	(pc) =	sbr.rel @!p1 .LBB2_9-.Ltmp1, $4  }
0x1f: {  	[hbm:s25], [sflag:s9] =	dma.local [spmem:s14], $0x1400  }
0x20: {  	_ =	swait.ge [sflag:s15], $0x1400  }
0x21: {  	[sflag:s15] =	ssyncset.done $0x0  }
0x22: {  	[sflag:s15] =	ssyncadd.s32 $0xFFFFEC00  }
.LBB2_1:
0x23: {  	[spmem:s14], [sflag:s9] =	dma.local [hbm:s6], $0x400  }
0x24: {  	_ =	swait.ge [sflag:s15], $0x400  }
0x25: {  	[sflag:s15] =	ssyncset.done $0x0  }
0x26: {  	[sflag:s15] =	ssyncadd.s32 $0xFFFFFC00  }
0x27: {  	[spmem:s16], [sflag:s9] =	dma.local [hbm:s6], $0x400  }
0x28: {  	_ =	swait.ge [sflag:s15], $0x400  }
0x29: {  	[sflag:s15] =	ssyncset.done $0x0  }
0x2a: {  	[sflag:s15] =	ssyncadd.s32 $0xFFFFFC00  }
0x2b: {  	[spmem:s17], [sflag:s9] =	dma.local [hbm:s6], $0x400  }
0x2c: {  	_ =	swait.ge [sflag:s15], $0x400  }
0x2d: {  	[sflag:s15] =	ssyncset.done $0x0  }
0x2e: {  	[sflag:s15] =	ssyncadd.s32 $0xFFFFFC00  }
0x2f: {  	[spmem:s18], [sflag:s9] =	dma.local [hbm:s6], $0x400  }
0x30: {  	_ =	swait.ge [sflag:s15], $0x400  }
0x31: {  	[sflag:s15] =	ssyncset.done $0x0  }
0x32: {  	[sflag:s15] =	ssyncadd.s32 $0xFFFFFC00  }
0x33: {  	[spmem:s19], [sflag:s9] =	dma.local [hbm:s6], $0x400  }
0x34: {  	_ =	swait.ge [sflag:s15], $0x400  }
0x35: {  	[sflag:s15] =	ssyncset.done $0x0  }
0x36: {  	[sflag:s15] =	ssyncadd.s32 $0xFFFFFC00  }
0x37: {  	[tilespmem:s5], [sflag:$0x2] =	stream.linear.gather [hbm4b:s10+s5], $0x5000, $0x38;
	[tilespmem:$0x16000] =	vst v63  }
0x38: {  	_ =	swait.ge [sflag:s15], $0x5000  }
0x39: {  	[sflag:s15] =	ssyncset.done $0x0  }
0x3a: {  	[sflag:s15] =	ssyncadd.s32 $0xFFFFB000  }
0x3b: {  	[tilespmem:s20], [sflag:$0x2] =	stream.linear.gather [hbm4b:s11+s5], $0x5000, $0x38;
	[tilespmem:$0x16000] =	vst v63  }
.Ltmp2:
0x3c: {  	_ =	swait.ge [sflag:s15], $0x5000;
	(pc) =	sbr.rel @p0 .LBB2_5-.Ltmp2, $4  }
0x3d: {  	[sflag:s15] =	ssyncset.done $0x0  }
0x3e: {  	[sflag:s15] =	ssyncadd.s32 $0xFFFFB000  }
0x3f: {  	[bflag:$0x0] =	sbarrier.arrive $0xFFFF  }
0x40: {  	s25 =	simm.s32 $0x0  }
0x41: {  	[tilespmem:s22], [sflag:$0x1] =	stream.indirect.gather [hbm4b:s2+s21], $0x40, s25, s21, $0xb8;
	[tilespmem:$0x16000] =	vst v63  }
0x42: {  	_ =	swait.ge [sflag:s23], $0x2000  }
0x43: {  	[sflag:s23] =	ssyncset.done $0x0  }
0x44: {  	s31 =	simm.s32 $0x5000;
	[sflag:s23] =	ssyncadd.s32 $0xFFFFE000  }
0x45: {  	[spmem:s4] =	stream.indirect.scatter.add.f32 [tilespmem:s22], [sflag:$0x2], $0x40, s31, s21, $0xb8;
	[tilespmem:$0x16000] =	vst v63  }
0x46: {  	_ =	swait.ge [sflag:s15], $0x2000  }
0x47: {  	s25 =	simm.s32 $0x200;
	s26 =	simm.s32 $0x400;
	[sflag:s15] =	ssyncset.done $0x0  }
.LBB2_3:
0x48: {  	s28 =	sshra.s32 s25, $0x2  }
0x49: {  	[sflag:s15] =	ssyncadd.s32 $0xFFFFE000;
	s25 =	smov.u32 s26;
	s29 =	sadd.s32 $0x200, s26  }
0x4a: {  	[tilespmem:s22], [sflag:$0x1] =	stream.indirect.gather [hbm4b:s2+s21], $0x40, s28, s21, $0xb8;
	[tilespmem:$0x16000] =	vst v63  }
0x4b: {  	p1 =	seq.s32 s26, $0x13E00;
	_ =	swait.ge [sflag:s23], $0x2000  }
.Ltmp3:
0x4c: {  	[sflag:s23] =	ssyncset.done $0x0;
	(pc) =	sbr.rel @!p1 .LBB2_3-.Ltmp3, $4  }
0x4d: {  	s26 =	sadd.s32 $0x5000, s28;
	[sflag:s23] =	ssyncadd.s32 $0xFFFFE000  }
0x4e: {  	[spmem:s4] =	stream.indirect.scatter.add.f32 [tilespmem:s22], [sflag:$0x2], $0x40, s26, s21, $0xb8;
	[tilespmem:$0x16000] =	vst v63  }
0x4f: {  	_ =	swait.ge [sflag:s15], $0x2000  }
0x50: {  	s26 =	smov.u32 s29;
	[sflag:s15] =	ssyncset.done $0x0  }
0x51: {  	s25 =	sshra.s32 s25, $0x2;
	[sflag:s15] =	ssyncadd.s32 $0xFFFFE000  }
0x52: {  	[tilespmem:s22], [sflag:$0x1] =	stream.indirect.gather [hbm4b:s2+s21], $0x40, s25, s21, $0xb8;
	[tilespmem:$0x16000] =	vst v63  }
0x53: {  	_ =	swait.ge [sflag:s23], $0x2000  }
0x54: {  	[sflag:s23] =	ssyncset.done $0x0  }
.Ltmp4:
0x55: {  	s25 =	sadd.s32 $0x5000, s25;
	[sflag:s23] =	ssyncadd.s32 $0xFFFFE000;
	(pc) =	sbr.rel .LBB2_8-.Ltmp4, $4  }
0x56: {  	[spmem:s4] =	stream.indirect.scatter.add.f32 [tilespmem:s22], [sflag:$0x2], $0x40, s25, s21, $0xb8;
	[tilespmem:$0x16000] =	vst v63  }
0x57: {  	_ =	swait.ge [sflag:s15], $0x2000  }
0x58: {  	[sflag:s15] =	ssyncset.done $0x0  }
0x59: {  	s25 =	smov.u32 s7;
	[sflag:s15] =	ssyncadd.s32 $0xFFFFE000  }
.LBB2_5:
0x5a: {  	[tilespmem:s22], [sflag:$0x1] =	stream.indirect.gather [hbm4b:s3+s21], $0x40, s25, s21, $0xb8;
	[tilespmem:$0x16000] =	vst v63  }
0x5b: {  	_ =	swait.ge [sflag:s23], $0x2000  }
0x5c: {  	[sflag:s23] =	ssyncset.done $0x0  }
0x5d: {  	s31 =	simm.s32 $0x5000;
	[sflag:s23] =	ssyncadd.s32 $0xFFFFE000  }
0x5e: {  	[spmem:s4] =	stream.indirect.scatter.add.f32 [tilespmem:s22], [sflag:$0x2], $0x40, s31, s21, $0xb8;
	[tilespmem:$0x16000] =	vst v63  }
0x5f: {  	_ =	swait.ge [sflag:s15], $0x2000  }
0x60: {  	s25 =	simm.s32 $0x200;
	s26 =	simm.s32 $0x400;
	[sflag:s15] =	ssyncset.done $0x0  }
.LBB2_6:
0x61: {  	s28 =	sshra.s32 s25, $0x2  }
0x62: {  	[sflag:s15] =	ssyncadd.s32 $0xFFFFE000;
	s25 =	smov.u32 s26;
	s29 =	sadd.s32 $0x200, s26  }
0x63: {  	[tilespmem:s22], [sflag:$0x1] =	stream.indirect.gather [hbm4b:s3+s21], $0x40, s28, s21, $0xb8;
	[tilespmem:$0x16000] =	vst v63  }
0x64: {  	p1 =	sne.s32 s26, $0x13E00;
	_ =	swait.ge [sflag:s23], $0x2000  }
.Ltmp5:
0x65: {  	[sflag:s23] =	ssyncset.done $0x0;
	(pc) =	sbr.rel @p1 .LBB2_6-.Ltmp5, $4  }
0x66: {  	s26 =	sadd.s32 $0x5000, s28;
	[sflag:s23] =	ssyncadd.s32 $0xFFFFE000  }
0x67: {  	[spmem:s4] =	stream.indirect.scatter.add.f32 [tilespmem:s22], [sflag:$0x2], $0x40, s26, s21, $0xb8;
	[tilespmem:$0x16000] =	vst v63  }
0x68: {  	_ =	swait.ge [sflag:s15], $0x2000  }
0x69: {  	s26 =	smov.u32 s29;
	[sflag:s15] =	ssyncset.done $0x0  }
.Ltmp6:
0x6a: {  	_ = 	snop;
	(pc) =	sbr.rel .LBB2_7-.Ltmp6, $1  }
0x6b: {  	_ =	sdelay $0x3  }
.LBB2_9:
0x6c: {  	_ =	sfence.sel $0x180000  }
0x6d: {  	[bflag:$0x0] =	sbarrier.arrive $0xFFFF  }
0x6e: {  	p0 =	sne.s32 s1, $0x0;
	_ =	strace $0x90000059  }
0x6f: {  	s0 =	sadd.s32 @!p0 $0x100000, s0;
	[bflag:$0x2] =	sbarrier.arrive $0xFFFF  }
0x70: {  	[sflag:s0] =	ssyncadd.tile.s32 @!p0 $0x1;
	_ =	shalt  }
.Lfunc_end2:
_tile_overlayer_lowered:
.L_overlay_start_2:
0x71: {  	(tag) =	ssettag $0x2  }
0x72: {  	s0 =	rddreg [dreg:$0x0];
	s2 =	stileid.u32  }
0x73: {  	s1 =	rddreg [dreg:$0x1];
	p0 =	sne.s32 s2, $0x0  }
0x74: {  	s3 =	rddreg [dreg:$0x2];
	[bflag:$0x3] =	sbarrier.arrive $0xFFFF;
	s2 =	simm.s32 @!p0 $0x1C02  }
0x75: {  	[timem:s3], [sflag:s2] =	dma.local @!p0 [hbm:s0], s1  }
0x76: {  	s0 =	simm.s32 @!p0 $0x2  }
0x77: {  	_ =	swait.ge @!p0 [sflag:s0], s1  }
0x78: {  	s1 =	ssub.s32 @!p0 $0x0, s1;
	[sflag:s0] =	ssyncset.done @!p0 $0x0  }
0x79: {  	[sflag:s0] =	ssyncadd.s32 @!p0 s1  }
0x7a: {  	[bflag:$0x3] =	sbarrier.arrive $0xFFFF  }
0x7b: {  	_ =	shalt  }

// kernel: _run.33.cloned.1.call-start
scs
__scs_entry_jumppad:
0x0: {  	(pc) =	sbr.rel $0x88, $3  }
0x1: {  	(tag) =	ssettag $0x0;
	lr =	simm.s32 $0x1  }
0x2: {  	[smem:$0x3F9F] =	sst lr;
	_ =	strace $0xD0000000  }
0x3: {  	_ = 	snop  }
0x4: {  	_ = 	snop  }
0x5: {  	_ = 	snop  }
0x6: {  	_ = 	snop  }
0x7: {  	_ = 	snop  }
__scs_overlays_trampoline_lowered:
0x8: {  	[smem:$0x3FAE] =	sst s0  }
0x9: {  	[smem:$0x3FAF] =	sst s1  }
0xa: {  	[smem:$0x3FB0] =	sst s2  }
0xb: {  	[smem:$0x3FB1] =	sst s3  }
0xc: {  	[smem:$0x3FB2] =	sst s4  }
0xd: {  	[smem:$0x3FB3] =	sst s5  }
0xe: {  	[smem:$0x3FB4] =	sst s6  }
0xf: {  	[smem:$0x3FB5] =	sst s7  }
0x10: {  	[smem:$0x3FB6] =	sst s8  }
0x11: {  	[smem:$0x3FB7] =	sst s9;
	s0 =	simm.s32 @!p0 $0x0  }
0x12: {  	s1 =	sld [smem:$0x3F9D];
	s0 =	simm.s32 @p0 $0x1  }
0x13: {  	[smem:$0x3FB8] =	sst s0;
	s0 =	simm.s32 @!p1 $0x0  }
0x14: {  	s2 =	sld [smem:$0x3F9C];
	s0 =	simm.s32 @p1 $0x1  }
0x15: {  	[smem:$0x3FB9] =	sst s0;
	s0 =	simm.s32 @!p2 $0x0  }
0x16: {  	s3 =	sld [smem:$0x3FDB];
	s0 =	simm.s32 @p2 $0x1  }
0x17: {  	s4 =	simm.s32 $0x1BF5;
	[smem:$0x3FBB] =	sst s0  }
0x18: {  	s0 =	sld [smem:$0x3F9E];
	_ =	swait.ge [sflag:s4], $0x0  }
0x19: {  	s7 =	sld [smem:$0x3F9F]  }
0x1a: {  	s8 =	sadd.s32 $0xFFFFE003, lr  }
0x1b: {  	s9 =	sadd.s32 $0xFFFFFEF7, lr;
	s5 =	simm.s32 $0xFFFFFFFF;
	p2 =	slt.u32 s8, $0xFFFFF086  }
0x1c: {  	p1 =	slt.u32 s9, $0xF7A;
	s5 =	simm.s32 @!p2 $0x0  }
0x1d: {  	s5 =	simm.s32 @p1 $0x1;
	p0 =	seq.s32 s7, s2  }
0x1e: {  	s7 =	smul.u32 @!p0 $0xF7A, s2;
	p2 =	seq.s32 @!p0 s5, $0x0  }
0x1f: {  	s9 =	smul.u32 $0xF7A, s1;
	s8 =	simm.s32 @!p0 $0x1BF5;
	p2 =	por !p2, p0  }
0x20: {  	[sflag:s8] =	ssyncset.s32 @!p0 $0xFFFFF086;
	s6 =	sadd.s32 @!p0 s3, s7;
	s7 =	simm.s32 @!p0 $0x108  }
0x21: {  	s3 =	sadd.s32 s3, s9;
	s6 =	sadd.s32 @!p0 $0x88, s6;
	s7 =	simm.s32 @p2 $0x1082  }
0x22: {  	[simem:s7], [sflag:s8] =	dma.local @!p0 [hbm:s6], $0xF7A  }
0x23: {  	s9 =	sor.u32 $0xD0000000, s2;
	s6 =	simm.s32 $0x108;
	_ =	swait.ge @!p0 [sflag:s8], $0x0  }
0x24: {  	s3 =	sadd.s32 $0x88, s3;
	s6 =	simm.s32 @!p1 $0x1082;
	[sflag:s4] =	ssyncset.s32 $0xFFFFF086  }
0x25: {  	[simem:s6], [sflag:s4] =	dma.local [hbm:s3], $0xF7A  }
0x26: {  	[smem:$0x3F9F] =	sst s1;
	(tag) =	ssettag s2;
	_ =	strace s9  }
0x27: {  	s1 =	sld [smem:$0x3FAF]  }
0x28: {  	s2 =	sld [smem:$0x3FB0]  }
0x29: {  	s4 =	sld [smem:$0x3FB2]  }
0x2a: {  	p0 =	seq.s32 s5, $0x0;
	s5 =	sld [smem:$0x3FB3]  }
0x2b: {  	s6 =	sld [smem:$0x3FB4]  }
0x2c: {  	s7 =	sld [smem:$0x3FB5]  }
0x2d: {  	s3 =	simm.s32 $0x108;
	s8 =	sld [smem:$0x3FB6]  }
0x2e: {  	s3 =	simm.s32 @!p0 $0x1082;
	s9 =	sld [smem:$0x3FB7]  }
0x2f: {  	lr =	sadd.s32 s0, s3;
	s0 =	sld [smem:$0x3FAE]  }
0x30: {  	s3 =	sld [smem:$0x3FB1]  }
0x31: {  	[smem:$0x3FBA] =	sst s10  }
0x32: {  	s10 =	sld [smem:$0x3FB8];
	_ =	sdelay $0x3  }
0x33: {  	p0 =	seq.s32 s10, $0x1;
	s10 =	sld [smem:$0x3FBA];
	_ =	sdelay $0x3  }
0x34: {  	[smem:$0x3FBA] =	sst s10  }
0x35: {  	s10 =	sld [smem:$0x3FB9];
	_ =	sdelay $0x3  }
0x36: {  	p1 =	seq.s32 s10, $0x1;
	s10 =	sld [smem:$0x3FBA];
	_ =	sdelay $0x3  }
0x37: {  	[smem:$0x3FBA] =	sst s10  }
0x38: {  	s10 =	sld [smem:$0x3FBB]  }
0x39: {  	_ = 	snop;
	(pc) =	sbr.ind lr, $3  }
0x3a: {  	_ = 	snop  }
0x3b: {  	_ = 	snop  }
0x3c: {  	p2 =	seq.s32 s10, $0x1;
	s10 =	sld [smem:$0x3FBA]  }
0x3d: {  	_ =	shalt  }
0x3e: {  	_ =	shalt  }
0x3f: {  	_ =	shalt  }
0x40: {  	_ =	shalt  }
0x41: {  	_ =	shalt  }
0x42: {  	_ =	shalt  }
0x43: {  	_ =	shalt  }
0x44: {  	_ =	shalt  }
0x45: {  	_ =	shalt  }
0x46: {  	_ =	shalt  }
0x47: {  	_ =	shalt  }
0x48: {  	_ =	shalt  }
0x49: {  	_ =	shalt  }
0x4a: {  	_ =	shalt  }
0x4b: {  	_ =	shalt  }
0x4c: {  	_ =	shalt  }
0x4d: {  	_ =	shalt  }
0x4e: {  	_ =	shalt  }
0x4f: {  	_ =	shalt  }
0x50: {  	_ =	shalt  }
0x51: {  	_ =	shalt  }
0x52: {  	_ =	shalt  }
0x53: {  	_ =	shalt  }
0x54: {  	_ =	shalt  }
0x55: {  	_ =	shalt  }
0x56: {  	_ =	shalt  }
0x57: {  	_ =	shalt  }
0x58: {  	_ =	shalt  }
0x59: {  	_ =	shalt  }
0x5a: {  	_ =	shalt  }
0x5b: {  	_ =	shalt  }
0x5c: {  	_ =	shalt  }
0x5d: {  	_ =	shalt  }
0x5e: {  	_ =	shalt  }
0x5f: {  	_ =	shalt  }
0x60: {  	_ =	shalt  }
0x61: {  	_ =	shalt  }
0x62: {  	_ =	shalt  }
0x63: {  	_ =	shalt  }
0x64: {  	_ =	shalt  }
0x65: {  	_ =	shalt  }
0x66: {  	_ =	shalt  }
0x67: {  	_ =	shalt  }
0x68: {  	_ =	shalt  }
0x69: {  	_ =	shalt  }
0x6a: {  	_ =	shalt  }
0x6b: {  	_ =	shalt  }
0x6c: {  	_ =	shalt  }
0x6d: {  	_ =	shalt  }
0x6e: {  	_ =	shalt  }
0x6f: {  	_ =	shalt  }
0x70: {  	_ =	shalt  }
0x71: {  	_ =	shalt  }
0x72: {  	_ =	shalt  }
0x73: {  	_ =	shalt  }
0x74: {  	_ =	shalt  }
0x75: {  	_ =	shalt  }
0x76: {  	_ =	shalt  }
0x77: {  	_ =	shalt  }
0x78: {  	_ =	shalt  }
0x79: {  	_ =	shalt  }
0x7a: {  	_ =	shalt  }
0x7b: {  	_ =	shalt  }
0x7c: {  	_ =	shalt  }
0x7d: {  	_ =	shalt  }
0x7e: {  	_ =	shalt  }
0x7f: {  	_ =	shalt  }
0x80: {  	_ =	shalt  }
0x81: {  	_ =	shalt  }
0x82: {  	_ =	shalt  }
0x83: {  	_ =	shalt  }
0x84: {  	_ =	shalt  }
0x85: {  	_ =	shalt  }
0x86: {  	_ =	shalt  }
0x87: {  	_ =	shalt  }
.Lfunc_end0:
.L_simem_size_0:
called_computation.7_lowered:
.L_overlay_start_0:
0x88: {  	s2 =	sld [smem:$0x3FD9]  }
0x89: {  	s3 =	sld [smem:$0x3FFE];
	_ =	sdelay $0x1  }
0x8a: {  	s1 =	srdreg.scid  }
0x8b: {  	s0 =	sand.u32 $0x1, s1  }
0x8c: {  	s14 =	sshll.u32 s0, $0xA;
	s2 =	sadd.s32 s3, s2  }
0x8d: {  	s2 =	sadd.s32 s2, s14  }
0x8e: {  	[smem:$0x3FC6] =	sst s2  }
0x8f: {  	_ = 	snop  }
0x90: {  	s2 =	sld [smem:$0x3FD0];
	_ =	sdelay $0x2  }
0x91: {  	s15 =	simm.s32 $0xA;
	s4 =	simm.s32 $0x10  }
0x92: {  	[smem:s4], [sflag:s15] =	dma.local [hbm:s2], $0x1  }
0x93: {  	_ =	swait.eq [sflag:s15], $0x1  }
0x94: {  	[sflag:s15] =	ssyncset.done $0x0  }
0x95: {  	s16 =	sld [smem:$0x10];
	[sflag:s15] =	ssyncadd.s32 $0xFFFFFFFF  }
0x96: {  	s17 =	sld [smem:$0x11];
	(tm) =	ssettm $0x1  }
0x97: {  	s18 =	sld [smem:$0x3FFB];
	_ =	sdelay $0x3  }
0x98: {  	_ =	strace s18  }
0x99: {  	s4 =	sld [smem:$0x3FFC];
	_ =	sdelay $0x3  }
0x9a: {  	_ =	strace s4  }
0x9b: {  	s4 =	sld [smem:$0x3FFD];
	_ =	sdelay $0x3  }
0x9c: {  	_ =	strace s4  }
0x9d: {  	_ =	strace $0x8FFFFFFF  }
0x9e: {  	s19 =	sld [smem:$0x3FDB];
	_ =	sdelay $0x1  }
0x9f: {  	s5 =	simm.s32 $_scs_section_size  }
0xa0: {  	s6 =	simm.s32 $_size__tile_overlayer_lowered;
	s7 =	simm.s32 $_tile_overlayer_lowered  }
0xa1: {  	s22 =	simm.s32 $0x1BFF;
	s21 =	sshll.u32 s7, $0x1;
	s4 =	sadd.s32 s5, s19  }
0xa2: {  	s8 =	simm.s32 $0x0;
	s20 =	sshll.u32 s6, $0x1;
	s6 =	sadd.s32 s21, s4  }
0xa3: {  	[timem:s8], [sflag:s22] =	dma.local [hbm:s6], s20  }
0xa4: {  	_ =	swait.ge [sflag:s22], s20  }
0xa5: {  	s5 =	ssub.s32 $0x0, s20;
	[sflag:s22] =	ssyncset.done $0x0  }
0xa6: {  	[sflag:s22] =	ssyncadd.s32 s5;
	_ =	sdelay $0x1  }
0xa7: {  	s23 =	simm.s32 $0x1B8B  }
0xa8: {  	_ =	swait.ge [sflag:s23], $0x1  }
0xa9: {  	[sflag:s23] =	ssyncset.done $0x0  }
0xaa: {  	s25 =	simm.s32 $0x1B8E;
	s24 =	sld [smem:$0x3FFE];
	[sflag:s23] =	ssyncadd.s32 $0xFFFFFFFF  }
0xab: {  	s26 =	simm.s32 $execute0_lowered;
	[smem:$0x3FD2] =	sst s25  }
0xac: {  	s6 =	sshll.u32 s26, $0x1;
	_ =	strace $0x8000005B;
	[dreg:$0x1] =	wrdreg $0xFFFFFFFF  }
0xad: {  	s28 =	simm.s32 $_size_execute0_lowered;
	s4 =	sadd.s32 s4, s6;
	[dreg:$0x0] =	wrdreg $0x0  }
0xae: {  	s6 =	sshll.u32 s28, $0x1;
	[dreg:$0x2] =	wrdreg s4  }
0xaf: {  	[dreg:$0x3] =	wrdreg s6  }
0xb0: {  	[dreg:$0x4] =	wrdreg $0xC0  }
0xb1: {  	_ =	task [dreg:s8], $0x5FFFF  }
0xb2: {  	[dreg:$0x1] =	wrdreg $0xFFFFFFFF  }
0xb3: {  	[dreg:$0x0] =	wrdreg $0x60  }
0xb4: {  	[dreg:$0x2] =	wrdreg s24  }
0xb5: {  	[dreg:$0x3] =	wrdreg s17  }
0xb6: {  	[dreg:$0x4] =	wrdreg s16  }
0xb7: {  	[dreg:$0x5] =	wrdreg $0xC0000  }
0xb8: {  	[dreg:$0x6] =	wrdreg $0x9  }
0xb9: {  	_ =	task.clear_ibuf [dreg:s8], $0x7FFFF;
	_ =	strace $0x9000005B  }
0xba: {  	s29 =	simm.s32 $0x9;
	_ =	strace $0x8000005D  }
0xbb: {  	_ =	swait.ge [sflag:s29], $0x1  }
0xbc: {  	[sflag:s29] =	ssyncadd.s32 $0xFFFFFFFF  }
0xbd: {  	_ =	strace $0x9000005D  }
0xbe: {  	_ =	sfence  }
0xbf: {  	s30 =	sld [smem:$0x0];
	_ =	sdelay $0x2  }
0xc0: {  	s31 =	sshll.u32 s1, $0xD;
	s1 =	sshrl.u32 s1, $0x2  }
0xc1: {  	s3 =	sand.u32 $0x4000, s31;
	s1 =	sadd.s32 s1, s30  }
0xc2: {  	s0 =	sor.u32 s3, s0;
	s1 =	sshll.u32 s1, $0x11  }
0xc3: {  	s0 =	sor.u32 s1, s0  }
0xc4: {  	s0 =	sadd.s32 $0x8F2B, s0  }
0xc5: {  	[sflag:s0] =	ssyncadd.remote.s32 $0x1  }
0xc6: {  	_ =	sfence.sel $0xFFFF  }
0xc7: {  	[dreg:$0x0] =	wrdreg $0xFFFFFFFF;
	(pc) =	sbr.abs _section_cstart, $3  }
0xc8: {  	[dreg:$0x1] =	wrdreg $0xFFFFFFFF  }
0xc9: {  	_ =	task.clear_ibuf [dreg:s8], $0x2FFFF;
	_ =	strace $0x9FFFFFFF  }
0xca: {  	(tm) =	ssettm $0x7FFFFFFF  }
0xcb: {  	_ =	shalt  }
tec
execute0_lowered:
.L_overlay_start_1:
0x0: {  	(tag) =	ssettag $0x1  }
0x1: {  	s8 =	rddreg [dreg:$0x0]  }
0x2: {  	s1 =	rddreg [dreg:$0x1]  }
0x3: {  	s2 =	rddreg [dreg:$0x2]  }
0x4: {  	s3 =	rddreg [dreg:$0x3]  }
0x5: {  	s0 =	rddreg [dreg:$0x4]  }
0x6: {  	s5 =	simm.s32 $0x0;
	s4 =	stileid.u32;
	s7 =	srdreg.scid  }
0x7: {  	s21 =	simm.s32 $0x80;
	s22 =	simm.s32 $0xA000;
	s23 =	simm.s32 $0x1  }
0x8: {  	s24 =	simm.s32 $0x0;
	[smem:$0x7FF] =	sst s5;
	s9 =	smul.u32 $0xA00, s4  }
0x9: {  	s6 =	sadd.s32 $0x18400, s8;
	s14 =	sand.u32 $0x1, s7;
	s11 =	smul.u32 $0x28000, s4  }
0xa: {  	s7 =	sadd.s32 $0x2C400, s8;
	s13 =	smul.u32 $0xA000, s4;
	s31 =	sshll.u32 s4, $0x6  }
0xb: {  	_ =	strace $0x8000005C;
	s10 =	ssub.s32 $0x2, s14;
	p0 =	sne.s32 s14, $0x0  }
0xc: {  	s12 =	sadd.s32 s9, s8;
	s29 =	sshrl.u32 s10, $0x1;
	s8 =	sadd.s32 $0x18000, s8  }
0xd: {  	s30 =	sshrl.u32 s11, $0x2;
	s16 =	sadd.s32 s13, s3;
	s9 =	sor.u32 $0x1C02, s31  }
0xe: {  	s15 =	ssub.s32 s10, s29;
	s11 =	sadd.s32 s30, s3;
	s10 =	sadd.s32 $0xE000, s12  }
.Ltmp0:
0xf: {  	s14 =	sshrl.u32 s16, $0x3;
	s17 =	sadd.s32 $0x2000, s11;
	(pc) =	sbr.rel .LBB2_1-.Ltmp0, $4  }
0x10: {  	s18 =	sadd.s32 $0x4000, s11;
	s19 =	sadd.s32 $0x6000, s11;
	s20 =	sadd.s32 $0x8000, s11  }
0x11: {  	s11 =	sadd.s32 $0x4000, s12;
	s12 =	sshrl.u32 s13, $0x3;
	s13 =	smax.u32 s15, $0x1  }
0x12: {  	s15 =	simm.s32 $0x2;
	s16 =	sshrl.u32 s17, $0x3;
	s17 =	sshrl.u32 s18, $0x3  }
0x13: {  	s18 =	sshrl.u32 s19, $0x3;
	s19 =	sshrl.u32 s20, $0x3;
	s20 =	simm.s32 $0x5000  }
.LBB2_7:
0x14: {  	s25 =	sshra.s32 s25, $0x2;
	[sflag:s15] =	ssyncadd.s32 $0xFFFFE000  }
0x15: {  	[tilespmem:s22], [sflag:$0x1] =	stream.indirect.gather [hbm4b:s7+s21], $0x40, s25, s21, $0xb8;
	[tilespmem:$0x16000] =	vst v63  }
0x16: {  	_ =	swait.ge [sflag:s23], $0x2000  }
0x17: {  	[sflag:s23] =	ssyncset.done $0x0  }
0x18: {  	s25 =	sadd.s32 $0x5000, s25;
	[sflag:s23] =	ssyncadd.s32 $0xFFFFE000  }
0x19: {  	[spmem:s3] =	stream.indirect.scatter.add.f32 [tilespmem:s22], [sflag:$0x2], $0x40, s25, s21, $0xb8;
	[tilespmem:$0x16000] =	vst v63  }
0x1a: {  	_ =	swait.ge [sflag:s15], $0x2000  }
0x1b: {  	[sflag:s15] =	ssyncset.done $0x0  }
0x1c: {  	s25 =	smov.u32 s2;
	[sflag:s15] =	ssyncadd.s32 $0xFFFFE000  }
.LBB2_8:
0x1d: {  	s24 =	sadd.s32 $0x1, s24  }
0x1e: {  	p1 =	sne.s32 s24, s13  }
.Ltmp1:
0x1f: {  	s25 =	sadd.s32 s25, s12;
	[bflag:$0x0] =	sbarrier.arrive $0xFFFF;
	(pc) =	sbr.rel @!p1 .LBB2_9-.Ltmp1, $4  }
0x20: {  	[hbm:s25], [sflag:s9] =	dma.local [spmem:s14], $0x1400  }
0x21: {  	_ =	swait.ge [sflag:s15], $0x1400  }
0x22: {  	[sflag:s15] =	ssyncset.done $0x0  }
0x23: {  	[sflag:s15] =	ssyncadd.s32 $0xFFFFEC00  }
.LBB2_1:
0x24: {  	[spmem:s14], [sflag:s9] =	dma.local [hbm:s8], $0x400  }
0x25: {  	_ =	swait.ge [sflag:s15], $0x400  }
0x26: {  	[sflag:s15] =	ssyncset.done $0x0  }
0x27: {  	[sflag:s15] =	ssyncadd.s32 $0xFFFFFC00  }
0x28: {  	[spmem:s16], [sflag:s9] =	dma.local [hbm:s8], $0x400  }
0x29: {  	_ =	swait.ge [sflag:s15], $0x400  }
0x2a: {  	[sflag:s15] =	ssyncset.done $0x0  }
0x2b: {  	[sflag:s15] =	ssyncadd.s32 $0xFFFFFC00  }
0x2c: {  	[spmem:s17], [sflag:s9] =	dma.local [hbm:s8], $0x400  }
0x2d: {  	_ =	swait.ge [sflag:s15], $0x400  }
0x2e: {  	[sflag:s15] =	ssyncset.done $0x0  }
0x2f: {  	[sflag:s15] =	ssyncadd.s32 $0xFFFFFC00  }
0x30: {  	[spmem:s18], [sflag:s9] =	dma.local [hbm:s8], $0x400  }
0x31: {  	_ =	swait.ge [sflag:s15], $0x400  }
0x32: {  	[sflag:s15] =	ssyncset.done $0x0  }
0x33: {  	[sflag:s15] =	ssyncadd.s32 $0xFFFFFC00  }
0x34: {  	[spmem:s19], [sflag:s9] =	dma.local [hbm:s8], $0x400  }
0x35: {  	_ =	swait.ge [sflag:s15], $0x400  }
0x36: {  	[sflag:s15] =	ssyncset.done $0x0  }
0x37: {  	[sflag:s15] =	ssyncadd.s32 $0xFFFFFC00  }
0x38: {  	[tilespmem:s5], [sflag:$0x2] =	stream.linear.gather [hbm4b:s10+s5], $0x5000, $0x38;
	[tilespmem:$0x16000] =	vst v63  }
0x39: {  	_ =	swait.ge [sflag:s15], $0x5000  }
0x3a: {  	[sflag:s15] =	ssyncset.done $0x0  }
0x3b: {  	[sflag:s15] =	ssyncadd.s32 $0xFFFFB000  }
0x3c: {  	[tilespmem:s20], [sflag:$0x2] =	stream.linear.gather [hbm4b:s11+s5], $0x5000, $0x38;
	[tilespmem:$0x16000] =	vst v63  }
.Ltmp2:
0x3d: {  	_ =	swait.ge [sflag:s15], $0x5000;
	(pc) =	sbr.rel @p0 .LBB2_5-.Ltmp2, $4  }
0x3e: {  	[sflag:s15] =	ssyncset.done $0x0  }
0x3f: {  	[sflag:s15] =	ssyncadd.s32 $0xFFFFB000  }
0x40: {  	[bflag:$0x0] =	sbarrier.arrive $0xFFFF  }
0x41: {  	s25 =	simm.s32 $0x0  }
0x42: {  	[tilespmem:s22], [sflag:$0x1] =	stream.indirect.gather [hbm4b:s6+s21], $0x40, s25, s21, $0xb8;
	[tilespmem:$0x16000] =	vst v63  }
0x43: {  	_ =	swait.ge [sflag:s23], $0x2000  }
0x44: {  	[sflag:s23] =	ssyncset.done $0x0  }
0x45: {  	s31 =	simm.s32 $0x5000;
	[sflag:s23] =	ssyncadd.s32 $0xFFFFE000  }
0x46: {  	[spmem:s3] =	stream.indirect.scatter.add.f32 [tilespmem:s22], [sflag:$0x2], $0x40, s31, s21, $0xb8;
	[tilespmem:$0x16000] =	vst v63  }
0x47: {  	_ =	swait.ge [sflag:s15], $0x2000  }
0x48: {  	s25 =	simm.s32 $0x200;
	s26 =	simm.s32 $0x400;
	[sflag:s15] =	ssyncset.done $0x0  }
.LBB2_3:
0x49: {  	s28 =	sshra.s32 s25, $0x2  }
0x4a: {  	[sflag:s15] =	ssyncadd.s32 $0xFFFFE000;
	s25 =	smov.u32 s26;
	s29 =	sadd.s32 $0x200, s26  }
0x4b: {  	[tilespmem:s22], [sflag:$0x1] =	stream.indirect.gather [hbm4b:s6+s21], $0x40, s28, s21, $0xb8;
	[tilespmem:$0x16000] =	vst v63  }
0x4c: {  	p1 =	seq.s32 s26, $0x13E00;
	_ =	swait.ge [sflag:s23], $0x2000  }
.Ltmp3:
0x4d: {  	[sflag:s23] =	ssyncset.done $0x0;
	(pc) =	sbr.rel @!p1 .LBB2_3-.Ltmp3, $4  }
0x4e: {  	s26 =	sadd.s32 $0x5000, s28;
	[sflag:s23] =	ssyncadd.s32 $0xFFFFE000  }
0x4f: {  	[spmem:s3] =	stream.indirect.scatter.add.f32 [tilespmem:s22], [sflag:$0x2], $0x40, s26, s21, $0xb8;
	[tilespmem:$0x16000] =	vst v63  }
0x50: {  	_ =	swait.ge [sflag:s15], $0x2000  }
0x51: {  	s26 =	smov.u32 s29;
	[sflag:s15] =	ssyncset.done $0x0  }
0x52: {  	s25 =	sshra.s32 s25, $0x2;
	[sflag:s15] =	ssyncadd.s32 $0xFFFFE000  }
0x53: {  	[tilespmem:s22], [sflag:$0x1] =	stream.indirect.gather [hbm4b:s6+s21], $0x40, s25, s21, $0xb8;
	[tilespmem:$0x16000] =	vst v63  }
0x54: {  	_ =	swait.ge [sflag:s23], $0x2000  }
0x55: {  	[sflag:s23] =	ssyncset.done $0x0  }
.Ltmp4:
0x56: {  	s25 =	sadd.s32 $0x5000, s25;
	[sflag:s23] =	ssyncadd.s32 $0xFFFFE000;
	(pc) =	sbr.rel .LBB2_8-.Ltmp4, $4  }
0x57: {  	[spmem:s3] =	stream.indirect.scatter.add.f32 [tilespmem:s22], [sflag:$0x2], $0x40, s25, s21, $0xb8;
	[tilespmem:$0x16000] =	vst v63  }
0x58: {  	_ =	swait.ge [sflag:s15], $0x2000  }
0x59: {  	[sflag:s15] =	ssyncset.done $0x0  }
0x5a: {  	s25 =	smov.u32 s1;
	[sflag:s15] =	ssyncadd.s32 $0xFFFFE000  }
.LBB2_5:
0x5b: {  	[tilespmem:s22], [sflag:$0x1] =	stream.indirect.gather [hbm4b:s7+s21], $0x40, s25, s21, $0xb8;
	[tilespmem:$0x16000] =	vst v63  }
0x5c: {  	_ =	swait.ge [sflag:s23], $0x2000  }
0x5d: {  	[sflag:s23] =	ssyncset.done $0x0  }
0x5e: {  	s31 =	simm.s32 $0x5000;
	[sflag:s23] =	ssyncadd.s32 $0xFFFFE000  }
0x5f: {  	[spmem:s3] =	stream.indirect.scatter.add.f32 [tilespmem:s22], [sflag:$0x2], $0x40, s31, s21, $0xb8;
	[tilespmem:$0x16000] =	vst v63  }
0x60: {  	_ =	swait.ge [sflag:s15], $0x2000  }
0x61: {  	s25 =	simm.s32 $0x200;
	s26 =	simm.s32 $0x400;
	[sflag:s15] =	ssyncset.done $0x0  }
.LBB2_6:
0x62: {  	s28 =	sshra.s32 s25, $0x2  }
0x63: {  	[sflag:s15] =	ssyncadd.s32 $0xFFFFE000;
	s25 =	smov.u32 s26;
	s29 =	sadd.s32 $0x200, s26  }
0x64: {  	[tilespmem:s22], [sflag:$0x1] =	stream.indirect.gather [hbm4b:s7+s21], $0x40, s28, s21, $0xb8;
	[tilespmem:$0x16000] =	vst v63  }
0x65: {  	p1 =	sne.s32 s26, $0x13E00;
	_ =	swait.ge [sflag:s23], $0x2000  }
.Ltmp5:
0x66: {  	[sflag:s23] =	ssyncset.done $0x0;
	(pc) =	sbr.rel @p1 .LBB2_6-.Ltmp5, $4  }
0x67: {  	s26 =	sadd.s32 $0x5000, s28;
	[sflag:s23] =	ssyncadd.s32 $0xFFFFE000  }
0x68: {  	[spmem:s3] =	stream.indirect.scatter.add.f32 [tilespmem:s22], [sflag:$0x2], $0x40, s26, s21, $0xb8;
	[tilespmem:$0x16000] =	vst v63  }
0x69: {  	_ =	swait.ge [sflag:s15], $0x2000  }
0x6a: {  	s26 =	smov.u32 s29;
	[sflag:s15] =	ssyncset.done $0x0  }
.Ltmp6:
0x6b: {  	_ = 	snop;
	(pc) =	sbr.rel .LBB2_7-.Ltmp6, $1  }
0x6c: {  	_ =	sdelay $0x3  }
.LBB2_9:
0x6d: {  	_ =	sfence.sel $0x180000  }
0x6e: {  	[bflag:$0x0] =	sbarrier.arrive $0xFFFF  }
0x6f: {  	p0 =	sne.s32 s4, $0x0;
	_ =	strace $0x9000005C  }
0x70: {  	s0 =	sadd.s32 @!p0 $0x100000, s0;
	[bflag:$0x2] =	sbarrier.arrive $0xFFFF  }
0x71: {  	[sflag:s0] =	ssyncadd.tile.s32 @!p0 $0x1;
	_ =	shalt  }
.Lfunc_end2:
_tile_overlayer_lowered:
.L_overlay_start_2:
0x72: {  	(tag) =	ssettag $0x2  }
0x73: {  	s0 =	rddreg [dreg:$0x0];
	s2 =	stileid.u32  }
0x74: {  	s1 =	rddreg [dreg:$0x1];
	p0 =	sne.s32 s2, $0x0  }
0x75: {  	s3 =	rddreg [dreg:$0x2];
	[bflag:$0x3] =	sbarrier.arrive $0xFFFF;
	s2 =	simm.s32 @!p0 $0x1C02  }
0x76: {  	[timem:s3], [sflag:s2] =	dma.local @!p0 [hbm:s0], s1  }
0x77: {  	s0 =	simm.s32 @!p0 $0x2  }
0x78: {  	_ =	swait.ge @!p0 [sflag:s0], s1  }
0x79: {  	s1 =	ssub.s32 @!p0 $0x0, s1;
	[sflag:s0] =	ssyncset.done @!p0 $0x0  }
0x7a: {  	[sflag:s0] =	ssyncadd.s32 @!p0 s1  }
0x7b: {  	[bflag:$0x3] =	sbarrier.arrive $0xFFFF  }
0x7c: {  	_ =	shalt  }

</sc_bundles>
